<compile_context>
chip_gen: v7x
topology: tpu7x:2x2x1
jax: 0.10.2.dev20260603
libtpu: 0.0.44.dev20260713+nightly
codegen_flags: <defaults>
</compile_context>

<pallas_src>
import jax
import jax.numpy as jnp
from jax import lax
from jax.experimental import pallas as pl
from jax.experimental.pallas import tpu as pltpu, tpu_sc as plsc

N = 10000
F_IN = 128
HID = 128
NCLS = 16

NP = 10240
NW = 32
CHUNK = 128
NCHUNK = 81
PW = CHUNK * NCHUNK
EPAD = NW * PW
EREAL = 320000 + N

_mesh = plsc.VectorSubcoreMesh(core_axis_name="c", subcore_axis_name="s")


_GDN = lax.GatherDimensionNumbers(offset_dims=(), collapsed_slice_dims=(0,),
                                  start_index_map=(0,))


def _lperm(v, idx):
    return lax.gather(v, idx.reshape(16, 1), _GDN, (1,),
                      mode=lax.GatherScatterMode.PROMISE_IN_BOUNDS)


def _hsum(v):
    lanes = lax.iota(jnp.int32, 16)
    for k in (8, 4, 2, 1):
        v = v + _lperm(v, lanes ^ k)
    return v


def _mm_body(x_ref, wl_ref, bl_ref, wr_ref, br_ref, xl_ref, xr_ref):
    xb = x_ref[...]
    xl_ref[...] = jnp.dot(xb, wl_ref[...],
                          preferred_element_type=jnp.float32) + bl_ref[...]
    xr_ref[...] = jnp.dot(xb, wr_ref[...],
                          preferred_element_type=jnp.float32) + br_ref[...]


def _dense_transforms(x, W_l, b_l, W_r, b_r):
    blk = 1000
    return pl.pallas_call(
        _mm_body,
        grid=(N // blk,),
        in_specs=[
            pl.BlockSpec((blk, F_IN), lambda i: (i, 0)),
            pl.BlockSpec((F_IN, HID), lambda i: (0, 0)),
            pl.BlockSpec((1, HID), lambda i: (0, 0)),
            pl.BlockSpec((F_IN, HID), lambda i: (0, 0)),
            pl.BlockSpec((1, HID), lambda i: (0, 0)),
        ],
        out_specs=[pl.BlockSpec((blk, HID), lambda i: (i, 0))] * 2,
        out_shape=[jax.ShapeDtypeStruct((N, HID), jnp.float32)] * 2,
    )(x, W_l, b_l.reshape(1, HID), W_r, b_r.reshape(1, HID))


def _sc_scores(xl_hbm, xr_hbm, att_hbm, src_hbm, dst_hbm,
               ex_hbm, den_hbm,
               src_v, dst_v, xl_v, xr_v, att_v, exb_v, dcol_v,
               den_sh, sem1, sem2):
    cid = lax.axis_index("c")
    sid = lax.axis_index("s")
    wid = cid * 16 + sid

    def _z2(i, _):
        dcol_v[pl.ds(i * 16, 16)] = jnp.zeros((16,), jnp.float32)
        return 0
    lax.fori_loop(0, 40, _z2, 0)
    pltpu.sync_copy(dcol_v, den_sh.at[pl.ds(sid * 640, 640)])
    pltpu.sync_copy(att_hbm, att_v)
    plsc.subcore_barrier()

    def _chunk(ci, _):
        base = wid * PW + ci * CHUNK
        pltpu.sync_copy(src_hbm.at[pl.ds(base, CHUNK)], src_v)
        pltpu.sync_copy(dst_hbm.at[pl.ds(base, CHUNK)], dst_v.at[0])
        cp1 = pltpu.async_copy(xl_hbm.at[src_v], xl_v, sem1)
        cp2 = pltpu.async_copy(xr_hbm.at[dst_v.at[0]], xr_v, sem2)
        cp1.wait()
        cp2.wait()

        def _grp(g, _):
            lanes = lax.iota(jnp.int32, 16)
            scvec = jnp.zeros((16,), jnp.float32)
            for e in range(16):
                row = g * 16 + e
                acc = None
                for f in range(8):
                    v = (xl_v[row, pl.ds(f * 16, 16)]
                         + xr_v[row, pl.ds(f * 16, 16)])
                    lr = jnp.maximum(v, 0.2 * v)
                    t = att_v[pl.ds(f * 16, 16)] * lr
                    acc = t if acc is None else acc + t
                scvec = jnp.where(lanes == e, _hsum(acc), scvec)
            eidx = base + g * 16 + lanes
            ex16 = jnp.where(eidx < EREAL, jnp.exp(scvec), 0.0)
            exb_v[pl.ds(g * 16, 16)] = ex16
            return 0
        lax.fori_loop(0, 8, _grp, 0)
        pltpu.sync_copy(exb_v, ex_hbm.at[pl.ds(base, CHUNK)])
        pltpu.sync_copy(exb_v, den_sh.at[dst_v.at[0]], add=True)
        return 0
    lax.fori_loop(0, NCHUNK, _chunk, 0)
    plsc.subcore_barrier()

    r = pl.ds(sid * 640, 640)
    pltpu.sync_copy(den_sh.at[r], den_hbm.at[cid, r])


def _scores_call(xl, xr, att, srcp, dstp):
    return pl.kernel(
        _sc_scores,
        out_type=(jax.ShapeDtypeStruct((EPAD,), jnp.float32),
                  jax.ShapeDtypeStruct((2, NP), jnp.float32)),
        mesh=_mesh,
        compiler_params=pltpu.CompilerParams(needs_layout_passes=False),
        scratch_types=[
            pltpu.VMEM((CHUNK,), jnp.int32),
            pltpu.VMEM((1, CHUNK), jnp.int32),
            pltpu.VMEM((CHUNK, HID), jnp.float32),
            pltpu.VMEM((CHUNK, HID), jnp.float32),
            pltpu.VMEM((HID,), jnp.float32),
            pltpu.VMEM((CHUNK,), jnp.float32),
            pltpu.VMEM((640,), jnp.float32),
            pltpu.VMEM_SHARED((NP,), jnp.float32),
            pltpu.SemaphoreType.DMA,
            pltpu.SemaphoreType.DMA,
        ],
    )(xl, xr, att, srcp, dstp)


def _sc_aggregate(xl_hbm, src_hbm, dst_hbm, ex_hbm, den_hbm,
                  out_hbm,
                  src_v, dst_v, xl_v, ex_v, dt_v, dp_v, dc_v, sct_v,
                  out_sh, den_sh, sem1):
    cid = lax.axis_index("c")
    sid = lax.axis_index("s")
    wid = cid * 16 + sid

    def _z1(i, _):
        for f in range(8):
            sct_v[i, pl.ds(f * 16, 16)] = jnp.zeros((16,), jnp.float32)
        return 0
    lax.fori_loop(0, CHUNK, _z1, 0)
    for j in range(5):
        pltpu.sync_copy(sct_v, out_sh.at[pl.ds(sid * 640 + j * 128, 128), :])

    pltpu.sync_copy(den_hbm.at[0, pl.ds(sid * 640, 640)], dp_v.at[0])
    pltpu.sync_copy(den_hbm.at[1, pl.ds(sid * 640, 640)], dp_v.at[1])

    def _add(i, _):
        s = pl.ds(i * 16, 16)
        dc_v[s] = dp_v[0, s] + dp_v[1, s] + 1e-16
        return 0
    lax.fori_loop(0, 640 // 16, _add, 0)
    pltpu.sync_copy(dc_v, den_sh.at[pl.ds(sid * 640, 640)])
    plsc.subcore_barrier()
    pltpu.sync_copy(den_sh, dt_v)

    def _chunk(ci, _):
        base = wid * PW + ci * CHUNK
        pltpu.sync_copy(src_hbm.at[pl.ds(base, CHUNK)], src_v)
        pltpu.sync_copy(dst_hbm.at[pl.ds(base, CHUNK)], dst_v.at[0])
        cp1 = pltpu.async_copy(xl_hbm.at[src_v], xl_v, sem1)
        pltpu.sync_copy(ex_hbm.at[pl.ds(base, CHUNK)], ex_v)
        cp1.wait()

        def _grp(g, _):
            dstv = dst_v[0, pl.ds(g * 16, 16)]
            dv = plsc.load_gather(dt_v, [dstv])
            a16 = ex_v[pl.ds(g * 16, 16)] / dv
            for e in range(16):
                row = g * 16 + e
                a = a16[e]
                for f in range(8):
                    s = pl.ds(f * 16, 16)
                    sct_v[row, s] = xl_v[row, s] * a
            return 0
        lax.fori_loop(0, 8, _grp, 0)
        pltpu.sync_copy(sct_v, out_sh.at[dst_v.at[0]], add=True)
        return 0
    lax.fori_loop(0, NCHUNK, _chunk, 0)
    plsc.subcore_barrier()

    for j in range(5):
        r = pl.ds(sid * 640 + j * 128, 128)
        pltpu.sync_copy(out_sh.at[r, :], out_hbm.at[cid, r, :])


def _aggregate_call(xl, srcp, dstp, ex, den):
    return pl.kernel(
        _sc_aggregate,
        out_type=jax.ShapeDtypeStruct((2, NP, HID), jnp.float32),
        mesh=_mesh,
        compiler_params=pltpu.CompilerParams(needs_layout_passes=False),
        scratch_types=[
            pltpu.VMEM((CHUNK,), jnp.int32),
            pltpu.VMEM((1, CHUNK), jnp.int32),
            pltpu.VMEM((CHUNK, HID), jnp.float32),
            pltpu.VMEM((CHUNK,), jnp.float32),
            pltpu.VMEM((NP,), jnp.float32),
            pltpu.VMEM((2, 640), jnp.float32),
            pltpu.VMEM((640,), jnp.float32),
            pltpu.VMEM((CHUNK, HID), jnp.float32),
            pltpu.VMEM_SHARED((NP, HID), jnp.float32),
            pltpu.VMEM_SHARED((NP,), jnp.float32),
            pltpu.SemaphoreType.DMA,
        ],
    )(xl, srcp, dstp, ex, den)


def _bn_body(p0_ref, p1_ref, bias_ref, gam_ref, bet_ref, cw_ref, cb_ref,
             out_ref, acc_ref):
    i = pl.program_id(0)

    @pl.when(i == 0)
    def _():
        acc_ref[...] = jnp.zeros_like(acc_ref)

    rows = i * 1024 + lax.broadcasted_iota(jnp.int32, (1024, 1), 0)
    s = p0_ref[0] + p1_ref[0] + bias_ref[...]
    s = jnp.where(rows < N, s, 0.0)
    acc_ref[0:1, :] += jnp.sum(s, axis=0, keepdims=True)
    acc_ref[1:2, :] += jnp.sum(s * s, axis=0, keepdims=True)

    @pl.when(i == (NP // 1024) - 1)
    def _():
        mean = acc_ref[0:1, :] / float(N)
        var = acc_ref[1:2, :] / float(N) - mean * mean
        g = (mean - mean) / jnp.sqrt(var + 1e-5) * gam_ref[...] + bet_ref[...]
        logits = jnp.dot(g, cw_ref[...],
                         preferred_element_type=jnp.float32) + cb_ref[...]
        lane = lax.broadcasted_iota(jnp.int32, (1, 128), 1)
        logits = jnp.where(lane < NCLS, logits, -1e30)
        m = jnp.max(logits, axis=1, keepdims=True)
        e = jnp.exp(logits - m)
        e = jnp.where(lane < NCLS, e, 0.0)
        out_ref[...] = jnp.broadcast_to(e / jnp.sum(e, axis=1, keepdims=True),
                                        (8, 128))


def _bn_classify(outp, conv_bias, bn_gamma, bn_beta, cls_W, cls_b):
    cwp = jnp.zeros((HID, 128), jnp.float32).at[:, :NCLS].set(cls_W)
    cbp = jnp.zeros((1, 128), jnp.float32).at[0, :NCLS].set(cls_b)
    probs = pl.pallas_call(
        _bn_body,
        grid=(NP // 1024,),
        in_specs=[
            pl.BlockSpec((1, 1024, HID), lambda i: (0, i, 0)),
            pl.BlockSpec((1, 1024, HID), lambda i: (1, i, 0)),
            pl.BlockSpec((1, HID), lambda i: (0, 0)),
            pl.BlockSpec((1, HID), lambda i: (0, 0)),
            pl.BlockSpec((1, HID), lambda i: (0, 0)),
            pl.BlockSpec((HID, 128), lambda i: (0, 0)),
            pl.BlockSpec((1, 128), lambda i: (0, 0)),
        ],
        out_specs=pl.BlockSpec((8, 128), lambda i: (0, 0)),
        out_shape=jax.ShapeDtypeStruct((8, 128), jnp.float32),
        scratch_shapes=[pltpu.VMEM((8, 128), jnp.float32)],
    )(outp, outp, conv_bias.reshape(1, HID), bn_gamma.reshape(1, HID),
      bn_beta.reshape(1, HID), cwp, cbp)
    return probs[0:1, :NCLS]


def kernel(x, edge_index, W_l, b_l, W_r, b_r, att, conv_bias,
           bn_gamma, bn_beta, cls_W, cls_b):
    n = x.shape[0]
    loop_idx = jnp.arange(n, dtype=edge_index.dtype)
    pad = jnp.zeros((EPAD - EREAL,), edge_index.dtype)
    srcp = jnp.concatenate([edge_index[0], loop_idx, pad])
    dstp = jnp.concatenate([edge_index[1], loop_idx, pad])

    xl, xr = _dense_transforms(x, W_l, b_l, W_r, b_r)
    ex, den = _scores_call(xl, xr, att, srcp, dstp)
    outp = _aggregate_call(xl, srcp, dstp, ex, den)
    return _bn_classify(outp, conv_bias, bn_gamma, bn_beta, cls_W, cls_b)

# --- scband reference (transcript-rebuilt; emitter-appended) ---
"""Pipeline reference for scband-amazon-net2-4964982194531 (READ-ONLY COPY).

The authoritative reference and input builder live on the scoring server;
editing this copy changes nothing except your own understanding.
"""

import jax, jax.numpy as jnp
import numpy as np

N = 10000
E = 320000
F_IN = 128
HID = 128
NCLS = 16


def setup_inputs(seed: int = 0) -> dict:
    key = jax.random.key(seed)
    ks = jax.random.split(key, 12)
    x = jax.random.normal(ks[0], (N, F_IN), dtype=jnp.float32)
    edge_index = jax.random.randint(ks[1], (2, E), 0, N, dtype=jnp.int32)
    # GATv2Conv params (heads=1, out_channels=HID, share_weights=False)
    W_l = jax.random.normal(ks[2], (F_IN, HID), dtype=jnp.float32) * 0.05
    b_l = jnp.zeros((HID,), dtype=jnp.float32)
    W_r = jax.random.normal(ks[3], (F_IN, HID), dtype=jnp.float32) * 0.05
    b_r = jnp.zeros((HID,), dtype=jnp.float32)
    att = jax.random.normal(ks[4], (HID,), dtype=jnp.float32) * 0.05
    conv_bias = jnp.zeros((HID,), dtype=jnp.float32)
    # BatchNorm params
    bn_gamma = jnp.ones((HID,), dtype=jnp.float32)
    bn_beta = jnp.zeros((HID,), dtype=jnp.float32)
    # classifier Linear(HID, NCLS)
    cls_W = jax.random.normal(ks[5], (HID, NCLS), dtype=jnp.float32) * 0.05
    cls_b = jnp.zeros((NCLS,), dtype=jnp.float32)
    return {"x": x, "edge_index": edge_index, "W_l": W_l, "b_l": b_l,
            "W_r": W_r, "b_r": b_r, "att": att, "conv_bias": conv_bias,
            "bn_gamma": bn_gamma, "bn_beta": bn_beta, "cls_W": cls_W, "cls_b": cls_b}


def reference(x, edge_index, W_l, b_l, W_r, b_r, att, conv_bias,
              bn_gamma, bn_beta, cls_W, cls_b):
    n = x.shape[0]
    # PyG GATv2Conv adds self loops by default
    loop = jnp.arange(n, dtype=edge_index.dtype)
    src = jnp.concatenate([edge_index[0], loop])
    dst = jnp.concatenate([edge_index[1], loop])
    x_l = x @ W_l + b_l  # source-side transform
    x_r = x @ W_r + b_r  # target-side transform
    # GATv2 attention: e_ij = att . leaky_relu(x_l[j] + x_r[i])
    e = jax.nn.leaky_relu(x_l[src] + x_r[dst], negative_slope=0.2)
    score = e @ att  # [E+N]
    smax = jax.ops.segment_max(score, dst, num_segments=n)
    score = score - smax[dst]
    ex = jnp.exp(score)
    denom = jax.ops.segment_sum(ex, dst, num_segments=n)
    alpha = ex / (denom[dst] + 1e-16)
    # dropout(0.2) on alpha skipped (eval mode)
    out = jax.ops.segment_sum(alpha[:, None] * x_l[src], dst, num_segments=n)
    out = out + conv_bias  # heads=1, concat=False -> mean over heads is identity
    # BatchNorm1d over node features (batch statistics)
    mean = out.mean(axis=0)
    var = out.var(axis=0)
    out = (out - mean) / jnp.sqrt(var + 1e-5) * bn_gamma + bn_beta
    # global_mean_pool with batch=None -> single graph
    g = out.mean(axis=0, keepdims=True)
    logits = g @ cls_W + cls_b
    return jax.nn.softmax(logits, axis=1)

if __name__ == "__main__":
    import jax
    _d = setup_inputs()
    print(jax.jit(kernel)(*tuple(_d.values())))

</pallas_src>

<mosaic_0001>
#map = affine_map<(d0, d1) -> (0, 0)>
#map1 = affine_map<(d0, d1) -> (0)>
module attributes {stable_mosaic.version = 14 : i64} {
  func.func @_sc_scores(%arg0: i32, %arg1: i32, %arg2: memref<10000x128xf32, #tpu.memory_space<hbm>>, %arg3: memref<10000x128xf32, #tpu.memory_space<hbm>>, %arg4: memref<128xf32, #tpu.memory_space<hbm>>, %arg5: memref<331776xi32, #tpu.memory_space<hbm>>, %arg6: memref<331776xi32, #tpu.memory_space<hbm>>, %arg7: memref<331776xf32, #tpu.memory_space<hbm>>, %arg8: memref<2x10240xf32, #tpu.memory_space<hbm>>, %arg9: memref<128xi32, #tpu.memory_space<vmem>>, %arg10: memref<1x128xi32, #tpu.memory_space<vmem>>, %arg11: memref<128x128xf32, #tpu.memory_space<vmem>>, %arg12: memref<128x128xf32, #tpu.memory_space<vmem>>, %arg13: memref<128xf32, #tpu.memory_space<vmem>>, %arg14: memref<128xf32, #tpu.memory_space<vmem>>, %arg15: memref<640xf32, #tpu.memory_space<vmem>>, %arg16: memref<10240xf32, #tpu.memory_space<vmem_shared>>, %arg17: memref<!tpu.dma_semaphore, #tpu.memory_space<semaphore_mem>>, %arg18: memref<!tpu.dma_semaphore, #tpu.memory_space<semaphore_mem>>) attributes {dimension_semantics = [#tpu.dimension_semantics<core_parallel>, #tpu.dimension_semantics<subcore_parallel>], iteration_bounds = array<i64: 2, 16>, scalar_prefetch = 0 : i64, scratch_operands = 10 : i64, tpu.core_type = #tpu.core_type<sc_vector_subcore>, window_params = [{transform_indices = #map}, {transform_indices = #map}, {transform_indices = #map1}, {transform_indices = #map1}, {transform_indices = #map1}, {transform_indices = #map1}, {transform_indices = #map}]} {
    %mul3A = arith.constant 16 : i32
    %mul3A_0 = arith.muli %arg0, %mul3A : i32
    %add3A = arith.addi %mul3A_0, %arg1 : i32
    %scan3A = arith.constant 0 : i32
    %scan3A_1 = arith.constant 0 : i32
    %scan3A_2 = arith.constant 40 : i32
    %scan3A_3 = arith.addi %scan3A_1, %scan3A_2 : i32
    %scan3A_4 = arith.constant 1 : i32
    %scan3A_5 = scf.for %scan3A_19 = %scan3A_1 to %scan3A_3 step %scan3A_4 iter_args(%scan3A_20 = %scan3A) -> (i32)  : i32 {
      %broadcast_in_dim3A = arith.constant 0.000000e+00 : f32
      %broadcast_in_dim3A_21 = vector.broadcast %broadcast_in_dim3A : f32 to vector<16xf32>
      %mul3A_22 = arith.constant 16 : i32
      %mul3A_23 = arith.muli %scan3A_19, %mul3A_22 : i32
      %swap3A = arith.index_cast %mul3A_23 : i32 to index
      %swap3A_24 = tpu.vector_load %arg15[%swap3A] {strides = array<i32>} : memref<640xf32, #tpu.memory_space<vmem>>, vector<16xf32>,
      tpu.vector_store %arg15[%swap3A], %broadcast_in_dim3A_21 {strides = array<i32>} : memref<640xf32, #tpu.memory_space<vmem>>, vector<16xf32>,
      %scan3A_25 = arith.constant 0 : i32
      scf.yield %scan3A_25 : i32
    }
    %scan3A_6 = arith.constant 40 : i32
    %mul3A_7 = arith.constant 640 : i32
    %mul3A_8 = arith.muli %arg1, %mul3A_7 : i32
    "tpu.region"() ({
      %run_scoped3A = tpu.sem_alloc : memref<!tpu.dma_semaphore, #tpu.memory_space<semaphore_mem>>
      %dma_start3A = tpu.memref_slice %arg16[%mul3A_8] : memref<10240xf32, #tpu.memory_space<vmem_shared>> -> memref<640xf32, #tpu.memory_space<vmem_shared>>
      %dma_start3A_19 = tpu.memref_slice %arg16[%mul3A_8] : memref<10240xf32, #tpu.memory_space<vmem_shared>> -> memref<640xf32, #tpu.memory_space<vmem_shared>>
      tpu.enqueue_dma source(%arg15 : memref<640xf32, #tpu.memory_space<vmem>>) target(%dma_start3A_19 : memref<640xf32, #tpu.memory_space<vmem_shared>>) target_semaphore(%run_scoped3A : memref<!tpu.dma_semaphore, #tpu.memory_space<semaphore_mem>>)
      %dma_wait3A = tpu.memref_slice %arg16[%mul3A_8] : memref<10240xf32, #tpu.memory_space<vmem_shared>> -> memref<640xf32, #tpu.memory_space<vmem_shared>>
      %dma_wait3A_20 = tpu.memref_slice %arg16[%mul3A_8] : memref<10240xf32, #tpu.memory_space<vmem_shared>> -> memref<640xf32, #tpu.memory_space<vmem_shared>>
      tpu.wait_dma2 semaphore(%run_scoped3A : memref<!tpu.dma_semaphore, #tpu.memory_space<semaphore_mem>>) src(%arg15 : memref<640xf32, #tpu.memory_space<vmem>>) dst(%dma_wait3A_20 : memref<640xf32, #tpu.memory_space<vmem_shared>>)
      tpu.yield
    }) : () -> ()
    "tpu.region"() ({
      %run_scoped3A = tpu.sem_alloc : memref<!tpu.dma_semaphore, #tpu.memory_space<semaphore_mem>>
      tpu.enqueue_dma source(%arg4 : memref<128xf32, #tpu.memory_space<hbm>>) target(%arg13 : memref<128xf32, #tpu.memory_space<vmem>>) target_semaphore(%run_scoped3A : memref<!tpu.dma_semaphore, #tpu.memory_space<semaphore_mem>>)
      tpu.wait_dma2 semaphore(%run_scoped3A : memref<!tpu.dma_semaphore, #tpu.memory_space<semaphore_mem>>) src(%arg4 : memref<128xf32, #tpu.memory_space<hbm>>) dst(%arg13 : memref<128xf32, #tpu.memory_space<vmem>>)
      tpu.yield
    }) : () -> ()
    %barrier3A = arith.constant 0 : index
    tpu.barrier barrier_id(%barrier3A)
    %scan3A_9 = arith.constant 0 : i32
    %scan3A_10 = arith.constant 0 : i32
    %scan3A_11 = arith.constant 81 : i32
    %scan3A_12 = arith.addi %scan3A_10, %scan3A_11 : i32
    %scan3A_13 = arith.constant 1 : i32
    %scan3A_14 = scf.for %scan3A_19 = %scan3A_10 to %scan3A_12 step %scan3A_13 iter_args(%scan3A_20 = %scan3A_9) -> (i32)  : i32 {
      %mul3A_21 = arith.constant 10368 : i32
      %mul3A_22 = arith.muli %add3A, %mul3A_21 : i32
      %mul3A_23 = arith.constant 128 : i32
      %mul3A_24 = arith.muli %scan3A_19, %mul3A_23 : i32
      %add3A_25 = arith.addi %mul3A_22, %mul3A_24 : i32
      "tpu.region"() ({
        %run_scoped3A_53 = tpu.sem_alloc : memref<!tpu.dma_semaphore, #tpu.memory_space<semaphore_mem>>
        %dma_start3A_54 = tpu.memref_slice %arg5[%add3A_25] : memref<331776xi32, #tpu.memory_space<hbm>> -> memref<128xi32, #tpu.memory_space<hbm>>
        %dma_start3A_55 = tpu.memref_slice %arg5[%add3A_25] : memref<331776xi32, #tpu.memory_space<hbm>> -> memref<128xi32, #tpu.memory_space<hbm>>
        tpu.enqueue_dma source(%dma_start3A_55 : memref<128xi32, #tpu.memory_space<hbm>>) target(%arg9 : memref<128xi32, #tpu.memory_space<vmem>>) target_semaphore(%run_scoped3A_53 : memref<!tpu.dma_semaphore, #tpu.memory_space<semaphore_mem>>)
        %dma_wait3A_56 = tpu.memref_slice %arg5[%add3A_25] : memref<331776xi32, #tpu.memory_space<hbm>> -> memref<128xi32, #tpu.memory_space<hbm>>
        %dma_wait3A_57 = tpu.memref_slice %arg5[%add3A_25] : memref<331776xi32, #tpu.memory_space<hbm>> -> memref<128xi32, #tpu.memory_space<hbm>>
        tpu.wait_dma2 semaphore(%run_scoped3A_53 : memref<!tpu.dma_semaphore, #tpu.memory_space<semaphore_mem>>) src(%dma_wait3A_57 : memref<128xi32, #tpu.memory_space<hbm>>) dst(%arg9 : memref<128xi32, #tpu.memory_space<vmem>>)
        tpu.yield
      }) : () -> ()
      %run_scoped3A = arith.constant 0 : i32
      "tpu.region"() ({
        %run_scoped3A_53 = tpu.sem_alloc : memref<!tpu.dma_semaphore, #tpu.memory_space<semaphore_mem>>
        %dma_start3A_54 = arith.constant 0 : i32
        %dma_start3A_55 = tpu.memref_slice %arg10[%run_scoped3A, %dma_start3A_54] : memref<1x128xi32, #tpu.memory_space<vmem>> -> memref<1x128xi32, #tpu.memory_space<vmem>>
        %dma_start3A_56 = tpu.memref_squeeze %dma_start3A_55 : memref<1x128xi32, #tpu.memory_space<vmem>> -> memref<128xi32, #tpu.memory_space<vmem>>
        %dma_start3A_57 = tpu.memref_slice %arg6[%add3A_25] : memref<331776xi32, #tpu.memory_space<hbm>> -> memref<128xi32, #tpu.memory_space<hbm>>
        %dma_start3A_58 = arith.constant 0 : i32
        %dma_start3A_59 = tpu.memref_slice %arg10[%run_scoped3A, %dma_start3A_58] : memref<1x128xi32, #tpu.memory_space<vmem>> -> memref<1x128xi32, #tpu.memory_space<vmem>>
        %dma_start3A_60 = tpu.memref_squeeze %dma_start3A_59 : memref<1x128xi32, #tpu.memory_space<vmem>> -> memref<128xi32, #tpu.memory_space<vmem>>
        %dma_start3A_61 = tpu.memref_slice %arg6[%add3A_25] : memref<331776xi32, #tpu.memory_space<hbm>> -> memref<128xi32, #tpu.memory_space<hbm>>
        tpu.enqueue_dma source(%dma_start3A_61 : memref<128xi32, #tpu.memory_space<hbm>>) target(%dma_start3A_60 : memref<128xi32, #tpu.memory_space<vmem>>) target_semaphore(%run_scoped3A_53 : memref<!tpu.dma_semaphore, #tpu.memory_space<semaphore_mem>>)
        %dma_wait3A_62 = arith.constant 0 : i32
        %dma_wait3A_63 = tpu.memref_slice %arg10[%run_scoped3A, %dma_wait3A_62] : memref<1x128xi32, #tpu.memory_space<vmem>> -> memref<1x128xi32, #tpu.memory_space<vmem>>
        %dma_wait3A_64 = tpu.memref_squeeze %dma_wait3A_63 : memref<1x128xi32, #tpu.memory_space<vmem>> -> memref<128xi32, #tpu.memory_space<vmem>>
        %dma_wait3A_65 = tpu.memref_slice %arg6[%add3A_25] : memref<331776xi32, #tpu.memory_space<hbm>> -> memref<128xi32, #tpu.memory_space<hbm>>
        %dma_wait3A_66 = arith.constant 0 : i32
        %dma_wait3A_67 = tpu.memref_slice %arg10[%run_scoped3A, %dma_wait3A_66] : memref<1x128xi32, #tpu.memory_space<vmem>> -> memref<1x128xi32, #tpu.memory_space<vmem>>
        %dma_wait3A_68 = tpu.memref_squeeze %dma_wait3A_67 : memref<1x128xi32, #tpu.memory_space<vmem>> -> memref<128xi32, #tpu.memory_space<vmem>>
        %dma_wait3A_69 = tpu.memref_slice %arg6[%add3A_25] : memref<331776xi32, #tpu.memory_space<hbm>> -> memref<128xi32, #tpu.memory_space<hbm>>
        tpu.wait_dma2 semaphore(%run_scoped3A_53 : memref<!tpu.dma_semaphore, #tpu.memory_space<semaphore_mem>>) src(%dma_wait3A_69 : memref<128xi32, #tpu.memory_space<hbm>>) dst(%dma_wait3A_68 : memref<128xi32, #tpu.memory_space<vmem>>)
        tpu.yield
      }) : () -> ()
      %dma_start3A = arith.constant 0 : i32
      %dma_start3A_26 = arith.constant 0 : i32
      %dma_start3A_27 = tpu.memref_slice %arg2[%dma_start3A, %dma_start3A_26] : memref<10000x128xf32, #tpu.memory_space<hbm>> -> memref<10000x128xf32, #tpu.memory_space<hbm>>
      tpu.enqueue_indirect_dma source(%dma_start3A_27 : memref<10000x128xf32, #tpu.memory_space<hbm>>) target(%arg11 : memref<128x128xf32, #tpu.memory_space<vmem>>) offsets(%arg9 : memref<128xi32, #tpu.memory_space<vmem>>) semaphore(%arg17 : memref<!tpu.dma_semaphore, #tpu.memory_space<semaphore_mem>>)
      %dma_start3A_28 = arith.constant 0 : i32
      %dma_start3A_29 = arith.constant 0 : i32
      %dma_start3A_30 = tpu.memref_slice %arg10[%dma_start3A_28, %dma_start3A_29] : memref<1x128xi32, #tpu.memory_space<vmem>> -> memref<1x128xi32, #tpu.memory_space<vmem>>
      %dma_start3A_31 = tpu.memref_squeeze %dma_start3A_30 : memref<1x128xi32, #tpu.memory_space<vmem>> -> memref<128xi32, #tpu.memory_space<vmem>>
      %dma_start3A_32 = arith.constant 0 : i32
      %dma_start3A_33 = arith.constant 0 : i32
      %dma_start3A_34 = tpu.memref_slice %arg3[%dma_start3A_32, %dma_start3A_33] : memref<10000x128xf32, #tpu.memory_space<hbm>> -> memref<10000x128xf32, #tpu.memory_space<hbm>>
      tpu.enqueue_indirect_dma source(%dma_start3A_34 : memref<10000x128xf32, #tpu.memory_space<hbm>>) target(%arg12 : memref<128x128xf32, #tpu.memory_space<vmem>>) offsets(%dma_start3A_31 : memref<128xi32, #tpu.memory_space<vmem>>) semaphore(%arg18 : memref<!tpu.dma_semaphore, #tpu.memory_space<semaphore_mem>>)
      %dma_wait3A = arith.constant 0 : i32
      %dma_wait3A_35 = arith.constant 0 : i32
      %dma_wait3A_36 = tpu.memref_slice %arg2[%dma_wait3A, %dma_wait3A_35] : memref<10000x128xf32, #tpu.memory_space<hbm>> -> memref<10000x128xf32, #tpu.memory_space<hbm>>
      tpu.wait_indirect_dma semaphore(%arg17 : memref<!tpu.dma_semaphore, #tpu.memory_space<semaphore_mem>>) src(%dma_wait3A_36 : memref<10000x128xf32, #tpu.memory_space<hbm>>) dst(%arg11 : memref<128x128xf32, #tpu.memory_space<vmem>>)
      %dma_wait3A_37 = arith.constant 0 : i32
      %dma_wait3A_38 = arith.constant 0 : i32
      %dma_wait3A_39 = tpu.memref_slice %arg10[%dma_wait3A_37, %dma_wait3A_38] : memref<1x128xi32, #tpu.memory_space<vmem>> -> memref<1x128xi32, #tpu.memory_space<vmem>>
      %dma_wait3A_40 = tpu.memref_squeeze %dma_wait3A_39 : memref<1x128xi32, #tpu.memory_space<vmem>> -> memref<128xi32, #tpu.memory_space<vmem>>
      %dma_wait3A_41 = arith.constant 0 : i32
      %dma_wait3A_42 = arith.constant 0 : i32
      %dma_wait3A_43 = tpu.memref_slice %arg3[%dma_wait3A_41, %dma_wait3A_42] : memref<10000x128xf32, #tpu.memory_space<hbm>> -> memref<10000x128xf32, #tpu.memory_space<hbm>>
      tpu.wait_indirect_dma semaphore(%arg18 : memref<!tpu.dma_semaphore, #tpu.memory_space<semaphore_mem>>) src(%dma_wait3A_43 : memref<10000x128xf32, #tpu.memory_space<hbm>>) dst(%arg12 : memref<128x128xf32, #tpu.memory_space<vmem>>)
      %scan3A_44 = arith.constant 0 : i32
      %scan3A_45 = arith.constant 0 : i32
      %scan3A_46 = arith.constant 8 : i32
      %scan3A_47 = arith.addi %scan3A_45, %scan3A_46 : i32
      %scan3A_48 = arith.constant 1 : i32
      %scan3A_49 = scf.for %scan3A_53 = %scan3A_45 to %scan3A_47 step %scan3A_48 iter_args(%scan3A_54 = %scan3A_44) -> (i32)  : i32 {
        %iota3A = tpu.iota {dimensions = array<i32: 0>} : vector<16xi32>
        %broadcast_in_dim3A = arith.constant 0.000000e+00 : f32
        %broadcast_in_dim3A_55 = vector.broadcast %broadcast_in_dim3A : f32 to vector<16xf32>
        %mul3A_56 = arith.constant 16 : i32
        %mul3A_57 = arith.muli %scan3A_53, %mul3A_56 : i32
        %add3A_58 = arith.constant 0 : i32
        %add3A_59 = arith.addi %mul3A_57, %add3A_58 : i32
        %get3A = arith.index_cast %add3A_59 : i32 to index
        %get3A_60 = arith.constant 0 : index
        %get3A_61 = tpu.vector_load %arg11[%get3A, %get3A_60] {strides = array<i32>} : memref<128x128xf32, #tpu.memory_space<vmem>>, vector<16xf32>,
        %get3A_62 = arith.index_cast %add3A_59 : i32 to index
        %get3A_63 = arith.constant 0 : index
        %get3A_64 = tpu.vector_load %arg12[%get3A_62, %get3A_63] {strides = array<i32>} : memref<128x128xf32, #tpu.memory_space<vmem>>, vector<16xf32>,
        %add3A_65 = arith.addf %get3A_61, %get3A_64 : vector<16xf32>
        %mul3A_66 = arith.constant 2.000000e-01 : f32
        %mul3A_67 = vector.broadcast %mul3A_66 : f32 to vector<16xf32>
        %mul3A_68 = arith.mulf %mul3A_67, %add3A_65 : vector<16xf32>
        %max3A = arith.maximumf %add3A_65, %mul3A_68 : vector<16xf32>
        %get3A_69 = arith.constant 0 : index
        %get3A_70 = tpu.vector_load %arg13[%get3A_69] {strides = array<i32>} : memref<128xf32, #tpu.memory_space<vmem>>, vector<16xf32>,
        %mul3A_71 = arith.mulf %get3A_70, %max3A : vector<16xf32>
        %get3A_72 = arith.index_cast %add3A_59 : i32 to index
        %get3A_73 = arith.constant 16 : index
        %get3A_74 = tpu.vector_load %arg11[%get3A_72, %get3A_73] {strides = array<i32>} : memref<128x128xf32, #tpu.memory_space<vmem>>, vector<16xf32>,
        %get3A_75 = arith.index_cast %add3A_59 : i32 to index
        %get3A_76 = arith.constant 16 : index
        %get3A_77 = tpu.vector_load %arg12[%get3A_75, %get3A_76] {strides = array<i32>} : memref<128x128xf32, #tpu.memory_space<vmem>>, vector<16xf32>,
        %add3A_78 = arith.addf %get3A_74, %get3A_77 : vector<16xf32>
        %mul3A_79 = arith.constant 2.000000e-01 : f32
        %mul3A_80 = vector.broadcast %mul3A_79 : f32 to vector<16xf32>
        %mul3A_81 = arith.mulf %mul3A_80, %add3A_78 : vector<16xf32>
        %max3A_82 = arith.maximumf %add3A_78, %mul3A_81 : vector<16xf32>
        %get3A_83 = arith.constant 16 : index
        %get3A_84 = tpu.vector_load %arg13[%get3A_83] {strides = array<i32>} : memref<128xf32, #tpu.memory_space<vmem>>, vector<16xf32>,
        %mul3A_85 = arith.mulf %get3A_84, %max3A_82 : vector<16xf32>
        %add3A_86 = arith.addf %mul3A_71, %mul3A_85 : vector<16xf32>
        %get3A_87 = arith.index_cast %add3A_59 : i32 to index
        %get3A_88 = arith.constant 32 : index
        %get3A_89 = tpu.vector_load %arg11[%get3A_87, %get3A_88] {strides = array<i32>} : memref<128x128xf32, #tpu.memory_space<vmem>>, vector<16xf32>,
        %get3A_90 = arith.index_cast %add3A_59 : i32 to index
        %get3A_91 = arith.constant 32 : index
        %get3A_92 = tpu.vector_load %arg12[%get3A_90, %get3A_91] {strides = array<i32>} : memref<128x128xf32, #tpu.memory_space<vmem>>, vector<16xf32>,
        %add3A_93 = arith.addf %get3A_89, %get3A_92 : vector<16xf32>
        %mul3A_94 = arith.constant 2.000000e-01 : f32
        %mul3A_95 = vector.broadcast %mul3A_94 : f32 to vector<16xf32>
        %mul3A_96 = arith.mulf %mul3A_95, %add3A_93 : vector<16xf32>
        %max3A_97 = arith.maximumf %add3A_93, %mul3A_96 : vector<16xf32>
        %get3A_98 = arith.constant 32 : index
        %get3A_99 = tpu.vector_load %arg13[%get3A_98] {strides = array<i32>} : memref<128xf32, #tpu.memory_space<vmem>>, vector<16xf32>,
        %mul3A_100 = arith.mulf %get3A_99, %max3A_97 : vector<16xf32>
        %add3A_101 = arith.addf %add3A_86, %mul3A_100 : vector<16xf32>
        %get3A_102 = arith.index_cast %add3A_59 : i32 to index
        %get3A_103 = arith.constant 48 : index
        %get3A_104 = tpu.vector_load %arg11[%get3A_102, %get3A_103] {strides = array<i32>} : memref<128x128xf32, #tpu.memory_space<vmem>>, vector<16xf32>,
        %get3A_105 = arith.index_cast %add3A_59 : i32 to index
        %get3A_106 = arith.constant 48 : index
        %get3A_107 = tpu.vector_load %arg12[%get3A_105, %get3A_106] {strides = array<i32>} : memref<128x128xf32, #tpu.memory_space<vmem>>, vector<16xf32>,
        %add3A_108 = arith.addf %get3A_104, %get3A_107 : vector<16xf32>
        %mul3A_109 = arith.constant 2.000000e-01 : f32
        %mul3A_110 = vector.broadcast %mul3A_109 : f32 to vector<16xf32>
        %mul3A_111 = arith.mulf %mul3A_110, %add3A_108 : vector<16xf32>
        %max3A_112 = arith.maximumf %add3A_108, %mul3A_111 : vector<16xf32>
        %get3A_113 = arith.constant 48 : index
        %get3A_114 = tpu.vector_load %arg13[%get3A_113] {strides = array<i32>} : memref<128xf32, #tpu.memory_space<vmem>>, vector<16xf32>,
        %mul3A_115 = arith.mulf %get3A_114, %max3A_112 : vector<16xf32>
        %add3A_116 = arith.addf %add3A_101, %mul3A_115 : vector<16xf32>
        %get3A_117 = arith.index_cast %add3A_59 : i32 to index
        %get3A_118 = arith.constant 64 : index
        %get3A_119 = tpu.vector_load %arg11[%get3A_117, %get3A_118] {strides = array<i32>} : memref<128x128xf32, #tpu.memory_space<vmem>>, vector<16xf32>,
        %get3A_120 = arith.index_cast %add3A_59 : i32 to index
        %get3A_121 = arith.constant 64 : index
        %get3A_122 = tpu.vector_load %arg12[%get3A_120, %get3A_121] {strides = array<i32>} : memref<128x128xf32, #tpu.memory_space<vmem>>, vector<16xf32>,
        %add3A_123 = arith.addf %get3A_119, %get3A_122 : vector<16xf32>
        %mul3A_124 = arith.constant 2.000000e-01 : f32
        %mul3A_125 = vector.broadcast %mul3A_124 : f32 to vector<16xf32>
        %mul3A_126 = arith.mulf %mul3A_125, %add3A_123 : vector<16xf32>
        %max3A_127 = arith.maximumf %add3A_123, %mul3A_126 : vector<16xf32>
        %get3A_128 = arith.constant 64 : index
        %get3A_129 = tpu.vector_load %arg13[%get3A_128] {strides = array<i32>} : memref<128xf32, #tpu.memory_space<vmem>>, vector<16xf32>,
        %mul3A_130 = arith.mulf %get3A_129, %max3A_127 : vector<16xf32>
        %add3A_131 = arith.addf %add3A_116, %mul3A_130 : vector<16xf32>
        %get3A_132 = arith.index_cast %add3A_59 : i32 to index
        %get3A_133 = arith.constant 80 : index
        %get3A_134 = tpu.vector_load %arg11[%get3A_132, %get3A_133] {strides = array<i32>} : memref<128x128xf32, #tpu.memory_space<vmem>>, vector<16xf32>,
        %get3A_135 = arith.index_cast %add3A_59 : i32 to index
        %get3A_136 = arith.constant 80 : index
        %get3A_137 = tpu.vector_load %arg12[%get3A_135, %get3A_136] {strides = array<i32>} : memref<128x128xf32, #tpu.memory_space<vmem>>, vector<16xf32>,
        %add3A_138 = arith.addf %get3A_134, %get3A_137 : vector<16xf32>
        %mul3A_139 = arith.constant 2.000000e-01 : f32
        %mul3A_140 = vector.broadcast %mul3A_139 : f32 to vector<16xf32>
        %mul3A_141 = arith.mulf %mul3A_140, %add3A_138 : vector<16xf32>
        %max3A_142 = arith.maximumf %add3A_138, %mul3A_141 : vector<16xf32>
        %get3A_143 = arith.constant 80 : index
        %get3A_144 = tpu.vector_load %arg13[%get3A_143] {strides = array<i32>} : memref<128xf32, #tpu.memory_space<vmem>>, vector<16xf32>,
        %mul3A_145 = arith.mulf %get3A_144, %max3A_142 : vector<16xf32>
        %add3A_146 = arith.addf %add3A_131, %mul3A_145 : vector<16xf32>
        %get3A_147 = arith.index_cast %add3A_59 : i32 to index
        %get3A_148 = arith.constant 96 : index
        %get3A_149 = tpu.vector_load %arg11[%get3A_147, %get3A_148] {strides = array<i32>} : memref<128x128xf32, #tpu.memory_space<vmem>>, vector<16xf32>,
        %get3A_150 = arith.index_cast %add3A_59 : i32 to index
        %get3A_151 = arith.constant 96 : index
        %get3A_152 = tpu.vector_load %arg12[%get3A_150, %get3A_151] {strides = array<i32>} : memref<128x128xf32, #tpu.memory_space<vmem>>, vector<16xf32>,
        %add3A_153 = arith.addf %get3A_149, %get3A_152 : vector<16xf32>
        %mul3A_154 = arith.constant 2.000000e-01 : f32
        %mul3A_155 = vector.broadcast %mul3A_154 : f32 to vector<16xf32>
        %mul3A_156 = arith.mulf %mul3A_155, %add3A_153 : vector<16xf32>
        %max3A_157 = arith.maximumf %add3A_153, %mul3A_156 : vector<16xf32>
        %get3A_158 = arith.constant 96 : index
        %get3A_159 = tpu.vector_load %arg13[%get3A_158] {strides = array<i32>} : memref<128xf32, #tpu.memory_space<vmem>>, vector<16xf32>,
        %mul3A_160 = arith.mulf %get3A_159, %max3A_157 : vector<16xf32>
        %add3A_161 = arith.addf %add3A_146, %mul3A_160 : vector<16xf32>
        %get3A_162 = arith.index_cast %add3A_59 : i32 to index
        %get3A_163 = arith.constant 112 : index
        %get3A_164 = tpu.vector_load %arg11[%get3A_162, %get3A_163] {strides = array<i32>} : memref<128x128xf32, #tpu.memory_space<vmem>>, vector<16xf32>,
        %get3A_165 = arith.index_cast %add3A_59 : i32 to index
        %get3A_166 = arith.constant 112 : index
        %get3A_167 = tpu.vector_load %arg12[%get3A_165, %get3A_166] {strides = array<i32>} : memref<128x128xf32, #tpu.memory_space<vmem>>, vector<16xf32>,
        %add3A_168 = arith.addf %get3A_164, %get3A_167 : vector<16xf32>
        %mul3A_169 = arith.constant 2.000000e-01 : f32
        %mul3A_170 = vector.broadcast %mul3A_169 : f32 to vector<16xf32>
        %mul3A_171 = arith.mulf %mul3A_170, %add3A_168 : vector<16xf32>
        %max3A_172 = arith.maximumf %add3A_168, %mul3A_171 : vector<16xf32>
        %get3A_173 = arith.constant 112 : index
        %get3A_174 = tpu.vector_load %arg13[%get3A_173] {strides = array<i32>} : memref<128xf32, #tpu.memory_space<vmem>>, vector<16xf32>,
        %mul3A_175 = arith.mulf %get3A_174, %max3A_172 : vector<16xf32>
        %add3A_176 = arith.addf %add3A_161, %mul3A_175 : vector<16xf32>
        %eq3A = arith.constant 0 : i32
        %eq3A_177 = vector.broadcast %eq3A : i32 to vector<16xi32>
        %eq3A_178 = arith.cmpi eq, %iota3A, %eq3A_177 : vector<16xi32>
        %iota3A_179 = tpu.iota {dimensions = array<i32: 0>} : vector<16xi32>
        %xor3A = arith.constant 8 : i32
        %xor3A_180 = vector.broadcast %xor3A : i32 to vector<16xi32>
        %xor3A_181 = arith.xori %iota3A_179, %xor3A_180 : vector<16xi32>
        %reshape3A = vector.shape_cast %xor3A_181 : vector<16xi32> to vector<16x1xi32>
        %gather3A = vector.shape_cast %reshape3A : vector<16x1xi32> to vector<16xi32>
        %gather3A_182 = tpu.dynamic_gather %add3A_176[%gather3A] in [0] : vector<16xf32>, vector<16xi32> -> vector<16xf32>
        %add3A_183 = arith.addf %add3A_176, %gather3A_182 : vector<16xf32>
        %xor3A_184 = arith.constant 4 : i32
        %xor3A_185 = vector.broadcast %xor3A_184 : i32 to vector<16xi32>
        %xor3A_186 = arith.xori %iota3A_179, %xor3A_185 : vector<16xi32>
        %reshape3A_187 = vector.shape_cast %xor3A_186 : vector<16xi32> to vector<16x1xi32>
        %gather3A_188 = vector.shape_cast %reshape3A_187 : vector<16x1xi32> to vector<16xi32>
        %gather3A_189 = tpu.dynamic_gather %add3A_183[%gather3A_188] in [0] : vector<16xf32>, vector<16xi32> -> vector<16xf32>
        %add3A_190 = arith.addf %add3A_183, %gather3A_189 : vector<16xf32>
        %xor3A_191 = arith.constant 2 : i32
        %xor3A_192 = vector.broadcast %xor3A_191 : i32 to vector<16xi32>
        %xor3A_193 = arith.xori %iota3A_179, %xor3A_192 : vector<16xi32>
        %reshape3A_194 = vector.shape_cast %xor3A_193 : vector<16xi32> to vector<16x1xi32>
        %gather3A_195 = vector.shape_cast %reshape3A_194 : vector<16x1xi32> to vector<16xi32>
        %gather3A_196 = tpu.dynamic_gather %add3A_190[%gather3A_195] in [0] : vector<16xf32>, vector<16xi32> -> vector<16xf32>
        %add3A_197 = arith.addf %add3A_190, %gather3A_196 : vector<16xf32>
        %xor3A_198 = arith.constant 1 : i32
        %xor3A_199 = vector.broadcast %xor3A_198 : i32 to vector<16xi32>
        %xor3A_200 = arith.xori %iota3A_179, %xor3A_199 : vector<16xi32>
        %reshape3A_201 = vector.shape_cast %xor3A_200 : vector<16xi32> to vector<16x1xi32>
        %gather3A_202 = vector.shape_cast %reshape3A_201 : vector<16x1xi32> to vector<16xi32>
        %gather3A_203 = tpu.dynamic_gather %add3A_197[%gather3A_202] in [0] : vector<16xf32>, vector<16xi32> -> vector<16xf32>
        %add3A_204 = arith.addf %add3A_197, %gather3A_203 : vector<16xf32>
        %select_n3A = arith.select %eq3A_178, %add3A_204, %broadcast_in_dim3A_55 : vector<16xi1>, vector<16xf32>
        %mul3A_205 = arith.constant 16 : i32
        %mul3A_206 = arith.muli %scan3A_53, %mul3A_205 : i32
        %add3A_207 = arith.constant 1 : i32
        %add3A_208 = arith.addi %mul3A_206, %add3A_207 : i32
        %get3A_209 = arith.index_cast %add3A_208 : i32 to index
        %get3A_210 = arith.constant 0 : index
        %get3A_211 = tpu.vector_load %arg11[%get3A_209, %get3A_210] {strides = array<i32>} : memref<128x128xf32, #tpu.memory_space<vmem>>, vector<16xf32>,
        %get3A_212 = arith.index_cast %add3A_208 : i32 to index
        %get3A_213 = arith.constant 0 : index
        %get3A_214 = tpu.vector_load %arg12[%get3A_212, %get3A_213] {strides = array<i32>} : memref<128x128xf32, #tpu.memory_space<vmem>>, vector<16xf32>,
        %add3A_215 = arith.addf %get3A_211, %get3A_214 : vector<16xf32>
        %mul3A_216 = arith.constant 2.000000e-01 : f32
        %mul3A_217 = vector.broadcast %mul3A_216 : f32 to vector<16xf32>
        %mul3A_218 = arith.mulf %mul3A_217, %add3A_215 : vector<16xf32>
        %max3A_219 = arith.maximumf %add3A_215, %mul3A_218 : vector<16xf32>
        %get3A_220 = arith.constant 0 : index
        %get3A_221 = tpu.vector_load %arg13[%get3A_220] {strides = array<i32>} : memref<128xf32, #tpu.memory_space<vmem>>, vector<16xf32>,
        %mul3A_222 = arith.mulf %get3A_221, %max3A_219 : vector<16xf32>
        %get3A_223 = arith.index_cast %add3A_208 : i32 to index
        %get3A_224 = arith.constant 16 : index
        %get3A_225 = tpu.vector_load %arg11[%get3A_223, %get3A_224] {strides = array<i32>} : memref<128x128xf32, #tpu.memory_space<vmem>>, vector<16xf32>,
        %get3A_226 = arith.index_cast %add3A_208 : i32 to index
        %get3A_227 = arith.constant 16 : index
        %get3A_228 = tpu.vector_load %arg12[%get3A_226, %get3A_227] {strides = array<i32>} : memref<128x128xf32, #tpu.memory_space<vmem>>, vector<16xf32>,
        %add3A_229 = arith.addf %get3A_225, %get3A_228 : vector<16xf32>
        %mul3A_230 = arith.constant 2.000000e-01 : f32
        %mul3A_231 = vector.broadcast %mul3A_230 : f32 to vector<16xf32>
        %mul3A_232 = arith.mulf %mul3A_231, %add3A_229 : vector<16xf32>
        %max3A_233 = arith.maximumf %add3A_229, %mul3A_232 : vector<16xf32>
        %get3A_234 = arith.constant 16 : index
        %get3A_235 = tpu.vector_load %arg13[%get3A_234] {strides = array<i32>} : memref<128xf32, #tpu.memory_space<vmem>>, vector<16xf32>,
        %mul3A_236 = arith.mulf %get3A_235, %max3A_233 : vector<16xf32>
        %add3A_237 = arith.addf %mul3A_222, %mul3A_236 : vector<16xf32>
        %get3A_238 = arith.index_cast %add3A_208 : i32 to index
        %get3A_239 = arith.constant 32 : index
        %get3A_240 = tpu.vector_load %arg11[%get3A_238, %get3A_239] {strides = array<i32>} : memref<128x128xf32, #tpu.memory_space<vmem>>, vector<16xf32>,
        %get3A_241 = arith.index_cast %add3A_208 : i32 to index
        %get3A_242 = arith.constant 32 : index
        %get3A_243 = tpu.vector_load %arg12[%get3A_241, %get3A_242] {strides = array<i32>} : memref<128x128xf32, #tpu.memory_space<vmem>>, vector<16xf32>,
        %add3A_244 = arith.addf %get3A_240, %get3A_243 : vector<16xf32>
        %mul3A_245 = arith.constant 2.000000e-01 : f32
        %mul3A_246 = vector.broadcast %mul3A_245 : f32 to vector<16xf32>
        %mul3A_247 = arith.mulf %mul3A_246, %add3A_244 : vector<16xf32>
        %max3A_248 = arith.maximumf %add3A_244, %mul3A_247 : vector<16xf32>
        %get3A_249 = arith.constant 32 : index
        %get3A_250 = tpu.vector_load %arg13[%get3A_249] {strides = array<i32>} : memref<128xf32, #tpu.memory_space<vmem>>, vector<16xf32>,
        %mul3A_251 = arith.mulf %get3A_250, %max3A_248 : vector<16xf32>
        %add3A_252 = arith.addf %add3A_237, %mul3A_251 : vector<16xf32>
        %get3A_253 = arith.index_cast %add3A_208 : i32 to index
        %get3A_254 = arith.constant 48 : index
        %get3A_255 = tpu.vector_load %arg11[%get3A_253, %get3A_254] {strides = array<i32>} : memref<128x128xf32, #tpu.memory_space<vmem>>, vector<16xf32>,
        %get3A_256 = arith.index_cast %add3A_208 : i32 to index
        %get3A_257 = arith.constant 48 : index
        %get3A_258 = tpu.vector_load %arg12[%get3A_256, %get3A_257] {strides = array<i32>} : memref<128x128xf32, #tpu.memory_space<vmem>>, vector<16xf32>,
        %add3A_259 = arith.addf %get3A_255, %get3A_258 : vector<16xf32>
        %mul3A_260 = arith.constant 2.000000e-01 : f32
        %mul3A_261 = vector.broadcast %mul3A_260 : f32 to vector<16xf32>
        %mul3A_262 = arith.mulf %mul3A_261, %add3A_259 : vector<16xf32>
        %max3A_263 = arith.maximumf %add3A_259, %mul3A_262 : vector<16xf32>
        %get3A_264 = arith.constant 48 : index
        %get3A_265 = tpu.vector_load %arg13[%get3A_264] {strides = array<i32>} : memref<128xf32, #tpu.memory_space<vmem>>, vector<16xf32>,
        %mul3A_266 = arith.mulf %get3A_265, %max3A_263 : vector<16xf32>
        %add3A_267 = arith.addf %add3A_252, %mul3A_266 : vector<16xf32>
        %get3A_268 = arith.index_cast %add3A_208 : i32 to index
        %get3A_269 = arith.constant 64 : index
        %get3A_270 = tpu.vector_load %arg11[%get3A_268, %get3A_269] {strides = array<i32>} : memref<128x128xf32, #tpu.memory_space<vmem>>, vector<16xf32>,
        %get3A_271 = arith.index_cast %add3A_208 : i32 to index
        %get3A_272 = arith.constant 64 : index
        %get3A_273 = tpu.vector_load %arg12[%get3A_271, %get3A_272] {strides = array<i32>} : memref<128x128xf32, #tpu.memory_space<vmem>>, vector<16xf32>,
        %add3A_274 = arith.addf %get3A_270, %get3A_273 : vector<16xf32>
        %mul3A_275 = arith.constant 2.000000e-01 : f32
        %mul3A_276 = vector.broadcast %mul3A_275 : f32 to vector<16xf32>
        %mul3A_277 = arith.mulf %mul3A_276, %add3A_274 : vector<16xf32>
        %max3A_278 = arith.maximumf %add3A_274, %mul3A_277 : vector<16xf32>
        %get3A_279 = arith.constant 64 : index
        %get3A_280 = tpu.vector_load %arg13[%get3A_279] {strides = array<i32>} : memref<128xf32, #tpu.memory_space<vmem>>, vector<16xf32>,
        %mul3A_281 = arith.mulf %get3A_280, %max3A_278 : vector<16xf32>
        %add3A_282 = arith.addf %add3A_267, %mul3A_281 : vector<16xf32>
        %get3A_283 = arith.index_cast %add3A_208 : i32 to index
        %get3A_284 = arith.constant 80 : index
        %get3A_285 = tpu.vector_load %arg11[%get3A_283, %get3A_284] {strides = array<i32>} : memref<128x128xf32, #tpu.memory_space<vmem>>, vector<16xf32>,
        %get3A_286 = arith.index_cast %add3A_208 : i32 to index
        %get3A_287 = arith.constant 80 : index
        %get3A_288 = tpu.vector_load %arg12[%get3A_286, %get3A_287] {strides = array<i32>} : memref<128x128xf32, #tpu.memory_space<vmem>>, vector<16xf32>,
        %add3A_289 = arith.addf %get3A_285, %get3A_288 : vector<16xf32>
        %mul3A_290 = arith.constant 2.000000e-01 : f32
        %mul3A_291 = vector.broadcast %mul3A_290 : f32 to vector<16xf32>
        %mul3A_292 = arith.mulf %mul3A_291, %add3A_289 : vector<16xf32>
        %max3A_293 = arith.maximumf %add3A_289, %mul3A_292 : vector<16xf32>
        %get3A_294 = arith.constant 80 : index
        %get3A_295 = tpu.vector_load %arg13[%get3A_294] {strides = array<i32>} : memref<128xf32, #tpu.memory_space<vmem>>, vector<16xf32>,
        %mul3A_296 = arith.mulf %get3A_295, %max3A_293 : vector<16xf32>
        %add3A_297 = arith.addf %add3A_282, %mul3A_296 : vector<16xf32>
        %get3A_298 = arith.index_cast %add3A_208 : i32 to index
        %get3A_299 = arith.constant 96 : index
        %get3A_300 = tpu.vector_load %arg11[%get3A_298, %get3A_299] {strides = array<i32>} : memref<128x128xf32, #tpu.memory_space<vmem>>, vector<16xf32>,
        %get3A_301 = arith.index_cast %add3A_208 : i32 to index
        %get3A_302 = arith.constant 96 : index
        %get3A_303 = tpu.vector_load %arg12[%get3A_301, %get3A_302] {strides = array<i32>} : memref<128x128xf32, #tpu.memory_space<vmem>>, vector<16xf32>,
        %add3A_304 = arith.addf %get3A_300, %get3A_303 : vector<16xf32>
        %mul3A_305 = arith.constant 2.000000e-01 : f32
        %mul3A_306 = vector.broadcast %mul3A_305 : f32 to vector<16xf32>
        %mul3A_307 = arith.mulf %mul3A_306, %add3A_304 : vector<16xf32>
        %max3A_308 = arith.maximumf %add3A_304, %mul3A_307 : vector<16xf32>
        %get3A_309 = arith.constant 96 : index
        %get3A_310 = tpu.vector_load %arg13[%get3A_309] {strides = array<i32>} : memref<128xf32, #tpu.memory_space<vmem>>, vector<16xf32>,
        %mul3A_311 = arith.mulf %get3A_310, %max3A_308 : vector<16xf32>
        %add3A_312 = arith.addf %add3A_297, %mul3A_311 : vector<16xf32>
        %get3A_313 = arith.index_cast %add3A_208 : i32 to index
        %get3A_314 = arith.constant 112 : index
        %get3A_315 = tpu.vector_load %arg11[%get3A_313, %get3A_314] {strides = array<i32>} : memref<128x128xf32, #tpu.memory_space<vmem>>, vector<16xf32>,
        %get3A_316 = arith.index_cast %add3A_208 : i32 to index
        %get3A_317 = arith.constant 112 : index
        %get3A_318 = tpu.vector_load %arg12[%get3A_316, %get3A_317] {strides = array<i32>} : memref<128x128xf32, #tpu.memory_space<vmem>>, vector<16xf32>,
        %add3A_319 = arith.addf %get3A_315, %get3A_318 : vector<16xf32>
        %mul3A_320 = arith.constant 2.000000e-01 : f32
        %mul3A_321 = vector.broadcast %mul3A_320 : f32 to vector<16xf32>
        %mul3A_322 = arith.mulf %mul3A_321, %add3A_319 : vector<16xf32>
        %max3A_323 = arith.maximumf %add3A_319, %mul3A_322 : vector<16xf32>
        %get3A_324 = arith.constant 112 : index
        %get3A_325 = tpu.vector_load %arg13[%get3A_324] {strides = array<i32>} : memref<128xf32, #tpu.memory_space<vmem>>, vector<16xf32>,
        %mul3A_326 = arith.mulf %get3A_325, %max3A_323 : vector<16xf32>
        %add3A_327 = arith.addf %add3A_312, %mul3A_326 : vector<16xf32>
        %eq3A_328 = arith.constant 1 : i32
        %eq3A_329 = vector.broadcast %eq3A_328 : i32 to vector<16xi32>
        %eq3A_330 = arith.cmpi eq, %iota3A, %eq3A_329 : vector<16xi32>
        %iota3A_331 = tpu.iota {dimensions = array<i32: 0>} : vector<16xi32>
        %xor3A_332 = arith.constant 8 : i32
        %xor3A_333 = vector.broadcast %xor3A_332 : i32 to vector<16xi32>
        %xor3A_334 = arith.xori %iota3A_331, %xor3A_333 : vector<16xi32>
        %reshape3A_335 = vector.shape_cast %xor3A_334 : vector<16xi32> to vector<16x1xi32>
        %gather3A_336 = vector.shape_cast %reshape3A_335 : vector<16x1xi32> to vector<16xi32>
        %gather3A_337 = tpu.dynamic_gather %add3A_327[%gather3A_336] in [0] : vector<16xf32>, vector<16xi32> -> vector<16xf32>
        %add3A_338 = arith.addf %add3A_327, %gather3A_337 : vector<16xf32>
        %xor3A_339 = arith.constant 4 : i32
        %xor3A_340 = vector.broadcast %xor3A_339 : i32 to vector<16xi32>
        %xor3A_341 = arith.xori %iota3A_331, %xor3A_340 : vector<16xi32>
        %reshape3A_342 = vector.shape_cast %xor3A_341 : vector<16xi32> to vector<16x1xi32>
        %gather3A_343 = vector.shape_cast %reshape3A_342 : vector<16x1xi32> to vector<16xi32>
        %gather3A_344 = tpu.dynamic_gather %add3A_338[%gather3A_343] in [0] : vector<16xf32>, vector<16xi32> -> vector<16xf32>
        %add3A_345 = arith.addf %add3A_338, %gather3A_344 : vector<16xf32>
        %xor3A_346 = arith.constant 2 : i32
        %xor3A_347 = vector.broadcast %xor3A_346 : i32 to vector<16xi32>
        %xor3A_348 = arith.xori %iota3A_331, %xor3A_347 : vector<16xi32>
        %reshape3A_349 = vector.shape_cast %xor3A_348 : vector<16xi32> to vector<16x1xi32>
        %gather3A_350 = vector.shape_cast %reshape3A_349 : vector<16x1xi32> to vector<16xi32>
        %gather3A_351 = tpu.dynamic_gather %add3A_345[%gather3A_350] in [0] : vector<16xf32>, vector<16xi32> -> vector<16xf32>
        %add3A_352 = arith.addf %add3A_345, %gather3A_351 : vector<16xf32>
        %xor3A_353 = arith.constant 1 : i32
        %xor3A_354 = vector.broadcast %xor3A_353 : i32 to vector<16xi32>
        %xor3A_355 = arith.xori %iota3A_331, %xor3A_354 : vector<16xi32>
        %reshape3A_356 = vector.shape_cast %xor3A_355 : vector<16xi32> to vector<16x1xi32>
        %gather3A_357 = vector.shape_cast %reshape3A_356 : vector<16x1xi32> to vector<16xi32>
        %gather3A_358 = tpu.dynamic_gather %add3A_352[%gather3A_357] in [0] : vector<16xf32>, vector<16xi32> -> vector<16xf32>
        %add3A_359 = arith.addf %add3A_352, %gather3A_358 : vector<16xf32>
        %select_n3A_360 = arith.select %eq3A_330, %add3A_359, %select_n3A : vector<16xi1>, vector<16xf32>
        %mul3A_361 = arith.constant 16 : i32
        %mul3A_362 = arith.muli %scan3A_53, %mul3A_361 : i32
        %add3A_363 = arith.constant 2 : i32
        %add3A_364 = arith.addi %mul3A_362, %add3A_363 : i32
        %get3A_365 = arith.index_cast %add3A_364 : i32 to index
        %get3A_366 = arith.constant 0 : index
        %get3A_367 = tpu.vector_load %arg11[%get3A_365, %get3A_366] {strides = array<i32>} : memref<128x128xf32, #tpu.memory_space<vmem>>, vector<16xf32>,
        %get3A_368 = arith.index_cast %add3A_364 : i32 to index
        %get3A_369 = arith.constant 0 : index
        %get3A_370 = tpu.vector_load %arg12[%get3A_368, %get3A_369] {strides = array<i32>} : memref<128x128xf32, #tpu.memory_space<vmem>>, vector<16xf32>,
        %add3A_371 = arith.addf %get3A_367, %get3A_370 : vector<16xf32>
        %mul3A_372 = arith.constant 2.000000e-01 : f32
        %mul3A_373 = vector.broadcast %mul3A_372 : f32 to vector<16xf32>
        %mul3A_374 = arith.mulf %mul3A_373, %add3A_371 : vector<16xf32>
        %max3A_375 = arith.maximumf %add3A_371, %mul3A_374 : vector<16xf32>
        %get3A_376 = arith.constant 0 : index
        %get3A_377 = tpu.vector_load %arg13[%get3A_376] {strides = array<i32>} : memref<128xf32, #tpu.memory_space<vmem>>, vector<16xf32>,
        %mul3A_378 = arith.mulf %get3A_377, %max3A_375 : vector<16xf32>
        %get3A_379 = arith.index_cast %add3A_364 : i32 to index
        %get3A_380 = arith.constant 16 : index
        %get3A_381 = tpu.vector_load %arg11[%get3A_379, %get3A_380] {strides = array<i32>} : memref<128x128xf32, #tpu.memory_space<vmem>>, vector<16xf32>,
        %get3A_382 = arith.index_cast %add3A_364 : i32 to index
        %get3A_383 = arith.constant 16 : index
        %get3A_384 = tpu.vector_load %arg12[%get3A_382, %get3A_383] {strides = array<i32>} : memref<128x128xf32, #tpu.memory_space<vmem>>, vector<16xf32>,
        %add3A_385 = arith.addf %get3A_381, %get3A_384 : vector<16xf32>
        %mul3A_386 = arith.constant 2.000000e-01 : f32
        %mul3A_387 = vector.broadcast %mul3A_386 : f32 to vector<16xf32>
        %mul3A_388 = arith.mulf %mul3A_387, %add3A_385 : vector<16xf32>
        %max3A_389 = arith.maximumf %add3A_385, %mul3A_388 : vector<16xf32>
        %get3A_390 = arith.constant 16 : index
        %get3A_391 = tpu.vector_load %arg13[%get3A_390] {strides = array<i32>} : memref<128xf32, #tpu.memory_space<vmem>>, vector<16xf32>,
        %mul3A_392 = arith.mulf %get3A_391, %max3A_389 : vector<16xf32>
        %add3A_393 = arith.addf %mul3A_378, %mul3A_392 : vector<16xf32>
        %get3A_394 = arith.index_cast %add3A_364 : i32 to index
        %get3A_395 = arith.constant 32 : index
        %get3A_396 = tpu.vector_load %arg11[%get3A_394, %get3A_395] {strides = array<i32>} : memref<128x128xf32, #tpu.memory_space<vmem>>, vector<16xf32>,
        %get3A_397 = arith.index_cast %add3A_364 : i32 to index
        %get3A_398 = arith.constant 32 : index
        %get3A_399 = tpu.vector_load %arg12[%get3A_397, %get3A_398] {strides = array<i32>} : memref<128x128xf32, #tpu.memory_space<vmem>>, vector<16xf32>,
        %add3A_400 = arith.addf %get3A_396, %get3A_399 : vector<16xf32>
        %mul3A_401 = arith.constant 2.000000e-01 : f32
        %mul3A_402 = vector.broadcast %mul3A_401 : f32 to vector<16xf32>
        %mul3A_403 = arith.mulf %mul3A_402, %add3A_400 : vector<16xf32>
        %max3A_404 = arith.maximumf %add3A_400, %mul3A_403 : vector<16xf32>
        %get3A_405 = arith.constant 32 : index
        %get3A_406 = tpu.vector_load %arg13[%get3A_405] {strides = array<i32>} : memref<128xf32, #tpu.memory_space<vmem>>, vector<16xf32>,
        %mul3A_407 = arith.mulf %get3A_406, %max3A_404 : vector<16xf32>
        %add3A_408 = arith.addf %add3A_393, %mul3A_407 : vector<16xf32>
        %get3A_409 = arith.index_cast %add3A_364 : i32 to index
        %get3A_410 = arith.constant 48 : index
        %get3A_411 = tpu.vector_load %arg11[%get3A_409, %get3A_410] {strides = array<i32>} : memref<128x128xf32, #tpu.memory_space<vmem>>, vector<16xf32>,
        %get3A_412 = arith.index_cast %add3A_364 : i32 to index
        %get3A_413 = arith.constant 48 : index
        %get3A_414 = tpu.vector_load %arg12[%get3A_412, %get3A_413] {strides = array<i32>} : memref<128x128xf32, #tpu.memory_space<vmem>>, vector<16xf32>,
        %add3A_415 = arith.addf %get3A_411, %get3A_414 : vector<16xf32>
        %mul3A_416 = arith.constant 2.000000e-01 : f32
        %mul3A_417 = vector.broadcast %mul3A_416 : f32 to vector<16xf32>
        %mul3A_418 = arith.mulf %mul3A_417, %add3A_415 : vector<16xf32>
        %max3A_419 = arith.maximumf %add3A_415, %mul3A_418 : vector<16xf32>
        %get3A_420 = arith.constant 48 : index
        %get3A_421 = tpu.vector_load %arg13[%get3A_420] {strides = array<i32>} : memref<128xf32, #tpu.memory_space<vmem>>, vector<16xf32>,
        %mul3A_422 = arith.mulf %get3A_421, %max3A_419 : vector<16xf32>
        %add3A_423 = arith.addf %add3A_408, %mul3A_422 : vector<16xf32>
        %get3A_424 = arith.index_cast %add3A_364 : i32 to index
        %get3A_425 = arith.constant 64 : index
        %get3A_426 = tpu.vector_load %arg11[%get3A_424, %get3A_425] {strides = array<i32>} : memref<128x128xf32, #tpu.memory_space<vmem>>, vector<16xf32>,
        %get3A_427 = arith.index_cast %add3A_364 : i32 to index
        %get3A_428 = arith.constant 64 : index
        %get3A_429 = tpu.vector_load %arg12[%get3A_427, %get3A_428] {strides = array<i32>} : memref<128x128xf32, #tpu.memory_space<vmem>>, vector<16xf32>,
        %add3A_430 = arith.addf %get3A_426, %get3A_429 : vector<16xf32>
        %mul3A_431 = arith.constant 2.000000e-01 : f32
        %mul3A_432 = vector.broadcast %mul3A_431 : f32 to vector<16xf32>
        %mul3A_433 = arith.mulf %mul3A_432, %add3A_430 : vector<16xf32>
        %max3A_434 = arith.maximumf %add3A_430, %mul3A_433 : vector<16xf32>
        %get3A_435 = arith.constant 64 : index
        %get3A_436 = tpu.vector_load %arg13[%get3A_435] {strides = array<i32>} : memref<128xf32, #tpu.memory_space<vmem>>, vector<16xf32>,
        %mul3A_437 = arith.mulf %get3A_436, %max3A_434 : vector<16xf32>
        %add3A_438 = arith.addf %add3A_423, %mul3A_437 : vector<16xf32>
        %get3A_439 = arith.index_cast %add3A_364 : i32 to index
        %get3A_440 = arith.constant 80 : index
        %get3A_441 = tpu.vector_load %arg11[%get3A_439, %get3A_440] {strides = array<i32>} : memref<128x128xf32, #tpu.memory_space<vmem>>, vector<16xf32>,
        %get3A_442 = arith.index_cast %add3A_364 : i32 to index
        %get3A_443 = arith.constant 80 : index
        %get3A_444 = tpu.vector_load %arg12[%get3A_442, %get3A_443] {strides = array<i32>} : memref<128x128xf32, #tpu.memory_space<vmem>>, vector<16xf32>,
        %add3A_445 = arith.addf %get3A_441, %get3A_444 : vector<16xf32>
        %mul3A_446 = arith.constant 2.000000e-01 : f32
        %mul3A_447 = vector.broadcast %mul3A_446 : f32 to vector<16xf32>
        %mul3A_448 = arith.mulf %mul3A_447, %add3A_445 : vector<16xf32>
        %max3A_449 = arith.maximumf %add3A_445, %mul3A_448 : vector<16xf32>
        %get3A_450 = arith.constant 80 : index
        %get3A_451 = tpu.vector_load %arg13[%get3A_450] {strides = array<i32>} : memref<128xf32, #tpu.memory_space<vmem>>, vector<16xf32>,
        %mul3A_452 = arith.mulf %get3A_451, %max3A_449 : vector<16xf32>
        %add3A_453 = arith.addf %add3A_438, %mul3A_452 : vector<16xf32>
        %get3A_454 = arith.index_cast %add3A_364 : i32 to index
        %get3A_455 = arith.constant 96 : index
        %get3A_456 = tpu.vector_load %arg11[%get3A_454, %get3A_455] {strides = array<i32>} : memref<128x128xf32, #tpu.memory_space<vmem>>, vector<16xf32>,
        %get3A_457 = arith.index_cast %add3A_364 : i32 to index
        %get3A_458 = arith.constant 96 : index
        %get3A_459 = tpu.vector_load %arg12[%get3A_457, %get3A_458] {strides = array<i32>} : memref<128x128xf32, #tpu.memory_space<vmem>>, vector<16xf32>,
        %add3A_460 = arith.addf %get3A_456, %get3A_459 : vector<16xf32>
        %mul3A_461 = arith.constant 2.000000e-01 : f32
        %mul3A_462 = vector.broadcast %mul3A_461 : f32 to vector<16xf32>
        %mul3A_463 = arith.mulf %mul3A_462, %add3A_460 : vector<16xf32>
        %max3A_464 = arith.maximumf %add3A_460, %mul3A_463 : vector<16xf32>
        %get3A_465 = arith.constant 96 : index
        %get3A_466 = tpu.vector_load %arg13[%get3A_465] {strides = array<i32>} : memref<128xf32, #tpu.memory_space<vmem>>, vector<16xf32>,
        %mul3A_467 = arith.mulf %get3A_466, %max3A_464 : vector<16xf32>
        %add3A_468 = arith.addf %add3A_453, %mul3A_467 : vector<16xf32>
        %get3A_469 = arith.index_cast %add3A_364 : i32 to index
        %get3A_470 = arith.constant 112 : index
        %get3A_471 = tpu.vector_load %arg11[%get3A_469, %get3A_470] {strides = array<i32>} : memref<128x128xf32, #tpu.memory_space<vmem>>, vector<16xf32>,
        %get3A_472 = arith.index_cast %add3A_364 : i32 to index
        %get3A_473 = arith.constant 112 : index
        %get3A_474 = tpu.vector_load %arg12[%get3A_472, %get3A_473] {strides = array<i32>} : memref<128x128xf32, #tpu.memory_space<vmem>>, vector<16xf32>,
        %add3A_475 = arith.addf %get3A_471, %get3A_474 : vector<16xf32>
        %mul3A_476 = arith.constant 2.000000e-01 : f32
        %mul3A_477 = vector.broadcast %mul3A_476 : f32 to vector<16xf32>
        %mul3A_478 = arith.mulf %mul3A_477, %add3A_475 : vector<16xf32>
        %max3A_479 = arith.maximumf %add3A_475, %mul3A_478 : vector<16xf32>
        %get3A_480 = arith.constant 112 : index
        %get3A_481 = tpu.vector_load %arg13[%get3A_480] {strides = array<i32>} : memref<128xf32, #tpu.memory_space<vmem>>, vector<16xf32>,
        %mul3A_482 = arith.mulf %get3A_481, %max3A_479 : vector<16xf32>
        %add3A_483 = arith.addf %add3A_468, %mul3A_482 : vector<16xf32>
        %eq3A_484 = arith.constant 2 : i32
        %eq3A_485 = vector.broadcast %eq3A_484 : i32 to vector<16xi32>
        %eq3A_486 = arith.cmpi eq, %iota3A, %eq3A_485 : vector<16xi32>
        %iota3A_487 = tpu.iota {dimensions = array<i32: 0>} : vector<16xi32>
        %xor3A_488 = arith.constant 8 : i32
        %xor3A_489 = vector.broadcast %xor3A_488 : i32 to vector<16xi32>
        %xor3A_490 = arith.xori %iota3A_487, %xor3A_489 : vector<16xi32>
        %reshape3A_491 = vector.shape_cast %xor3A_490 : vector<16xi32> to vector<16x1xi32>
        %gather3A_492 = vector.shape_cast %reshape3A_491 : vector<16x1xi32> to vector<16xi32>
        %gather3A_493 = tpu.dynamic_gather %add3A_483[%gather3A_492] in [0] : vector<16xf32>, vector<16xi32> -> vector<16xf32>
        %add3A_494 = arith.addf %add3A_483, %gather3A_493 : vector<16xf32>
        %xor3A_495 = arith.constant 4 : i32
        %xor3A_496 = vector.broadcast %xor3A_495 : i32 to vector<16xi32>
        %xor3A_497 = arith.xori %iota3A_487, %xor3A_496 : vector<16xi32>
        %reshape3A_498 = vector.shape_cast %xor3A_497 : vector<16xi32> to vector<16x1xi32>
        %gather3A_499 = vector.shape_cast %reshape3A_498 : vector<16x1xi32> to vector<16xi32>
        %gather3A_500 = tpu.dynamic_gather %add3A_494[%gather3A_499] in [0] : vector<16xf32>, vector<16xi32> -> vector<16xf32>
        %add3A_501 = arith.addf %add3A_494, %gather3A_500 : vector<16xf32>
        %xor3A_502 = arith.constant 2 : i32
        %xor3A_503 = vector.broadcast %xor3A_502 : i32 to vector<16xi32>
        %xor3A_504 = arith.xori %iota3A_487, %xor3A_503 : vector<16xi32>
        %reshape3A_505 = vector.shape_cast %xor3A_504 : vector<16xi32> to vector<16x1xi32>
        %gather3A_506 = vector.shape_cast %reshape3A_505 : vector<16x1xi32> to vector<16xi32>
        %gather3A_507 = tpu.dynamic_gather %add3A_501[%gather3A_506] in [0] : vector<16xf32>, vector<16xi32> -> vector<16xf32>
        %add3A_508 = arith.addf %add3A_501, %gather3A_507 : vector<16xf32>
        %xor3A_509 = arith.constant 1 : i32
        %xor3A_510 = vector.broadcast %xor3A_509 : i32 to vector<16xi32>
        %xor3A_511 = arith.xori %iota3A_487, %xor3A_510 : vector<16xi32>
        %reshape3A_512 = vector.shape_cast %xor3A_511 : vector<16xi32> to vector<16x1xi32>
        %gather3A_513 = vector.shape_cast %reshape3A_512 : vector<16x1xi32> to vector<16xi32>
        %gather3A_514 = tpu.dynamic_gather %add3A_508[%gather3A_513] in [0] : vector<16xf32>, vector<16xi32> -> vector<16xf32>
        %add3A_515 = arith.addf %add3A_508, %gather3A_514 : vector<16xf32>
        %select_n3A_516 = arith.select %eq3A_486, %add3A_515, %select_n3A_360 : vector<16xi1>, vector<16xf32>
        %mul3A_517 = arith.constant 16 : i32
        %mul3A_518 = arith.muli %scan3A_53, %mul3A_517 : i32
        %add3A_519 = arith.constant 3 : i32
        %add3A_520 = arith.addi %mul3A_518, %add3A_519 : i32
        %get3A_521 = arith.index_cast %add3A_520 : i32 to index
        %get3A_522 = arith.constant 0 : index
        %get3A_523 = tpu.vector_load %arg11[%get3A_521, %get3A_522] {strides = array<i32>} : memref<128x128xf32, #tpu.memory_space<vmem>>, vector<16xf32>,
        %get3A_524 = arith.index_cast %add3A_520 : i32 to index
        %get3A_525 = arith.constant 0 : index
        %get3A_526 = tpu.vector_load %arg12[%get3A_524, %get3A_525] {strides = array<i32>} : memref<128x128xf32, #tpu.memory_space<vmem>>, vector<16xf32>,
        %add3A_527 = arith.addf %get3A_523, %get3A_526 : vector<16xf32>
        %mul3A_528 = arith.constant 2.000000e-01 : f32
        %mul3A_529 = vector.broadcast %mul3A_528 : f32 to vector<16xf32>
        %mul3A_530 = arith.mulf %mul3A_529, %add3A_527 : vector<16xf32>
        %max3A_531 = arith.maximumf %add3A_527, %mul3A_530 : vector<16xf32>
        %get3A_532 = arith.constant 0 : index
        %get3A_533 = tpu.vector_load %arg13[%get3A_532] {strides = array<i32>} : memref<128xf32, #tpu.memory_space<vmem>>, vector<16xf32>,
        %mul3A_534 = arith.mulf %get3A_533, %max3A_531 : vector<16xf32>
        %get3A_535 = arith.index_cast %add3A_520 : i32 to index
        %get3A_536 = arith.constant 16 : index
        %get3A_537 = tpu.vector_load %arg11[%get3A_535, %get3A_536] {strides = array<i32>} : memref<128x128xf32, #tpu.memory_space<vmem>>, vector<16xf32>,
        %get3A_538 = arith.index_cast %add3A_520 : i32 to index
        %get3A_539 = arith.constant 16 : index
        %get3A_540 = tpu.vector_load %arg12[%get3A_538, %get3A_539] {strides = array<i32>} : memref<128x128xf32, #tpu.memory_space<vmem>>, vector<16xf32>,
        %add3A_541 = arith.addf %get3A_537, %get3A_540 : vector<16xf32>
        %mul3A_542 = arith.constant 2.000000e-01 : f32
        %mul3A_543 = vector.broadcast %mul3A_542 : f32 to vector<16xf32>
        %mul3A_544 = arith.mulf %mul3A_543, %add3A_541 : vector<16xf32>
        %max3A_545 = arith.maximumf %add3A_541, %mul3A_544 : vector<16xf32>
        %get3A_546 = arith.constant 16 : index
        %get3A_547 = tpu.vector_load %arg13[%get3A_546] {strides = array<i32>} : memref<128xf32, #tpu.memory_space<vmem>>, vector<16xf32>,
        %mul3A_548 = arith.mulf %get3A_547, %max3A_545 : vector<16xf32>
        %add3A_549 = arith.addf %mul3A_534, %mul3A_548 : vector<16xf32>
        %get3A_550 = arith.index_cast %add3A_520 : i32 to index
        %get3A_551 = arith.constant 32 : index
        %get3A_552 = tpu.vector_load %arg11[%get3A_550, %get3A_551] {strides = array<i32>} : memref<128x128xf32, #tpu.memory_space<vmem>>, vector<16xf32>,
        %get3A_553 = arith.index_cast %add3A_520 : i32 to index
        %get3A_554 = arith.constant 32 : index
        %get3A_555 = tpu.vector_load %arg12[%get3A_553, %get3A_554] {strides = array<i32>} : memref<128x128xf32, #tpu.memory_space<vmem>>, vector<16xf32>,
        %add3A_556 = arith.addf %get3A_552, %get3A_555 : vector<16xf32>
        %mul3A_557 = arith.constant 2.000000e-01 : f32
        %mul3A_558 = vector.broadcast %mul3A_557 : f32 to vector<16xf32>
        %mul3A_559 = arith.mulf %mul3A_558, %add3A_556 : vector<16xf32>
        %max3A_560 = arith.maximumf %add3A_556, %mul3A_559 : vector<16xf32>
        %get3A_561 = arith.constant 32 : index
        %get3A_562 = tpu.vector_load %arg13[%get3A_561] {strides = array<i32>} : memref<128xf32, #tpu.memory_space<vmem>>, vector<16xf32>,
        %mul3A_563 = arith.mulf %get3A_562, %max3A_560 : vector<16xf32>
        %add3A_564 = arith.addf %add3A_549, %mul3A_563 : vector<16xf32>
        %get3A_565 = arith.index_cast %add3A_520 : i32 to index
        %get3A_566 = arith.constant 48 : index
        %get3A_567 = tpu.vector_load %arg11[%get3A_565, %get3A_566] {strides = array<i32>} : memref<128x128xf32, #tpu.memory_space<vmem>>, vector<16xf32>,
        %get3A_568 = arith.index_cast %add3A_520 : i32 to index
        %get3A_569 = arith.constant 48 : index
        %get3A_570 = tpu.vector_load %arg12[%get3A_568, %get3A_569] {strides = array<i32>} : memref<128x128xf32, #tpu.memory_space<vmem>>, vector<16xf32>,
        %add3A_571 = arith.addf %get3A_567, %get3A_570 : vector<16xf32>
        %mul3A_572 = arith.constant 2.000000e-01 : f32
        %mul3A_573 = vector.broadcast %mul3A_572 : f32 to vector<16xf32>
        %mul3A_574 = arith.mulf %mul3A_573, %add3A_571 : vector<16xf32>
        %max3A_575 = arith.maximumf %add3A_571, %mul3A_574 : vector<16xf32>
        %get3A_576 = arith.constant 48 : index
        %get3A_577 = tpu.vector_load %arg13[%get3A_576] {strides = array<i32>} : memref<128xf32, #tpu.memory_space<vmem>>, vector<16xf32>,
        %mul3A_578 = arith.mulf %get3A_577, %max3A_575 : vector<16xf32>
        %add3A_579 = arith.addf %add3A_564, %mul3A_578 : vector<16xf32>
        %get3A_580 = arith.index_cast %add3A_520 : i32 to index
        %get3A_581 = arith.constant 64 : index
        %get3A_582 = tpu.vector_load %arg11[%get3A_580, %get3A_581] {strides = array<i32>} : memref<128x128xf32, #tpu.memory_space<vmem>>, vector<16xf32>,
        %get3A_583 = arith.index_cast %add3A_520 : i32 to index
        %get3A_584 = arith.constant 64 : index
        %get3A_585 = tpu.vector_load %arg12[%get3A_583, %get3A_584] {strides = array<i32>} : memref<128x128xf32, #tpu.memory_space<vmem>>, vector<16xf32>,
        %add3A_586 = arith.addf %get3A_582, %get3A_585 : vector<16xf32>
        %mul3A_587 = arith.constant 2.000000e-01 : f32
        %mul3A_588 = vector.broadcast %mul3A_587 : f32 to vector<16xf32>
        %mul3A_589 = arith.mulf %mul3A_588, %add3A_586 : vector<16xf32>
        %max3A_590 = arith.maximumf %add3A_586, %mul3A_589 : vector<16xf32>
        %get3A_591 = arith.constant 64 : index
        %get3A_592 = tpu.vector_load %arg13[%get3A_591] {strides = array<i32>} : memref<128xf32, #tpu.memory_space<vmem>>, vector<16xf32>,
        %mul3A_593 = arith.mulf %get3A_592, %max3A_590 : vector<16xf32>
        %add3A_594 = arith.addf %add3A_579, %mul3A_593 : vector<16xf32>
        %get3A_595 = arith.index_cast %add3A_520 : i32 to index
        %get3A_596 = arith.constant 80 : index
        %get3A_597 = tpu.vector_load %arg11[%get3A_595, %get3A_596] {strides = array<i32>} : memref<128x128xf32, #tpu.memory_space<vmem>>, vector<16xf32>,
        %get3A_598 = arith.index_cast %add3A_520 : i32 to index
        %get3A_599 = arith.constant 80 : index
        %get3A_600 = tpu.vector_load %arg12[%get3A_598, %get3A_599] {strides = array<i32>} : memref<128x128xf32, #tpu.memory_space<vmem>>, vector<16xf32>,
        %add3A_601 = arith.addf %get3A_597, %get3A_600 : vector<16xf32>
        %mul3A_602 = arith.constant 2.000000e-01 : f32
        %mul3A_603 = vector.broadcast %mul3A_602 : f32 to vector<16xf32>
        %mul3A_604 = arith.mulf %mul3A_603, %add3A_601 : vector<16xf32>
        %max3A_605 = arith.maximumf %add3A_601, %mul3A_604 : vector<16xf32>
        %get3A_606 = arith.constant 80 : index
        %get3A_607 = tpu.vector_load %arg13[%get3A_606] {strides = array<i32>} : memref<128xf32, #tpu.memory_space<vmem>>, vector<16xf32>,
        %mul3A_608 = arith.mulf %get3A_607, %max3A_605 : vector<16xf32>
        %add3A_609 = arith.addf %add3A_594, %mul3A_608 : vector<16xf32>
        %get3A_610 = arith.index_cast %add3A_520 : i32 to index
        %get3A_611 = arith.constant 96 : index
        %get3A_612 = tpu.vector_load %arg11[%get3A_610, %get3A_611] {strides = array<i32>} : memref<128x128xf32, #tpu.memory_space<vmem>>, vector<16xf32>,
        %get3A_613 = arith.index_cast %add3A_520 : i32 to index
        %get3A_614 = arith.constant 96 : index
        %get3A_615 = tpu.vector_load %arg12[%get3A_613, %get3A_614] {strides = array<i32>} : memref<128x128xf32, #tpu.memory_space<vmem>>, vector<16xf32>,
        %add3A_616 = arith.addf %get3A_612, %get3A_615 : vector<16xf32>
        %mul3A_617 = arith.constant 2.000000e-01 : f32
        %mul3A_618 = vector.broadcast %mul3A_617 : f32 to vector<16xf32>
        %mul3A_619 = arith.mulf %mul3A_618, %add3A_616 : vector<16xf32>
        %max3A_620 = arith.maximumf %add3A_616, %mul3A_619 : vector<16xf32>
        %get3A_621 = arith.constant 96 : index
        %get3A_622 = tpu.vector_load %arg13[%get3A_621] {strides = array<i32>} : memref<128xf32, #tpu.memory_space<vmem>>, vector<16xf32>,
        %mul3A_623 = arith.mulf %get3A_622, %max3A_620 : vector<16xf32>
        %add3A_624 = arith.addf %add3A_609, %mul3A_623 : vector<16xf32>
        %get3A_625 = arith.index_cast %add3A_520 : i32 to index
        %get3A_626 = arith.constant 112 : index
        %get3A_627 = tpu.vector_load %arg11[%get3A_625, %get3A_626] {strides = array<i32>} : memref<128x128xf32, #tpu.memory_space<vmem>>, vector<16xf32>,
        %get3A_628 = arith.index_cast %add3A_520 : i32 to index
        %get3A_629 = arith.constant 112 : index
        %get3A_630 = tpu.vector_load %arg12[%get3A_628, %get3A_629] {strides = array<i32>} : memref<128x128xf32, #tpu.memory_space<vmem>>, vector<16xf32>,
        %add3A_631 = arith.addf %get3A_627, %get3A_630 : vector<16xf32>
        %mul3A_632 = arith.constant 2.000000e-01 : f32
        %mul3A_633 = vector.broadcast %mul3A_632 : f32 to vector<16xf32>
        %mul3A_634 = arith.mulf %mul3A_633, %add3A_631 : vector<16xf32>
        %max3A_635 = arith.maximumf %add3A_631, %mul3A_634 : vector<16xf32>
        %get3A_636 = arith.constant 112 : index
        %get3A_637 = tpu.vector_load %arg13[%get3A_636] {strides = array<i32>} : memref<128xf32, #tpu.memory_space<vmem>>, vector<16xf32>,
        %mul3A_638 = arith.mulf %get3A_637, %max3A_635 : vector<16xf32>
        %add3A_639 = arith.addf %add3A_624, %mul3A_638 : vector<16xf32>
        %eq3A_640 = arith.constant 3 : i32
        %eq3A_641 = vector.broadcast %eq3A_640 : i32 to vector<16xi32>
        %eq3A_642 = arith.cmpi eq, %iota3A, %eq3A_641 : vector<16xi32>
        %iota3A_643 = tpu.iota {dimensions = array<i32: 0>} : vector<16xi32>
        %xor3A_644 = arith.constant 8 : i32
        %xor3A_645 = vector.broadcast %xor3A_644 : i32 to vector<16xi32>
        %xor3A_646 = arith.xori %iota3A_643, %xor3A_645 : vector<16xi32>
        %reshape3A_647 = vector.shape_cast %xor3A_646 : vector<16xi32> to vector<16x1xi32>
        %gather3A_648 = vector.shape_cast %reshape3A_647 : vector<16x1xi32> to vector<16xi32>
        %gather3A_649 = tpu.dynamic_gather %add3A_639[%gather3A_648] in [0] : vector<16xf32>, vector<16xi32> -> vector<16xf32>
        %add3A_650 = arith.addf %add3A_639, %gather3A_649 : vector<16xf32>
        %xor3A_651 = arith.constant 4 : i32
        %xor3A_652 = vector.broadcast %xor3A_651 : i32 to vector<16xi32>
        %xor3A_653 = arith.xori %iota3A_643, %xor3A_652 : vector<16xi32>
        %reshape3A_654 = vector.shape_cast %xor3A_653 : vector<16xi32> to vector<16x1xi32>
        %gather3A_655 = vector.shape_cast %reshape3A_654 : vector<16x1xi32> to vector<16xi32>
        %gather3A_656 = tpu.dynamic_gather %add3A_650[%gather3A_655] in [0] : vector<16xf32>, vector<16xi32> -> vector<16xf32>
        %add3A_657 = arith.addf %add3A_650, %gather3A_656 : vector<16xf32>
        %xor3A_658 = arith.constant 2 : i32
        %xor3A_659 = vector.broadcast %xor3A_658 : i32 to vector<16xi32>
        %xor3A_660 = arith.xori %iota3A_643, %xor3A_659 : vector<16xi32>
        %reshape3A_661 = vector.shape_cast %xor3A_660 : vector<16xi32> to vector<16x1xi32>
        %gather3A_662 = vector.shape_cast %reshape3A_661 : vector<16x1xi32> to vector<16xi32>
        %gather3A_663 = tpu.dynamic_gather %add3A_657[%gather3A_662] in [0] : vector<16xf32>, vector<16xi32> -> vector<16xf32>
        %add3A_664 = arith.addf %add3A_657, %gather3A_663 : vector<16xf32>
        %xor3A_665 = arith.constant 1 : i32
        %xor3A_666 = vector.broadcast %xor3A_665 : i32 to vector<16xi32>
        %xor3A_667 = arith.xori %iota3A_643, %xor3A_666 : vector<16xi32>
        %reshape3A_668 = vector.shape_cast %xor3A_667 : vector<16xi32> to vector<16x1xi32>
        %gather3A_669 = vector.shape_cast %reshape3A_668 : vector<16x1xi32> to vector<16xi32>
        %gather3A_670 = tpu.dynamic_gather %add3A_664[%gather3A_669] in [0] : vector<16xf32>, vector<16xi32> -> vector<16xf32>
        %add3A_671 = arith.addf %add3A_664, %gather3A_670 : vector<16xf32>
        %select_n3A_672 = arith.select %eq3A_642, %add3A_671, %select_n3A_516 : vector<16xi1>, vector<16xf32>
        %mul3A_673 = arith.constant 16 : i32
        %mul3A_674 = arith.muli %scan3A_53, %mul3A_673 : i32
        %add3A_675 = arith.constant 4 : i32
        %add3A_676 = arith.addi %mul3A_674, %add3A_675 : i32
        %get3A_677 = arith.index_cast %add3A_676 : i32 to index
        %get3A_678 = arith.constant 0 : index
        %get3A_679 = tpu.vector_load %arg11[%get3A_677, %get3A_678] {strides = array<i32>} : memref<128x128xf32, #tpu.memory_space<vmem>>, vector<16xf32>,
        %get3A_680 = arith.index_cast %add3A_676 : i32 to index
        %get3A_681 = arith.constant 0 : index
        %get3A_682 = tpu.vector_load %arg12[%get3A_680, %get3A_681] {strides = array<i32>} : memref<128x128xf32, #tpu.memory_space<vmem>>, vector<16xf32>,
        %add3A_683 = arith.addf %get3A_679, %get3A_682 : vector<16xf32>
        %mul3A_684 = arith.constant 2.000000e-01 : f32
        %mul3A_685 = vector.broadcast %mul3A_684 : f32 to vector<16xf32>
        %mul3A_686 = arith.mulf %mul3A_685, %add3A_683 : vector<16xf32>
        %max3A_687 = arith.maximumf %add3A_683, %mul3A_686 : vector<16xf32>
        %get3A_688 = arith.constant 0 : index
        %get3A_689 = tpu.vector_load %arg13[%get3A_688] {strides = array<i32>} : memref<128xf32, #tpu.memory_space<vmem>>, vector<16xf32>,
        %mul3A_690 = arith.mulf %get3A_689, %max3A_687 : vector<16xf32>
        %get3A_691 = arith.index_cast %add3A_676 : i32 to index
        %get3A_692 = arith.constant 16 : index
        %get3A_693 = tpu.vector_load %arg11[%get3A_691, %get3A_692] {strides = array<i32>} : memref<128x128xf32, #tpu.memory_space<vmem>>, vector<16xf32>,
        %get3A_694 = arith.index_cast %add3A_676 : i32 to index
        %get3A_695 = arith.constant 16 : index
        %get3A_696 = tpu.vector_load %arg12[%get3A_694, %get3A_695] {strides = array<i32>} : memref<128x128xf32, #tpu.memory_space<vmem>>, vector<16xf32>,
        %add3A_697 = arith.addf %get3A_693, %get3A_696 : vector<16xf32>
        %mul3A_698 = arith.constant 2.000000e-01 : f32
        %mul3A_699 = vector.broadcast %mul3A_698 : f32 to vector<16xf32>
        %mul3A_700 = arith.mulf %mul3A_699, %add3A_697 : vector<16xf32>
        %max3A_701 = arith.maximumf %add3A_697, %mul3A_700 : vector<16xf32>
        %get3A_702 = arith.constant 16 : index
        %get3A_703 = tpu.vector_load %arg13[%get3A_702] {strides = array<i32>} : memref<128xf32, #tpu.memory_space<vmem>>, vector<16xf32>,
        %mul3A_704 = arith.mulf %get3A_703, %max3A_701 : vector<16xf32>
        %add3A_705 = arith.addf %mul3A_690, %mul3A_704 : vector<16xf32>
        %get3A_706 = arith.index_cast %add3A_676 : i32 to index
        %get3A_707 = arith.constant 32 : index
        %get3A_708 = tpu.vector_load %arg11[%get3A_706, %get3A_707] {strides = array<i32>} : memref<128x128xf32, #tpu.memory_space<vmem>>, vector<16xf32>,
        %get3A_709 = arith.index_cast %add3A_676 : i32 to index
        %get3A_710 = arith.constant 32 : index
        %get3A_711 = tpu.vector_load %arg12[%get3A_709, %get3A_710] {strides = array<i32>} : memref<128x128xf32, #tpu.memory_space<vmem>>, vector<16xf32>,
        %add3A_712 = arith.addf %get3A_708, %get3A_711 : vector<16xf32>
        %mul3A_713 = arith.constant 2.000000e-01 : f32
        %mul3A_714 = vector.broadcast %mul3A_713 : f32 to vector<16xf32>
        %mul3A_715 = arith.mulf %mul3A_714, %add3A_712 : vector<16xf32>
        %max3A_716 = arith.maximumf %add3A_712, %mul3A_715 : vector<16xf32>
        %get3A_717 = arith.constant 32 : index
        %get3A_718 = tpu.vector_load %arg13[%get3A_717] {strides = array<i32>} : memref<128xf32, #tpu.memory_space<vmem>>, vector<16xf32>,
        %mul3A_719 = arith.mulf %get3A_718, %max3A_716 : vector<16xf32>
        %add3A_720 = arith.addf %add3A_705, %mul3A_719 : vector<16xf32>
        %get3A_721 = arith.index_cast %add3A_676 : i32 to index
        %get3A_722 = arith.constant 48 : index
        %get3A_723 = tpu.vector_load %arg11[%get3A_721, %get3A_722] {strides = array<i32>} : memref<128x128xf32, #tpu.memory_space<vmem>>, vector<16xf32>,
        %get3A_724 = arith.index_cast %add3A_676 : i32 to index
        %get3A_725 = arith.constant 48 : index
        %get3A_726 = tpu.vector_load %arg12[%get3A_724, %get3A_725] {strides = array<i32>} : memref<128x128xf32, #tpu.memory_space<vmem>>, vector<16xf32>,
        %add3A_727 = arith.addf %get3A_723, %get3A_726 : vector<16xf32>
        %mul3A_728 = arith.constant 2.000000e-01 : f32
        %mul3A_729 = vector.broadcast %mul3A_728 : f32 to vector<16xf32>
        %mul3A_730 = arith.mulf %mul3A_729, %add3A_727 : vector<16xf32>
        %max3A_731 = arith.maximumf %add3A_727, %mul3A_730 : vector<16xf32>
        %get3A_732 = arith.constant 48 : index
        %get3A_733 = tpu.vector_load %arg13[%get3A_732] {strides = array<i32>} : memref<128xf32, #tpu.memory_space<vmem>>, vector<16xf32>,
        %mul3A_734 = arith.mulf %get3A_733, %max3A_731 : vector<16xf32>
        %add3A_735 = arith.addf %add3A_720, %mul3A_734 : vector<16xf32>
        %get3A_736 = arith.index_cast %add3A_676 : i32 to index
        %get3A_737 = arith.constant 64 : index
        %get3A_738 = tpu.vector_load %arg11[%get3A_736, %get3A_737] {strides = array<i32>} : memref<128x128xf32, #tpu.memory_space<vmem>>, vector<16xf32>,
        %get3A_739 = arith.index_cast %add3A_676 : i32 to index
        %get3A_740 = arith.constant 64 : index
        %get3A_741 = tpu.vector_load %arg12[%get3A_739, %get3A_740] {strides = array<i32>} : memref<128x128xf32, #tpu.memory_space<vmem>>, vector<16xf32>,
        %add3A_742 = arith.addf %get3A_738, %get3A_741 : vector<16xf32>
        %mul3A_743 = arith.constant 2.000000e-01 : f32
        %mul3A_744 = vector.broadcast %mul3A_743 : f32 to vector<16xf32>
        %mul3A_745 = arith.mulf %mul3A_744, %add3A_742 : vector<16xf32>
        %max3A_746 = arith.maximumf %add3A_742, %mul3A_745 : vector<16xf32>
        %get3A_747 = arith.constant 64 : index
        %get3A_748 = tpu.vector_load %arg13[%get3A_747] {strides = array<i32>} : memref<128xf32, #tpu.memory_space<vmem>>, vector<16xf32>,
        %mul3A_749 = arith.mulf %get3A_748, %max3A_746 : vector<16xf32>
        %add3A_750 = arith.addf %add3A_735, %mul3A_749 : vector<16xf32>
        %get3A_751 = arith.index_cast %add3A_676 : i32 to index
        %get3A_752 = arith.constant 80 : index
        %get3A_753 = tpu.vector_load %arg11[%get3A_751, %get3A_752] {strides = array<i32>} : memref<128x128xf32, #tpu.memory_space<vmem>>, vector<16xf32>,
        %get3A_754 = arith.index_cast %add3A_676 : i32 to index
        %get3A_755 = arith.constant 80 : index
        %get3A_756 = tpu.vector_load %arg12[%get3A_754, %get3A_755] {strides = array<i32>} : memref<128x128xf32, #tpu.memory_space<vmem>>, vector<16xf32>,
        %add3A_757 = arith.addf %get3A_753, %get3A_756 : vector<16xf32>
        %mul3A_758 = arith.constant 2.000000e-01 : f32
        %mul3A_759 = vector.broadcast %mul3A_758 : f32 to vector<16xf32>
        %mul3A_760 = arith.mulf %mul3A_759, %add3A_757 : vector<16xf32>
        %max3A_761 = arith.maximumf %add3A_757, %mul3A_760 : vector<16xf32>
        %get3A_762 = arith.constant 80 : index
        %get3A_763 = tpu.vector_load %arg13[%get3A_762] {strides = array<i32>} : memref<128xf32, #tpu.memory_space<vmem>>, vector<16xf32>,
        %mul3A_764 = arith.mulf %get3A_763, %max3A_761 : vector<16xf32>
        %add3A_765 = arith.addf %add3A_750, %mul3A_764 : vector<16xf32>
        %get3A_766 = arith.index_cast %add3A_676 : i32 to index
        %get3A_767 = arith.constant 96 : index
        %get3A_768 = tpu.vector_load %arg11[%get3A_766, %get3A_767] {strides = array<i32>} : memref<128x128xf32, #tpu.memory_space<vmem>>, vector<16xf32>,
        %get3A_769 = arith.index_cast %add3A_676 : i32 to index
        %get3A_770 = arith.constant 96 : index
        %get3A_771 = tpu.vector_load %arg12[%get3A_769, %get3A_770] {strides = array<i32>} : memref<128x128xf32, #tpu.memory_space<vmem>>, vector<16xf32>,
        %add3A_772 = arith.addf %get3A_768, %get3A_771 : vector<16xf32>
        %mul3A_773 = arith.constant 2.000000e-01 : f32
        %mul3A_774 = vector.broadcast %mul3A_773 : f32 to vector<16xf32>
        %mul3A_775 = arith.mulf %mul3A_774, %add3A_772 : vector<16xf32>
        %max3A_776 = arith.maximumf %add3A_772, %mul3A_775 : vector<16xf32>
        %get3A_777 = arith.constant 96 : index
        %get3A_778 = tpu.vector_load %arg13[%get3A_777] {strides = array<i32>} : memref<128xf32, #tpu.memory_space<vmem>>, vector<16xf32>,
        %mul3A_779 = arith.mulf %get3A_778, %max3A_776 : vector<16xf32>
        %add3A_780 = arith.addf %add3A_765, %mul3A_779 : vector<16xf32>
        %get3A_781 = arith.index_cast %add3A_676 : i32 to index
        %get3A_782 = arith.constant 112 : index
        %get3A_783 = tpu.vector_load %arg11[%get3A_781, %get3A_782] {strides = array<i32>} : memref<128x128xf32, #tpu.memory_space<vmem>>, vector<16xf32>,
        %get3A_784 = arith.index_cast %add3A_676 : i32 to index
        %get3A_785 = arith.constant 112 : index
        %get3A_786 = tpu.vector_load %arg12[%get3A_784, %get3A_785] {strides = array<i32>} : memref<128x128xf32, #tpu.memory_space<vmem>>, vector<16xf32>,
        %add3A_787 = arith.addf %get3A_783, %get3A_786 : vector<16xf32>
        %mul3A_788 = arith.constant 2.000000e-01 : f32
        %mul3A_789 = vector.broadcast %mul3A_788 : f32 to vector<16xf32>
        %mul3A_790 = arith.mulf %mul3A_789, %add3A_787 : vector<16xf32>
        %max3A_791 = arith.maximumf %add3A_787, %mul3A_790 : vector<16xf32>
        %get3A_792 = arith.constant 112 : index
        %get3A_793 = tpu.vector_load %arg13[%get3A_792] {strides = array<i32>} : memref<128xf32, #tpu.memory_space<vmem>>, vector<16xf32>,
        %mul3A_794 = arith.mulf %get3A_793, %max3A_791 : vector<16xf32>
        %add3A_795 = arith.addf %add3A_780, %mul3A_794 : vector<16xf32>
        %eq3A_796 = arith.constant 4 : i32
        %eq3A_797 = vector.broadcast %eq3A_796 : i32 to vector<16xi32>
        %eq3A_798 = arith.cmpi eq, %iota3A, %eq3A_797 : vector<16xi32>
        %iota3A_799 = tpu.iota {dimensions = array<i32: 0>} : vector<16xi32>
        %xor3A_800 = arith.constant 8 : i32
        %xor3A_801 = vector.broadcast %xor3A_800 : i32 to vector<16xi32>
        %xor3A_802 = arith.xori %iota3A_799, %xor3A_801 : vector<16xi32>
        %reshape3A_803 = vector.shape_cast %xor3A_802 : vector<16xi32> to vector<16x1xi32>
        %gather3A_804 = vector.shape_cast %reshape3A_803 : vector<16x1xi32> to vector<16xi32>
        %gather3A_805 = tpu.dynamic_gather %add3A_795[%gather3A_804] in [0] : vector<16xf32>, vector<16xi32> -> vector<16xf32>
        %add3A_806 = arith.addf %add3A_795, %gather3A_805 : vector<16xf32>
        %xor3A_807 = arith.constant 4 : i32
        %xor3A_808 = vector.broadcast %xor3A_807 : i32 to vector<16xi32>
        %xor3A_809 = arith.xori %iota3A_799, %xor3A_808 : vector<16xi32>
        %reshape3A_810 = vector.shape_cast %xor3A_809 : vector<16xi32> to vector<16x1xi32>
        %gather3A_811 = vector.shape_cast %reshape3A_810 : vector<16x1xi32> to vector<16xi32>
        %gather3A_812 = tpu.dynamic_gather %add3A_806[%gather3A_811] in [0] : vector<16xf32>, vector<16xi32> -> vector<16xf32>
        %add3A_813 = arith.addf %add3A_806, %gather3A_812 : vector<16xf32>
        %xor3A_814 = arith.constant 2 : i32
        %xor3A_815 = vector.broadcast %xor3A_814 : i32 to vector<16xi32>
        %xor3A_816 = arith.xori %iota3A_799, %xor3A_815 : vector<16xi32>
        %reshape3A_817 = vector.shape_cast %xor3A_816 : vector<16xi32> to vector<16x1xi32>
        %gather3A_818 = vector.shape_cast %reshape3A_817 : vector<16x1xi32> to vector<16xi32>
        %gather3A_819 = tpu.dynamic_gather %add3A_813[%gather3A_818] in [0] : vector<16xf32>, vector<16xi32> -> vector<16xf32>
        %add3A_820 = arith.addf %add3A_813, %gather3A_819 : vector<16xf32>
        %xor3A_821 = arith.constant 1 : i32
        %xor3A_822 = vector.broadcast %xor3A_821 : i32 to vector<16xi32>
        %xor3A_823 = arith.xori %iota3A_799, %xor3A_822 : vector<16xi32>
        %reshape3A_824 = vector.shape_cast %xor3A_823 : vector<16xi32> to vector<16x1xi32>
        %gather3A_825 = vector.shape_cast %reshape3A_824 : vector<16x1xi32> to vector<16xi32>
        %gather3A_826 = tpu.dynamic_gather %add3A_820[%gather3A_825] in [0] : vector<16xf32>, vector<16xi32> -> vector<16xf32>
        %add3A_827 = arith.addf %add3A_820, %gather3A_826 : vector<16xf32>
        %select_n3A_828 = arith.select %eq3A_798, %add3A_827, %select_n3A_672 : vector<16xi1>, vector<16xf32>
        %mul3A_829 = arith.constant 16 : i32
        %mul3A_830 = arith.muli %scan3A_53, %mul3A_829 : i32
        %add3A_831 = arith.constant 5 : i32
        %add3A_832 = arith.addi %mul3A_830, %add3A_831 : i32
        %get3A_833 = arith.index_cast %add3A_832 : i32 to index
        %get3A_834 = arith.constant 0 : index
        %get3A_835 = tpu.vector_load %arg11[%get3A_833, %get3A_834] {strides = array<i32>} : memref<128x128xf32, #tpu.memory_space<vmem>>, vector<16xf32>,
        %get3A_836 = arith.index_cast %add3A_832 : i32 to index
        %get3A_837 = arith.constant 0 : index
        %get3A_838 = tpu.vector_load %arg12[%get3A_836, %get3A_837] {strides = array<i32>} : memref<128x128xf32, #tpu.memory_space<vmem>>, vector<16xf32>,
        %add3A_839 = arith.addf %get3A_835, %get3A_838 : vector<16xf32>
        %mul3A_840 = arith.constant 2.000000e-01 : f32
        %mul3A_841 = vector.broadcast %mul3A_840 : f32 to vector<16xf32>
        %mul3A_842 = arith.mulf %mul3A_841, %add3A_839 : vector<16xf32>
        %max3A_843 = arith.maximumf %add3A_839, %mul3A_842 : vector<16xf32>
        %get3A_844 = arith.constant 0 : index
        %get3A_845 = tpu.vector_load %arg13[%get3A_844] {strides = array<i32>} : memref<128xf32, #tpu.memory_space<vmem>>, vector<16xf32>,
        %mul3A_846 = arith.mulf %get3A_845, %max3A_843 : vector<16xf32>
        %get3A_847 = arith.index_cast %add3A_832 : i32 to index
        %get3A_848 = arith.constant 16 : index
        %get3A_849 = tpu.vector_load %arg11[%get3A_847, %get3A_848] {strides = array<i32>} : memref<128x128xf32, #tpu.memory_space<vmem>>, vector<16xf32>,
        %get3A_850 = arith.index_cast %add3A_832 : i32 to index
        %get3A_851 = arith.constant 16 : index
        %get3A_852 = tpu.vector_load %arg12[%get3A_850, %get3A_851] {strides = array<i32>} : memref<128x128xf32, #tpu.memory_space<vmem>>, vector<16xf32>,
        %add3A_853 = arith.addf %get3A_849, %get3A_852 : vector<16xf32>
        %mul3A_854 = arith.constant 2.000000e-01 : f32
        %mul3A_855 = vector.broadcast %mul3A_854 : f32 to vector<16xf32>
        %mul3A_856 = arith.mulf %mul3A_855, %add3A_853 : vector<16xf32>
        %max3A_857 = arith.maximumf %add3A_853, %mul3A_856 : vector<16xf32>
        %get3A_858 = arith.constant 16 : index
        %get3A_859 = tpu.vector_load %arg13[%get3A_858] {strides = array<i32>} : memref<128xf32, #tpu.memory_space<vmem>>, vector<16xf32>,
        %mul3A_860 = arith.mulf %get3A_859, %max3A_857 : vector<16xf32>
        %add3A_861 = arith.addf %mul3A_846, %mul3A_860 : vector<16xf32>
        %get3A_862 = arith.index_cast %add3A_832 : i32 to index
        %get3A_863 = arith.constant 32 : index
        %get3A_864 = tpu.vector_load %arg11[%get3A_862, %get3A_863] {strides = array<i32>} : memref<128x128xf32, #tpu.memory_space<vmem>>, vector<16xf32>,
        %get3A_865 = arith.index_cast %add3A_832 : i32 to index
        %get3A_866 = arith.constant 32 : index
        %get3A_867 = tpu.vector_load %arg12[%get3A_865, %get3A_866] {strides = array<i32>} : memref<128x128xf32, #tpu.memory_space<vmem>>, vector<16xf32>,
        %add3A_868 = arith.addf %get3A_864, %get3A_867 : vector<16xf32>
        %mul3A_869 = arith.constant 2.000000e-01 : f32
        %mul3A_870 = vector.broadcast %mul3A_869 : f32 to vector<16xf32>
        %mul3A_871 = arith.mulf %mul3A_870, %add3A_868 : vector<16xf32>
        %max3A_872 = arith.maximumf %add3A_868, %mul3A_871 : vector<16xf32>
        %get3A_873 = arith.constant 32 : index
        %get3A_874 = tpu.vector_load %arg13[%get3A_873] {strides = array<i32>} : memref<128xf32, #tpu.memory_space<vmem>>, vector<16xf32>,
        %mul3A_875 = arith.mulf %get3A_874, %max3A_872 : vector<16xf32>
        %add3A_876 = arith.addf %add3A_861, %mul3A_875 : vector<16xf32>
        %get3A_877 = arith.index_cast %add3A_832 : i32 to index
        %get3A_878 = arith.constant 48 : index
        %get3A_879 = tpu.vector_load %arg11[%get3A_877, %get3A_878] {strides = array<i32>} : memref<128x128xf32, #tpu.memory_space<vmem>>, vector<16xf32>,
        %get3A_880 = arith.index_cast %add3A_832 : i32 to index
        %get3A_881 = arith.constant 48 : index
        %get3A_882 = tpu.vector_load %arg12[%get3A_880, %get3A_881] {strides = array<i32>} : memref<128x128xf32, #tpu.memory_space<vmem>>, vector<16xf32>,
        %add3A_883 = arith.addf %get3A_879, %get3A_882 : vector<16xf32>
        %mul3A_884 = arith.constant 2.000000e-01 : f32
        %mul3A_885 = vector.broadcast %mul3A_884 : f32 to vector<16xf32>
        %mul3A_886 = arith.mulf %mul3A_885, %add3A_883 : vector<16xf32>
        %max3A_887 = arith.maximumf %add3A_883, %mul3A_886 : vector<16xf32>
        %get3A_888 = arith.constant 48 : index
        %get3A_889 = tpu.vector_load %arg13[%get3A_888] {strides = array<i32>} : memref<128xf32, #tpu.memory_space<vmem>>, vector<16xf32>,
        %mul3A_890 = arith.mulf %get3A_889, %max3A_887 : vector<16xf32>
        %add3A_891 = arith.addf %add3A_876, %mul3A_890 : vector<16xf32>
        %get3A_892 = arith.index_cast %add3A_832 : i32 to index
        %get3A_893 = arith.constant 64 : index
        %get3A_894 = tpu.vector_load %arg11[%get3A_892, %get3A_893] {strides = array<i32>} : memref<128x128xf32, #tpu.memory_space<vmem>>, vector<16xf32>,
        %get3A_895 = arith.index_cast %add3A_832 : i32 to index
        %get3A_896 = arith.constant 64 : index
        %get3A_897 = tpu.vector_load %arg12[%get3A_895, %get3A_896] {strides = array<i32>} : memref<128x128xf32, #tpu.memory_space<vmem>>, vector<16xf32>,
        %add3A_898 = arith.addf %get3A_894, %get3A_897 : vector<16xf32>
        %mul3A_899 = arith.constant 2.000000e-01 : f32
        %mul3A_900 = vector.broadcast %mul3A_899 : f32 to vector<16xf32>
        %mul3A_901 = arith.mulf %mul3A_900, %add3A_898 : vector<16xf32>
        %max3A_902 = arith.maximumf %add3A_898, %mul3A_901 : vector<16xf32>
        %get3A_903 = arith.constant 64 : index
        %get3A_904 = tpu.vector_load %arg13[%get3A_903] {strides = array<i32>} : memref<128xf32, #tpu.memory_space<vmem>>, vector<16xf32>,
        %mul3A_905 = arith.mulf %get3A_904, %max3A_902 : vector<16xf32>
        %add3A_906 = arith.addf %add3A_891, %mul3A_905 : vector<16xf32>
        %get3A_907 = arith.index_cast %add3A_832 : i32 to index
        %get3A_908 = arith.constant 80 : index
        %get3A_909 = tpu.vector_load %arg11[%get3A_907, %get3A_908] {strides = array<i32>} : memref<128x128xf32, #tpu.memory_space<vmem>>, vector<16xf32>,
        %get3A_910 = arith.index_cast %add3A_832 : i32 to index
        %get3A_911 = arith.constant 80 : index
        %get3A_912 = tpu.vector_load %arg12[%get3A_910, %get3A_911] {strides = array<i32>} : memref<128x128xf32, #tpu.memory_space<vmem>>, vector<16xf32>,
        %add3A_913 = arith.addf %get3A_909, %get3A_912 : vector<16xf32>
        %mul3A_914 = arith.constant 2.000000e-01 : f32
        %mul3A_915 = vector.broadcast %mul3A_914 : f32 to vector<16xf32>
        %mul3A_916 = arith.mulf %mul3A_915, %add3A_913 : vector<16xf32>
        %max3A_917 = arith.maximumf %add3A_913, %mul3A_916 : vector<16xf32>
        %get3A_918 = arith.constant 80 : index
        %get3A_919 = tpu.vector_load %arg13[%get3A_918] {strides = array<i32>} : memref<128xf32, #tpu.memory_space<vmem>>, vector<16xf32>,
        %mul3A_920 = arith.mulf %get3A_919, %max3A_917 : vector<16xf32>
        %add3A_921 = arith.addf %add3A_906, %mul3A_920 : vector<16xf32>
        %get3A_922 = arith.index_cast %add3A_832 : i32 to index
        %get3A_923 = arith.constant 96 : index
        %get3A_924 = tpu.vector_load %arg11[%get3A_922, %get3A_923] {strides = array<i32>} : memref<128x128xf32, #tpu.memory_space<vmem>>, vector<16xf32>,
        %get3A_925 = arith.index_cast %add3A_832 : i32 to index
        %get3A_926 = arith.constant 96 : index
        %get3A_927 = tpu.vector_load %arg12[%get3A_925, %get3A_926] {strides = array<i32>} : memref<128x128xf32, #tpu.memory_space<vmem>>, vector<16xf32>,
        %add3A_928 = arith.addf %get3A_924, %get3A_927 : vector<16xf32>
        %mul3A_929 = arith.constant 2.000000e-01 : f32
        %mul3A_930 = vector.broadcast %mul3A_929 : f32 to vector<16xf32>
        %mul3A_931 = arith.mulf %mul3A_930, %add3A_928 : vector<16xf32>
        %max3A_932 = arith.maximumf %add3A_928, %mul3A_931 : vector<16xf32>
        %get3A_933 = arith.constant 96 : index
        %get3A_934 = tpu.vector_load %arg13[%get3A_933] {strides = array<i32>} : memref<128xf32, #tpu.memory_space<vmem>>, vector<16xf32>,
        %mul3A_935 = arith.mulf %get3A_934, %max3A_932 : vector<16xf32>
        %add3A_936 = arith.addf %add3A_921, %mul3A_935 : vector<16xf32>
        %get3A_937 = arith.index_cast %add3A_832 : i32 to index
        %get3A_938 = arith.constant 112 : index
        %get3A_939 = tpu.vector_load %arg11[%get3A_937, %get3A_938] {strides = array<i32>} : memref<128x128xf32, #tpu.memory_space<vmem>>, vector<16xf32>,
        %get3A_940 = arith.index_cast %add3A_832 : i32 to index
        %get3A_941 = arith.constant 112 : index
        %get3A_942 = tpu.vector_load %arg12[%get3A_940, %get3A_941] {strides = array<i32>} : memref<128x128xf32, #tpu.memory_space<vmem>>, vector<16xf32>,
        %add3A_943 = arith.addf %get3A_939, %get3A_942 : vector<16xf32>
        %mul3A_944 = arith.constant 2.000000e-01 : f32
        %mul3A_945 = vector.broadcast %mul3A_944 : f32 to vector<16xf32>
        %mul3A_946 = arith.mulf %mul3A_945, %add3A_943 : vector<16xf32>
        %max3A_947 = arith.maximumf %add3A_943, %mul3A_946 : vector<16xf32>
        %get3A_948 = arith.constant 112 : index
        %get3A_949 = tpu.vector_load %arg13[%get3A_948] {strides = array<i32>} : memref<128xf32, #tpu.memory_space<vmem>>, vector<16xf32>,
        %mul3A_950 = arith.mulf %get3A_949, %max3A_947 : vector<16xf32>
        %add3A_951 = arith.addf %add3A_936, %mul3A_950 : vector<16xf32>
        %eq3A_952 = arith.constant 5 : i32
        %eq3A_953 = vector.broadcast %eq3A_952 : i32 to vector<16xi32>
        %eq3A_954 = arith.cmpi eq, %iota3A, %eq3A_953 : vector<16xi32>
        %iota3A_955 = tpu.iota {dimensions = array<i32: 0>} : vector<16xi32>
        %xor3A_956 = arith.constant 8 : i32
        %xor3A_957 = vector.broadcast %xor3A_956 : i32 to vector<16xi32>
        %xor3A_958 = arith.xori %iota3A_955, %xor3A_957 : vector<16xi32>
        %reshape3A_959 = vector.shape_cast %xor3A_958 : vector<16xi32> to vector<16x1xi32>
        %gather3A_960 = vector.shape_cast %reshape3A_959 : vector<16x1xi32> to vector<16xi32>
        %gather3A_961 = tpu.dynamic_gather %add3A_951[%gather3A_960] in [0] : vector<16xf32>, vector<16xi32> -> vector<16xf32>
        %add3A_962 = arith.addf %add3A_951, %gather3A_961 : vector<16xf32>
        %xor3A_963 = arith.constant 4 : i32
        %xor3A_964 = vector.broadcast %xor3A_963 : i32 to vector<16xi32>
        %xor3A_965 = arith.xori %iota3A_955, %xor3A_964 : vector<16xi32>
        %reshape3A_966 = vector.shape_cast %xor3A_965 : vector<16xi32> to vector<16x1xi32>
        %gather3A_967 = vector.shape_cast %reshape3A_966 : vector<16x1xi32> to vector<16xi32>
        %gather3A_968 = tpu.dynamic_gather %add3A_962[%gather3A_967] in [0] : vector<16xf32>, vector<16xi32> -> vector<16xf32>
        %add3A_969 = arith.addf %add3A_962, %gather3A_968 : vector<16xf32>
        %xor3A_970 = arith.constant 2 : i32
        %xor3A_971 = vector.broadcast %xor3A_970 : i32 to vector<16xi32>
        %xor3A_972 = arith.xori %iota3A_955, %xor3A_971 : vector<16xi32>
        %reshape3A_973 = vector.shape_cast %xor3A_972 : vector<16xi32> to vector<16x1xi32>
        %gather3A_974 = vector.shape_cast %reshape3A_973 : vector<16x1xi32> to vector<16xi32>
        %gather3A_975 = tpu.dynamic_gather %add3A_969[%gather3A_974] in [0] : vector<16xf32>, vector<16xi32> -> vector<16xf32>
        %add3A_976 = arith.addf %add3A_969, %gather3A_975 : vector<16xf32>
        %xor3A_977 = arith.constant 1 : i32
        %xor3A_978 = vector.broadcast %xor3A_977 : i32 to vector<16xi32>
        %xor3A_979 = arith.xori %iota3A_955, %xor3A_978 : vector<16xi32>
        %reshape3A_980 = vector.shape_cast %xor3A_979 : vector<16xi32> to vector<16x1xi32>
        %gather3A_981 = vector.shape_cast %reshape3A_980 : vector<16x1xi32> to vector<16xi32>
        %gather3A_982 = tpu.dynamic_gather %add3A_976[%gather3A_981] in [0] : vector<16xf32>, vector<16xi32> -> vector<16xf32>
        %add3A_983 = arith.addf %add3A_976, %gather3A_982 : vector<16xf32>
        %select_n3A_984 = arith.select %eq3A_954, %add3A_983, %select_n3A_828 : vector<16xi1>, vector<16xf32>
        %mul3A_985 = arith.constant 16 : i32
        %mul3A_986 = arith.muli %scan3A_53, %mul3A_985 : i32
        %add3A_987 = arith.constant 6 : i32
        %add3A_988 = arith.addi %mul3A_986, %add3A_987 : i32
        %get3A_989 = arith.index_cast %add3A_988 : i32 to index
        %get3A_990 = arith.constant 0 : index
        %get3A_991 = tpu.vector_load %arg11[%get3A_989, %get3A_990] {strides = array<i32>} : memref<128x128xf32, #tpu.memory_space<vmem>>, vector<16xf32>,
        %get3A_992 = arith.index_cast %add3A_988 : i32 to index
        %get3A_993 = arith.constant 0 : index
        %get3A_994 = tpu.vector_load %arg12[%get3A_992, %get3A_993] {strides = array<i32>} : memref<128x128xf32, #tpu.memory_space<vmem>>, vector<16xf32>,
        %add3A_995 = arith.addf %get3A_991, %get3A_994 : vector<16xf32>
        %mul3A_996 = arith.constant 2.000000e-01 : f32
        %mul3A_997 = vector.broadcast %mul3A_996 : f32 to vector<16xf32>
        %mul3A_998 = arith.mulf %mul3A_997, %add3A_995 : vector<16xf32>
        %max3A_999 = arith.maximumf %add3A_995, %mul3A_998 : vector<16xf32>
        %get3A_1000 = arith.constant 0 : index
        %get3A_1001 = tpu.vector_load %arg13[%get3A_1000] {strides = array<i32>} : memref<128xf32, #tpu.memory_space<vmem>>, vector<16xf32>,
        %mul3A_1002 = arith.mulf %get3A_1001, %max3A_999 : vector<16xf32>
        %get3A_1003 = arith.index_cast %add3A_988 : i32 to index
        %get3A_1004 = arith.constant 16 : index
        %get3A_1005 = tpu.vector_load %arg11[%get3A_1003, %get3A_1004] {strides = array<i32>} : memref<128x128xf32, #tpu.memory_space<vmem>>, vector<16xf32>,
        %get3A_1006 = arith.index_cast %add3A_988 : i32 to index
        %get3A_1007 = arith.constant 16 : index
        %get3A_1008 = tpu.vector_load %arg12[%get3A_1006, %get3A_1007] {strides = array<i32>} : memref<128x128xf32, #tpu.memory_space<vmem>>, vector<16xf32>,
        %add3A_1009 = arith.addf %get3A_1005, %get3A_1008 : vector<16xf32>
        %mul3A_1010 = arith.constant 2.000000e-01 : f32
        %mul3A_1011 = vector.broadcast %mul3A_1010 : f32 to vector<16xf32>
        %mul3A_1012 = arith.mulf %mul3A_1011, %add3A_1009 : vector<16xf32>
        %max3A_1013 = arith.maximumf %add3A_1009, %mul3A_1012 : vector<16xf32>
        %get3A_1014 = arith.constant 16 : index
        %get3A_1015 = tpu.vector_load %arg13[%get3A_1014] {strides = array<i32>} : memref<128xf32, #tpu.memory_space<vmem>>, vector<16xf32>,
        %mul3A_1016 = arith.mulf %get3A_1015, %max3A_1013 : vector<16xf32>
        %add3A_1017 = arith.addf %mul3A_1002, %mul3A_1016 : vector<16xf32>
        %get3A_1018 = arith.index_cast %add3A_988 : i32 to index
        %get3A_1019 = arith.constant 32 : index
        %get3A_1020 = tpu.vector_load %arg11[%get3A_1018, %get3A_1019] {strides = array<i32>} : memref<128x128xf32, #tpu.memory_space<vmem>>, vector<16xf32>,
        %get3A_1021 = arith.index_cast %add3A_988 : i32 to index
        %get3A_1022 = arith.constant 32 : index
        %get3A_1023 = tpu.vector_load %arg12[%get3A_1021, %get3A_1022] {strides = array<i32>} : memref<128x128xf32, #tpu.memory_space<vmem>>, vector<16xf32>,
        %add3A_1024 = arith.addf %get3A_1020, %get3A_1023 : vector<16xf32>
        %mul3A_1025 = arith.constant 2.000000e-01 : f32
        %mul3A_1026 = vector.broadcast %mul3A_1025 : f32 to vector<16xf32>
        %mul3A_1027 = arith.mulf %mul3A_1026, %add3A_1024 : vector<16xf32>
        %max3A_1028 = arith.maximumf %add3A_1024, %mul3A_1027 : vector<16xf32>
        %get3A_1029 = arith.constant 32 : index
        %get3A_1030 = tpu.vector_load %arg13[%get3A_1029] {strides = array<i32>} : memref<128xf32, #tpu.memory_space<vmem>>, vector<16xf32>,
        %mul3A_1031 = arith.mulf %get3A_1030, %max3A_1028 : vector<16xf32>
        %add3A_1032 = arith.addf %add3A_1017, %mul3A_1031 : vector<16xf32>
        %get3A_1033 = arith.index_cast %add3A_988 : i32 to index
        %get3A_1034 = arith.constant 48 : index
        %get3A_1035 = tpu.vector_load %arg11[%get3A_1033, %get3A_1034] {strides = array<i32>} : memref<128x128xf32, #tpu.memory_space<vmem>>, vector<16xf32>,
        %get3A_1036 = arith.index_cast %add3A_988 : i32 to index
        %get3A_1037 = arith.constant 48 : index
        %get3A_1038 = tpu.vector_load %arg12[%get3A_1036, %get3A_1037] {strides = array<i32>} : memref<128x128xf32, #tpu.memory_space<vmem>>, vector<16xf32>,
        %add3A_1039 = arith.addf %get3A_1035, %get3A_1038 : vector<16xf32>
        %mul3A_1040 = arith.constant 2.000000e-01 : f32
        %mul3A_1041 = vector.broadcast %mul3A_1040 : f32 to vector<16xf32>
        %mul3A_1042 = arith.mulf %mul3A_1041, %add3A_1039 : vector<16xf32>
        %max3A_1043 = arith.maximumf %add3A_1039, %mul3A_1042 : vector<16xf32>
        %get3A_1044 = arith.constant 48 : index
        %get3A_1045 = tpu.vector_load %arg13[%get3A_1044] {strides = array<i32>} : memref<128xf32, #tpu.memory_space<vmem>>, vector<16xf32>,
        %mul3A_1046 = arith.mulf %get3A_1045, %max3A_1043 : vector<16xf32>
        %add3A_1047 = arith.addf %add3A_1032, %mul3A_1046 : vector<16xf32>
        %get3A_1048 = arith.index_cast %add3A_988 : i32 to index
        %get3A_1049 = arith.constant 64 : index
        %get3A_1050 = tpu.vector_load %arg11[%get3A_1048, %get3A_1049] {strides = array<i32>} : memref<128x128xf32, #tpu.memory_space<vmem>>, vector<16xf32>,
        %get3A_1051 = arith.index_cast %add3A_988 : i32 to index
        %get3A_1052 = arith.constant 64 : index
        %get3A_1053 = tpu.vector_load %arg12[%get3A_1051, %get3A_1052] {strides = array<i32>} : memref<128x128xf32, #tpu.memory_space<vmem>>, vector<16xf32>,
        %add3A_1054 = arith.addf %get3A_1050, %get3A_1053 : vector<16xf32>
        %mul3A_1055 = arith.constant 2.000000e-01 : f32
        %mul3A_1056 = vector.broadcast %mul3A_1055 : f32 to vector<16xf32>
        %mul3A_1057 = arith.mulf %mul3A_1056, %add3A_1054 : vector<16xf32>
        %max3A_1058 = arith.maximumf %add3A_1054, %mul3A_1057 : vector<16xf32>
        %get3A_1059 = arith.constant 64 : index
        %get3A_1060 = tpu.vector_load %arg13[%get3A_1059] {strides = array<i32>} : memref<128xf32, #tpu.memory_space<vmem>>, vector<16xf32>,
        %mul3A_1061 = arith.mulf %get3A_1060, %max3A_1058 : vector<16xf32>
        %add3A_1062 = arith.addf %add3A_1047, %mul3A_1061 : vector<16xf32>
        %get3A_1063 = arith.index_cast %add3A_988 : i32 to index
        %get3A_1064 = arith.constant 80 : index
        %get3A_1065 = tpu.vector_load %arg11[%get3A_1063, %get3A_1064] {strides = array<i32>} : memref<128x128xf32, #tpu.memory_space<vmem>>, vector<16xf32>,
        %get3A_1066 = arith.index_cast %add3A_988 : i32 to index
        %get3A_1067 = arith.constant 80 : index
        %get3A_1068 = tpu.vector_load %arg12[%get3A_1066, %get3A_1067] {strides = array<i32>} : memref<128x128xf32, #tpu.memory_space<vmem>>, vector<16xf32>,
        %add3A_1069 = arith.addf %get3A_1065, %get3A_1068 : vector<16xf32>
        %mul3A_1070 = arith.constant 2.000000e-01 : f32
        %mul3A_1071 = vector.broadcast %mul3A_1070 : f32 to vector<16xf32>
        %mul3A_1072 = arith.mulf %mul3A_1071, %add3A_1069 : vector<16xf32>
        %max3A_1073 = arith.maximumf %add3A_1069, %mul3A_1072 : vector<16xf32>
        %get3A_1074 = arith.constant 80 : index
        %get3A_1075 = tpu.vector_load %arg13[%get3A_1074] {strides = array<i32>} : memref<128xf32, #tpu.memory_space<vmem>>, vector<16xf32>,
        %mul3A_1076 = arith.mulf %get3A_1075, %max3A_1073 : vector<16xf32>
        %add3A_1077 = arith.addf %add3A_1062, %mul3A_1076 : vector<16xf32>
        %get3A_1078 = arith.index_cast %add3A_988 : i32 to index
        %get3A_1079 = arith.constant 96 : index
        %get3A_1080 = tpu.vector_load %arg11[%get3A_1078, %get3A_1079] {strides = array<i32>} : memref<128x128xf32, #tpu.memory_space<vmem>>, vector<16xf32>,
        %get3A_1081 = arith.index_cast %add3A_988 : i32 to index
        %get3A_1082 = arith.constant 96 : index
        %get3A_1083 = tpu.vector_load %arg12[%get3A_1081, %get3A_1082] {strides = array<i32>} : memref<128x128xf32, #tpu.memory_space<vmem>>, vector<16xf32>,
        %add3A_1084 = arith.addf %get3A_1080, %get3A_1083 : vector<16xf32>
        %mul3A_1085 = arith.constant 2.000000e-01 : f32
        %mul3A_1086 = vector.broadcast %mul3A_1085 : f32 to vector<16xf32>
        %mul3A_1087 = arith.mulf %mul3A_1086, %add3A_1084 : vector<16xf32>
        %max3A_1088 = arith.maximumf %add3A_1084, %mul3A_1087 : vector<16xf32>
        %get3A_1089 = arith.constant 96 : index
        %get3A_1090 = tpu.vector_load %arg13[%get3A_1089] {strides = array<i32>} : memref<128xf32, #tpu.memory_space<vmem>>, vector<16xf32>,
        %mul3A_1091 = arith.mulf %get3A_1090, %max3A_1088 : vector<16xf32>
        %add3A_1092 = arith.addf %add3A_1077, %mul3A_1091 : vector<16xf32>
        %get3A_1093 = arith.index_cast %add3A_988 : i32 to index
        %get3A_1094 = arith.constant 112 : index
        %get3A_1095 = tpu.vector_load %arg11[%get3A_1093, %get3A_1094] {strides = array<i32>} : memref<128x128xf32, #tpu.memory_space<vmem>>, vector<16xf32>,
        %get3A_1096 = arith.index_cast %add3A_988 : i32 to index
        %get3A_1097 = arith.constant 112 : index
        %get3A_1098 = tpu.vector_load %arg12[%get3A_1096, %get3A_1097] {strides = array<i32>} : memref<128x128xf32, #tpu.memory_space<vmem>>, vector<16xf32>,
        %add3A_1099 = arith.addf %get3A_1095, %get3A_1098 : vector<16xf32>
        %mul3A_1100 = arith.constant 2.000000e-01 : f32
        %mul3A_1101 = vector.broadcast %mul3A_1100 : f32 to vector<16xf32>
        %mul3A_1102 = arith.mulf %mul3A_1101, %add3A_1099 : vector<16xf32>
        %max3A_1103 = arith.maximumf %add3A_1099, %mul3A_1102 : vector<16xf32>
        %get3A_1104 = arith.constant 112 : index
        %get3A_1105 = tpu.vector_load %arg13[%get3A_1104] {strides = array<i32>} : memref<128xf32, #tpu.memory_space<vmem>>, vector<16xf32>,
        %mul3A_1106 = arith.mulf %get3A_1105, %max3A_1103 : vector<16xf32>
        %add3A_1107 = arith.addf %add3A_1092, %mul3A_1106 : vector<16xf32>
        %eq3A_1108 = arith.constant 6 : i32
        %eq3A_1109 = vector.broadcast %eq3A_1108 : i32 to vector<16xi32>
        %eq3A_1110 = arith.cmpi eq, %iota3A, %eq3A_1109 : vector<16xi32>
        %iota3A_1111 = tpu.iota {dimensions = array<i32: 0>} : vector<16xi32>
        %xor3A_1112 = arith.constant 8 : i32
        %xor3A_1113 = vector.broadcast %xor3A_1112 : i32 to vector<16xi32>
        %xor3A_1114 = arith.xori %iota3A_1111, %xor3A_1113 : vector<16xi32>
        %reshape3A_1115 = vector.shape_cast %xor3A_1114 : vector<16xi32> to vector<16x1xi32>
        %gather3A_1116 = vector.shape_cast %reshape3A_1115 : vector<16x1xi32> to vector<16xi32>
        %gather3A_1117 = tpu.dynamic_gather %add3A_1107[%gather3A_1116] in [0] : vector<16xf32>, vector<16xi32> -> vector<16xf32>
        %add3A_1118 = arith.addf %add3A_1107, %gather3A_1117 : vector<16xf32>
        %xor3A_1119 = arith.constant 4 : i32
        %xor3A_1120 = vector.broadcast %xor3A_1119 : i32 to vector<16xi32>
        %xor3A_1121 = arith.xori %iota3A_1111, %xor3A_1120 : vector<16xi32>
        %reshape3A_1122 = vector.shape_cast %xor3A_1121 : vector<16xi32> to vector<16x1xi32>
        %gather3A_1123 = vector.shape_cast %reshape3A_1122 : vector<16x1xi32> to vector<16xi32>
        %gather3A_1124 = tpu.dynamic_gather %add3A_1118[%gather3A_1123] in [0] : vector<16xf32>, vector<16xi32> -> vector<16xf32>
        %add3A_1125 = arith.addf %add3A_1118, %gather3A_1124 : vector<16xf32>
        %xor3A_1126 = arith.constant 2 : i32
        %xor3A_1127 = vector.broadcast %xor3A_1126 : i32 to vector<16xi32>
        %xor3A_1128 = arith.xori %iota3A_1111, %xor3A_1127 : vector<16xi32>
        %reshape3A_1129 = vector.shape_cast %xor3A_1128 : vector<16xi32> to vector<16x1xi32>
        %gather3A_1130 = vector.shape_cast %reshape3A_1129 : vector<16x1xi32> to vector<16xi32>
        %gather3A_1131 = tpu.dynamic_gather %add3A_1125[%gather3A_1130] in [0] : vector<16xf32>, vector<16xi32> -> vector<16xf32>
        %add3A_1132 = arith.addf %add3A_1125, %gather3A_1131 : vector<16xf32>
        %xor3A_1133 = arith.constant 1 : i32
        %xor3A_1134 = vector.broadcast %xor3A_1133 : i32 to vector<16xi32>
        %xor3A_1135 = arith.xori %iota3A_1111, %xor3A_1134 : vector<16xi32>
        %reshape3A_1136 = vector.shape_cast %xor3A_1135 : vector<16xi32> to vector<16x1xi32>
        %gather3A_1137 = vector.shape_cast %reshape3A_1136 : vector<16x1xi32> to vector<16xi32>
        %gather3A_1138 = tpu.dynamic_gather %add3A_1132[%gather3A_1137] in [0] : vector<16xf32>, vector<16xi32> -> vector<16xf32>
        %add3A_1139 = arith.addf %add3A_1132, %gather3A_1138 : vector<16xf32>
        %select_n3A_1140 = arith.select %eq3A_1110, %add3A_1139, %select_n3A_984 : vector<16xi1>, vector<16xf32>
        %mul3A_1141 = arith.constant 16 : i32
        %mul3A_1142 = arith.muli %scan3A_53, %mul3A_1141 : i32
        %add3A_1143 = arith.constant 7 : i32
        %add3A_1144 = arith.addi %mul3A_1142, %add3A_1143 : i32
        %get3A_1145 = arith.index_cast %add3A_1144 : i32 to index
        %get3A_1146 = arith.constant 0 : index
        %get3A_1147 = tpu.vector_load %arg11[%get3A_1145, %get3A_1146] {strides = array<i32>} : memref<128x128xf32, #tpu.memory_space<vmem>>, vector<16xf32>,
        %get3A_1148 = arith.index_cast %add3A_1144 : i32 to index
        %get3A_1149 = arith.constant 0 : index
        %get3A_1150 = tpu.vector_load %arg12[%get3A_1148, %get3A_1149] {strides = array<i32>} : memref<128x128xf32, #tpu.memory_space<vmem>>, vector<16xf32>,
        %add3A_1151 = arith.addf %get3A_1147, %get3A_1150 : vector<16xf32>
        %mul3A_1152 = arith.constant 2.000000e-01 : f32
        %mul3A_1153 = vector.broadcast %mul3A_1152 : f32 to vector<16xf32>
        %mul3A_1154 = arith.mulf %mul3A_1153, %add3A_1151 : vector<16xf32>
        %max3A_1155 = arith.maximumf %add3A_1151, %mul3A_1154 : vector<16xf32>
        %get3A_1156 = arith.constant 0 : index
        %get3A_1157 = tpu.vector_load %arg13[%get3A_1156] {strides = array<i32>} : memref<128xf32, #tpu.memory_space<vmem>>, vector<16xf32>,
        %mul3A_1158 = arith.mulf %get3A_1157, %max3A_1155 : vector<16xf32>
        %get3A_1159 = arith.index_cast %add3A_1144 : i32 to index
        %get3A_1160 = arith.constant 16 : index
        %get3A_1161 = tpu.vector_load %arg11[%get3A_1159, %get3A_1160] {strides = array<i32>} : memref<128x128xf32, #tpu.memory_space<vmem>>, vector<16xf32>,
        %get3A_1162 = arith.index_cast %add3A_1144 : i32 to index
        %get3A_1163 = arith.constant 16 : index
        %get3A_1164 = tpu.vector_load %arg12[%get3A_1162, %get3A_1163] {strides = array<i32>} : memref<128x128xf32, #tpu.memory_space<vmem>>, vector<16xf32>,
        %add3A_1165 = arith.addf %get3A_1161, %get3A_1164 : vector<16xf32>
        %mul3A_1166 = arith.constant 2.000000e-01 : f32
        %mul3A_1167 = vector.broadcast %mul3A_1166 : f32 to vector<16xf32>
        %mul3A_1168 = arith.mulf %mul3A_1167, %add3A_1165 : vector<16xf32>
        %max3A_1169 = arith.maximumf %add3A_1165, %mul3A_1168 : vector<16xf32>
        %get3A_1170 = arith.constant 16 : index
        %get3A_1171 = tpu.vector_load %arg13[%get3A_1170] {strides = array<i32>} : memref<128xf32, #tpu.memory_space<vmem>>, vector<16xf32>,
        %mul3A_1172 = arith.mulf %get3A_1171, %max3A_1169 : vector<16xf32>
        %add3A_1173 = arith.addf %mul3A_1158, %mul3A_1172 : vector<16xf32>
        %get3A_1174 = arith.index_cast %add3A_1144 : i32 to index
        %get3A_1175 = arith.constant 32 : index
        %get3A_1176 = tpu.vector_load %arg11[%get3A_1174, %get3A_1175] {strides = array<i32>} : memref<128x128xf32, #tpu.memory_space<vmem>>, vector<16xf32>,
        %get3A_1177 = arith.index_cast %add3A_1144 : i32 to index
        %get3A_1178 = arith.constant 32 : index
        %get3A_1179 = tpu.vector_load %arg12[%get3A_1177, %get3A_1178] {strides = array<i32>} : memref<128x128xf32, #tpu.memory_space<vmem>>, vector<16xf32>,
        %add3A_1180 = arith.addf %get3A_1176, %get3A_1179 : vector<16xf32>
        %mul3A_1181 = arith.constant 2.000000e-01 : f32
        %mul3A_1182 = vector.broadcast %mul3A_1181 : f32 to vector<16xf32>
        %mul3A_1183 = arith.mulf %mul3A_1182, %add3A_1180 : vector<16xf32>
        %max3A_1184 = arith.maximumf %add3A_1180, %mul3A_1183 : vector<16xf32>
        %get3A_1185 = arith.constant 32 : index
        %get3A_1186 = tpu.vector_load %arg13[%get3A_1185] {strides = array<i32>} : memref<128xf32, #tpu.memory_space<vmem>>, vector<16xf32>,
        %mul3A_1187 = arith.mulf %get3A_1186, %max3A_1184 : vector<16xf32>
        %add3A_1188 = arith.addf %add3A_1173, %mul3A_1187 : vector<16xf32>
        %get3A_1189 = arith.index_cast %add3A_1144 : i32 to index
        %get3A_1190 = arith.constant 48 : index
        %get3A_1191 = tpu.vector_load %arg11[%get3A_1189, %get3A_1190] {strides = array<i32>} : memref<128x128xf32, #tpu.memory_space<vmem>>, vector<16xf32>,
        %get3A_1192 = arith.index_cast %add3A_1144 : i32 to index
        %get3A_1193 = arith.constant 48 : index
        %get3A_1194 = tpu.vector_load %arg12[%get3A_1192, %get3A_1193] {strides = array<i32>} : memref<128x128xf32, #tpu.memory_space<vmem>>, vector<16xf32>,
        %add3A_1195 = arith.addf %get3A_1191, %get3A_1194 : vector<16xf32>
        %mul3A_1196 = arith.constant 2.000000e-01 : f32
        %mul3A_1197 = vector.broadcast %mul3A_1196 : f32 to vector<16xf32>
        %mul3A_1198 = arith.mulf %mul3A_1197, %add3A_1195 : vector<16xf32>
        %max3A_1199 = arith.maximumf %add3A_1195, %mul3A_1198 : vector<16xf32>
        %get3A_1200 = arith.constant 48 : index
        %get3A_1201 = tpu.vector_load %arg13[%get3A_1200] {strides = array<i32>} : memref<128xf32, #tpu.memory_space<vmem>>, vector<16xf32>,
        %mul3A_1202 = arith.mulf %get3A_1201, %max3A_1199 : vector<16xf32>
        %add3A_1203 = arith.addf %add3A_1188, %mul3A_1202 : vector<16xf32>
        %get3A_1204 = arith.index_cast %add3A_1144 : i32 to index
        %get3A_1205 = arith.constant 64 : index
        %get3A_1206 = tpu.vector_load %arg11[%get3A_1204, %get3A_1205] {strides = array<i32>} : memref<128x128xf32, #tpu.memory_space<vmem>>, vector<16xf32>,
        %get3A_1207 = arith.index_cast %add3A_1144 : i32 to index
        %get3A_1208 = arith.constant 64 : index
        %get3A_1209 = tpu.vector_load %arg12[%get3A_1207, %get3A_1208] {strides = array<i32>} : memref<128x128xf32, #tpu.memory_space<vmem>>, vector<16xf32>,
        %add3A_1210 = arith.addf %get3A_1206, %get3A_1209 : vector<16xf32>
        %mul3A_1211 = arith.constant 2.000000e-01 : f32
        %mul3A_1212 = vector.broadcast %mul3A_1211 : f32 to vector<16xf32>
        %mul3A_1213 = arith.mulf %mul3A_1212, %add3A_1210 : vector<16xf32>
        %max3A_1214 = arith.maximumf %add3A_1210, %mul3A_1213 : vector<16xf32>
        %get3A_1215 = arith.constant 64 : index
        %get3A_1216 = tpu.vector_load %arg13[%get3A_1215] {strides = array<i32>} : memref<128xf32, #tpu.memory_space<vmem>>, vector<16xf32>,
        %mul3A_1217 = arith.mulf %get3A_1216, %max3A_1214 : vector<16xf32>
        %add3A_1218 = arith.addf %add3A_1203, %mul3A_1217 : vector<16xf32>
        %get3A_1219 = arith.index_cast %add3A_1144 : i32 to index
        %get3A_1220 = arith.constant 80 : index
        %get3A_1221 = tpu.vector_load %arg11[%get3A_1219, %get3A_1220] {strides = array<i32>} : memref<128x128xf32, #tpu.memory_space<vmem>>, vector<16xf32>,
        %get3A_1222 = arith.index_cast %add3A_1144 : i32 to index
        %get3A_1223 = arith.constant 80 : index
        %get3A_1224 = tpu.vector_load %arg12[%get3A_1222, %get3A_1223] {strides = array<i32>} : memref<128x128xf32, #tpu.memory_space<vmem>>, vector<16xf32>,
        %add3A_1225 = arith.addf %get3A_1221, %get3A_1224 : vector<16xf32>
        %mul3A_1226 = arith.constant 2.000000e-01 : f32
        %mul3A_1227 = vector.broadcast %mul3A_1226 : f32 to vector<16xf32>
        %mul3A_1228 = arith.mulf %mul3A_1227, %add3A_1225 : vector<16xf32>
        %max3A_1229 = arith.maximumf %add3A_1225, %mul3A_1228 : vector<16xf32>
        %get3A_1230 = arith.constant 80 : index
        %get3A_1231 = tpu.vector_load %arg13[%get3A_1230] {strides = array<i32>} : memref<128xf32, #tpu.memory_space<vmem>>, vector<16xf32>,
        %mul3A_1232 = arith.mulf %get3A_1231, %max3A_1229 : vector<16xf32>
        %add3A_1233 = arith.addf %add3A_1218, %mul3A_1232 : vector<16xf32>
        %get3A_1234 = arith.index_cast %add3A_1144 : i32 to index
        %get3A_1235 = arith.constant 96 : index
        %get3A_1236 = tpu.vector_load %arg11[%get3A_1234, %get3A_1235] {strides = array<i32>} : memref<128x128xf32, #tpu.memory_space<vmem>>, vector<16xf32>,
        %get3A_1237 = arith.index_cast %add3A_1144 : i32 to index
        %get3A_1238 = arith.constant 96 : index
        %get3A_1239 = tpu.vector_load %arg12[%get3A_1237, %get3A_1238] {strides = array<i32>} : memref<128x128xf32, #tpu.memory_space<vmem>>, vector<16xf32>,
        %add3A_1240 = arith.addf %get3A_1236, %get3A_1239 : vector<16xf32>
        %mul3A_1241 = arith.constant 2.000000e-01 : f32
        %mul3A_1242 = vector.broadcast %mul3A_1241 : f32 to vector<16xf32>
        %mul3A_1243 = arith.mulf %mul3A_1242, %add3A_1240 : vector<16xf32>
        %max3A_1244 = arith.maximumf %add3A_1240, %mul3A_1243 : vector<16xf32>
        %get3A_1245 = arith.constant 96 : index
        %get3A_1246 = tpu.vector_load %arg13[%get3A_1245] {strides = array<i32>} : memref<128xf32, #tpu.memory_space<vmem>>, vector<16xf32>,
        %mul3A_1247 = arith.mulf %get3A_1246, %max3A_1244 : vector<16xf32>
        %add3A_1248 = arith.addf %add3A_1233, %mul3A_1247 : vector<16xf32>
        %get3A_1249 = arith.index_cast %add3A_1144 : i32 to index
        %get3A_1250 = arith.constant 112 : index
        %get3A_1251 = tpu.vector_load %arg11[%get3A_1249, %get3A_1250] {strides = array<i32>} : memref<128x128xf32, #tpu.memory_space<vmem>>, vector<16xf32>,
        %get3A_1252 = arith.index_cast %add3A_1144 : i32 to index
        %get3A_1253 = arith.constant 112 : index
        %get3A_1254 = tpu.vector_load %arg12[%get3A_1252, %get3A_1253] {strides = array<i32>} : memref<128x128xf32, #tpu.memory_space<vmem>>, vector<16xf32>,
        %add3A_1255 = arith.addf %get3A_1251, %get3A_1254 : vector<16xf32>
        %mul3A_1256 = arith.constant 2.000000e-01 : f32
        %mul3A_1257 = vector.broadcast %mul3A_1256 : f32 to vector<16xf32>
        %mul3A_1258 = arith.mulf %mul3A_1257, %add3A_1255 : vector<16xf32>
        %max3A_1259 = arith.maximumf %add3A_1255, %mul3A_1258 : vector<16xf32>
        %get3A_1260 = arith.constant 112 : index
        %get3A_1261 = tpu.vector_load %arg13[%get3A_1260] {strides = array<i32>} : memref<128xf32, #tpu.memory_space<vmem>>, vector<16xf32>,
        %mul3A_1262 = arith.mulf %get3A_1261, %max3A_1259 : vector<16xf32>
        %add3A_1263 = arith.addf %add3A_1248, %mul3A_1262 : vector<16xf32>
        %eq3A_1264 = arith.constant 7 : i32
        %eq3A_1265 = vector.broadcast %eq3A_1264 : i32 to vector<16xi32>
        %eq3A_1266 = arith.cmpi eq, %iota3A, %eq3A_1265 : vector<16xi32>
        %iota3A_1267 = tpu.iota {dimensions = array<i32: 0>} : vector<16xi32>
        %xor3A_1268 = arith.constant 8 : i32
        %xor3A_1269 = vector.broadcast %xor3A_1268 : i32 to vector<16xi32>
        %xor3A_1270 = arith.xori %iota3A_1267, %xor3A_1269 : vector<16xi32>
        %reshape3A_1271 = vector.shape_cast %xor3A_1270 : vector<16xi32> to vector<16x1xi32>
        %gather3A_1272 = vector.shape_cast %reshape3A_1271 : vector<16x1xi32> to vector<16xi32>
        %gather3A_1273 = tpu.dynamic_gather %add3A_1263[%gather3A_1272] in [0] : vector<16xf32>, vector<16xi32> -> vector<16xf32>
        %add3A_1274 = arith.addf %add3A_1263, %gather3A_1273 : vector<16xf32>
        %xor3A_1275 = arith.constant 4 : i32
        %xor3A_1276 = vector.broadcast %xor3A_1275 : i32 to vector<16xi32>
        %xor3A_1277 = arith.xori %iota3A_1267, %xor3A_1276 : vector<16xi32>
        %reshape3A_1278 = vector.shape_cast %xor3A_1277 : vector<16xi32> to vector<16x1xi32>
        %gather3A_1279 = vector.shape_cast %reshape3A_1278 : vector<16x1xi32> to vector<16xi32>
        %gather3A_1280 = tpu.dynamic_gather %add3A_1274[%gather3A_1279] in [0] : vector<16xf32>, vector<16xi32> -> vector<16xf32>
        %add3A_1281 = arith.addf %add3A_1274, %gather3A_1280 : vector<16xf32>
        %xor3A_1282 = arith.constant 2 : i32
        %xor3A_1283 = vector.broadcast %xor3A_1282 : i32 to vector<16xi32>
        %xor3A_1284 = arith.xori %iota3A_1267, %xor3A_1283 : vector<16xi32>
        %reshape3A_1285 = vector.shape_cast %xor3A_1284 : vector<16xi32> to vector<16x1xi32>
        %gather3A_1286 = vector.shape_cast %reshape3A_1285 : vector<16x1xi32> to vector<16xi32>
        %gather3A_1287 = tpu.dynamic_gather %add3A_1281[%gather3A_1286] in [0] : vector<16xf32>, vector<16xi32> -> vector<16xf32>
        %add3A_1288 = arith.addf %add3A_1281, %gather3A_1287 : vector<16xf32>
        %xor3A_1289 = arith.constant 1 : i32
        %xor3A_1290 = vector.broadcast %xor3A_1289 : i32 to vector<16xi32>
        %xor3A_1291 = arith.xori %iota3A_1267, %xor3A_1290 : vector<16xi32>
        %reshape3A_1292 = vector.shape_cast %xor3A_1291 : vector<16xi32> to vector<16x1xi32>
        %gather3A_1293 = vector.shape_cast %reshape3A_1292 : vector<16x1xi32> to vector<16xi32>
        %gather3A_1294 = tpu.dynamic_gather %add3A_1288[%gather3A_1293] in [0] : vector<16xf32>, vector<16xi32> -> vector<16xf32>
        %add3A_1295 = arith.addf %add3A_1288, %gather3A_1294 : vector<16xf32>
        %select_n3A_1296 = arith.select %eq3A_1266, %add3A_1295, %select_n3A_1140 : vector<16xi1>, vector<16xf32>
        %mul3A_1297 = arith.constant 16 : i32
        %mul3A_1298 = arith.muli %scan3A_53, %mul3A_1297 : i32
        %add3A_1299 = arith.constant 8 : i32
        %add3A_1300 = arith.addi %mul3A_1298, %add3A_1299 : i32
        %get3A_1301 = arith.index_cast %add3A_1300 : i32 to index
        %get3A_1302 = arith.constant 0 : index
        %get3A_1303 = tpu.vector_load %arg11[%get3A_1301, %get3A_1302] {strides = array<i32>} : memref<128x128xf32, #tpu.memory_space<vmem>>, vector<16xf32>,
        %get3A_1304 = arith.index_cast %add3A_1300 : i32 to index
        %get3A_1305 = arith.constant 0 : index
        %get3A_1306 = tpu.vector_load %arg12[%get3A_1304, %get3A_1305] {strides = array<i32>} : memref<128x128xf32, #tpu.memory_space<vmem>>, vector<16xf32>,
        %add3A_1307 = arith.addf %get3A_1303, %get3A_1306 : vector<16xf32>
        %mul3A_1308 = arith.constant 2.000000e-01 : f32
        %mul3A_1309 = vector.broadcast %mul3A_1308 : f32 to vector<16xf32>
        %mul3A_1310 = arith.mulf %mul3A_1309, %add3A_1307 : vector<16xf32>
        %max3A_1311 = arith.maximumf %add3A_1307, %mul3A_1310 : vector<16xf32>
        %get3A_1312 = arith.constant 0 : index
        %get3A_1313 = tpu.vector_load %arg13[%get3A_1312] {strides = array<i32>} : memref<128xf32, #tpu.memory_space<vmem>>, vector<16xf32>,
        %mul3A_1314 = arith.mulf %get3A_1313, %max3A_1311 : vector<16xf32>
        %get3A_1315 = arith.index_cast %add3A_1300 : i32 to index
        %get3A_1316 = arith.constant 16 : index
        %get3A_1317 = tpu.vector_load %arg11[%get3A_1315, %get3A_1316] {strides = array<i32>} : memref<128x128xf32, #tpu.memory_space<vmem>>, vector<16xf32>,
        %get3A_1318 = arith.index_cast %add3A_1300 : i32 to index
        %get3A_1319 = arith.constant 16 : index
        %get3A_1320 = tpu.vector_load %arg12[%get3A_1318, %get3A_1319] {strides = array<i32>} : memref<128x128xf32, #tpu.memory_space<vmem>>, vector<16xf32>,
        %add3A_1321 = arith.addf %get3A_1317, %get3A_1320 : vector<16xf32>
        %mul3A_1322 = arith.constant 2.000000e-01 : f32
        %mul3A_1323 = vector.broadcast %mul3A_1322 : f32 to vector<16xf32>
        %mul3A_1324 = arith.mulf %mul3A_1323, %add3A_1321 : vector<16xf32>
        %max3A_1325 = arith.maximumf %add3A_1321, %mul3A_1324 : vector<16xf32>
        %get3A_1326 = arith.constant 16 : index
        %get3A_1327 = tpu.vector_load %arg13[%get3A_1326] {strides = array<i32>} : memref<128xf32, #tpu.memory_space<vmem>>, vector<16xf32>,
        %mul3A_1328 = arith.mulf %get3A_1327, %max3A_1325 : vector<16xf32>
        %add3A_1329 = arith.addf %mul3A_1314, %mul3A_1328 : vector<16xf32>
        %get3A_1330 = arith.index_cast %add3A_1300 : i32 to index
        %get3A_1331 = arith.constant 32 : index
        %get3A_1332 = tpu.vector_load %arg11[%get3A_1330, %get3A_1331] {strides = array<i32>} : memref<128x128xf32, #tpu.memory_space<vmem>>, vector<16xf32>,
        %get3A_1333 = arith.index_cast %add3A_1300 : i32 to index
        %get3A_1334 = arith.constant 32 : index
        %get3A_1335 = tpu.vector_load %arg12[%get3A_1333, %get3A_1334] {strides = array<i32>} : memref<128x128xf32, #tpu.memory_space<vmem>>, vector<16xf32>,
        %add3A_1336 = arith.addf %get3A_1332, %get3A_1335 : vector<16xf32>
        %mul3A_1337 = arith.constant 2.000000e-01 : f32
        %mul3A_1338 = vector.broadcast %mul3A_1337 : f32 to vector<16xf32>
        %mul3A_1339 = arith.mulf %mul3A_1338, %add3A_1336 : vector<16xf32>
        %max3A_1340 = arith.maximumf %add3A_1336, %mul3A_1339 : vector<16xf32>
        %get3A_1341 = arith.constant 32 : index
        %get3A_1342 = tpu.vector_load %arg13[%get3A_1341] {strides = array<i32>} : memref<128xf32, #tpu.memory_space<vmem>>, vector<16xf32>,
        %mul3A_1343 = arith.mulf %get3A_1342, %max3A_1340 : vector<16xf32>
        %add3A_1344 = arith.addf %add3A_1329, %mul3A_1343 : vector<16xf32>
        %get3A_1345 = arith.index_cast %add3A_1300 : i32 to index
        %get3A_1346 = arith.constant 48 : index
        %get3A_1347 = tpu.vector_load %arg11[%get3A_1345, %get3A_1346] {strides = array<i32>} : memref<128x128xf32, #tpu.memory_space<vmem>>, vector<16xf32>,
        %get3A_1348 = arith.index_cast %add3A_1300 : i32 to index
        %get3A_1349 = arith.constant 48 : index
        %get3A_1350 = tpu.vector_load %arg12[%get3A_1348, %get3A_1349] {strides = array<i32>} : memref<128x128xf32, #tpu.memory_space<vmem>>, vector<16xf32>,
        %add3A_1351 = arith.addf %get3A_1347, %get3A_1350 : vector<16xf32>
        %mul3A_1352 = arith.constant 2.000000e-01 : f32
        %mul3A_1353 = vector.broadcast %mul3A_1352 : f32 to vector<16xf32>
        %mul3A_1354 = arith.mulf %mul3A_1353, %add3A_1351 : vector<16xf32>
        %max3A_1355 = arith.maximumf %add3A_1351, %mul3A_1354 : vector<16xf32>
        %get3A_1356 = arith.constant 48 : index
        %get3A_1357 = tpu.vector_load %arg13[%get3A_1356] {strides = array<i32>} : memref<128xf32, #tpu.memory_space<vmem>>, vector<16xf32>,
        %mul3A_1358 = arith.mulf %get3A_1357, %max3A_1355 : vector<16xf32>
        %add3A_1359 = arith.addf %add3A_1344, %mul3A_1358 : vector<16xf32>
        %get3A_1360 = arith.index_cast %add3A_1300 : i32 to index
        %get3A_1361 = arith.constant 64 : index
        %get3A_1362 = tpu.vector_load %arg11[%get3A_1360, %get3A_1361] {strides = array<i32>} : memref<128x128xf32, #tpu.memory_space<vmem>>, vector<16xf32>,
        %get3A_1363 = arith.index_cast %add3A_1300 : i32 to index
        %get3A_1364 = arith.constant 64 : index
        %get3A_1365 = tpu.vector_load %arg12[%get3A_1363, %get3A_1364] {strides = array<i32>} : memref<128x128xf32, #tpu.memory_space<vmem>>, vector<16xf32>,
        %add3A_1366 = arith.addf %get3A_1362, %get3A_1365 : vector<16xf32>
        %mul3A_1367 = arith.constant 2.000000e-01 : f32
        %mul3A_1368 = vector.broadcast %mul3A_1367 : f32 to vector<16xf32>
        %mul3A_1369 = arith.mulf %mul3A_1368, %add3A_1366 : vector<16xf32>
        %max3A_1370 = arith.maximumf %add3A_1366, %mul3A_1369 : vector<16xf32>
        %get3A_1371 = arith.constant 64 : index
        %get3A_1372 = tpu.vector_load %arg13[%get3A_1371] {strides = array<i32>} : memref<128xf32, #tpu.memory_space<vmem>>, vector<16xf32>,
        %mul3A_1373 = arith.mulf %get3A_1372, %max3A_1370 : vector<16xf32>
        %add3A_1374 = arith.addf %add3A_1359, %mul3A_1373 : vector<16xf32>
        %get3A_1375 = arith.index_cast %add3A_1300 : i32 to index
        %get3A_1376 = arith.constant 80 : index
        %get3A_1377 = tpu.vector_load %arg11[%get3A_1375, %get3A_1376] {strides = array<i32>} : memref<128x128xf32, #tpu.memory_space<vmem>>, vector<16xf32>,
        %get3A_1378 = arith.index_cast %add3A_1300 : i32 to index
        %get3A_1379 = arith.constant 80 : index
        %get3A_1380 = tpu.vector_load %arg12[%get3A_1378, %get3A_1379] {strides = array<i32>} : memref<128x128xf32, #tpu.memory_space<vmem>>, vector<16xf32>,
        %add3A_1381 = arith.addf %get3A_1377, %get3A_1380 : vector<16xf32>
        %mul3A_1382 = arith.constant 2.000000e-01 : f32
        %mul3A_1383 = vector.broadcast %mul3A_1382 : f32 to vector<16xf32>
        %mul3A_1384 = arith.mulf %mul3A_1383, %add3A_1381 : vector<16xf32>
        %max3A_1385 = arith.maximumf %add3A_1381, %mul3A_1384 : vector<16xf32>
        %get3A_1386 = arith.constant 80 : index
        %get3A_1387 = tpu.vector_load %arg13[%get3A_1386] {strides = array<i32>} : memref<128xf32, #tpu.memory_space<vmem>>, vector<16xf32>,
        %mul3A_1388 = arith.mulf %get3A_1387, %max3A_1385 : vector<16xf32>
        %add3A_1389 = arith.addf %add3A_1374, %mul3A_1388 : vector<16xf32>
        %get3A_1390 = arith.index_cast %add3A_1300 : i32 to index
        %get3A_1391 = arith.constant 96 : index
        %get3A_1392 = tpu.vector_load %arg11[%get3A_1390, %get3A_1391] {strides = array<i32>} : memref<128x128xf32, #tpu.memory_space<vmem>>, vector<16xf32>,
        %get3A_1393 = arith.index_cast %add3A_1300 : i32 to index
        %get3A_1394 = arith.constant 96 : index
        %get3A_1395 = tpu.vector_load %arg12[%get3A_1393, %get3A_1394] {strides = array<i32>} : memref<128x128xf32, #tpu.memory_space<vmem>>, vector<16xf32>,
        %add3A_1396 = arith.addf %get3A_1392, %get3A_1395 : vector<16xf32>
        %mul3A_1397 = arith.constant 2.000000e-01 : f32
        %mul3A_1398 = vector.broadcast %mul3A_1397 : f32 to vector<16xf32>
        %mul3A_1399 = arith.mulf %mul3A_1398, %add3A_1396 : vector<16xf32>
        %max3A_1400 = arith.maximumf %add3A_1396, %mul3A_1399 : vector<16xf32>
        %get3A_1401 = arith.constant 96 : index
        %get3A_1402 = tpu.vector_load %arg13[%get3A_1401] {strides = array<i32>} : memref<128xf32, #tpu.memory_space<vmem>>, vector<16xf32>,
        %mul3A_1403 = arith.mulf %get3A_1402, %max3A_1400 : vector<16xf32>
        %add3A_1404 = arith.addf %add3A_1389, %mul3A_1403 : vector<16xf32>
        %get3A_1405 = arith.index_cast %add3A_1300 : i32 to index
        %get3A_1406 = arith.constant 112 : index
        %get3A_1407 = tpu.vector_load %arg11[%get3A_1405, %get3A_1406] {strides = array<i32>} : memref<128x128xf32, #tpu.memory_space<vmem>>, vector<16xf32>,
        %get3A_1408 = arith.index_cast %add3A_1300 : i32 to index
        %get3A_1409 = arith.constant 112 : index
        %get3A_1410 = tpu.vector_load %arg12[%get3A_1408, %get3A_1409] {strides = array<i32>} : memref<128x128xf32, #tpu.memory_space<vmem>>, vector<16xf32>,
        %add3A_1411 = arith.addf %get3A_1407, %get3A_1410 : vector<16xf32>
        %mul3A_1412 = arith.constant 2.000000e-01 : f32
        %mul3A_1413 = vector.broadcast %mul3A_1412 : f32 to vector<16xf32>
        %mul3A_1414 = arith.mulf %mul3A_1413, %add3A_1411 : vector<16xf32>
        %max3A_1415 = arith.maximumf %add3A_1411, %mul3A_1414 : vector<16xf32>
        %get3A_1416 = arith.constant 112 : index
        %get3A_1417 = tpu.vector_load %arg13[%get3A_1416] {strides = array<i32>} : memref<128xf32, #tpu.memory_space<vmem>>, vector<16xf32>,
        %mul3A_1418 = arith.mulf %get3A_1417, %max3A_1415 : vector<16xf32>
        %add3A_1419 = arith.addf %add3A_1404, %mul3A_1418 : vector<16xf32>
        %eq3A_1420 = arith.constant 8 : i32
        %eq3A_1421 = vector.broadcast %eq3A_1420 : i32 to vector<16xi32>
        %eq3A_1422 = arith.cmpi eq, %iota3A, %eq3A_1421 : vector<16xi32>
        %iota3A_1423 = tpu.iota {dimensions = array<i32: 0>} : vector<16xi32>
        %xor3A_1424 = arith.constant 8 : i32
        %xor3A_1425 = vector.broadcast %xor3A_1424 : i32 to vector<16xi32>
        %xor3A_1426 = arith.xori %iota3A_1423, %xor3A_1425 : vector<16xi32>
        %reshape3A_1427 = vector.shape_cast %xor3A_1426 : vector<16xi32> to vector<16x1xi32>
        %gather3A_1428 = vector.shape_cast %reshape3A_1427 : vector<16x1xi32> to vector<16xi32>
        %gather3A_1429 = tpu.dynamic_gather %add3A_1419[%gather3A_1428] in [0] : vector<16xf32>, vector<16xi32> -> vector<16xf32>
        %add3A_1430 = arith.addf %add3A_1419, %gather3A_1429 : vector<16xf32>
        %xor3A_1431 = arith.constant 4 : i32
        %xor3A_1432 = vector.broadcast %xor3A_1431 : i32 to vector<16xi32>
        %xor3A_1433 = arith.xori %iota3A_1423, %xor3A_1432 : vector<16xi32>
        %reshape3A_1434 = vector.shape_cast %xor3A_1433 : vector<16xi32> to vector<16x1xi32>
        %gather3A_1435 = vector.shape_cast %reshape3A_1434 : vector<16x1xi32> to vector<16xi32>
        %gather3A_1436 = tpu.dynamic_gather %add3A_1430[%gather3A_1435] in [0] : vector<16xf32>, vector<16xi32> -> vector<16xf32>
        %add3A_1437 = arith.addf %add3A_1430, %gather3A_1436 : vector<16xf32>
        %xor3A_1438 = arith.constant 2 : i32
        %xor3A_1439 = vector.broadcast %xor3A_1438 : i32 to vector<16xi32>
        %xor3A_1440 = arith.xori %iota3A_1423, %xor3A_1439 : vector<16xi32>
        %reshape3A_1441 = vector.shape_cast %xor3A_1440 : vector<16xi32> to vector<16x1xi32>
        %gather3A_1442 = vector.shape_cast %reshape3A_1441 : vector<16x1xi32> to vector<16xi32>
        %gather3A_1443 = tpu.dynamic_gather %add3A_1437[%gather3A_1442] in [0] : vector<16xf32>, vector<16xi32> -> vector<16xf32>
        %add3A_1444 = arith.addf %add3A_1437, %gather3A_1443 : vector<16xf32>
        %xor3A_1445 = arith.constant 1 : i32
        %xor3A_1446 = vector.broadcast %xor3A_1445 : i32 to vector<16xi32>
        %xor3A_1447 = arith.xori %iota3A_1423, %xor3A_1446 : vector<16xi32>
        %reshape3A_1448 = vector.shape_cast %xor3A_1447 : vector<16xi32> to vector<16x1xi32>
        %gather3A_1449 = vector.shape_cast %reshape3A_1448 : vector<16x1xi32> to vector<16xi32>
        %gather3A_1450 = tpu.dynamic_gather %add3A_1444[%gather3A_1449] in [0] : vector<16xf32>, vector<16xi32> -> vector<16xf32>
        %add3A_1451 = arith.addf %add3A_1444, %gather3A_1450 : vector<16xf32>
        %select_n3A_1452 = arith.select %eq3A_1422, %add3A_1451, %select_n3A_1296 : vector<16xi1>, vector<16xf32>
        %mul3A_1453 = arith.constant 16 : i32
        %mul3A_1454 = arith.muli %scan3A_53, %mul3A_1453 : i32
        %add3A_1455 = arith.constant 9 : i32
        %add3A_1456 = arith.addi %mul3A_1454, %add3A_1455 : i32
        %get3A_1457 = arith.index_cast %add3A_1456 : i32 to index
        %get3A_1458 = arith.constant 0 : index
        %get3A_1459 = tpu.vector_load %arg11[%get3A_1457, %get3A_1458] {strides = array<i32>} : memref<128x128xf32, #tpu.memory_space<vmem>>, vector<16xf32>,
        %get3A_1460 = arith.index_cast %add3A_1456 : i32 to index
        %get3A_1461 = arith.constant 0 : index
        %get3A_1462 = tpu.vector_load %arg12[%get3A_1460, %get3A_1461] {strides = array<i32>} : memref<128x128xf32, #tpu.memory_space<vmem>>, vector<16xf32>,
        %add3A_1463 = arith.addf %get3A_1459, %get3A_1462 : vector<16xf32>
        %mul3A_1464 = arith.constant 2.000000e-01 : f32
        %mul3A_1465 = vector.broadcast %mul3A_1464 : f32 to vector<16xf32>
        %mul3A_1466 = arith.mulf %mul3A_1465, %add3A_1463 : vector<16xf32>
        %max3A_1467 = arith.maximumf %add3A_1463, %mul3A_1466 : vector<16xf32>
        %get3A_1468 = arith.constant 0 : index
        %get3A_1469 = tpu.vector_load %arg13[%get3A_1468] {strides = array<i32>} : memref<128xf32, #tpu.memory_space<vmem>>, vector<16xf32>,
        %mul3A_1470 = arith.mulf %get3A_1469, %max3A_1467 : vector<16xf32>
        %get3A_1471 = arith.index_cast %add3A_1456 : i32 to index
        %get3A_1472 = arith.constant 16 : index
        %get3A_1473 = tpu.vector_load %arg11[%get3A_1471, %get3A_1472] {strides = array<i32>} : memref<128x128xf32, #tpu.memory_space<vmem>>, vector<16xf32>,
        %get3A_1474 = arith.index_cast %add3A_1456 : i32 to index
        %get3A_1475 = arith.constant 16 : index
        %get3A_1476 = tpu.vector_load %arg12[%get3A_1474, %get3A_1475] {strides = array<i32>} : memref<128x128xf32, #tpu.memory_space<vmem>>, vector<16xf32>,
        %add3A_1477 = arith.addf %get3A_1473, %get3A_1476 : vector<16xf32>
        %mul3A_1478 = arith.constant 2.000000e-01 : f32
        %mul3A_1479 = vector.broadcast %mul3A_1478 : f32 to vector<16xf32>
        %mul3A_1480 = arith.mulf %mul3A_1479, %add3A_1477 : vector<16xf32>
        %max3A_1481 = arith.maximumf %add3A_1477, %mul3A_1480 : vector<16xf32>
        %get3A_1482 = arith.constant 16 : index
        %get3A_1483 = tpu.vector_load %arg13[%get3A_1482] {strides = array<i32>} : memref<128xf32, #tpu.memory_space<vmem>>, vector<16xf32>,
        %mul3A_1484 = arith.mulf %get3A_1483, %max3A_1481 : vector<16xf32>
        %add3A_1485 = arith.addf %mul3A_1470, %mul3A_1484 : vector<16xf32>
        %get3A_1486 = arith.index_cast %add3A_1456 : i32 to index
        %get3A_1487 = arith.constant 32 : index
        %get3A_1488 = tpu.vector_load %arg11[%get3A_1486, %get3A_1487] {strides = array<i32>} : memref<128x128xf32, #tpu.memory_space<vmem>>, vector<16xf32>,
        %get3A_1489 = arith.index_cast %add3A_1456 : i32 to index
        %get3A_1490 = arith.constant 32 : index
        %get3A_1491 = tpu.vector_load %arg12[%get3A_1489, %get3A_1490] {strides = array<i32>} : memref<128x128xf32, #tpu.memory_space<vmem>>, vector<16xf32>,
        %add3A_1492 = arith.addf %get3A_1488, %get3A_1491 : vector<16xf32>
        %mul3A_1493 = arith.constant 2.000000e-01 : f32
        %mul3A_1494 = vector.broadcast %mul3A_1493 : f32 to vector<16xf32>
        %mul3A_1495 = arith.mulf %mul3A_1494, %add3A_1492 : vector<16xf32>
        %max3A_1496 = arith.maximumf %add3A_1492, %mul3A_1495 : vector<16xf32>
        %get3A_1497 = arith.constant 32 : index
        %get3A_1498 = tpu.vector_load %arg13[%get3A_1497] {strides = array<i32>} : memref<128xf32, #tpu.memory_space<vmem>>, vector<16xf32>,
        %mul3A_1499 = arith.mulf %get3A_1498, %max3A_1496 : vector<16xf32>
        %add3A_1500 = arith.addf %add3A_1485, %mul3A_1499 : vector<16xf32>
        %get3A_1501 = arith.index_cast %add3A_1456 : i32 to index
        %get3A_1502 = arith.constant 48 : index
        %get3A_1503 = tpu.vector_load %arg11[%get3A_1501, %get3A_1502] {strides = array<i32>} : memref<128x128xf32, #tpu.memory_space<vmem>>, vector<16xf32>,
        %get3A_1504 = arith.index_cast %add3A_1456 : i32 to index
        %get3A_1505 = arith.constant 48 : index
        %get3A_1506 = tpu.vector_load %arg12[%get3A_1504, %get3A_1505] {strides = array<i32>} : memref<128x128xf32, #tpu.memory_space<vmem>>, vector<16xf32>,
        %add3A_1507 = arith.addf %get3A_1503, %get3A_1506 : vector<16xf32>
        %mul3A_1508 = arith.constant 2.000000e-01 : f32
        %mul3A_1509 = vector.broadcast %mul3A_1508 : f32 to vector<16xf32>
        %mul3A_1510 = arith.mulf %mul3A_1509, %add3A_1507 : vector<16xf32>
        %max3A_1511 = arith.maximumf %add3A_1507, %mul3A_1510 : vector<16xf32>
        %get3A_1512 = arith.constant 48 : index
        %get3A_1513 = tpu.vector_load %arg13[%get3A_1512] {strides = array<i32>} : memref<128xf32, #tpu.memory_space<vmem>>, vector<16xf32>,
        %mul3A_1514 = arith.mulf %get3A_1513, %max3A_1511 : vector<16xf32>
        %add3A_1515 = arith.addf %add3A_1500, %mul3A_1514 : vector<16xf32>
        %get3A_1516 = arith.index_cast %add3A_1456 : i32 to index
        %get3A_1517 = arith.constant 64 : index
        %get3A_1518 = tpu.vector_load %arg11[%get3A_1516, %get3A_1517] {strides = array<i32>} : memref<128x128xf32, #tpu.memory_space<vmem>>, vector<16xf32>,
        %get3A_1519 = arith.index_cast %add3A_1456 : i32 to index
        %get3A_1520 = arith.constant 64 : index
        %get3A_1521 = tpu.vector_load %arg12[%get3A_1519, %get3A_1520] {strides = array<i32>} : memref<128x128xf32, #tpu.memory_space<vmem>>, vector<16xf32>,
        %add3A_1522 = arith.addf %get3A_1518, %get3A_1521 : vector<16xf32>
        %mul3A_1523 = arith.constant 2.000000e-01 : f32
        %mul3A_1524 = vector.broadcast %mul3A_1523 : f32 to vector<16xf32>
        %mul3A_1525 = arith.mulf %mul3A_1524, %add3A_1522 : vector<16xf32>
        %max3A_1526 = arith.maximumf %add3A_1522, %mul3A_1525 : vector<16xf32>
        %get3A_1527 = arith.constant 64 : index
        %get3A_1528 = tpu.vector_load %arg13[%get3A_1527] {strides = array<i32>} : memref<128xf32, #tpu.memory_space<vmem>>, vector<16xf32>,
        %mul3A_1529 = arith.mulf %get3A_1528, %max3A_1526 : vector<16xf32>
        %add3A_1530 = arith.addf %add3A_1515, %mul3A_1529 : vector<16xf32>
        %get3A_1531 = arith.index_cast %add3A_1456 : i32 to index
        %get3A_1532 = arith.constant 80 : index
        %get3A_1533 = tpu.vector_load %arg11[%get3A_1531, %get3A_1532] {strides = array<i32>} : memref<128x128xf32, #tpu.memory_space<vmem>>, vector<16xf32>,
        %get3A_1534 = arith.index_cast %add3A_1456 : i32 to index
        %get3A_1535 = arith.constant 80 : index
        %get3A_1536 = tpu.vector_load %arg12[%get3A_1534, %get3A_1535] {strides = array<i32>} : memref<128x128xf32, #tpu.memory_space<vmem>>, vector<16xf32>,
        %add3A_1537 = arith.addf %get3A_1533, %get3A_1536 : vector<16xf32>
        %mul3A_1538 = arith.constant 2.000000e-01 : f32
        %mul3A_1539 = vector.broadcast %mul3A_1538 : f32 to vector<16xf32>
        %mul3A_1540 = arith.mulf %mul3A_1539, %add3A_1537 : vector<16xf32>
        %max3A_1541 = arith.maximumf %add3A_1537, %mul3A_1540 : vector<16xf32>
        %get3A_1542 = arith.constant 80 : index
        %get3A_1543 = tpu.vector_load %arg13[%get3A_1542] {strides = array<i32>} : memref<128xf32, #tpu.memory_space<vmem>>, vector<16xf32>,
        %mul3A_1544 = arith.mulf %get3A_1543, %max3A_1541 : vector<16xf32>
        %add3A_1545 = arith.addf %add3A_1530, %mul3A_1544 : vector<16xf32>
        %get3A_1546 = arith.index_cast %add3A_1456 : i32 to index
        %get3A_1547 = arith.constant 96 : index
        %get3A_1548 = tpu.vector_load %arg11[%get3A_1546, %get3A_1547] {strides = array<i32>} : memref<128x128xf32, #tpu.memory_space<vmem>>, vector<16xf32>,
        %get3A_1549 = arith.index_cast %add3A_1456 : i32 to index
        %get3A_1550 = arith.constant 96 : index
        %get3A_1551 = tpu.vector_load %arg12[%get3A_1549, %get3A_1550] {strides = array<i32>} : memref<128x128xf32, #tpu.memory_space<vmem>>, vector<16xf32>,
        %add3A_1552 = arith.addf %get3A_1548, %get3A_1551 : vector<16xf32>
        %mul3A_1553 = arith.constant 2.000000e-01 : f32
        %mul3A_1554 = vector.broadcast %mul3A_1553 : f32 to vector<16xf32>
        %mul3A_1555 = arith.mulf %mul3A_1554, %add3A_1552 : vector<16xf32>
        %max3A_1556 = arith.maximumf %add3A_1552, %mul3A_1555 : vector<16xf32>
        %get3A_1557 = arith.constant 96 : index
        %get3A_1558 = tpu.vector_load %arg13[%get3A_1557] {strides = array<i32>} : memref<128xf32, #tpu.memory_space<vmem>>, vector<16xf32>,
        %mul3A_1559 = arith.mulf %get3A_1558, %max3A_1556 : vector<16xf32>
        %add3A_1560 = arith.addf %add3A_1545, %mul3A_1559 : vector<16xf32>
        %get3A_1561 = arith.index_cast %add3A_1456 : i32 to index
        %get3A_1562 = arith.constant 112 : index
        %get3A_1563 = tpu.vector_load %arg11[%get3A_1561, %get3A_1562] {strides = array<i32>} : memref<128x128xf32, #tpu.memory_space<vmem>>, vector<16xf32>,
        %get3A_1564 = arith.index_cast %add3A_1456 : i32 to index
        %get3A_1565 = arith.constant 112 : index
        %get3A_1566 = tpu.vector_load %arg12[%get3A_1564, %get3A_1565] {strides = array<i32>} : memref<128x128xf32, #tpu.memory_space<vmem>>, vector<16xf32>,
        %add3A_1567 = arith.addf %get3A_1563, %get3A_1566 : vector<16xf32>
        %mul3A_1568 = arith.constant 2.000000e-01 : f32
        %mul3A_1569 = vector.broadcast %mul3A_1568 : f32 to vector<16xf32>
        %mul3A_1570 = arith.mulf %mul3A_1569, %add3A_1567 : vector<16xf32>
        %max3A_1571 = arith.maximumf %add3A_1567, %mul3A_1570 : vector<16xf32>
        %get3A_1572 = arith.constant 112 : index
        %get3A_1573 = tpu.vector_load %arg13[%get3A_1572] {strides = array<i32>} : memref<128xf32, #tpu.memory_space<vmem>>, vector<16xf32>,
        %mul3A_1574 = arith.mulf %get3A_1573, %max3A_1571 : vector<16xf32>
        %add3A_1575 = arith.addf %add3A_1560, %mul3A_1574 : vector<16xf32>
        %eq3A_1576 = arith.constant 9 : i32
        %eq3A_1577 = vector.broadcast %eq3A_1576 : i32 to vector<16xi32>
        %eq3A_1578 = arith.cmpi eq, %iota3A, %eq3A_1577 : vector<16xi32>
        %iota3A_1579 = tpu.iota {dimensions = array<i32: 0>} : vector<16xi32>
        %xor3A_1580 = arith.constant 8 : i32
        %xor3A_1581 = vector.broadcast %xor3A_1580 : i32 to vector<16xi32>
        %xor3A_1582 = arith.xori %iota3A_1579, %xor3A_1581 : vector<16xi32>
        %reshape3A_1583 = vector.shape_cast %xor3A_1582 : vector<16xi32> to vector<16x1xi32>
        %gather3A_1584 = vector.shape_cast %reshape3A_1583 : vector<16x1xi32> to vector<16xi32>
        %gather3A_1585 = tpu.dynamic_gather %add3A_1575[%gather3A_1584] in [0] : vector<16xf32>, vector<16xi32> -> vector<16xf32>
        %add3A_1586 = arith.addf %add3A_1575, %gather3A_1585 : vector<16xf32>
        %xor3A_1587 = arith.constant 4 : i32
        %xor3A_1588 = vector.broadcast %xor3A_1587 : i32 to vector<16xi32>
        %xor3A_1589 = arith.xori %iota3A_1579, %xor3A_1588 : vector<16xi32>
        %reshape3A_1590 = vector.shape_cast %xor3A_1589 : vector<16xi32> to vector<16x1xi32>
        %gather3A_1591 = vector.shape_cast %reshape3A_1590 : vector<16x1xi32> to vector<16xi32>
        %gather3A_1592 = tpu.dynamic_gather %add3A_1586[%gather3A_1591] in [0] : vector<16xf32>, vector<16xi32> -> vector<16xf32>
        %add3A_1593 = arith.addf %add3A_1586, %gather3A_1592 : vector<16xf32>
        %xor3A_1594 = arith.constant 2 : i32
        %xor3A_1595 = vector.broadcast %xor3A_1594 : i32 to vector<16xi32>
        %xor3A_1596 = arith.xori %iota3A_1579, %xor3A_1595 : vector<16xi32>
        %reshape3A_1597 = vector.shape_cast %xor3A_1596 : vector<16xi32> to vector<16x1xi32>
        %gather3A_1598 = vector.shape_cast %reshape3A_1597 : vector<16x1xi32> to vector<16xi32>
        %gather3A_1599 = tpu.dynamic_gather %add3A_1593[%gather3A_1598] in [0] : vector<16xf32>, vector<16xi32> -> vector<16xf32>
        %add3A_1600 = arith.addf %add3A_1593, %gather3A_1599 : vector<16xf32>
        %xor3A_1601 = arith.constant 1 : i32
        %xor3A_1602 = vector.broadcast %xor3A_1601 : i32 to vector<16xi32>
        %xor3A_1603 = arith.xori %iota3A_1579, %xor3A_1602 : vector<16xi32>
        %reshape3A_1604 = vector.shape_cast %xor3A_1603 : vector<16xi32> to vector<16x1xi32>
        %gather3A_1605 = vector.shape_cast %reshape3A_1604 : vector<16x1xi32> to vector<16xi32>
        %gather3A_1606 = tpu.dynamic_gather %add3A_1600[%gather3A_1605] in [0] : vector<16xf32>, vector<16xi32> -> vector<16xf32>
        %add3A_1607 = arith.addf %add3A_1600, %gather3A_1606 : vector<16xf32>
        %select_n3A_1608 = arith.select %eq3A_1578, %add3A_1607, %select_n3A_1452 : vector<16xi1>, vector<16xf32>
        %mul3A_1609 = arith.constant 16 : i32
        %mul3A_1610 = arith.muli %scan3A_53, %mul3A_1609 : i32
        %add3A_1611 = arith.constant 10 : i32
        %add3A_1612 = arith.addi %mul3A_1610, %add3A_1611 : i32
        %get3A_1613 = arith.index_cast %add3A_1612 : i32 to index
        %get3A_1614 = arith.constant 0 : index
        %get3A_1615 = tpu.vector_load %arg11[%get3A_1613, %get3A_1614] {strides = array<i32>} : memref<128x128xf32, #tpu.memory_space<vmem>>, vector<16xf32>,
        %get3A_1616 = arith.index_cast %add3A_1612 : i32 to index
        %get3A_1617 = arith.constant 0 : index
        %get3A_1618 = tpu.vector_load %arg12[%get3A_1616, %get3A_1617] {strides = array<i32>} : memref<128x128xf32, #tpu.memory_space<vmem>>, vector<16xf32>,
        %add3A_1619 = arith.addf %get3A_1615, %get3A_1618 : vector<16xf32>
        %mul3A_1620 = arith.constant 2.000000e-01 : f32
        %mul3A_1621 = vector.broadcast %mul3A_1620 : f32 to vector<16xf32>
        %mul3A_1622 = arith.mulf %mul3A_1621, %add3A_1619 : vector<16xf32>
        %max3A_1623 = arith.maximumf %add3A_1619, %mul3A_1622 : vector<16xf32>
        %get3A_1624 = arith.constant 0 : index
        %get3A_1625 = tpu.vector_load %arg13[%get3A_1624] {strides = array<i32>} : memref<128xf32, #tpu.memory_space<vmem>>, vector<16xf32>,
        %mul3A_1626 = arith.mulf %get3A_1625, %max3A_1623 : vector<16xf32>
        %get3A_1627 = arith.index_cast %add3A_1612 : i32 to index
        %get3A_1628 = arith.constant 16 : index
        %get3A_1629 = tpu.vector_load %arg11[%get3A_1627, %get3A_1628] {strides = array<i32>} : memref<128x128xf32, #tpu.memory_space<vmem>>, vector<16xf32>,
        %get3A_1630 = arith.index_cast %add3A_1612 : i32 to index
        %get3A_1631 = arith.constant 16 : index
        %get3A_1632 = tpu.vector_load %arg12[%get3A_1630, %get3A_1631] {strides = array<i32>} : memref<128x128xf32, #tpu.memory_space<vmem>>, vector<16xf32>,
        %add3A_1633 = arith.addf %get3A_1629, %get3A_1632 : vector<16xf32>
        %mul3A_1634 = arith.constant 2.000000e-01 : f32
        %mul3A_1635 = vector.broadcast %mul3A_1634 : f32 to vector<16xf32>
        %mul3A_1636 = arith.mulf %mul3A_1635, %add3A_1633 : vector<16xf32>
        %max3A_1637 = arith.maximumf %add3A_1633, %mul3A_1636 : vector<16xf32>
        %get3A_1638 = arith.constant 16 : index
        %get3A_1639 = tpu.vector_load %arg13[%get3A_1638] {strides = array<i32>} : memref<128xf32, #tpu.memory_space<vmem>>, vector<16xf32>,
        %mul3A_1640 = arith.mulf %get3A_1639, %max3A_1637 : vector<16xf32>
        %add3A_1641 = arith.addf %mul3A_1626, %mul3A_1640 : vector<16xf32>
        %get3A_1642 = arith.index_cast %add3A_1612 : i32 to index
        %get3A_1643 = arith.constant 32 : index
        %get3A_1644 = tpu.vector_load %arg11[%get3A_1642, %get3A_1643] {strides = array<i32>} : memref<128x128xf32, #tpu.memory_space<vmem>>, vector<16xf32>,
        %get3A_1645 = arith.index_cast %add3A_1612 : i32 to index
        %get3A_1646 = arith.constant 32 : index
        %get3A_1647 = tpu.vector_load %arg12[%get3A_1645, %get3A_1646] {strides = array<i32>} : memref<128x128xf32, #tpu.memory_space<vmem>>, vector<16xf32>,
        %add3A_1648 = arith.addf %get3A_1644, %get3A_1647 : vector<16xf32>
        %mul3A_1649 = arith.constant 2.000000e-01 : f32
        %mul3A_1650 = vector.broadcast %mul3A_1649 : f32 to vector<16xf32>
        %mul3A_1651 = arith.mulf %mul3A_1650, %add3A_1648 : vector<16xf32>
        %max3A_1652 = arith.maximumf %add3A_1648, %mul3A_1651 : vector<16xf32>
        %get3A_1653 = arith.constant 32 : index
        %get3A_1654 = tpu.vector_load %arg13[%get3A_1653] {strides = array<i32>} : memref<128xf32, #tpu.memory_space<vmem>>, vector<16xf32>,
        %mul3A_1655 = arith.mulf %get3A_1654, %max3A_1652 : vector<16xf32>
        %add3A_1656 = arith.addf %add3A_1641, %mul3A_1655 : vector<16xf32>
        %get3A_1657 = arith.index_cast %add3A_1612 : i32 to index
        %get3A_1658 = arith.constant 48 : index
        %get3A_1659 = tpu.vector_load %arg11[%get3A_1657, %get3A_1658] {strides = array<i32>} : memref<128x128xf32, #tpu.memory_space<vmem>>, vector<16xf32>,
        %get3A_1660 = arith.index_cast %add3A_1612 : i32 to index
        %get3A_1661 = arith.constant 48 : index
        %get3A_1662 = tpu.vector_load %arg12[%get3A_1660, %get3A_1661] {strides = array<i32>} : memref<128x128xf32, #tpu.memory_space<vmem>>, vector<16xf32>,
        %add3A_1663 = arith.addf %get3A_1659, %get3A_1662 : vector<16xf32>
        %mul3A_1664 = arith.constant 2.000000e-01 : f32
        %mul3A_1665 = vector.broadcast %mul3A_1664 : f32 to vector<16xf32>
        %mul3A_1666 = arith.mulf %mul3A_1665, %add3A_1663 : vector<16xf32>
        %max3A_1667 = arith.maximumf %add3A_1663, %mul3A_1666 : vector<16xf32>
        %get3A_1668 = arith.constant 48 : index
        %get3A_1669 = tpu.vector_load %arg13[%get3A_1668] {strides = array<i32>} : memref<128xf32, #tpu.memory_space<vmem>>, vector<16xf32>,
        %mul3A_1670 = arith.mulf %get3A_1669, %max3A_1667 : vector<16xf32>
        %add3A_1671 = arith.addf %add3A_1656, %mul3A_1670 : vector<16xf32>
        %get3A_1672 = arith.index_cast %add3A_1612 : i32 to index
        %get3A_1673 = arith.constant 64 : index
        %get3A_1674 = tpu.vector_load %arg11[%get3A_1672, %get3A_1673] {strides = array<i32>} : memref<128x128xf32, #tpu.memory_space<vmem>>, vector<16xf32>,
        %get3A_1675 = arith.index_cast %add3A_1612 : i32 to index
        %get3A_1676 = arith.constant 64 : index
        %get3A_1677 = tpu.vector_load %arg12[%get3A_1675, %get3A_1676] {strides = array<i32>} : memref<128x128xf32, #tpu.memory_space<vmem>>, vector<16xf32>,
        %add3A_1678 = arith.addf %get3A_1674, %get3A_1677 : vector<16xf32>
        %mul3A_1679 = arith.constant 2.000000e-01 : f32
        %mul3A_1680 = vector.broadcast %mul3A_1679 : f32 to vector<16xf32>
        %mul3A_1681 = arith.mulf %mul3A_1680, %add3A_1678 : vector<16xf32>
        %max3A_1682 = arith.maximumf %add3A_1678, %mul3A_1681 : vector<16xf32>
        %get3A_1683 = arith.constant 64 : index
        %get3A_1684 = tpu.vector_load %arg13[%get3A_1683] {strides = array<i32>} : memref<128xf32, #tpu.memory_space<vmem>>, vector<16xf32>,
        %mul3A_1685 = arith.mulf %get3A_1684, %max3A_1682 : vector<16xf32>
        %add3A_1686 = arith.addf %add3A_1671, %mul3A_1685 : vector<16xf32>
        %get3A_1687 = arith.index_cast %add3A_1612 : i32 to index
        %get3A_1688 = arith.constant 80 : index
        %get3A_1689 = tpu.vector_load %arg11[%get3A_1687, %get3A_1688] {strides = array<i32>} : memref<128x128xf32, #tpu.memory_space<vmem>>, vector<16xf32>,
        %get3A_1690 = arith.index_cast %add3A_1612 : i32 to index
        %get3A_1691 = arith.constant 80 : index
        %get3A_1692 = tpu.vector_load %arg12[%get3A_1690, %get3A_1691] {strides = array<i32>} : memref<128x128xf32, #tpu.memory_space<vmem>>, vector<16xf32>,
        %add3A_1693 = arith.addf %get3A_1689, %get3A_1692 : vector<16xf32>
        %mul3A_1694 = arith.constant 2.000000e-01 : f32
        %mul3A_1695 = vector.broadcast %mul3A_1694 : f32 to vector<16xf32>
        %mul3A_1696 = arith.mulf %mul3A_1695, %add3A_1693 : vector<16xf32>
        %max3A_1697 = arith.maximumf %add3A_1693, %mul3A_1696 : vector<16xf32>
        %get3A_1698 = arith.constant 80 : index
        %get3A_1699 = tpu.vector_load %arg13[%get3A_1698] {strides = array<i32>} : memref<128xf32, #tpu.memory_space<vmem>>, vector<16xf32>,
        %mul3A_1700 = arith.mulf %get3A_1699, %max3A_1697 : vector<16xf32>
        %add3A_1701 = arith.addf %add3A_1686, %mul3A_1700 : vector<16xf32>
        %get3A_1702 = arith.index_cast %add3A_1612 : i32 to index
        %get3A_1703 = arith.constant 96 : index
        %get3A_1704 = tpu.vector_load %arg11[%get3A_1702, %get3A_1703] {strides = array<i32>} : memref<128x128xf32, #tpu.memory_space<vmem>>, vector<16xf32>,
        %get3A_1705 = arith.index_cast %add3A_1612 : i32 to index
        %get3A_1706 = arith.constant 96 : index
        %get3A_1707 = tpu.vector_load %arg12[%get3A_1705, %get3A_1706] {strides = array<i32>} : memref<128x128xf32, #tpu.memory_space<vmem>>, vector<16xf32>,
        %add3A_1708 = arith.addf %get3A_1704, %get3A_1707 : vector<16xf32>
        %mul3A_1709 = arith.constant 2.000000e-01 : f32
        %mul3A_1710 = vector.broadcast %mul3A_1709 : f32 to vector<16xf32>
        %mul3A_1711 = arith.mulf %mul3A_1710, %add3A_1708 : vector<16xf32>
        %max3A_1712 = arith.maximumf %add3A_1708, %mul3A_1711 : vector<16xf32>
        %get3A_1713 = arith.constant 96 : index
        %get3A_1714 = tpu.vector_load %arg13[%get3A_1713] {strides = array<i32>} : memref<128xf32, #tpu.memory_space<vmem>>, vector<16xf32>,
        %mul3A_1715 = arith.mulf %get3A_1714, %max3A_1712 : vector<16xf32>
        %add3A_1716 = arith.addf %add3A_1701, %mul3A_1715 : vector<16xf32>
        %get3A_1717 = arith.index_cast %add3A_1612 : i32 to index
        %get3A_1718 = arith.constant 112 : index
        %get3A_1719 = tpu.vector_load %arg11[%get3A_1717, %get3A_1718] {strides = array<i32>} : memref<128x128xf32, #tpu.memory_space<vmem>>, vector<16xf32>,
        %get3A_1720 = arith.index_cast %add3A_1612 : i32 to index
        %get3A_1721 = arith.constant 112 : index
        %get3A_1722 = tpu.vector_load %arg12[%get3A_1720, %get3A_1721] {strides = array<i32>} : memref<128x128xf32, #tpu.memory_space<vmem>>, vector<16xf32>,
        %add3A_1723 = arith.addf %get3A_1719, %get3A_1722 : vector<16xf32>
        %mul3A_1724 = arith.constant 2.000000e-01 : f32
        %mul3A_1725 = vector.broadcast %mul3A_1724 : f32 to vector<16xf32>
        %mul3A_1726 = arith.mulf %mul3A_1725, %add3A_1723 : vector<16xf32>
        %max3A_1727 = arith.maximumf %add3A_1723, %mul3A_1726 : vector<16xf32>
        %get3A_1728 = arith.constant 112 : index
        %get3A_1729 = tpu.vector_load %arg13[%get3A_1728] {strides = array<i32>} : memref<128xf32, #tpu.memory_space<vmem>>, vector<16xf32>,
        %mul3A_1730 = arith.mulf %get3A_1729, %max3A_1727 : vector<16xf32>
        %add3A_1731 = arith.addf %add3A_1716, %mul3A_1730 : vector<16xf32>
        %eq3A_1732 = arith.constant 10 : i32
        %eq3A_1733 = vector.broadcast %eq3A_1732 : i32 to vector<16xi32>
        %eq3A_1734 = arith.cmpi eq, %iota3A, %eq3A_1733 : vector<16xi32>
        %iota3A_1735 = tpu.iota {dimensions = array<i32: 0>} : vector<16xi32>
        %xor3A_1736 = arith.constant 8 : i32
        %xor3A_1737 = vector.broadcast %xor3A_1736 : i32 to vector<16xi32>
        %xor3A_1738 = arith.xori %iota3A_1735, %xor3A_1737 : vector<16xi32>
        %reshape3A_1739 = vector.shape_cast %xor3A_1738 : vector<16xi32> to vector<16x1xi32>
        %gather3A_1740 = vector.shape_cast %reshape3A_1739 : vector<16x1xi32> to vector<16xi32>
        %gather3A_1741 = tpu.dynamic_gather %add3A_1731[%gather3A_1740] in [0] : vector<16xf32>, vector<16xi32> -> vector<16xf32>
        %add3A_1742 = arith.addf %add3A_1731, %gather3A_1741 : vector<16xf32>
        %xor3A_1743 = arith.constant 4 : i32
        %xor3A_1744 = vector.broadcast %xor3A_1743 : i32 to vector<16xi32>
        %xor3A_1745 = arith.xori %iota3A_1735, %xor3A_1744 : vector<16xi32>
        %reshape3A_1746 = vector.shape_cast %xor3A_1745 : vector<16xi32> to vector<16x1xi32>
        %gather3A_1747 = vector.shape_cast %reshape3A_1746 : vector<16x1xi32> to vector<16xi32>
        %gather3A_1748 = tpu.dynamic_gather %add3A_1742[%gather3A_1747] in [0] : vector<16xf32>, vector<16xi32> -> vector<16xf32>
        %add3A_1749 = arith.addf %add3A_1742, %gather3A_1748 : vector<16xf32>
        %xor3A_1750 = arith.constant 2 : i32
        %xor3A_1751 = vector.broadcast %xor3A_1750 : i32 to vector<16xi32>
        %xor3A_1752 = arith.xori %iota3A_1735, %xor3A_1751 : vector<16xi32>
        %reshape3A_1753 = vector.shape_cast %xor3A_1752 : vector<16xi32> to vector<16x1xi32>
        %gather3A_1754 = vector.shape_cast %reshape3A_1753 : vector<16x1xi32> to vector<16xi32>
        %gather3A_1755 = tpu.dynamic_gather %add3A_1749[%gather3A_1754] in [0] : vector<16xf32>, vector<16xi32> -> vector<16xf32>
        %add3A_1756 = arith.addf %add3A_1749, %gather3A_1755 : vector<16xf32>
        %xor3A_1757 = arith.constant 1 : i32
        %xor3A_1758 = vector.broadcast %xor3A_1757 : i32 to vector<16xi32>
        %xor3A_1759 = arith.xori %iota3A_1735, %xor3A_1758 : vector<16xi32>
        %reshape3A_1760 = vector.shape_cast %xor3A_1759 : vector<16xi32> to vector<16x1xi32>
        %gather3A_1761 = vector.shape_cast %reshape3A_1760 : vector<16x1xi32> to vector<16xi32>
        %gather3A_1762 = tpu.dynamic_gather %add3A_1756[%gather3A_1761] in [0] : vector<16xf32>, vector<16xi32> -> vector<16xf32>
        %add3A_1763 = arith.addf %add3A_1756, %gather3A_1762 : vector<16xf32>
        %select_n3A_1764 = arith.select %eq3A_1734, %add3A_1763, %select_n3A_1608 : vector<16xi1>, vector<16xf32>
        %mul3A_1765 = arith.constant 16 : i32
        %mul3A_1766 = arith.muli %scan3A_53, %mul3A_1765 : i32
        %add3A_1767 = arith.constant 11 : i32
        %add3A_1768 = arith.addi %mul3A_1766, %add3A_1767 : i32
        %get3A_1769 = arith.index_cast %add3A_1768 : i32 to index
        %get3A_1770 = arith.constant 0 : index
        %get3A_1771 = tpu.vector_load %arg11[%get3A_1769, %get3A_1770] {strides = array<i32>} : memref<128x128xf32, #tpu.memory_space<vmem>>, vector<16xf32>,
        %get3A_1772 = arith.index_cast %add3A_1768 : i32 to index
        %get3A_1773 = arith.constant 0 : index
        %get3A_1774 = tpu.vector_load %arg12[%get3A_1772, %get3A_1773] {strides = array<i32>} : memref<128x128xf32, #tpu.memory_space<vmem>>, vector<16xf32>,
        %add3A_1775 = arith.addf %get3A_1771, %get3A_1774 : vector<16xf32>
        %mul3A_1776 = arith.constant 2.000000e-01 : f32
        %mul3A_1777 = vector.broadcast %mul3A_1776 : f32 to vector<16xf32>
        %mul3A_1778 = arith.mulf %mul3A_1777, %add3A_1775 : vector<16xf32>
        %max3A_1779 = arith.maximumf %add3A_1775, %mul3A_1778 : vector<16xf32>
        %get3A_1780 = arith.constant 0 : index
        %get3A_1781 = tpu.vector_load %arg13[%get3A_1780] {strides = array<i32>} : memref<128xf32, #tpu.memory_space<vmem>>, vector<16xf32>,
        %mul3A_1782 = arith.mulf %get3A_1781, %max3A_1779 : vector<16xf32>
        %get3A_1783 = arith.index_cast %add3A_1768 : i32 to index
        %get3A_1784 = arith.constant 16 : index
        %get3A_1785 = tpu.vector_load %arg11[%get3A_1783, %get3A_1784] {strides = array<i32>} : memref<128x128xf32, #tpu.memory_space<vmem>>, vector<16xf32>,
        %get3A_1786 = arith.index_cast %add3A_1768 : i32 to index
        %get3A_1787 = arith.constant 16 : index
        %get3A_1788 = tpu.vector_load %arg12[%get3A_1786, %get3A_1787] {strides = array<i32>} : memref<128x128xf32, #tpu.memory_space<vmem>>, vector<16xf32>,
        %add3A_1789 = arith.addf %get3A_1785, %get3A_1788 : vector<16xf32>
        %mul3A_1790 = arith.constant 2.000000e-01 : f32
        %mul3A_1791 = vector.broadcast %mul3A_1790 : f32 to vector<16xf32>
        %mul3A_1792 = arith.mulf %mul3A_1791, %add3A_1789 : vector<16xf32>
        %max3A_1793 = arith.maximumf %add3A_1789, %mul3A_1792 : vector<16xf32>
        %get3A_1794 = arith.constant 16 : index
        %get3A_1795 = tpu.vector_load %arg13[%get3A_1794] {strides = array<i32>} : memref<128xf32, #tpu.memory_space<vmem>>, vector<16xf32>,
        %mul3A_1796 = arith.mulf %get3A_1795, %max3A_1793 : vector<16xf32>
        %add3A_1797 = arith.addf %mul3A_1782, %mul3A_1796 : vector<16xf32>
        %get3A_1798 = arith.index_cast %add3A_1768 : i32 to index
        %get3A_1799 = arith.constant 32 : index
        %get3A_1800 = tpu.vector_load %arg11[%get3A_1798, %get3A_1799] {strides = array<i32>} : memref<128x128xf32, #tpu.memory_space<vmem>>, vector<16xf32>,
        %get3A_1801 = arith.index_cast %add3A_1768 : i32 to index
        %get3A_1802 = arith.constant 32 : index
        %get3A_1803 = tpu.vector_load %arg12[%get3A_1801, %get3A_1802] {strides = array<i32>} : memref<128x128xf32, #tpu.memory_space<vmem>>, vector<16xf32>,
        %add3A_1804 = arith.addf %get3A_1800, %get3A_1803 : vector<16xf32>
        %mul3A_1805 = arith.constant 2.000000e-01 : f32
        %mul3A_1806 = vector.broadcast %mul3A_1805 : f32 to vector<16xf32>
        %mul3A_1807 = arith.mulf %mul3A_1806, %add3A_1804 : vector<16xf32>
        %max3A_1808 = arith.maximumf %add3A_1804, %mul3A_1807 : vector<16xf32>
        %get3A_1809 = arith.constant 32 : index
        %get3A_1810 = tpu.vector_load %arg13[%get3A_1809] {strides = array<i32>} : memref<128xf32, #tpu.memory_space<vmem>>, vector<16xf32>,
        %mul3A_1811 = arith.mulf %get3A_1810, %max3A_1808 : vector<16xf32>
        %add3A_1812 = arith.addf %add3A_1797, %mul3A_1811 : vector<16xf32>
        %get3A_1813 = arith.index_cast %add3A_1768 : i32 to index
        %get3A_1814 = arith.constant 48 : index
        %get3A_1815 = tpu.vector_load %arg11[%get3A_1813, %get3A_1814] {strides = array<i32>} : memref<128x128xf32, #tpu.memory_space<vmem>>, vector<16xf32>,
        %get3A_1816 = arith.index_cast %add3A_1768 : i32 to index
        %get3A_1817 = arith.constant 48 : index
        %get3A_1818 = tpu.vector_load %arg12[%get3A_1816, %get3A_1817] {strides = array<i32>} : memref<128x128xf32, #tpu.memory_space<vmem>>, vector<16xf32>,
        %add3A_1819 = arith.addf %get3A_1815, %get3A_1818 : vector<16xf32>
        %mul3A_1820 = arith.constant 2.000000e-01 : f32
        %mul3A_1821 = vector.broadcast %mul3A_1820 : f32 to vector<16xf32>
        %mul3A_1822 = arith.mulf %mul3A_1821, %add3A_1819 : vector<16xf32>
        %max3A_1823 = arith.maximumf %add3A_1819, %mul3A_1822 : vector<16xf32>
        %get3A_1824 = arith.constant 48 : index
        %get3A_1825 = tpu.vector_load %arg13[%get3A_1824] {strides = array<i32>} : memref<128xf32, #tpu.memory_space<vmem>>, vector<16xf32>,
        %mul3A_1826 = arith.mulf %get3A_1825, %max3A_1823 : vector<16xf32>
        %add3A_1827 = arith.addf %add3A_1812, %mul3A_1826 : vector<16xf32>
        %get3A_1828 = arith.index_cast %add3A_1768 : i32 to index
        %get3A_1829 = arith.constant 64 : index
        %get3A_1830 = tpu.vector_load %arg11[%get3A_1828, %get3A_1829] {strides = array<i32>} : memref<128x128xf32, #tpu.memory_space<vmem>>, vector<16xf32>,
        %get3A_1831 = arith.index_cast %add3A_1768 : i32 to index
        %get3A_1832 = arith.constant 64 : index
        %get3A_1833 = tpu.vector_load %arg12[%get3A_1831, %get3A_1832] {strides = array<i32>} : memref<128x128xf32, #tpu.memory_space<vmem>>, vector<16xf32>,
        %add3A_1834 = arith.addf %get3A_1830, %get3A_1833 : vector<16xf32>
        %mul3A_1835 = arith.constant 2.000000e-01 : f32
        %mul3A_1836 = vector.broadcast %mul3A_1835 : f32 to vector<16xf32>
        %mul3A_1837 = arith.mulf %mul3A_1836, %add3A_1834 : vector<16xf32>
        %max3A_1838 = arith.maximumf %add3A_1834, %mul3A_1837 : vector<16xf32>
        %get3A_1839 = arith.constant 64 : index
        %get3A_1840 = tpu.vector_load %arg13[%get3A_1839] {strides = array<i32>} : memref<128xf32, #tpu.memory_space<vmem>>, vector<16xf32>,
        %mul3A_1841 = arith.mulf %get3A_1840, %max3A_1838 : vector<16xf32>
        %add3A_1842 = arith.addf %add3A_1827, %mul3A_1841 : vector<16xf32>
        %get3A_1843 = arith.index_cast %add3A_1768 : i32 to index
        %get3A_1844 = arith.constant 80 : index
        %get3A_1845 = tpu.vector_load %arg11[%get3A_1843, %get3A_1844] {strides = array<i32>} : memref<128x128xf32, #tpu.memory_space<vmem>>, vector<16xf32>,
        %get3A_1846 = arith.index_cast %add3A_1768 : i32 to index
        %get3A_1847 = arith.constant 80 : index
        %get3A_1848 = tpu.vector_load %arg12[%get3A_1846, %get3A_1847] {strides = array<i32>} : memref<128x128xf32, #tpu.memory_space<vmem>>, vector<16xf32>,
        %add3A_1849 = arith.addf %get3A_1845, %get3A_1848 : vector<16xf32>
        %mul3A_1850 = arith.constant 2.000000e-01 : f32
        %mul3A_1851 = vector.broadcast %mul3A_1850 : f32 to vector<16xf32>
        %mul3A_1852 = arith.mulf %mul3A_1851, %add3A_1849 : vector<16xf32>
        %max3A_1853 = arith.maximumf %add3A_1849, %mul3A_1852 : vector<16xf32>
        %get3A_1854 = arith.constant 80 : index
        %get3A_1855 = tpu.vector_load %arg13[%get3A_1854] {strides = array<i32>} : memref<128xf32, #tpu.memory_space<vmem>>, vector<16xf32>,
        %mul3A_1856 = arith.mulf %get3A_1855, %max3A_1853 : vector<16xf32>
        %add3A_1857 = arith.addf %add3A_1842, %mul3A_1856 : vector<16xf32>
        %get3A_1858 = arith.index_cast %add3A_1768 : i32 to index
        %get3A_1859 = arith.constant 96 : index
        %get3A_1860 = tpu.vector_load %arg11[%get3A_1858, %get3A_1859] {strides = array<i32>} : memref<128x128xf32, #tpu.memory_space<vmem>>, vector<16xf32>,
        %get3A_1861 = arith.index_cast %add3A_1768 : i32 to index
        %get3A_1862 = arith.constant 96 : index
        %get3A_1863 = tpu.vector_load %arg12[%get3A_1861, %get3A_1862] {strides = array<i32>} : memref<128x128xf32, #tpu.memory_space<vmem>>, vector<16xf32>,
        %add3A_1864 = arith.addf %get3A_1860, %get3A_1863 : vector<16xf32>
        %mul3A_1865 = arith.constant 2.000000e-01 : f32
        %mul3A_1866 = vector.broadcast %mul3A_1865 : f32 to vector<16xf32>
        %mul3A_1867 = arith.mulf %mul3A_1866, %add3A_1864 : vector<16xf32>
        %max3A_1868 = arith.maximumf %add3A_1864, %mul3A_1867 : vector<16xf32>
        %get3A_1869 = arith.constant 96 : index
        %get3A_1870 = tpu.vector_load %arg13[%get3A_1869] {strides = array<i32>} : memref<128xf32, #tpu.memory_space<vmem>>, vector<16xf32>,
        %mul3A_1871 = arith.mulf %get3A_1870, %max3A_1868 : vector<16xf32>
        %add3A_1872 = arith.addf %add3A_1857, %mul3A_1871 : vector<16xf32>
        %get3A_1873 = arith.index_cast %add3A_1768 : i32 to index
        %get3A_1874 = arith.constant 112 : index
        %get3A_1875 = tpu.vector_load %arg11[%get3A_1873, %get3A_1874] {strides = array<i32>} : memref<128x128xf32, #tpu.memory_space<vmem>>, vector<16xf32>,
        %get3A_1876 = arith.index_cast %add3A_1768 : i32 to index
        %get3A_1877 = arith.constant 112 : index
        %get3A_1878 = tpu.vector_load %arg12[%get3A_1876, %get3A_1877] {strides = array<i32>} : memref<128x128xf32, #tpu.memory_space<vmem>>, vector<16xf32>,
        %add3A_1879 = arith.addf %get3A_1875, %get3A_1878 : vector<16xf32>
        %mul3A_1880 = arith.constant 2.000000e-01 : f32
        %mul3A_1881 = vector.broadcast %mul3A_1880 : f32 to vector<16xf32>
        %mul3A_1882 = arith.mulf %mul3A_1881, %add3A_1879 : vector<16xf32>
        %max3A_1883 = arith.maximumf %add3A_1879, %mul3A_1882 : vector<16xf32>
        %get3A_1884 = arith.constant 112 : index
        %get3A_1885 = tpu.vector_load %arg13[%get3A_1884] {strides = array<i32>} : memref<128xf32, #tpu.memory_space<vmem>>, vector<16xf32>,
        %mul3A_1886 = arith.mulf %get3A_1885, %max3A_1883 : vector<16xf32>
        %add3A_1887 = arith.addf %add3A_1872, %mul3A_1886 : vector<16xf32>
        %eq3A_1888 = arith.constant 11 : i32
        %eq3A_1889 = vector.broadcast %eq3A_1888 : i32 to vector<16xi32>
        %eq3A_1890 = arith.cmpi eq, %iota3A, %eq3A_1889 : vector<16xi32>
        %iota3A_1891 = tpu.iota {dimensions = array<i32: 0>} : vector<16xi32>
        %xor3A_1892 = arith.constant 8 : i32
        %xor3A_1893 = vector.broadcast %xor3A_1892 : i32 to vector<16xi32>
        %xor3A_1894 = arith.xori %iota3A_1891, %xor3A_1893 : vector<16xi32>
        %reshape3A_1895 = vector.shape_cast %xor3A_1894 : vector<16xi32> to vector<16x1xi32>
        %gather3A_1896 = vector.shape_cast %reshape3A_1895 : vector<16x1xi32> to vector<16xi32>
        %gather3A_1897 = tpu.dynamic_gather %add3A_1887[%gather3A_1896] in [0] : vector<16xf32>, vector<16xi32> -> vector<16xf32>
        %add3A_1898 = arith.addf %add3A_1887, %gather3A_1897 : vector<16xf32>
        %xor3A_1899 = arith.constant 4 : i32
        %xor3A_1900 = vector.broadcast %xor3A_1899 : i32 to vector<16xi32>
        %xor3A_1901 = arith.xori %iota3A_1891, %xor3A_1900 : vector<16xi32>
        %reshape3A_1902 = vector.shape_cast %xor3A_1901 : vector<16xi32> to vector<16x1xi32>
        %gather3A_1903 = vector.shape_cast %reshape3A_1902 : vector<16x1xi32> to vector<16xi32>
        %gather3A_1904 = tpu.dynamic_gather %add3A_1898[%gather3A_1903] in [0] : vector<16xf32>, vector<16xi32> -> vector<16xf32>
        %add3A_1905 = arith.addf %add3A_1898, %gather3A_1904 : vector<16xf32>
        %xor3A_1906 = arith.constant 2 : i32
        %xor3A_1907 = vector.broadcast %xor3A_1906 : i32 to vector<16xi32>
        %xor3A_1908 = arith.xori %iota3A_1891, %xor3A_1907 : vector<16xi32>
        %reshape3A_1909 = vector.shape_cast %xor3A_1908 : vector<16xi32> to vector<16x1xi32>
        %gather3A_1910 = vector.shape_cast %reshape3A_1909 : vector<16x1xi32> to vector<16xi32>
        %gather3A_1911 = tpu.dynamic_gather %add3A_1905[%gather3A_1910] in [0] : vector<16xf32>, vector<16xi32> -> vector<16xf32>
        %add3A_1912 = arith.addf %add3A_1905, %gather3A_1911 : vector<16xf32>
        %xor3A_1913 = arith.constant 1 : i32
        %xor3A_1914 = vector.broadcast %xor3A_1913 : i32 to vector<16xi32>
        %xor3A_1915 = arith.xori %iota3A_1891, %xor3A_1914 : vector<16xi32>
        %reshape3A_1916 = vector.shape_cast %xor3A_1915 : vector<16xi32> to vector<16x1xi32>
        %gather3A_1917 = vector.shape_cast %reshape3A_1916 : vector<16x1xi32> to vector<16xi32>
        %gather3A_1918 = tpu.dynamic_gather %add3A_1912[%gather3A_1917] in [0] : vector<16xf32>, vector<16xi32> -> vector<16xf32>
        %add3A_1919 = arith.addf %add3A_1912, %gather3A_1918 : vector<16xf32>
        %select_n3A_1920 = arith.select %eq3A_1890, %add3A_1919, %select_n3A_1764 : vector<16xi1>, vector<16xf32>
        %mul3A_1921 = arith.constant 16 : i32
        %mul3A_1922 = arith.muli %scan3A_53, %mul3A_1921 : i32
        %add3A_1923 = arith.constant 12 : i32
        %add3A_1924 = arith.addi %mul3A_1922, %add3A_1923 : i32
        %get3A_1925 = arith.index_cast %add3A_1924 : i32 to index
        %get3A_1926 = arith.constant 0 : index
        %get3A_1927 = tpu.vector_load %arg11[%get3A_1925, %get3A_1926] {strides = array<i32>} : memref<128x128xf32, #tpu.memory_space<vmem>>, vector<16xf32>,
        %get3A_1928 = arith.index_cast %add3A_1924 : i32 to index
        %get3A_1929 = arith.constant 0 : index
        %get3A_1930 = tpu.vector_load %arg12[%get3A_1928, %get3A_1929] {strides = array<i32>} : memref<128x128xf32, #tpu.memory_space<vmem>>, vector<16xf32>,
        %add3A_1931 = arith.addf %get3A_1927, %get3A_1930 : vector<16xf32>
        %mul3A_1932 = arith.constant 2.000000e-01 : f32
        %mul3A_1933 = vector.broadcast %mul3A_1932 : f32 to vector<16xf32>
        %mul3A_1934 = arith.mulf %mul3A_1933, %add3A_1931 : vector<16xf32>
        %max3A_1935 = arith.maximumf %add3A_1931, %mul3A_1934 : vector<16xf32>
        %get3A_1936 = arith.constant 0 : index
        %get3A_1937 = tpu.vector_load %arg13[%get3A_1936] {strides = array<i32>} : memref<128xf32, #tpu.memory_space<vmem>>, vector<16xf32>,
        %mul3A_1938 = arith.mulf %get3A_1937, %max3A_1935 : vector<16xf32>
        %get3A_1939 = arith.index_cast %add3A_1924 : i32 to index
        %get3A_1940 = arith.constant 16 : index
        %get3A_1941 = tpu.vector_load %arg11[%get3A_1939, %get3A_1940] {strides = array<i32>} : memref<128x128xf32, #tpu.memory_space<vmem>>, vector<16xf32>,
        %get3A_1942 = arith.index_cast %add3A_1924 : i32 to index
        %get3A_1943 = arith.constant 16 : index
        %get3A_1944 = tpu.vector_load %arg12[%get3A_1942, %get3A_1943] {strides = array<i32>} : memref<128x128xf32, #tpu.memory_space<vmem>>, vector<16xf32>,
        %add3A_1945 = arith.addf %get3A_1941, %get3A_1944 : vector<16xf32>
        %mul3A_1946 = arith.constant 2.000000e-01 : f32
        %mul3A_1947 = vector.broadcast %mul3A_1946 : f32 to vector<16xf32>
        %mul3A_1948 = arith.mulf %mul3A_1947, %add3A_1945 : vector<16xf32>
        %max3A_1949 = arith.maximumf %add3A_1945, %mul3A_1948 : vector<16xf32>
        %get3A_1950 = arith.constant 16 : index
        %get3A_1951 = tpu.vector_load %arg13[%get3A_1950] {strides = array<i32>} : memref<128xf32, #tpu.memory_space<vmem>>, vector<16xf32>,
        %mul3A_1952 = arith.mulf %get3A_1951, %max3A_1949 : vector<16xf32>
        %add3A_1953 = arith.addf %mul3A_1938, %mul3A_1952 : vector<16xf32>
        %get3A_1954 = arith.index_cast %add3A_1924 : i32 to index
        %get3A_1955 = arith.constant 32 : index
        %get3A_1956 = tpu.vector_load %arg11[%get3A_1954, %get3A_1955] {strides = array<i32>} : memref<128x128xf32, #tpu.memory_space<vmem>>, vector<16xf32>,
        %get3A_1957 = arith.index_cast %add3A_1924 : i32 to index
        %get3A_1958 = arith.constant 32 : index
        %get3A_1959 = tpu.vector_load %arg12[%get3A_1957, %get3A_1958] {strides = array<i32>} : memref<128x128xf32, #tpu.memory_space<vmem>>, vector<16xf32>,
        %add3A_1960 = arith.addf %get3A_1956, %get3A_1959 : vector<16xf32>
        %mul3A_1961 = arith.constant 2.000000e-01 : f32
        %mul3A_1962 = vector.broadcast %mul3A_1961 : f32 to vector<16xf32>
        %mul3A_1963 = arith.mulf %mul3A_1962, %add3A_1960 : vector<16xf32>
        %max3A_1964 = arith.maximumf %add3A_1960, %mul3A_1963 : vector<16xf32>
        %get3A_1965 = arith.constant 32 : index
        %get3A_1966 = tpu.vector_load %arg13[%get3A_1965] {strides = array<i32>} : memref<128xf32, #tpu.memory_space<vmem>>, vector<16xf32>,
        %mul3A_1967 = arith.mulf %get3A_1966, %max3A_1964 : vector<16xf32>
        %add3A_1968 = arith.addf %add3A_1953, %mul3A_1967 : vector<16xf32>
        %get3A_1969 = arith.index_cast %add3A_1924 : i32 to index
        %get3A_1970 = arith.constant 48 : index
        %get3A_1971 = tpu.vector_load %arg11[%get3A_1969, %get3A_1970] {strides = array<i32>} : memref<128x128xf32, #tpu.memory_space<vmem>>, vector<16xf32>,
        %get3A_1972 = arith.index_cast %add3A_1924 : i32 to index
        %get3A_1973 = arith.constant 48 : index
        %get3A_1974 = tpu.vector_load %arg12[%get3A_1972, %get3A_1973] {strides = array<i32>} : memref<128x128xf32, #tpu.memory_space<vmem>>, vector<16xf32>,
        %add3A_1975 = arith.addf %get3A_1971, %get3A_1974 : vector<16xf32>
        %mul3A_1976 = arith.constant 2.000000e-01 : f32
        %mul3A_1977 = vector.broadcast %mul3A_1976 : f32 to vector<16xf32>
        %mul3A_1978 = arith.mulf %mul3A_1977, %add3A_1975 : vector<16xf32>
        %max3A_1979 = arith.maximumf %add3A_1975, %mul3A_1978 : vector<16xf32>
        %get3A_1980 = arith.constant 48 : index
        %get3A_1981 = tpu.vector_load %arg13[%get3A_1980] {strides = array<i32>} : memref<128xf32, #tpu.memory_space<vmem>>, vector<16xf32>,
        %mul3A_1982 = arith.mulf %get3A_1981, %max3A_1979 : vector<16xf32>
        %add3A_1983 = arith.addf %add3A_1968, %mul3A_1982 : vector<16xf32>
        %get3A_1984 = arith.index_cast %add3A_1924 : i32 to index
        %get3A_1985 = arith.constant 64 : index
        %get3A_1986 = tpu.vector_load %arg11[%get3A_1984, %get3A_1985] {strides = array<i32>} : memref<128x128xf32, #tpu.memory_space<vmem>>, vector<16xf32>,
        %get3A_1987 = arith.index_cast %add3A_1924 : i32 to index
        %get3A_1988 = arith.constant 64 : index
        %get3A_1989 = tpu.vector_load %arg12[%get3A_1987, %get3A_1988] {strides = array<i32>} : memref<128x128xf32, #tpu.memory_space<vmem>>, vector<16xf32>,
        %add3A_1990 = arith.addf %get3A_1986, %get3A_1989 : vector<16xf32>
        %mul3A_1991 = arith.constant 2.000000e-01 : f32
        %mul3A_1992 = vector.broadcast %mul3A_1991 : f32 to vector<16xf32>
        %mul3A_1993 = arith.mulf %mul3A_1992, %add3A_1990 : vector<16xf32>
        %max3A_1994 = arith.maximumf %add3A_1990, %mul3A_1993 : vector<16xf32>
        %get3A_1995 = arith.constant 64 : index
        %get3A_1996 = tpu.vector_load %arg13[%get3A_1995] {strides = array<i32>} : memref<128xf32, #tpu.memory_space<vmem>>, vector<16xf32>,
        %mul3A_1997 = arith.mulf %get3A_1996, %max3A_1994 : vector<16xf32>
        %add3A_1998 = arith.addf %add3A_1983, %mul3A_1997 : vector<16xf32>
        %get3A_1999 = arith.index_cast %add3A_1924 : i32 to index
        %get3A_2000 = arith.constant 80 : index
        %get3A_2001 = tpu.vector_load %arg11[%get3A_1999, %get3A_2000] {strides = array<i32>} : memref<128x128xf32, #tpu.memory_space<vmem>>, vector<16xf32>,
        %get3A_2002 = arith.index_cast %add3A_1924 : i32 to index
        %get3A_2003 = arith.constant 80 : index
        %get3A_2004 = tpu.vector_load %arg12[%get3A_2002, %get3A_2003] {strides = array<i32>} : memref<128x128xf32, #tpu.memory_space<vmem>>, vector<16xf32>,
        %add3A_2005 = arith.addf %get3A_2001, %get3A_2004 : vector<16xf32>
        %mul3A_2006 = arith.constant 2.000000e-01 : f32
        %mul3A_2007 = vector.broadcast %mul3A_2006 : f32 to vector<16xf32>
        %mul3A_2008 = arith.mulf %mul3A_2007, %add3A_2005 : vector<16xf32>
        %max3A_2009 = arith.maximumf %add3A_2005, %mul3A_2008 : vector<16xf32>
        %get3A_2010 = arith.constant 80 : index
        %get3A_2011 = tpu.vector_load %arg13[%get3A_2010] {strides = array<i32>} : memref<128xf32, #tpu.memory_space<vmem>>, vector<16xf32>,
        %mul3A_2012 = arith.mulf %get3A_2011, %max3A_2009 : vector<16xf32>
        %add3A_2013 = arith.addf %add3A_1998, %mul3A_2012 : vector<16xf32>
        %get3A_2014 = arith.index_cast %add3A_1924 : i32 to index
        %get3A_2015 = arith.constant 96 : index
        %get3A_2016 = tpu.vector_load %arg11[%get3A_2014, %get3A_2015] {strides = array<i32>} : memref<128x128xf32, #tpu.memory_space<vmem>>, vector<16xf32>,
        %get3A_2017 = arith.index_cast %add3A_1924 : i32 to index
        %get3A_2018 = arith.constant 96 : index
        %get3A_2019 = tpu.vector_load %arg12[%get3A_2017, %get3A_2018] {strides = array<i32>} : memref<128x128xf32, #tpu.memory_space<vmem>>, vector<16xf32>,
        %add3A_2020 = arith.addf %get3A_2016, %get3A_2019 : vector<16xf32>
        %mul3A_2021 = arith.constant 2.000000e-01 : f32
        %mul3A_2022 = vector.broadcast %mul3A_2021 : f32 to vector<16xf32>
        %mul3A_2023 = arith.mulf %mul3A_2022, %add3A_2020 : vector<16xf32>
        %max3A_2024 = arith.maximumf %add3A_2020, %mul3A_2023 : vector<16xf32>
        %get3A_2025 = arith.constant 96 : index
        %get3A_2026 = tpu.vector_load %arg13[%get3A_2025] {strides = array<i32>} : memref<128xf32, #tpu.memory_space<vmem>>, vector<16xf32>,
        %mul3A_2027 = arith.mulf %get3A_2026, %max3A_2024 : vector<16xf32>
        %add3A_2028 = arith.addf %add3A_2013, %mul3A_2027 : vector<16xf32>
        %get3A_2029 = arith.index_cast %add3A_1924 : i32 to index
        %get3A_2030 = arith.constant 112 : index
        %get3A_2031 = tpu.vector_load %arg11[%get3A_2029, %get3A_2030] {strides = array<i32>} : memref<128x128xf32, #tpu.memory_space<vmem>>, vector<16xf32>,
        %get3A_2032 = arith.index_cast %add3A_1924 : i32 to index
        %get3A_2033 = arith.constant 112 : index
        %get3A_2034 = tpu.vector_load %arg12[%get3A_2032, %get3A_2033] {strides = array<i32>} : memref<128x128xf32, #tpu.memory_space<vmem>>, vector<16xf32>,
        %add3A_2035 = arith.addf %get3A_2031, %get3A_2034 : vector<16xf32>
        %mul3A_2036 = arith.constant 2.000000e-01 : f32
        %mul3A_2037 = vector.broadcast %mul3A_2036 : f32 to vector<16xf32>
        %mul3A_2038 = arith.mulf %mul3A_2037, %add3A_2035 : vector<16xf32>
        %max3A_2039 = arith.maximumf %add3A_2035, %mul3A_2038 : vector<16xf32>
        %get3A_2040 = arith.constant 112 : index
        %get3A_2041 = tpu.vector_load %arg13[%get3A_2040] {strides = array<i32>} : memref<128xf32, #tpu.memory_space<vmem>>, vector<16xf32>,
        %mul3A_2042 = arith.mulf %get3A_2041, %max3A_2039 : vector<16xf32>
        %add3A_2043 = arith.addf %add3A_2028, %mul3A_2042 : vector<16xf32>
        %eq3A_2044 = arith.constant 12 : i32
        %eq3A_2045 = vector.broadcast %eq3A_2044 : i32 to vector<16xi32>
        %eq3A_2046 = arith.cmpi eq, %iota3A, %eq3A_2045 : vector<16xi32>
        %iota3A_2047 = tpu.iota {dimensions = array<i32: 0>} : vector<16xi32>
        %xor3A_2048 = arith.constant 8 : i32
        %xor3A_2049 = vector.broadcast %xor3A_2048 : i32 to vector<16xi32>
        %xor3A_2050 = arith.xori %iota3A_2047, %xor3A_2049 : vector<16xi32>
        %reshape3A_2051 = vector.shape_cast %xor3A_2050 : vector<16xi32> to vector<16x1xi32>
        %gather3A_2052 = vector.shape_cast %reshape3A_2051 : vector<16x1xi32> to vector<16xi32>
        %gather3A_2053 = tpu.dynamic_gather %add3A_2043[%gather3A_2052] in [0] : vector<16xf32>, vector<16xi32> -> vector<16xf32>
        %add3A_2054 = arith.addf %add3A_2043, %gather3A_2053 : vector<16xf32>
        %xor3A_2055 = arith.constant 4 : i32
        %xor3A_2056 = vector.broadcast %xor3A_2055 : i32 to vector<16xi32>
        %xor3A_2057 = arith.xori %iota3A_2047, %xor3A_2056 : vector<16xi32>
        %reshape3A_2058 = vector.shape_cast %xor3A_2057 : vector<16xi32> to vector<16x1xi32>
        %gather3A_2059 = vector.shape_cast %reshape3A_2058 : vector<16x1xi32> to vector<16xi32>
        %gather3A_2060 = tpu.dynamic_gather %add3A_2054[%gather3A_2059] in [0] : vector<16xf32>, vector<16xi32> -> vector<16xf32>
        %add3A_2061 = arith.addf %add3A_2054, %gather3A_2060 : vector<16xf32>
        %xor3A_2062 = arith.constant 2 : i32
        %xor3A_2063 = vector.broadcast %xor3A_2062 : i32 to vector<16xi32>
        %xor3A_2064 = arith.xori %iota3A_2047, %xor3A_2063 : vector<16xi32>
        %reshape3A_2065 = vector.shape_cast %xor3A_2064 : vector<16xi32> to vector<16x1xi32>
        %gather3A_2066 = vector.shape_cast %reshape3A_2065 : vector<16x1xi32> to vector<16xi32>
        %gather3A_2067 = tpu.dynamic_gather %add3A_2061[%gather3A_2066] in [0] : vector<16xf32>, vector<16xi32> -> vector<16xf32>
        %add3A_2068 = arith.addf %add3A_2061, %gather3A_2067 : vector<16xf32>
        %xor3A_2069 = arith.constant 1 : i32
        %xor3A_2070 = vector.broadcast %xor3A_2069 : i32 to vector<16xi32>
        %xor3A_2071 = arith.xori %iota3A_2047, %xor3A_2070 : vector<16xi32>
        %reshape3A_2072 = vector.shape_cast %xor3A_2071 : vector<16xi32> to vector<16x1xi32>
        %gather3A_2073 = vector.shape_cast %reshape3A_2072 : vector<16x1xi32> to vector<16xi32>
        %gather3A_2074 = tpu.dynamic_gather %add3A_2068[%gather3A_2073] in [0] : vector<16xf32>, vector<16xi32> -> vector<16xf32>
        %add3A_2075 = arith.addf %add3A_2068, %gather3A_2074 : vector<16xf32>
        %select_n3A_2076 = arith.select %eq3A_2046, %add3A_2075, %select_n3A_1920 : vector<16xi1>, vector<16xf32>
        %mul3A_2077 = arith.constant 16 : i32
        %mul3A_2078 = arith.muli %scan3A_53, %mul3A_2077 : i32
        %add3A_2079 = arith.constant 13 : i32
        %add3A_2080 = arith.addi %mul3A_2078, %add3A_2079 : i32
        %get3A_2081 = arith.index_cast %add3A_2080 : i32 to index
        %get3A_2082 = arith.constant 0 : index
        %get3A_2083 = tpu.vector_load %arg11[%get3A_2081, %get3A_2082] {strides = array<i32>} : memref<128x128xf32, #tpu.memory_space<vmem>>, vector<16xf32>,
        %get3A_2084 = arith.index_cast %add3A_2080 : i32 to index
        %get3A_2085 = arith.constant 0 : index
        %get3A_2086 = tpu.vector_load %arg12[%get3A_2084, %get3A_2085] {strides = array<i32>} : memref<128x128xf32, #tpu.memory_space<vmem>>, vector<16xf32>,
        %add3A_2087 = arith.addf %get3A_2083, %get3A_2086 : vector<16xf32>
        %mul3A_2088 = arith.constant 2.000000e-01 : f32
        %mul3A_2089 = vector.broadcast %mul3A_2088 : f32 to vector<16xf32>
        %mul3A_2090 = arith.mulf %mul3A_2089, %add3A_2087 : vector<16xf32>
        %max3A_2091 = arith.maximumf %add3A_2087, %mul3A_2090 : vector<16xf32>
        %get3A_2092 = arith.constant 0 : index
        %get3A_2093 = tpu.vector_load %arg13[%get3A_2092] {strides = array<i32>} : memref<128xf32, #tpu.memory_space<vmem>>, vector<16xf32>,
        %mul3A_2094 = arith.mulf %get3A_2093, %max3A_2091 : vector<16xf32>
        %get3A_2095 = arith.index_cast %add3A_2080 : i32 to index
        %get3A_2096 = arith.constant 16 : index
        %get3A_2097 = tpu.vector_load %arg11[%get3A_2095, %get3A_2096] {strides = array<i32>} : memref<128x128xf32, #tpu.memory_space<vmem>>, vector<16xf32>,
        %get3A_2098 = arith.index_cast %add3A_2080 : i32 to index
        %get3A_2099 = arith.constant 16 : index
        %get3A_2100 = tpu.vector_load %arg12[%get3A_2098, %get3A_2099] {strides = array<i32>} : memref<128x128xf32, #tpu.memory_space<vmem>>, vector<16xf32>,
        %add3A_2101 = arith.addf %get3A_2097, %get3A_2100 : vector<16xf32>
        %mul3A_2102 = arith.constant 2.000000e-01 : f32
        %mul3A_2103 = vector.broadcast %mul3A_2102 : f32 to vector<16xf32>
        %mul3A_2104 = arith.mulf %mul3A_2103, %add3A_2101 : vector<16xf32>
        %max3A_2105 = arith.maximumf %add3A_2101, %mul3A_2104 : vector<16xf32>
        %get3A_2106 = arith.constant 16 : index
        %get3A_2107 = tpu.vector_load %arg13[%get3A_2106] {strides = array<i32>} : memref<128xf32, #tpu.memory_space<vmem>>, vector<16xf32>,
        %mul3A_2108 = arith.mulf %get3A_2107, %max3A_2105 : vector<16xf32>
        %add3A_2109 = arith.addf %mul3A_2094, %mul3A_2108 : vector<16xf32>
        %get3A_2110 = arith.index_cast %add3A_2080 : i32 to index
        %get3A_2111 = arith.constant 32 : index
        %get3A_2112 = tpu.vector_load %arg11[%get3A_2110, %get3A_2111] {strides = array<i32>} : memref<128x128xf32, #tpu.memory_space<vmem>>, vector<16xf32>,
        %get3A_2113 = arith.index_cast %add3A_2080 : i32 to index
        %get3A_2114 = arith.constant 32 : index
        %get3A_2115 = tpu.vector_load %arg12[%get3A_2113, %get3A_2114] {strides = array<i32>} : memref<128x128xf32, #tpu.memory_space<vmem>>, vector<16xf32>,
        %add3A_2116 = arith.addf %get3A_2112, %get3A_2115 : vector<16xf32>
        %mul3A_2117 = arith.constant 2.000000e-01 : f32
        %mul3A_2118 = vector.broadcast %mul3A_2117 : f32 to vector<16xf32>
        %mul3A_2119 = arith.mulf %mul3A_2118, %add3A_2116 : vector<16xf32>
        %max3A_2120 = arith.maximumf %add3A_2116, %mul3A_2119 : vector<16xf32>
        %get3A_2121 = arith.constant 32 : index
        %get3A_2122 = tpu.vector_load %arg13[%get3A_2121] {strides = array<i32>} : memref<128xf32, #tpu.memory_space<vmem>>, vector<16xf32>,
        %mul3A_2123 = arith.mulf %get3A_2122, %max3A_2120 : vector<16xf32>
        %add3A_2124 = arith.addf %add3A_2109, %mul3A_2123 : vector<16xf32>
        %get3A_2125 = arith.index_cast %add3A_2080 : i32 to index
        %get3A_2126 = arith.constant 48 : index
        %get3A_2127 = tpu.vector_load %arg11[%get3A_2125, %get3A_2126] {strides = array<i32>} : memref<128x128xf32, #tpu.memory_space<vmem>>, vector<16xf32>,
        %get3A_2128 = arith.index_cast %add3A_2080 : i32 to index
        %get3A_2129 = arith.constant 48 : index
        %get3A_2130 = tpu.vector_load %arg12[%get3A_2128, %get3A_2129] {strides = array<i32>} : memref<128x128xf32, #tpu.memory_space<vmem>>, vector<16xf32>,
        %add3A_2131 = arith.addf %get3A_2127, %get3A_2130 : vector<16xf32>
        %mul3A_2132 = arith.constant 2.000000e-01 : f32
        %mul3A_2133 = vector.broadcast %mul3A_2132 : f32 to vector<16xf32>
        %mul3A_2134 = arith.mulf %mul3A_2133, %add3A_2131 : vector<16xf32>
        %max3A_2135 = arith.maximumf %add3A_2131, %mul3A_2134 : vector<16xf32>
        %get3A_2136 = arith.constant 48 : index
        %get3A_2137 = tpu.vector_load %arg13[%get3A_2136] {strides = array<i32>} : memref<128xf32, #tpu.memory_space<vmem>>, vector<16xf32>,
        %mul3A_2138 = arith.mulf %get3A_2137, %max3A_2135 : vector<16xf32>
        %add3A_2139 = arith.addf %add3A_2124, %mul3A_2138 : vector<16xf32>
        %get3A_2140 = arith.index_cast %add3A_2080 : i32 to index
        %get3A_2141 = arith.constant 64 : index
        %get3A_2142 = tpu.vector_load %arg11[%get3A_2140, %get3A_2141] {strides = array<i32>} : memref<128x128xf32, #tpu.memory_space<vmem>>, vector<16xf32>,
        %get3A_2143 = arith.index_cast %add3A_2080 : i32 to index
        %get3A_2144 = arith.constant 64 : index
        %get3A_2145 = tpu.vector_load %arg12[%get3A_2143, %get3A_2144] {strides = array<i32>} : memref<128x128xf32, #tpu.memory_space<vmem>>, vector<16xf32>,
        %add3A_2146 = arith.addf %get3A_2142, %get3A_2145 : vector<16xf32>
        %mul3A_2147 = arith.constant 2.000000e-01 : f32
        %mul3A_2148 = vector.broadcast %mul3A_2147 : f32 to vector<16xf32>
        %mul3A_2149 = arith.mulf %mul3A_2148, %add3A_2146 : vector<16xf32>
        %max3A_2150 = arith.maximumf %add3A_2146, %mul3A_2149 : vector<16xf32>
        %get3A_2151 = arith.constant 64 : index
        %get3A_2152 = tpu.vector_load %arg13[%get3A_2151] {strides = array<i32>} : memref<128xf32, #tpu.memory_space<vmem>>, vector<16xf32>,
        %mul3A_2153 = arith.mulf %get3A_2152, %max3A_2150 : vector<16xf32>
        %add3A_2154 = arith.addf %add3A_2139, %mul3A_2153 : vector<16xf32>
        %get3A_2155 = arith.index_cast %add3A_2080 : i32 to index
        %get3A_2156 = arith.constant 80 : index
        %get3A_2157 = tpu.vector_load %arg11[%get3A_2155, %get3A_2156] {strides = array<i32>} : memref<128x128xf32, #tpu.memory_space<vmem>>, vector<16xf32>,
        %get3A_2158 = arith.index_cast %add3A_2080 : i32 to index
        %get3A_2159 = arith.constant 80 : index
        %get3A_2160 = tpu.vector_load %arg12[%get3A_2158, %get3A_2159] {strides = array<i32>} : memref<128x128xf32, #tpu.memory_space<vmem>>, vector<16xf32>,
        %add3A_2161 = arith.addf %get3A_2157, %get3A_2160 : vector<16xf32>
        %mul3A_2162 = arith.constant 2.000000e-01 : f32
        %mul3A_2163 = vector.broadcast %mul3A_2162 : f32 to vector<16xf32>
        %mul3A_2164 = arith.mulf %mul3A_2163, %add3A_2161 : vector<16xf32>
        %max3A_2165 = arith.maximumf %add3A_2161, %mul3A_2164 : vector<16xf32>
        %get3A_2166 = arith.constant 80 : index
        %get3A_2167 = tpu.vector_load %arg13[%get3A_2166] {strides = array<i32>} : memref<128xf32, #tpu.memory_space<vmem>>, vector<16xf32>,
        %mul3A_2168 = arith.mulf %get3A_2167, %max3A_2165 : vector<16xf32>
        %add3A_2169 = arith.addf %add3A_2154, %mul3A_2168 : vector<16xf32>
        %get3A_2170 = arith.index_cast %add3A_2080 : i32 to index
        %get3A_2171 = arith.constant 96 : index
        %get3A_2172 = tpu.vector_load %arg11[%get3A_2170, %get3A_2171] {strides = array<i32>} : memref<128x128xf32, #tpu.memory_space<vmem>>, vector<16xf32>,
        %get3A_2173 = arith.index_cast %add3A_2080 : i32 to index
        %get3A_2174 = arith.constant 96 : index
        %get3A_2175 = tpu.vector_load %arg12[%get3A_2173, %get3A_2174] {strides = array<i32>} : memref<128x128xf32, #tpu.memory_space<vmem>>, vector<16xf32>,
        %add3A_2176 = arith.addf %get3A_2172, %get3A_2175 : vector<16xf32>
        %mul3A_2177 = arith.constant 2.000000e-01 : f32
        %mul3A_2178 = vector.broadcast %mul3A_2177 : f32 to vector<16xf32>
        %mul3A_2179 = arith.mulf %mul3A_2178, %add3A_2176 : vector<16xf32>
        %max3A_2180 = arith.maximumf %add3A_2176, %mul3A_2179 : vector<16xf32>
        %get3A_2181 = arith.constant 96 : index
        %get3A_2182 = tpu.vector_load %arg13[%get3A_2181] {strides = array<i32>} : memref<128xf32, #tpu.memory_space<vmem>>, vector<16xf32>,
        %mul3A_2183 = arith.mulf %get3A_2182, %max3A_2180 : vector<16xf32>
        %add3A_2184 = arith.addf %add3A_2169, %mul3A_2183 : vector<16xf32>
        %get3A_2185 = arith.index_cast %add3A_2080 : i32 to index
        %get3A_2186 = arith.constant 112 : index
        %get3A_2187 = tpu.vector_load %arg11[%get3A_2185, %get3A_2186] {strides = array<i32>} : memref<128x128xf32, #tpu.memory_space<vmem>>, vector<16xf32>,
        %get3A_2188 = arith.index_cast %add3A_2080 : i32 to index
        %get3A_2189 = arith.constant 112 : index
        %get3A_2190 = tpu.vector_load %arg12[%get3A_2188, %get3A_2189] {strides = array<i32>} : memref<128x128xf32, #tpu.memory_space<vmem>>, vector<16xf32>,
        %add3A_2191 = arith.addf %get3A_2187, %get3A_2190 : vector<16xf32>
        %mul3A_2192 = arith.constant 2.000000e-01 : f32
        %mul3A_2193 = vector.broadcast %mul3A_2192 : f32 to vector<16xf32>
        %mul3A_2194 = arith.mulf %mul3A_2193, %add3A_2191 : vector<16xf32>
        %max3A_2195 = arith.maximumf %add3A_2191, %mul3A_2194 : vector<16xf32>
        %get3A_2196 = arith.constant 112 : index
        %get3A_2197 = tpu.vector_load %arg13[%get3A_2196] {strides = array<i32>} : memref<128xf32, #tpu.memory_space<vmem>>, vector<16xf32>,
        %mul3A_2198 = arith.mulf %get3A_2197, %max3A_2195 : vector<16xf32>
        %add3A_2199 = arith.addf %add3A_2184, %mul3A_2198 : vector<16xf32>
        %eq3A_2200 = arith.constant 13 : i32
        %eq3A_2201 = vector.broadcast %eq3A_2200 : i32 to vector<16xi32>
        %eq3A_2202 = arith.cmpi eq, %iota3A, %eq3A_2201 : vector<16xi32>
        %iota3A_2203 = tpu.iota {dimensions = array<i32: 0>} : vector<16xi32>
        %xor3A_2204 = arith.constant 8 : i32
        %xor3A_2205 = vector.broadcast %xor3A_2204 : i32 to vector<16xi32>
        %xor3A_2206 = arith.xori %iota3A_2203, %xor3A_2205 : vector<16xi32>
        %reshape3A_2207 = vector.shape_cast %xor3A_2206 : vector<16xi32> to vector<16x1xi32>
        %gather3A_2208 = vector.shape_cast %reshape3A_2207 : vector<16x1xi32> to vector<16xi32>
        %gather3A_2209 = tpu.dynamic_gather %add3A_2199[%gather3A_2208] in [0] : vector<16xf32>, vector<16xi32> -> vector<16xf32>
        %add3A_2210 = arith.addf %add3A_2199, %gather3A_2209 : vector<16xf32>
        %xor3A_2211 = arith.constant 4 : i32
        %xor3A_2212 = vector.broadcast %xor3A_2211 : i32 to vector<16xi32>
        %xor3A_2213 = arith.xori %iota3A_2203, %xor3A_2212 : vector<16xi32>
        %reshape3A_2214 = vector.shape_cast %xor3A_2213 : vector<16xi32> to vector<16x1xi32>
        %gather3A_2215 = vector.shape_cast %reshape3A_2214 : vector<16x1xi32> to vector<16xi32>
        %gather3A_2216 = tpu.dynamic_gather %add3A_2210[%gather3A_2215] in [0] : vector<16xf32>, vector<16xi32> -> vector<16xf32>
        %add3A_2217 = arith.addf %add3A_2210, %gather3A_2216 : vector<16xf32>
        %xor3A_2218 = arith.constant 2 : i32
        %xor3A_2219 = vector.broadcast %xor3A_2218 : i32 to vector<16xi32>
        %xor3A_2220 = arith.xori %iota3A_2203, %xor3A_2219 : vector<16xi32>
        %reshape3A_2221 = vector.shape_cast %xor3A_2220 : vector<16xi32> to vector<16x1xi32>
        %gather3A_2222 = vector.shape_cast %reshape3A_2221 : vector<16x1xi32> to vector<16xi32>
        %gather3A_2223 = tpu.dynamic_gather %add3A_2217[%gather3A_2222] in [0] : vector<16xf32>, vector<16xi32> -> vector<16xf32>
        %add3A_2224 = arith.addf %add3A_2217, %gather3A_2223 : vector<16xf32>
        %xor3A_2225 = arith.constant 1 : i32
        %xor3A_2226 = vector.broadcast %xor3A_2225 : i32 to vector<16xi32>
        %xor3A_2227 = arith.xori %iota3A_2203, %xor3A_2226 : vector<16xi32>
        %reshape3A_2228 = vector.shape_cast %xor3A_2227 : vector<16xi32> to vector<16x1xi32>
        %gather3A_2229 = vector.shape_cast %reshape3A_2228 : vector<16x1xi32> to vector<16xi32>
        %gather3A_2230 = tpu.dynamic_gather %add3A_2224[%gather3A_2229] in [0] : vector<16xf32>, vector<16xi32> -> vector<16xf32>
        %add3A_2231 = arith.addf %add3A_2224, %gather3A_2230 : vector<16xf32>
        %select_n3A_2232 = arith.select %eq3A_2202, %add3A_2231, %select_n3A_2076 : vector<16xi1>, vector<16xf32>
        %mul3A_2233 = arith.constant 16 : i32
        %mul3A_2234 = arith.muli %scan3A_53, %mul3A_2233 : i32
        %add3A_2235 = arith.constant 14 : i32
        %add3A_2236 = arith.addi %mul3A_2234, %add3A_2235 : i32
        %get3A_2237 = arith.index_cast %add3A_2236 : i32 to index
        %get3A_2238 = arith.constant 0 : index
        %get3A_2239 = tpu.vector_load %arg11[%get3A_2237, %get3A_2238] {strides = array<i32>} : memref<128x128xf32, #tpu.memory_space<vmem>>, vector<16xf32>,
        %get3A_2240 = arith.index_cast %add3A_2236 : i32 to index
        %get3A_2241 = arith.constant 0 : index
        %get3A_2242 = tpu.vector_load %arg12[%get3A_2240, %get3A_2241] {strides = array<i32>} : memref<128x128xf32, #tpu.memory_space<vmem>>, vector<16xf32>,
        %add3A_2243 = arith.addf %get3A_2239, %get3A_2242 : vector<16xf32>
        %mul3A_2244 = arith.constant 2.000000e-01 : f32
        %mul3A_2245 = vector.broadcast %mul3A_2244 : f32 to vector<16xf32>
        %mul3A_2246 = arith.mulf %mul3A_2245, %add3A_2243 : vector<16xf32>
        %max3A_2247 = arith.maximumf %add3A_2243, %mul3A_2246 : vector<16xf32>
        %get3A_2248 = arith.constant 0 : index
        %get3A_2249 = tpu.vector_load %arg13[%get3A_2248] {strides = array<i32>} : memref<128xf32, #tpu.memory_space<vmem>>, vector<16xf32>,
        %mul3A_2250 = arith.mulf %get3A_2249, %max3A_2247 : vector<16xf32>
        %get3A_2251 = arith.index_cast %add3A_2236 : i32 to index
        %get3A_2252 = arith.constant 16 : index
        %get3A_2253 = tpu.vector_load %arg11[%get3A_2251, %get3A_2252] {strides = array<i32>} : memref<128x128xf32, #tpu.memory_space<vmem>>, vector<16xf32>,
        %get3A_2254 = arith.index_cast %add3A_2236 : i32 to index
        %get3A_2255 = arith.constant 16 : index
        %get3A_2256 = tpu.vector_load %arg12[%get3A_2254, %get3A_2255] {strides = array<i32>} : memref<128x128xf32, #tpu.memory_space<vmem>>, vector<16xf32>,
        %add3A_2257 = arith.addf %get3A_2253, %get3A_2256 : vector<16xf32>
        %mul3A_2258 = arith.constant 2.000000e-01 : f32
        %mul3A_2259 = vector.broadcast %mul3A_2258 : f32 to vector<16xf32>
        %mul3A_2260 = arith.mulf %mul3A_2259, %add3A_2257 : vector<16xf32>
        %max3A_2261 = arith.maximumf %add3A_2257, %mul3A_2260 : vector<16xf32>
        %get3A_2262 = arith.constant 16 : index
        %get3A_2263 = tpu.vector_load %arg13[%get3A_2262] {strides = array<i32>} : memref<128xf32, #tpu.memory_space<vmem>>, vector<16xf32>,
        %mul3A_2264 = arith.mulf %get3A_2263, %max3A_2261 : vector<16xf32>
        %add3A_2265 = arith.addf %mul3A_2250, %mul3A_2264 : vector<16xf32>
        %get3A_2266 = arith.index_cast %add3A_2236 : i32 to index
        %get3A_2267 = arith.constant 32 : index
        %get3A_2268 = tpu.vector_load %arg11[%get3A_2266, %get3A_2267] {strides = array<i32>} : memref<128x128xf32, #tpu.memory_space<vmem>>, vector<16xf32>,
        %get3A_2269 = arith.index_cast %add3A_2236 : i32 to index
        %get3A_2270 = arith.constant 32 : index
        %get3A_2271 = tpu.vector_load %arg12[%get3A_2269, %get3A_2270] {strides = array<i32>} : memref<128x128xf32, #tpu.memory_space<vmem>>, vector<16xf32>,
        %add3A_2272 = arith.addf %get3A_2268, %get3A_2271 : vector<16xf32>
        %mul3A_2273 = arith.constant 2.000000e-01 : f32
        %mul3A_2274 = vector.broadcast %mul3A_2273 : f32 to vector<16xf32>
        %mul3A_2275 = arith.mulf %mul3A_2274, %add3A_2272 : vector<16xf32>
        %max3A_2276 = arith.maximumf %add3A_2272, %mul3A_2275 : vector<16xf32>
        %get3A_2277 = arith.constant 32 : index
        %get3A_2278 = tpu.vector_load %arg13[%get3A_2277] {strides = array<i32>} : memref<128xf32, #tpu.memory_space<vmem>>, vector<16xf32>,
        %mul3A_2279 = arith.mulf %get3A_2278, %max3A_2276 : vector<16xf32>
        %add3A_2280 = arith.addf %add3A_2265, %mul3A_2279 : vector<16xf32>
        %get3A_2281 = arith.index_cast %add3A_2236 : i32 to index
        %get3A_2282 = arith.constant 48 : index
        %get3A_2283 = tpu.vector_load %arg11[%get3A_2281, %get3A_2282] {strides = array<i32>} : memref<128x128xf32, #tpu.memory_space<vmem>>, vector<16xf32>,
        %get3A_2284 = arith.index_cast %add3A_2236 : i32 to index
        %get3A_2285 = arith.constant 48 : index
        %get3A_2286 = tpu.vector_load %arg12[%get3A_2284, %get3A_2285] {strides = array<i32>} : memref<128x128xf32, #tpu.memory_space<vmem>>, vector<16xf32>,
        %add3A_2287 = arith.addf %get3A_2283, %get3A_2286 : vector<16xf32>
        %mul3A_2288 = arith.constant 2.000000e-01 : f32
        %mul3A_2289 = vector.broadcast %mul3A_2288 : f32 to vector<16xf32>
        %mul3A_2290 = arith.mulf %mul3A_2289, %add3A_2287 : vector<16xf32>
        %max3A_2291 = arith.maximumf %add3A_2287, %mul3A_2290 : vector<16xf32>
        %get3A_2292 = arith.constant 48 : index
        %get3A_2293 = tpu.vector_load %arg13[%get3A_2292] {strides = array<i32>} : memref<128xf32, #tpu.memory_space<vmem>>, vector<16xf32>,
        %mul3A_2294 = arith.mulf %get3A_2293, %max3A_2291 : vector<16xf32>
        %add3A_2295 = arith.addf %add3A_2280, %mul3A_2294 : vector<16xf32>
        %get3A_2296 = arith.index_cast %add3A_2236 : i32 to index
        %get3A_2297 = arith.constant 64 : index
        %get3A_2298 = tpu.vector_load %arg11[%get3A_2296, %get3A_2297] {strides = array<i32>} : memref<128x128xf32, #tpu.memory_space<vmem>>, vector<16xf32>,
        %get3A_2299 = arith.index_cast %add3A_2236 : i32 to index
        %get3A_2300 = arith.constant 64 : index
        %get3A_2301 = tpu.vector_load %arg12[%get3A_2299, %get3A_2300] {strides = array<i32>} : memref<128x128xf32, #tpu.memory_space<vmem>>, vector<16xf32>,
        %add3A_2302 = arith.addf %get3A_2298, %get3A_2301 : vector<16xf32>
        %mul3A_2303 = arith.constant 2.000000e-01 : f32
        %mul3A_2304 = vector.broadcast %mul3A_2303 : f32 to vector<16xf32>
        %mul3A_2305 = arith.mulf %mul3A_2304, %add3A_2302 : vector<16xf32>
        %max3A_2306 = arith.maximumf %add3A_2302, %mul3A_2305 : vector<16xf32>
        %get3A_2307 = arith.constant 64 : index
        %get3A_2308 = tpu.vector_load %arg13[%get3A_2307] {strides = array<i32>} : memref<128xf32, #tpu.memory_space<vmem>>, vector<16xf32>,
        %mul3A_2309 = arith.mulf %get3A_2308, %max3A_2306 : vector<16xf32>
        %add3A_2310 = arith.addf %add3A_2295, %mul3A_2309 : vector<16xf32>
        %get3A_2311 = arith.index_cast %add3A_2236 : i32 to index
        %get3A_2312 = arith.constant 80 : index
        %get3A_2313 = tpu.vector_load %arg11[%get3A_2311, %get3A_2312] {strides = array<i32>} : memref<128x128xf32, #tpu.memory_space<vmem>>, vector<16xf32>,
        %get3A_2314 = arith.index_cast %add3A_2236 : i32 to index
        %get3A_2315 = arith.constant 80 : index
        %get3A_2316 = tpu.vector_load %arg12[%get3A_2314, %get3A_2315] {strides = array<i32>} : memref<128x128xf32, #tpu.memory_space<vmem>>, vector<16xf32>,
        %add3A_2317 = arith.addf %get3A_2313, %get3A_2316 : vector<16xf32>
        %mul3A_2318 = arith.constant 2.000000e-01 : f32
        %mul3A_2319 = vector.broadcast %mul3A_2318 : f32 to vector<16xf32>
        %mul3A_2320 = arith.mulf %mul3A_2319, %add3A_2317 : vector<16xf32>
        %max3A_2321 = arith.maximumf %add3A_2317, %mul3A_2320 : vector<16xf32>
        %get3A_2322 = arith.constant 80 : index
        %get3A_2323 = tpu.vector_load %arg13[%get3A_2322] {strides = array<i32>} : memref<128xf32, #tpu.memory_space<vmem>>, vector<16xf32>,
        %mul3A_2324 = arith.mulf %get3A_2323, %max3A_2321 : vector<16xf32>
        %add3A_2325 = arith.addf %add3A_2310, %mul3A_2324 : vector<16xf32>
        %get3A_2326 = arith.index_cast %add3A_2236 : i32 to index
        %get3A_2327 = arith.constant 96 : index
        %get3A_2328 = tpu.vector_load %arg11[%get3A_2326, %get3A_2327] {strides = array<i32>} : memref<128x128xf32, #tpu.memory_space<vmem>>, vector<16xf32>,
        %get3A_2329 = arith.index_cast %add3A_2236 : i32 to index
        %get3A_2330 = arith.constant 96 : index
        %get3A_2331 = tpu.vector_load %arg12[%get3A_2329, %get3A_2330] {strides = array<i32>} : memref<128x128xf32, #tpu.memory_space<vmem>>, vector<16xf32>,
        %add3A_2332 = arith.addf %get3A_2328, %get3A_2331 : vector<16xf32>
        %mul3A_2333 = arith.constant 2.000000e-01 : f32
        %mul3A_2334 = vector.broadcast %mul3A_2333 : f32 to vector<16xf32>
        %mul3A_2335 = arith.mulf %mul3A_2334, %add3A_2332 : vector<16xf32>
        %max3A_2336 = arith.maximumf %add3A_2332, %mul3A_2335 : vector<16xf32>
        %get3A_2337 = arith.constant 96 : index
        %get3A_2338 = tpu.vector_load %arg13[%get3A_2337] {strides = array<i32>} : memref<128xf32, #tpu.memory_space<vmem>>, vector<16xf32>,
        %mul3A_2339 = arith.mulf %get3A_2338, %max3A_2336 : vector<16xf32>
        %add3A_2340 = arith.addf %add3A_2325, %mul3A_2339 : vector<16xf32>
        %get3A_2341 = arith.index_cast %add3A_2236 : i32 to index
        %get3A_2342 = arith.constant 112 : index
        %get3A_2343 = tpu.vector_load %arg11[%get3A_2341, %get3A_2342] {strides = array<i32>} : memref<128x128xf32, #tpu.memory_space<vmem>>, vector<16xf32>,
        %get3A_2344 = arith.index_cast %add3A_2236 : i32 to index
        %get3A_2345 = arith.constant 112 : index
        %get3A_2346 = tpu.vector_load %arg12[%get3A_2344, %get3A_2345] {strides = array<i32>} : memref<128x128xf32, #tpu.memory_space<vmem>>, vector<16xf32>,
        %add3A_2347 = arith.addf %get3A_2343, %get3A_2346 : vector<16xf32>
        %mul3A_2348 = arith.constant 2.000000e-01 : f32
        %mul3A_2349 = vector.broadcast %mul3A_2348 : f32 to vector<16xf32>
        %mul3A_2350 = arith.mulf %mul3A_2349, %add3A_2347 : vector<16xf32>
        %max3A_2351 = arith.maximumf %add3A_2347, %mul3A_2350 : vector<16xf32>
        %get3A_2352 = arith.constant 112 : index
        %get3A_2353 = tpu.vector_load %arg13[%get3A_2352] {strides = array<i32>} : memref<128xf32, #tpu.memory_space<vmem>>, vector<16xf32>,
        %mul3A_2354 = arith.mulf %get3A_2353, %max3A_2351 : vector<16xf32>
        %add3A_2355 = arith.addf %add3A_2340, %mul3A_2354 : vector<16xf32>
        %eq3A_2356 = arith.constant 14 : i32
        %eq3A_2357 = vector.broadcast %eq3A_2356 : i32 to vector<16xi32>
        %eq3A_2358 = arith.cmpi eq, %iota3A, %eq3A_2357 : vector<16xi32>
        %iota3A_2359 = tpu.iota {dimensions = array<i32: 0>} : vector<16xi32>
        %xor3A_2360 = arith.constant 8 : i32
        %xor3A_2361 = vector.broadcast %xor3A_2360 : i32 to vector<16xi32>
        %xor3A_2362 = arith.xori %iota3A_2359, %xor3A_2361 : vector<16xi32>
        %reshape3A_2363 = vector.shape_cast %xor3A_2362 : vector<16xi32> to vector<16x1xi32>
        %gather3A_2364 = vector.shape_cast %reshape3A_2363 : vector<16x1xi32> to vector<16xi32>
        %gather3A_2365 = tpu.dynamic_gather %add3A_2355[%gather3A_2364] in [0] : vector<16xf32>, vector<16xi32> -> vector<16xf32>
        %add3A_2366 = arith.addf %add3A_2355, %gather3A_2365 : vector<16xf32>
        %xor3A_2367 = arith.constant 4 : i32
        %xor3A_2368 = vector.broadcast %xor3A_2367 : i32 to vector<16xi32>
        %xor3A_2369 = arith.xori %iota3A_2359, %xor3A_2368 : vector<16xi32>
        %reshape3A_2370 = vector.shape_cast %xor3A_2369 : vector<16xi32> to vector<16x1xi32>
        %gather3A_2371 = vector.shape_cast %reshape3A_2370 : vector<16x1xi32> to vector<16xi32>
        %gather3A_2372 = tpu.dynamic_gather %add3A_2366[%gather3A_2371] in [0] : vector<16xf32>, vector<16xi32> -> vector<16xf32>
        %add3A_2373 = arith.addf %add3A_2366, %gather3A_2372 : vector<16xf32>
        %xor3A_2374 = arith.constant 2 : i32
        %xor3A_2375 = vector.broadcast %xor3A_2374 : i32 to vector<16xi32>
        %xor3A_2376 = arith.xori %iota3A_2359, %xor3A_2375 : vector<16xi32>
        %reshape3A_2377 = vector.shape_cast %xor3A_2376 : vector<16xi32> to vector<16x1xi32>
        %gather3A_2378 = vector.shape_cast %reshape3A_2377 : vector<16x1xi32> to vector<16xi32>
        %gather3A_2379 = tpu.dynamic_gather %add3A_2373[%gather3A_2378] in [0] : vector<16xf32>, vector<16xi32> -> vector<16xf32>
        %add3A_2380 = arith.addf %add3A_2373, %gather3A_2379 : vector<16xf32>
        %xor3A_2381 = arith.constant 1 : i32
        %xor3A_2382 = vector.broadcast %xor3A_2381 : i32 to vector<16xi32>
        %xor3A_2383 = arith.xori %iota3A_2359, %xor3A_2382 : vector<16xi32>
        %reshape3A_2384 = vector.shape_cast %xor3A_2383 : vector<16xi32> to vector<16x1xi32>
        %gather3A_2385 = vector.shape_cast %reshape3A_2384 : vector<16x1xi32> to vector<16xi32>
        %gather3A_2386 = tpu.dynamic_gather %add3A_2380[%gather3A_2385] in [0] : vector<16xf32>, vector<16xi32> -> vector<16xf32>
        %add3A_2387 = arith.addf %add3A_2380, %gather3A_2386 : vector<16xf32>
        %select_n3A_2388 = arith.select %eq3A_2358, %add3A_2387, %select_n3A_2232 : vector<16xi1>, vector<16xf32>
        %mul3A_2389 = arith.constant 16 : i32
        %mul3A_2390 = arith.muli %scan3A_53, %mul3A_2389 : i32
        %add3A_2391 = arith.constant 15 : i32
        %add3A_2392 = arith.addi %mul3A_2390, %add3A_2391 : i32
        %get3A_2393 = arith.index_cast %add3A_2392 : i32 to index
        %get3A_2394 = arith.constant 0 : index
        %get3A_2395 = tpu.vector_load %arg11[%get3A_2393, %get3A_2394] {strides = array<i32>} : memref<128x128xf32, #tpu.memory_space<vmem>>, vector<16xf32>,
        %get3A_2396 = arith.index_cast %add3A_2392 : i32 to index
        %get3A_2397 = arith.constant 0 : index
        %get3A_2398 = tpu.vector_load %arg12[%get3A_2396, %get3A_2397] {strides = array<i32>} : memref<128x128xf32, #tpu.memory_space<vmem>>, vector<16xf32>,
        %add3A_2399 = arith.addf %get3A_2395, %get3A_2398 : vector<16xf32>
        %mul3A_2400 = arith.constant 2.000000e-01 : f32
        %mul3A_2401 = vector.broadcast %mul3A_2400 : f32 to vector<16xf32>
        %mul3A_2402 = arith.mulf %mul3A_2401, %add3A_2399 : vector<16xf32>
        %max3A_2403 = arith.maximumf %add3A_2399, %mul3A_2402 : vector<16xf32>
        %get3A_2404 = arith.constant 0 : index
        %get3A_2405 = tpu.vector_load %arg13[%get3A_2404] {strides = array<i32>} : memref<128xf32, #tpu.memory_space<vmem>>, vector<16xf32>,
        %mul3A_2406 = arith.mulf %get3A_2405, %max3A_2403 : vector<16xf32>
        %get3A_2407 = arith.index_cast %add3A_2392 : i32 to index
        %get3A_2408 = arith.constant 16 : index
        %get3A_2409 = tpu.vector_load %arg11[%get3A_2407, %get3A_2408] {strides = array<i32>} : memref<128x128xf32, #tpu.memory_space<vmem>>, vector<16xf32>,
        %get3A_2410 = arith.index_cast %add3A_2392 : i32 to index
        %get3A_2411 = arith.constant 16 : index
        %get3A_2412 = tpu.vector_load %arg12[%get3A_2410, %get3A_2411] {strides = array<i32>} : memref<128x128xf32, #tpu.memory_space<vmem>>, vector<16xf32>,
        %add3A_2413 = arith.addf %get3A_2409, %get3A_2412 : vector<16xf32>
        %mul3A_2414 = arith.constant 2.000000e-01 : f32
        %mul3A_2415 = vector.broadcast %mul3A_2414 : f32 to vector<16xf32>
        %mul3A_2416 = arith.mulf %mul3A_2415, %add3A_2413 : vector<16xf32>
        %max3A_2417 = arith.maximumf %add3A_2413, %mul3A_2416 : vector<16xf32>
        %get3A_2418 = arith.constant 16 : index
        %get3A_2419 = tpu.vector_load %arg13[%get3A_2418] {strides = array<i32>} : memref<128xf32, #tpu.memory_space<vmem>>, vector<16xf32>,
        %mul3A_2420 = arith.mulf %get3A_2419, %max3A_2417 : vector<16xf32>
        %add3A_2421 = arith.addf %mul3A_2406, %mul3A_2420 : vector<16xf32>
        %get3A_2422 = arith.index_cast %add3A_2392 : i32 to index
        %get3A_2423 = arith.constant 32 : index
        %get3A_2424 = tpu.vector_load %arg11[%get3A_2422, %get3A_2423] {strides = array<i32>} : memref<128x128xf32, #tpu.memory_space<vmem>>, vector<16xf32>,
        %get3A_2425 = arith.index_cast %add3A_2392 : i32 to index
        %get3A_2426 = arith.constant 32 : index
        %get3A_2427 = tpu.vector_load %arg12[%get3A_2425, %get3A_2426] {strides = array<i32>} : memref<128x128xf32, #tpu.memory_space<vmem>>, vector<16xf32>,
        %add3A_2428 = arith.addf %get3A_2424, %get3A_2427 : vector<16xf32>
        %mul3A_2429 = arith.constant 2.000000e-01 : f32
        %mul3A_2430 = vector.broadcast %mul3A_2429 : f32 to vector<16xf32>
        %mul3A_2431 = arith.mulf %mul3A_2430, %add3A_2428 : vector<16xf32>
        %max3A_2432 = arith.maximumf %add3A_2428, %mul3A_2431 : vector<16xf32>
        %get3A_2433 = arith.constant 32 : index
        %get3A_2434 = tpu.vector_load %arg13[%get3A_2433] {strides = array<i32>} : memref<128xf32, #tpu.memory_space<vmem>>, vector<16xf32>,
        %mul3A_2435 = arith.mulf %get3A_2434, %max3A_2432 : vector<16xf32>
        %add3A_2436 = arith.addf %add3A_2421, %mul3A_2435 : vector<16xf32>
        %get3A_2437 = arith.index_cast %add3A_2392 : i32 to index
        %get3A_2438 = arith.constant 48 : index
        %get3A_2439 = tpu.vector_load %arg11[%get3A_2437, %get3A_2438] {strides = array<i32>} : memref<128x128xf32, #tpu.memory_space<vmem>>, vector<16xf32>,
        %get3A_2440 = arith.index_cast %add3A_2392 : i32 to index
        %get3A_2441 = arith.constant 48 : index
        %get3A_2442 = tpu.vector_load %arg12[%get3A_2440, %get3A_2441] {strides = array<i32>} : memref<128x128xf32, #tpu.memory_space<vmem>>, vector<16xf32>,
        %add3A_2443 = arith.addf %get3A_2439, %get3A_2442 : vector<16xf32>
        %mul3A_2444 = arith.constant 2.000000e-01 : f32
        %mul3A_2445 = vector.broadcast %mul3A_2444 : f32 to vector<16xf32>
        %mul3A_2446 = arith.mulf %mul3A_2445, %add3A_2443 : vector<16xf32>
        %max3A_2447 = arith.maximumf %add3A_2443, %mul3A_2446 : vector<16xf32>
        %get3A_2448 = arith.constant 48 : index
        %get3A_2449 = tpu.vector_load %arg13[%get3A_2448] {strides = array<i32>} : memref<128xf32, #tpu.memory_space<vmem>>, vector<16xf32>,
        %mul3A_2450 = arith.mulf %get3A_2449, %max3A_2447 : vector<16xf32>
        %add3A_2451 = arith.addf %add3A_2436, %mul3A_2450 : vector<16xf32>
        %get3A_2452 = arith.index_cast %add3A_2392 : i32 to index
        %get3A_2453 = arith.constant 64 : index
        %get3A_2454 = tpu.vector_load %arg11[%get3A_2452, %get3A_2453] {strides = array<i32>} : memref<128x128xf32, #tpu.memory_space<vmem>>, vector<16xf32>,
        %get3A_2455 = arith.index_cast %add3A_2392 : i32 to index
        %get3A_2456 = arith.constant 64 : index
        %get3A_2457 = tpu.vector_load %arg12[%get3A_2455, %get3A_2456] {strides = array<i32>} : memref<128x128xf32, #tpu.memory_space<vmem>>, vector<16xf32>,
        %add3A_2458 = arith.addf %get3A_2454, %get3A_2457 : vector<16xf32>
        %mul3A_2459 = arith.constant 2.000000e-01 : f32
        %mul3A_2460 = vector.broadcast %mul3A_2459 : f32 to vector<16xf32>
        %mul3A_2461 = arith.mulf %mul3A_2460, %add3A_2458 : vector<16xf32>
        %max3A_2462 = arith.maximumf %add3A_2458, %mul3A_2461 : vector<16xf32>
        %get3A_2463 = arith.constant 64 : index
        %get3A_2464 = tpu.vector_load %arg13[%get3A_2463] {strides = array<i32>} : memref<128xf32, #tpu.memory_space<vmem>>, vector<16xf32>,
        %mul3A_2465 = arith.mulf %get3A_2464, %max3A_2462 : vector<16xf32>
        %add3A_2466 = arith.addf %add3A_2451, %mul3A_2465 : vector<16xf32>
        %get3A_2467 = arith.index_cast %add3A_2392 : i32 to index
        %get3A_2468 = arith.constant 80 : index
        %get3A_2469 = tpu.vector_load %arg11[%get3A_2467, %get3A_2468] {strides = array<i32>} : memref<128x128xf32, #tpu.memory_space<vmem>>, vector<16xf32>,
        %get3A_2470 = arith.index_cast %add3A_2392 : i32 to index
        %get3A_2471 = arith.constant 80 : index
        %get3A_2472 = tpu.vector_load %arg12[%get3A_2470, %get3A_2471] {strides = array<i32>} : memref<128x128xf32, #tpu.memory_space<vmem>>, vector<16xf32>,
        %add3A_2473 = arith.addf %get3A_2469, %get3A_2472 : vector<16xf32>
        %mul3A_2474 = arith.constant 2.000000e-01 : f32
        %mul3A_2475 = vector.broadcast %mul3A_2474 : f32 to vector<16xf32>
        %mul3A_2476 = arith.mulf %mul3A_2475, %add3A_2473 : vector<16xf32>
        %max3A_2477 = arith.maximumf %add3A_2473, %mul3A_2476 : vector<16xf32>
        %get3A_2478 = arith.constant 80 : index
        %get3A_2479 = tpu.vector_load %arg13[%get3A_2478] {strides = array<i32>} : memref<128xf32, #tpu.memory_space<vmem>>, vector<16xf32>,
        %mul3A_2480 = arith.mulf %get3A_2479, %max3A_2477 : vector<16xf32>
        %add3A_2481 = arith.addf %add3A_2466, %mul3A_2480 : vector<16xf32>
        %get3A_2482 = arith.index_cast %add3A_2392 : i32 to index
        %get3A_2483 = arith.constant 96 : index
        %get3A_2484 = tpu.vector_load %arg11[%get3A_2482, %get3A_2483] {strides = array<i32>} : memref<128x128xf32, #tpu.memory_space<vmem>>, vector<16xf32>,
        %get3A_2485 = arith.index_cast %add3A_2392 : i32 to index
        %get3A_2486 = arith.constant 96 : index
        %get3A_2487 = tpu.vector_load %arg12[%get3A_2485, %get3A_2486] {strides = array<i32>} : memref<128x128xf32, #tpu.memory_space<vmem>>, vector<16xf32>,
        %add3A_2488 = arith.addf %get3A_2484, %get3A_2487 : vector<16xf32>
        %mul3A_2489 = arith.constant 2.000000e-01 : f32
        %mul3A_2490 = vector.broadcast %mul3A_2489 : f32 to vector<16xf32>
        %mul3A_2491 = arith.mulf %mul3A_2490, %add3A_2488 : vector<16xf32>
        %max3A_2492 = arith.maximumf %add3A_2488, %mul3A_2491 : vector<16xf32>
        %get3A_2493 = arith.constant 96 : index
        %get3A_2494 = tpu.vector_load %arg13[%get3A_2493] {strides = array<i32>} : memref<128xf32, #tpu.memory_space<vmem>>, vector<16xf32>,
        %mul3A_2495 = arith.mulf %get3A_2494, %max3A_2492 : vector<16xf32>
        %add3A_2496 = arith.addf %add3A_2481, %mul3A_2495 : vector<16xf32>
        %get3A_2497 = arith.index_cast %add3A_2392 : i32 to index
        %get3A_2498 = arith.constant 112 : index
        %get3A_2499 = tpu.vector_load %arg11[%get3A_2497, %get3A_2498] {strides = array<i32>} : memref<128x128xf32, #tpu.memory_space<vmem>>, vector<16xf32>,
        %get3A_2500 = arith.index_cast %add3A_2392 : i32 to index
        %get3A_2501 = arith.constant 112 : index
        %get3A_2502 = tpu.vector_load %arg12[%get3A_2500, %get3A_2501] {strides = array<i32>} : memref<128x128xf32, #tpu.memory_space<vmem>>, vector<16xf32>,
        %add3A_2503 = arith.addf %get3A_2499, %get3A_2502 : vector<16xf32>
        %mul3A_2504 = arith.constant 2.000000e-01 : f32
        %mul3A_2505 = vector.broadcast %mul3A_2504 : f32 to vector<16xf32>
        %mul3A_2506 = arith.mulf %mul3A_2505, %add3A_2503 : vector<16xf32>
        %max3A_2507 = arith.maximumf %add3A_2503, %mul3A_2506 : vector<16xf32>
        %get3A_2508 = arith.constant 112 : index
        %get3A_2509 = tpu.vector_load %arg13[%get3A_2508] {strides = array<i32>} : memref<128xf32, #tpu.memory_space<vmem>>, vector<16xf32>,
        %mul3A_2510 = arith.mulf %get3A_2509, %max3A_2507 : vector<16xf32>
        %add3A_2511 = arith.addf %add3A_2496, %mul3A_2510 : vector<16xf32>
        %eq3A_2512 = arith.constant 15 : i32
        %eq3A_2513 = vector.broadcast %eq3A_2512 : i32 to vector<16xi32>
        %eq3A_2514 = arith.cmpi eq, %iota3A, %eq3A_2513 : vector<16xi32>
        %iota3A_2515 = tpu.iota {dimensions = array<i32: 0>} : vector<16xi32>
        %xor3A_2516 = arith.constant 8 : i32
        %xor3A_2517 = vector.broadcast %xor3A_2516 : i32 to vector<16xi32>
        %xor3A_2518 = arith.xori %iota3A_2515, %xor3A_2517 : vector<16xi32>
        %reshape3A_2519 = vector.shape_cast %xor3A_2518 : vector<16xi32> to vector<16x1xi32>
        %gather3A_2520 = vector.shape_cast %reshape3A_2519 : vector<16x1xi32> to vector<16xi32>
        %gather3A_2521 = tpu.dynamic_gather %add3A_2511[%gather3A_2520] in [0] : vector<16xf32>, vector<16xi32> -> vector<16xf32>
        %add3A_2522 = arith.addf %add3A_2511, %gather3A_2521 : vector<16xf32>
        %xor3A_2523 = arith.constant 4 : i32
        %xor3A_2524 = vector.broadcast %xor3A_2523 : i32 to vector<16xi32>
        %xor3A_2525 = arith.xori %iota3A_2515, %xor3A_2524 : vector<16xi32>
        %reshape3A_2526 = vector.shape_cast %xor3A_2525 : vector<16xi32> to vector<16x1xi32>
        %gather3A_2527 = vector.shape_cast %reshape3A_2526 : vector<16x1xi32> to vector<16xi32>
        %gather3A_2528 = tpu.dynamic_gather %add3A_2522[%gather3A_2527] in [0] : vector<16xf32>, vector<16xi32> -> vector<16xf32>
        %add3A_2529 = arith.addf %add3A_2522, %gather3A_2528 : vector<16xf32>
        %xor3A_2530 = arith.constant 2 : i32
        %xor3A_2531 = vector.broadcast %xor3A_2530 : i32 to vector<16xi32>
        %xor3A_2532 = arith.xori %iota3A_2515, %xor3A_2531 : vector<16xi32>
        %reshape3A_2533 = vector.shape_cast %xor3A_2532 : vector<16xi32> to vector<16x1xi32>
        %gather3A_2534 = vector.shape_cast %reshape3A_2533 : vector<16x1xi32> to vector<16xi32>
        %gather3A_2535 = tpu.dynamic_gather %add3A_2529[%gather3A_2534] in [0] : vector<16xf32>, vector<16xi32> -> vector<16xf32>
        %add3A_2536 = arith.addf %add3A_2529, %gather3A_2535 : vector<16xf32>
        %xor3A_2537 = arith.constant 1 : i32
        %xor3A_2538 = vector.broadcast %xor3A_2537 : i32 to vector<16xi32>
        %xor3A_2539 = arith.xori %iota3A_2515, %xor3A_2538 : vector<16xi32>
        %reshape3A_2540 = vector.shape_cast %xor3A_2539 : vector<16xi32> to vector<16x1xi32>
        %gather3A_2541 = vector.shape_cast %reshape3A_2540 : vector<16x1xi32> to vector<16xi32>
        %gather3A_2542 = tpu.dynamic_gather %add3A_2536[%gather3A_2541] in [0] : vector<16xf32>, vector<16xi32> -> vector<16xf32>
        %add3A_2543 = arith.addf %add3A_2536, %gather3A_2542 : vector<16xf32>
        %select_n3A_2544 = arith.select %eq3A_2514, %add3A_2543, %select_n3A_2388 : vector<16xi1>, vector<16xf32>
        %mul3A_2545 = arith.constant 16 : i32
        %mul3A_2546 = arith.muli %scan3A_53, %mul3A_2545 : i32
        %add3A_2547 = arith.addi %add3A_25, %mul3A_2546 : i32
        %add3A_2548 = vector.broadcast %add3A_2547 : i32 to vector<16xi32>
        %add3A_2549 = arith.addi %add3A_2548, %iota3A : vector<16xi32>
        %lt3A = arith.constant 330000 : i32
        %lt3A_2550 = vector.broadcast %lt3A : i32 to vector<16xi32>
        %lt3A_2551 = arith.cmpi slt, %add3A_2549, %lt3A_2550 : vector<16xi32>
        %exp3A = math.exp %select_n3A_2544 : vector<16xf32>
        %jit3A = arith.constant 0.000000e+00 : f32
        %broadcast_in_dim3A_2552 = vector.broadcast %jit3A : f32 to vector<16xf32>
        %select_n3A_2553 = arith.select %lt3A_2551, %exp3A, %broadcast_in_dim3A_2552 : vector<16xi1>, vector<16xf32>
        %mul3A_2554 = arith.constant 16 : i32
        %mul3A_2555 = arith.muli %scan3A_53, %mul3A_2554 : i32
        %swap3A = arith.index_cast %mul3A_2555 : i32 to index
        %swap3A_2556 = tpu.vector_load %arg14[%swap3A] {strides = array<i32>} : memref<128xf32, #tpu.memory_space<vmem>>, vector<16xf32>,
        tpu.vector_store %arg14[%swap3A], %select_n3A_2553 {strides = array<i32>} : memref<128xf32, #tpu.memory_space<vmem>>, vector<16xf32>,
        %scan3A_2557 = arith.constant 0 : i32
        scf.yield %scan3A_2557 : i32
      }
      %scan3A_50 = arith.constant 8 : i32
      "tpu.region"() ({
        %run_scoped3A_53 = tpu.sem_alloc : memref<!tpu.dma_semaphore, #tpu.memory_space<semaphore_mem>>
        %dma_start3A_54 = tpu.memref_slice %arg7[%add3A_25] : memref<331776xf32, #tpu.memory_space<hbm>> -> memref<128xf32, #tpu.memory_space<hbm>>
        %dma_start3A_55 = tpu.memref_slice %arg7[%add3A_25] : memref<331776xf32, #tpu.memory_space<hbm>> -> memref<128xf32, #tpu.memory_space<hbm>>
        tpu.enqueue_dma source(%arg14 : memref<128xf32, #tpu.memory_space<vmem>>) target(%dma_start3A_55 : memref<128xf32, #tpu.memory_space<hbm>>) target_semaphore(%run_scoped3A_53 : memref<!tpu.dma_semaphore, #tpu.memory_space<semaphore_mem>>)
        %dma_wait3A_56 = tpu.memref_slice %arg7[%add3A_25] : memref<331776xf32, #tpu.memory_space<hbm>> -> memref<128xf32, #tpu.memory_space<hbm>>
        %dma_wait3A_57 = tpu.memref_slice %arg7[%add3A_25] : memref<331776xf32, #tpu.memory_space<hbm>> -> memref<128xf32, #tpu.memory_space<hbm>>
        tpu.wait_dma2 semaphore(%run_scoped3A_53 : memref<!tpu.dma_semaphore, #tpu.memory_space<semaphore_mem>>) src(%arg14 : memref<128xf32, #tpu.memory_space<vmem>>) dst(%dma_wait3A_57 : memref<128xf32, #tpu.memory_space<hbm>>)
        tpu.yield
      }) : () -> ()
      %run_scoped3A_51 = arith.constant 0 : i32
      "tpu.region"() ({
        %run_scoped3A_53 = tpu.sem_alloc : memref<!tpu.dma_semaphore, #tpu.memory_space<semaphore_mem>>
        %dma_start3A_54 = arith.constant 0 : i32
        %dma_start3A_55 = tpu.memref_slice %arg10[%run_scoped3A_51, %dma_start3A_54] : memref<1x128xi32, #tpu.memory_space<vmem>> -> memref<1x128xi32, #tpu.memory_space<vmem>>
        %dma_start3A_56 = tpu.memref_squeeze %dma_start3A_55 : memref<1x128xi32, #tpu.memory_space<vmem>> -> memref<128xi32, #tpu.memory_space<vmem>>
        %dma_start3A_57 = arith.constant 0 : i32
        %dma_start3A_58 = tpu.memref_slice %arg16[%dma_start3A_57] : memref<10240xf32, #tpu.memory_space<vmem_shared>> -> memref<10240xf32, #tpu.memory_space<vmem_shared>>
        tpu.enqueue_indirect_dma source(%arg14 : memref<128xf32, #tpu.memory_space<vmem>>) target(%dma_start3A_58 : memref<10240xf32, #tpu.memory_space<vmem_shared>>) offsets(%dma_start3A_56 : memref<128xi32, #tpu.memory_space<vmem>>) semaphore(%run_scoped3A_53 : memref<!tpu.dma_semaphore, #tpu.memory_space<semaphore_mem>>) {add = true}
        %dma_wait3A_59 = arith.constant 0 : i32
        %dma_wait3A_60 = tpu.memref_slice %arg10[%run_scoped3A_51, %dma_wait3A_59] : memref<1x128xi32, #tpu.memory_space<vmem>> -> memref<1x128xi32, #tpu.memory_space<vmem>>
        %dma_wait3A_61 = tpu.memref_squeeze %dma_wait3A_60 : memref<1x128xi32, #tpu.memory_space<vmem>> -> memref<128xi32, #tpu.memory_space<vmem>>
        %dma_wait3A_62 = arith.constant 0 : i32
        %dma_wait3A_63 = tpu.memref_slice %arg16[%dma_wait3A_62] : memref<10240xf32, #tpu.memory_space<vmem_shared>> -> memref<10240xf32, #tpu.memory_space<vmem_shared>>
        tpu.wait_indirect_dma semaphore(%run_scoped3A_53 : memref<!tpu.dma_semaphore, #tpu.memory_space<semaphore_mem>>) src(%arg14 : memref<128xf32, #tpu.memory_space<vmem>>) dst(%dma_wait3A_63 : memref<10240xf32, #tpu.memory_space<vmem_shared>>)
        tpu.yield
      }) : () -> ()
      %scan3A_52 = arith.constant 0 : i32
      scf.yield %scan3A_52 : i32
    }
    %scan3A_15 = arith.constant 81 : i32
    %barrier3A_16 = arith.constant 0 : index
    tpu.barrier barrier_id(%barrier3A_16)
    %mul3A_17 = arith.constant 640 : i32
    %mul3A_18 = arith.muli %arg1, %mul3A_17 : i32
    "tpu.region"() ({
      %run_scoped3A = tpu.sem_alloc : memref<!tpu.dma_semaphore, #tpu.memory_space<semaphore_mem>>
      %dma_start3A = tpu.memref_slice %arg8[%arg0, %mul3A_18] : memref<2x10240xf32, #tpu.memory_space<hbm>> -> memref<1x640xf32, #tpu.memory_space<hbm>>
      %dma_start3A_19 = tpu.memref_squeeze %dma_start3A : memref<1x640xf32, #tpu.memory_space<hbm>> -> memref<640xf32, #tpu.memory_space<hbm>>
      %dma_start3A_20 = tpu.memref_slice %arg16[%mul3A_18] : memref<10240xf32, #tpu.memory_space<vmem_shared>> -> memref<640xf32, #tpu.memory_space<vmem_shared>>
      tpu.enqueue_dma source(%dma_start3A_20 : memref<640xf32, #tpu.memory_space<vmem_shared>>) target(%dma_start3A_19 : memref<640xf32, #tpu.memory_space<hbm>>) target_semaphore(%run_scoped3A : memref<!tpu.dma_semaphore, #tpu.memory_space<semaphore_mem>>)
      %dma_wait3A = tpu.memref_slice %arg8[%arg0, %mul3A_18] : memref<2x10240xf32, #tpu.memory_space<hbm>> -> memref<1x640xf32, #tpu.memory_space<hbm>>
      %dma_wait3A_21 = tpu.memref_squeeze %dma_wait3A : memref<1x640xf32, #tpu.memory_space<hbm>> -> memref<640xf32, #tpu.memory_space<hbm>>
      %dma_wait3A_22 = tpu.memref_slice %arg16[%mul3A_18] : memref<10240xf32, #tpu.memory_space<vmem_shared>> -> memref<640xf32, #tpu.memory_space<vmem_shared>>
      tpu.wait_dma2 semaphore(%run_scoped3A : memref<!tpu.dma_semaphore, #tpu.memory_space<semaphore_mem>>) src(%dma_wait3A_22 : memref<640xf32, #tpu.memory_space<vmem_shared>>) dst(%dma_wait3A_21 : memref<640xf32, #tpu.memory_space<hbm>>)
      tpu.yield
    }) : () -> ()
    return
  }
}

#map = affine_map<(d0, d1) -> (0, 0)>
#map1 = affine_map<(d0, d1) -> (0)>
#map2 = affine_map<(d0, d1) -> (0, 0, 0)>
module attributes {stable_mosaic.version = 14 : i64} {
  func.func @_sc_aggregate(%arg0: i32, %arg1: i32, %arg2: memref<10000x128xf32, #tpu.memory_space<hbm>>, %arg3: memref<331776xi32, #tpu.memory_space<hbm>>, %arg4: memref<331776xi32, #tpu.memory_space<hbm>>, %arg5: memref<331776xf32, #tpu.memory_space<hbm>>, %arg6: memref<2x10240xf32, #tpu.memory_space<hbm>>, %arg7: memref<2x10240x128xf32, #tpu.memory_space<hbm>>, %arg8: memref<128xi32, #tpu.memory_space<vmem>>, %arg9: memref<1x128xi32, #tpu.memory_space<vmem>>, %arg10: memref<128x128xf32, #tpu.memory_space<vmem>>, %arg11: memref<128xf32, #tpu.memory_space<vmem>>, %arg12: memref<10240xf32, #tpu.memory_space<vmem>>, %arg13: memref<2x640xf32, #tpu.memory_space<vmem>>, %arg14: memref<640xf32, #tpu.memory_space<vmem>>, %arg15: memref<128x128xf32, #tpu.memory_space<vmem>>, %arg16: memref<10240x128xf32, #tpu.memory_space<vmem_shared>>, %arg17: memref<10240xf32, #tpu.memory_space<vmem_shared>>, %arg18: memref<!tpu.dma_semaphore, #tpu.memory_space<semaphore_mem>>) attributes {dimension_semantics = [#tpu.dimension_semantics<core_parallel>, #tpu.dimension_semantics<subcore_parallel>], iteration_bounds = array<i64: 2, 16>, scalar_prefetch = 0 : i64, scratch_operands = 11 : i64, tpu.core_type = #tpu.core_type<sc_vector_subcore>, window_params = [{transform_indices = #map}, {transform_indices = #map1}, {transform_indices = #map1}, {transform_indices = #map1}, {transform_indices = #map}, {transform_indices = #map2}]} {
    %mul3A = arith.constant 16 : i32
    %mul3A_0 = arith.muli %arg0, %mul3A : i32
    %add3A = arith.addi %mul3A_0, %arg1 : i32
    %scan3A = arith.constant 0 : i32
    %scan3A_1 = arith.constant 0 : i32
    %scan3A_2 = arith.constant 128 : i32
    %scan3A_3 = arith.addi %scan3A_1, %scan3A_2 : i32
    %scan3A_4 = arith.constant 1 : i32
    %scan3A_5 = scf.for %scan3A_71 = %scan3A_1 to %scan3A_3 step %scan3A_4 iter_args(%scan3A_72 = %scan3A) -> (i32)  : i32 {
      %broadcast_in_dim3A = arith.constant 0.000000e+00 : f32
      %broadcast_in_dim3A_73 = vector.broadcast %broadcast_in_dim3A : f32 to vector<16xf32>
      %swap3A = arith.index_cast %scan3A_71 : i32 to index
      %swap3A_74 = arith.constant 0 : index
      %swap3A_75 = tpu.vector_load %arg15[%swap3A, %swap3A_74] {strides = array<i32>} : memref<128x128xf32, #tpu.memory_space<vmem>>, vector<16xf32>,
      tpu.vector_store %arg15[%swap3A, %swap3A_74], %broadcast_in_dim3A_73 {strides = array<i32>} : memref<128x128xf32, #tpu.memory_space<vmem>>, vector<16xf32>,
      %broadcast_in_dim3A_76 = arith.constant 0.000000e+00 : f32
      %broadcast_in_dim3A_77 = vector.broadcast %broadcast_in_dim3A_76 : f32 to vector<16xf32>
      %swap3A_78 = arith.index_cast %scan3A_71 : i32 to index
      %swap3A_79 = arith.constant 16 : index
      %swap3A_80 = tpu.vector_load %arg15[%swap3A_78, %swap3A_79] {strides = array<i32>} : memref<128x128xf32, #tpu.memory_space<vmem>>, vector<16xf32>,
      tpu.vector_store %arg15[%swap3A_78, %swap3A_79], %broadcast_in_dim3A_77 {strides = array<i32>} : memref<128x128xf32, #tpu.memory_space<vmem>>, vector<16xf32>,
      %broadcast_in_dim3A_81 = arith.constant 0.000000e+00 : f32
      %broadcast_in_dim3A_82 = vector.broadcast %broadcast_in_dim3A_81 : f32 to vector<16xf32>
      %swap3A_83 = arith.index_cast %scan3A_71 : i32 to index
      %swap3A_84 = arith.constant 32 : index
      %swap3A_85 = tpu.vector_load %arg15[%swap3A_83, %swap3A_84] {strides = array<i32>} : memref<128x128xf32, #tpu.memory_space<vmem>>, vector<16xf32>,
      tpu.vector_store %arg15[%swap3A_83, %swap3A_84], %broadcast_in_dim3A_82 {strides = array<i32>} : memref<128x128xf32, #tpu.memory_space<vmem>>, vector<16xf32>,
      %broadcast_in_dim3A_86 = arith.constant 0.000000e+00 : f32
      %broadcast_in_dim3A_87 = vector.broadcast %broadcast_in_dim3A_86 : f32 to vector<16xf32>
      %swap3A_88 = arith.index_cast %scan3A_71 : i32 to index
      %swap3A_89 = arith.constant 48 : index
      %swap3A_90 = tpu.vector_load %arg15[%swap3A_88, %swap3A_89] {strides = array<i32>} : memref<128x128xf32, #tpu.memory_space<vmem>>, vector<16xf32>,
      tpu.vector_store %arg15[%swap3A_88, %swap3A_89], %broadcast_in_dim3A_87 {strides = array<i32>} : memref<128x128xf32, #tpu.memory_space<vmem>>, vector<16xf32>,
      %broadcast_in_dim3A_91 = arith.constant 0.000000e+00 : f32
      %broadcast_in_dim3A_92 = vector.broadcast %broadcast_in_dim3A_91 : f32 to vector<16xf32>
      %swap3A_93 = arith.index_cast %scan3A_71 : i32 to index
      %swap3A_94 = arith.constant 64 : index
      %swap3A_95 = tpu.vector_load %arg15[%swap3A_93, %swap3A_94] {strides = array<i32>} : memref<128x128xf32, #tpu.memory_space<vmem>>, vector<16xf32>,
      tpu.vector_store %arg15[%swap3A_93, %swap3A_94], %broadcast_in_dim3A_92 {strides = array<i32>} : memref<128x128xf32, #tpu.memory_space<vmem>>, vector<16xf32>,
      %broadcast_in_dim3A_96 = arith.constant 0.000000e+00 : f32
      %broadcast_in_dim3A_97 = vector.broadcast %broadcast_in_dim3A_96 : f32 to vector<16xf32>
      %swap3A_98 = arith.index_cast %scan3A_71 : i32 to index
      %swap3A_99 = arith.constant 80 : index
      %swap3A_100 = tpu.vector_load %arg15[%swap3A_98, %swap3A_99] {strides = array<i32>} : memref<128x128xf32, #tpu.memory_space<vmem>>, vector<16xf32>,
      tpu.vector_store %arg15[%swap3A_98, %swap3A_99], %broadcast_in_dim3A_97 {strides = array<i32>} : memref<128x128xf32, #tpu.memory_space<vmem>>, vector<16xf32>,
      %broadcast_in_dim3A_101 = arith.constant 0.000000e+00 : f32
      %broadcast_in_dim3A_102 = vector.broadcast %broadcast_in_dim3A_101 : f32 to vector<16xf32>
      %swap3A_103 = arith.index_cast %scan3A_71 : i32 to index
      %swap3A_104 = arith.constant 96 : index
      %swap3A_105 = tpu.vector_load %arg15[%swap3A_103, %swap3A_104] {strides = array<i32>} : memref<128x128xf32, #tpu.memory_space<vmem>>, vector<16xf32>,
      tpu.vector_store %arg15[%swap3A_103, %swap3A_104], %broadcast_in_dim3A_102 {strides = array<i32>} : memref<128x128xf32, #tpu.memory_space<vmem>>, vector<16xf32>,
      %broadcast_in_dim3A_106 = arith.constant 0.000000e+00 : f32
      %broadcast_in_dim3A_107 = vector.broadcast %broadcast_in_dim3A_106 : f32 to vector<16xf32>
      %swap3A_108 = arith.index_cast %scan3A_71 : i32 to index
      %swap3A_109 = arith.constant 112 : index
      %swap3A_110 = tpu.vector_load %arg15[%swap3A_108, %swap3A_109] {strides = array<i32>} : memref<128x128xf32, #tpu.memory_space<vmem>>, vector<16xf32>,
      tpu.vector_store %arg15[%swap3A_108, %swap3A_109], %broadcast_in_dim3A_107 {strides = array<i32>} : memref<128x128xf32, #tpu.memory_space<vmem>>, vector<16xf32>,
      %scan3A_111 = arith.constant 0 : i32
      scf.yield %scan3A_111 : i32
    }
    %scan3A_6 = arith.constant 128 : i32
    %mul3A_7 = arith.constant 640 : i32
    %mul3A_8 = arith.muli %arg1, %mul3A_7 : i32
    %add3A_9 = arith.constant 0 : i32
    %add3A_10 = arith.addi %mul3A_8, %add3A_9 : i32
    "tpu.region"() ({
      %run_scoped3A_71 = tpu.sem_alloc : memref<!tpu.dma_semaphore, #tpu.memory_space<semaphore_mem>>
      %dma_start3A = arith.constant 0 : i32
      %dma_start3A_72 = tpu.memref_slice %arg16[%add3A_10, %dma_start3A] : memref<10240x128xf32, #tpu.memory_space<vmem_shared>> -> memref<128x128xf32, #tpu.memory_space<vmem_shared>>
      %dma_start3A_73 = arith.constant 0 : i32
      %dma_start3A_74 = tpu.memref_slice %arg16[%add3A_10, %dma_start3A_73] : memref<10240x128xf32, #tpu.memory_space<vmem_shared>> -> memref<128x128xf32, #tpu.memory_space<vmem_shared>>
      tpu.enqueue_dma source(%arg15 : memref<128x128xf32, #tpu.memory_space<vmem>>) target(%dma_start3A_74 : memref<128x128xf32, #tpu.memory_space<vmem_shared>>) target_semaphore(%run_scoped3A_71 : memref<!tpu.dma_semaphore, #tpu.memory_space<semaphore_mem>>)
      %dma_wait3A = arith.constant 0 : i32
      %dma_wait3A_75 = tpu.memref_slice %arg16[%add3A_10, %dma_wait3A] : memref<10240x128xf32, #tpu.memory_space<vmem_shared>> -> memref<128x128xf32, #tpu.memory_space<vmem_shared>>
      %dma_wait3A_76 = arith.constant 0 : i32
      %dma_wait3A_77 = tpu.memref_slice %arg16[%add3A_10, %dma_wait3A_76] : memref<10240x128xf32, #tpu.memory_space<vmem_shared>> -> memref<128x128xf32, #tpu.memory_space<vmem_shared>>
      tpu.wait_dma2 semaphore(%run_scoped3A_71 : memref<!tpu.dma_semaphore, #tpu.memory_space<semaphore_mem>>) src(%arg15 : memref<128x128xf32, #tpu.memory_space<vmem>>) dst(%dma_wait3A_77 : memref<128x128xf32, #tpu.memory_space<vmem_shared>>)
      tpu.yield
    }) : () -> ()
    %mul3A_11 = arith.constant 640 : i32
    %mul3A_12 = arith.muli %arg1, %mul3A_11 : i32
    %add3A_13 = arith.constant 128 : i32
    %add3A_14 = arith.addi %mul3A_12, %add3A_13 : i32
    "tpu.region"() ({
      %run_scoped3A_71 = tpu.sem_alloc : memref<!tpu.dma_semaphore, #tpu.memory_space<semaphore_mem>>
      %dma_start3A = arith.constant 0 : i32
      %dma_start3A_72 = tpu.memref_slice %arg16[%add3A_14, %dma_start3A] : memref<10240x128xf32, #tpu.memory_space<vmem_shared>> -> memref<128x128xf32, #tpu.memory_space<vmem_shared>>
      %dma_start3A_73 = arith.constant 0 : i32
      %dma_start3A_74 = tpu.memref_slice %arg16[%add3A_14, %dma_start3A_73] : memref<10240x128xf32, #tpu.memory_space<vmem_shared>> -> memref<128x128xf32, #tpu.memory_space<vmem_shared>>
      tpu.enqueue_dma source(%arg15 : memref<128x128xf32, #tpu.memory_space<vmem>>) target(%dma_start3A_74 : memref<128x128xf32, #tpu.memory_space<vmem_shared>>) target_semaphore(%run_scoped3A_71 : memref<!tpu.dma_semaphore, #tpu.memory_space<semaphore_mem>>)
      %dma_wait3A = arith.constant 0 : i32
      %dma_wait3A_75 = tpu.memref_slice %arg16[%add3A_14, %dma_wait3A] : memref<10240x128xf32, #tpu.memory_space<vmem_shared>> -> memref<128x128xf32, #tpu.memory_space<vmem_shared>>
      %dma_wait3A_76 = arith.constant 0 : i32
      %dma_wait3A_77 = tpu.memref_slice %arg16[%add3A_14, %dma_wait3A_76] : memref<10240x128xf32, #tpu.memory_space<vmem_shared>> -> memref<128x128xf32, #tpu.memory_space<vmem_shared>>
      tpu.wait_dma2 semaphore(%run_scoped3A_71 : memref<!tpu.dma_semaphore, #tpu.memory_space<semaphore_mem>>) src(%arg15 : memref<128x128xf32, #tpu.memory_space<vmem>>) dst(%dma_wait3A_77 : memref<128x128xf32, #tpu.memory_space<vmem_shared>>)
      tpu.yield
    }) : () -> ()
    %mul3A_15 = arith.constant 640 : i32
    %mul3A_16 = arith.muli %arg1, %mul3A_15 : i32
    %add3A_17 = arith.constant 256 : i32
    %add3A_18 = arith.addi %mul3A_16, %add3A_17 : i32
    "tpu.region"() ({
      %run_scoped3A_71 = tpu.sem_alloc : memref<!tpu.dma_semaphore, #tpu.memory_space<semaphore_mem>>
      %dma_start3A = arith.constant 0 : i32
      %dma_start3A_72 = tpu.memref_slice %arg16[%add3A_18, %dma_start3A] : memref<10240x128xf32, #tpu.memory_space<vmem_shared>> -> memref<128x128xf32, #tpu.memory_space<vmem_shared>>
      %dma_start3A_73 = arith.constant 0 : i32
      %dma_start3A_74 = tpu.memref_slice %arg16[%add3A_18, %dma_start3A_73] : memref<10240x128xf32, #tpu.memory_space<vmem_shared>> -> memref<128x128xf32, #tpu.memory_space<vmem_shared>>
      tpu.enqueue_dma source(%arg15 : memref<128x128xf32, #tpu.memory_space<vmem>>) target(%dma_start3A_74 : memref<128x128xf32, #tpu.memory_space<vmem_shared>>) target_semaphore(%run_scoped3A_71 : memref<!tpu.dma_semaphore, #tpu.memory_space<semaphore_mem>>)
      %dma_wait3A = arith.constant 0 : i32
      %dma_wait3A_75 = tpu.memref_slice %arg16[%add3A_18, %dma_wait3A] : memref<10240x128xf32, #tpu.memory_space<vmem_shared>> -> memref<128x128xf32, #tpu.memory_space<vmem_shared>>
      %dma_wait3A_76 = arith.constant 0 : i32
      %dma_wait3A_77 = tpu.memref_slice %arg16[%add3A_18, %dma_wait3A_76] : memref<10240x128xf32, #tpu.memory_space<vmem_shared>> -> memref<128x128xf32, #tpu.memory_space<vmem_shared>>
      tpu.wait_dma2 semaphore(%run_scoped3A_71 : memref<!tpu.dma_semaphore, #tpu.memory_space<semaphore_mem>>) src(%arg15 : memref<128x128xf32, #tpu.memory_space<vmem>>) dst(%dma_wait3A_77 : memref<128x128xf32, #tpu.memory_space<vmem_shared>>)
      tpu.yield
    }) : () -> ()
    %mul3A_19 = arith.constant 640 : i32
    %mul3A_20 = arith.muli %arg1, %mul3A_19 : i32
    %add3A_21 = arith.constant 384 : i32
    %add3A_22 = arith.addi %mul3A_20, %add3A_21 : i32
    "tpu.region"() ({
      %run_scoped3A_71 = tpu.sem_alloc : memref<!tpu.dma_semaphore, #tpu.memory_space<semaphore_mem>>
      %dma_start3A = arith.constant 0 : i32
      %dma_start3A_72 = tpu.memref_slice %arg16[%add3A_22, %dma_start3A] : memref<10240x128xf32, #tpu.memory_space<vmem_shared>> -> memref<128x128xf32, #tpu.memory_space<vmem_shared>>
      %dma_start3A_73 = arith.constant 0 : i32
      %dma_start3A_74 = tpu.memref_slice %arg16[%add3A_22, %dma_start3A_73] : memref<10240x128xf32, #tpu.memory_space<vmem_shared>> -> memref<128x128xf32, #tpu.memory_space<vmem_shared>>
      tpu.enqueue_dma source(%arg15 : memref<128x128xf32, #tpu.memory_space<vmem>>) target(%dma_start3A_74 : memref<128x128xf32, #tpu.memory_space<vmem_shared>>) target_semaphore(%run_scoped3A_71 : memref<!tpu.dma_semaphore, #tpu.memory_space<semaphore_mem>>)
      %dma_wait3A = arith.constant 0 : i32
      %dma_wait3A_75 = tpu.memref_slice %arg16[%add3A_22, %dma_wait3A] : memref<10240x128xf32, #tpu.memory_space<vmem_shared>> -> memref<128x128xf32, #tpu.memory_space<vmem_shared>>
      %dma_wait3A_76 = arith.constant 0 : i32
      %dma_wait3A_77 = tpu.memref_slice %arg16[%add3A_22, %dma_wait3A_76] : memref<10240x128xf32, #tpu.memory_space<vmem_shared>> -> memref<128x128xf32, #tpu.memory_space<vmem_shared>>
      tpu.wait_dma2 semaphore(%run_scoped3A_71 : memref<!tpu.dma_semaphore, #tpu.memory_space<semaphore_mem>>) src(%arg15 : memref<128x128xf32, #tpu.memory_space<vmem>>) dst(%dma_wait3A_77 : memref<128x128xf32, #tpu.memory_space<vmem_shared>>)
      tpu.yield
    }) : () -> ()
    %mul3A_23 = arith.constant 640 : i32
    %mul3A_24 = arith.muli %arg1, %mul3A_23 : i32
    %add3A_25 = arith.constant 512 : i32
    %add3A_26 = arith.addi %mul3A_24, %add3A_25 : i32
    "tpu.region"() ({
      %run_scoped3A_71 = tpu.sem_alloc : memref<!tpu.dma_semaphore, #tpu.memory_space<semaphore_mem>>
      %dma_start3A = arith.constant 0 : i32
      %dma_start3A_72 = tpu.memref_slice %arg16[%add3A_26, %dma_start3A] : memref<10240x128xf32, #tpu.memory_space<vmem_shared>> -> memref<128x128xf32, #tpu.memory_space<vmem_shared>>
      %dma_start3A_73 = arith.constant 0 : i32
      %dma_start3A_74 = tpu.memref_slice %arg16[%add3A_26, %dma_start3A_73] : memref<10240x128xf32, #tpu.memory_space<vmem_shared>> -> memref<128x128xf32, #tpu.memory_space<vmem_shared>>
      tpu.enqueue_dma source(%arg15 : memref<128x128xf32, #tpu.memory_space<vmem>>) target(%dma_start3A_74 : memref<128x128xf32, #tpu.memory_space<vmem_shared>>) target_semaphore(%run_scoped3A_71 : memref<!tpu.dma_semaphore, #tpu.memory_space<semaphore_mem>>)
      %dma_wait3A = arith.constant 0 : i32
      %dma_wait3A_75 = tpu.memref_slice %arg16[%add3A_26, %dma_wait3A] : memref<10240x128xf32, #tpu.memory_space<vmem_shared>> -> memref<128x128xf32, #tpu.memory_space<vmem_shared>>
      %dma_wait3A_76 = arith.constant 0 : i32
      %dma_wait3A_77 = tpu.memref_slice %arg16[%add3A_26, %dma_wait3A_76] : memref<10240x128xf32, #tpu.memory_space<vmem_shared>> -> memref<128x128xf32, #tpu.memory_space<vmem_shared>>
      tpu.wait_dma2 semaphore(%run_scoped3A_71 : memref<!tpu.dma_semaphore, #tpu.memory_space<semaphore_mem>>) src(%arg15 : memref<128x128xf32, #tpu.memory_space<vmem>>) dst(%dma_wait3A_77 : memref<128x128xf32, #tpu.memory_space<vmem_shared>>)
      tpu.yield
    }) : () -> ()
    %mul3A_27 = arith.constant 640 : i32
    %mul3A_28 = arith.muli %arg1, %mul3A_27 : i32
    %run_scoped3A = arith.constant 0 : i32
    %run_scoped3A_29 = arith.constant 0 : i32
    "tpu.region"() ({
      %run_scoped3A_71 = tpu.sem_alloc : memref<!tpu.dma_semaphore, #tpu.memory_space<semaphore_mem>>
      %dma_start3A = arith.constant 0 : i32
      %dma_start3A_72 = tpu.memref_slice %arg13[%run_scoped3A_29, %dma_start3A] : memref<2x640xf32, #tpu.memory_space<vmem>> -> memref<1x640xf32, #tpu.memory_space<vmem>>
      %dma_start3A_73 = tpu.memref_squeeze %dma_start3A_72 : memref<1x640xf32, #tpu.memory_space<vmem>> -> memref<640xf32, #tpu.memory_space<vmem>>
      %dma_start3A_74 = tpu.memref_slice %arg6[%run_scoped3A, %mul3A_28] : memref<2x10240xf32, #tpu.memory_space<hbm>> -> memref<1x640xf32, #tpu.memory_space<hbm>>
      %dma_start3A_75 = tpu.memref_squeeze %dma_start3A_74 : memref<1x640xf32, #tpu.memory_space<hbm>> -> memref<640xf32, #tpu.memory_space<hbm>>
      %dma_start3A_76 = arith.constant 0 : i32
      %dma_start3A_77 = tpu.memref_slice %arg13[%run_scoped3A_29, %dma_start3A_76] : memref<2x640xf32, #tpu.memory_space<vmem>> -> memref<1x640xf32, #tpu.memory_space<vmem>>
      %dma_start3A_78 = tpu.memref_squeeze %dma_start3A_77 : memref<1x640xf32, #tpu.memory_space<vmem>> -> memref<640xf32, #tpu.memory_space<vmem>>
      %dma_start3A_79 = tpu.memref_slice %arg6[%run_scoped3A, %mul3A_28] : memref<2x10240xf32, #tpu.memory_space<hbm>> -> memref<1x640xf32, #tpu.memory_space<hbm>>
      %dma_start3A_80 = tpu.memref_squeeze %dma_start3A_79 : memref<1x640xf32, #tpu.memory_space<hbm>> -> memref<640xf32, #tpu.memory_space<hbm>>
      tpu.enqueue_dma source(%dma_start3A_80 : memref<640xf32, #tpu.memory_space<hbm>>) target(%dma_start3A_78 : memref<640xf32, #tpu.memory_space<vmem>>) target_semaphore(%run_scoped3A_71 : memref<!tpu.dma_semaphore, #tpu.memory_space<semaphore_mem>>)
      %dma_wait3A = arith.constant 0 : i32
      %dma_wait3A_81 = tpu.memref_slice %arg13[%run_scoped3A_29, %dma_wait3A] : memref<2x640xf32, #tpu.memory_space<vmem>> -> memref<1x640xf32, #tpu.memory_space<vmem>>
      %dma_wait3A_82 = tpu.memref_squeeze %dma_wait3A_81 : memref<1x640xf32, #tpu.memory_space<vmem>> -> memref<640xf32, #tpu.memory_space<vmem>>
      %dma_wait3A_83 = tpu.memref_slice %arg6[%run_scoped3A, %mul3A_28] : memref<2x10240xf32, #tpu.memory_space<hbm>> -> memref<1x640xf32, #tpu.memory_space<hbm>>
      %dma_wait3A_84 = tpu.memref_squeeze %dma_wait3A_83 : memref<1x640xf32, #tpu.memory_space<hbm>> -> memref<640xf32, #tpu.memory_space<hbm>>
      %dma_wait3A_85 = arith.constant 0 : i32
      %dma_wait3A_86 = tpu.memref_slice %arg13[%run_scoped3A_29, %dma_wait3A_85] : memref<2x640xf32, #tpu.memory_space<vmem>> -> memref<1x640xf32, #tpu.memory_space<vmem>>
      %dma_wait3A_87 = tpu.memref_squeeze %dma_wait3A_86 : memref<1x640xf32, #tpu.memory_space<vmem>> -> memref<640xf32, #tpu.memory_space<vmem>>
      %dma_wait3A_88 = tpu.memref_slice %arg6[%run_scoped3A, %mul3A_28] : memref<2x10240xf32, #tpu.memory_space<hbm>> -> memref<1x640xf32, #tpu.memory_space<hbm>>
      %dma_wait3A_89 = tpu.memref_squeeze %dma_wait3A_88 : memref<1x640xf32, #tpu.memory_space<hbm>> -> memref<640xf32, #tpu.memory_space<hbm>>
      tpu.wait_dma2 semaphore(%run_scoped3A_71 : memref<!tpu.dma_semaphore, #tpu.memory_space<semaphore_mem>>) src(%dma_wait3A_89 : memref<640xf32, #tpu.memory_space<hbm>>) dst(%dma_wait3A_87 : memref<640xf32, #tpu.memory_space<vmem>>)
      tpu.yield
    }) : () -> ()
    %mul3A_30 = arith.constant 640 : i32
    %mul3A_31 = arith.muli %arg1, %mul3A_30 : i32
    %run_scoped3A_32 = arith.constant 1 : i32
    %run_scoped3A_33 = arith.constant 1 : i32
    "tpu.region"() ({
      %run_scoped3A_71 = tpu.sem_alloc : memref<!tpu.dma_semaphore, #tpu.memory_space<semaphore_mem>>
      %dma_start3A = arith.constant 0 : i32
      %dma_start3A_72 = tpu.memref_slice %arg13[%run_scoped3A_33, %dma_start3A] : memref<2x640xf32, #tpu.memory_space<vmem>> -> memref<1x640xf32, #tpu.memory_space<vmem>>
      %dma_start3A_73 = tpu.memref_squeeze %dma_start3A_72 : memref<1x640xf32, #tpu.memory_space<vmem>> -> memref<640xf32, #tpu.memory_space<vmem>>
      %dma_start3A_74 = tpu.memref_slice %arg6[%run_scoped3A_32, %mul3A_31] : memref<2x10240xf32, #tpu.memory_space<hbm>> -> memref<1x640xf32, #tpu.memory_space<hbm>>
      %dma_start3A_75 = tpu.memref_squeeze %dma_start3A_74 : memref<1x640xf32, #tpu.memory_space<hbm>> -> memref<640xf32, #tpu.memory_space<hbm>>
      %dma_start3A_76 = arith.constant 0 : i32
      %dma_start3A_77 = tpu.memref_slice %arg13[%run_scoped3A_33, %dma_start3A_76] : memref<2x640xf32, #tpu.memory_space<vmem>> -> memref<1x640xf32, #tpu.memory_space<vmem>>
      %dma_start3A_78 = tpu.memref_squeeze %dma_start3A_77 : memref<1x640xf32, #tpu.memory_space<vmem>> -> memref<640xf32, #tpu.memory_space<vmem>>
      %dma_start3A_79 = tpu.memref_slice %arg6[%run_scoped3A_32, %mul3A_31] : memref<2x10240xf32, #tpu.memory_space<hbm>> -> memref<1x640xf32, #tpu.memory_space<hbm>>
      %dma_start3A_80 = tpu.memref_squeeze %dma_start3A_79 : memref<1x640xf32, #tpu.memory_space<hbm>> -> memref<640xf32, #tpu.memory_space<hbm>>
      tpu.enqueue_dma source(%dma_start3A_80 : memref<640xf32, #tpu.memory_space<hbm>>) target(%dma_start3A_78 : memref<640xf32, #tpu.memory_space<vmem>>) target_semaphore(%run_scoped3A_71 : memref<!tpu.dma_semaphore, #tpu.memory_space<semaphore_mem>>)
      %dma_wait3A = arith.constant 0 : i32
      %dma_wait3A_81 = tpu.memref_slice %arg13[%run_scoped3A_33, %dma_wait3A] : memref<2x640xf32, #tpu.memory_space<vmem>> -> memref<1x640xf32, #tpu.memory_space<vmem>>
      %dma_wait3A_82 = tpu.memref_squeeze %dma_wait3A_81 : memref<1x640xf32, #tpu.memory_space<vmem>> -> memref<640xf32, #tpu.memory_space<vmem>>
      %dma_wait3A_83 = tpu.memref_slice %arg6[%run_scoped3A_32, %mul3A_31] : memref<2x10240xf32, #tpu.memory_space<hbm>> -> memref<1x640xf32, #tpu.memory_space<hbm>>
      %dma_wait3A_84 = tpu.memref_squeeze %dma_wait3A_83 : memref<1x640xf32, #tpu.memory_space<hbm>> -> memref<640xf32, #tpu.memory_space<hbm>>
      %dma_wait3A_85 = arith.constant 0 : i32
      %dma_wait3A_86 = tpu.memref_slice %arg13[%run_scoped3A_33, %dma_wait3A_85] : memref<2x640xf32, #tpu.memory_space<vmem>> -> memref<1x640xf32, #tpu.memory_space<vmem>>
      %dma_wait3A_87 = tpu.memref_squeeze %dma_wait3A_86 : memref<1x640xf32, #tpu.memory_space<vmem>> -> memref<640xf32, #tpu.memory_space<vmem>>
      %dma_wait3A_88 = tpu.memref_slice %arg6[%run_scoped3A_32, %mul3A_31] : memref<2x10240xf32, #tpu.memory_space<hbm>> -> memref<1x640xf32, #tpu.memory_space<hbm>>
      %dma_wait3A_89 = tpu.memref_squeeze %dma_wait3A_88 : memref<1x640xf32, #tpu.memory_space<hbm>> -> memref<640xf32, #tpu.memory_space<hbm>>
      tpu.wait_dma2 semaphore(%run_scoped3A_71 : memref<!tpu.dma_semaphore, #tpu.memory_space<semaphore_mem>>) src(%dma_wait3A_89 : memref<640xf32, #tpu.memory_space<hbm>>) dst(%dma_wait3A_87 : memref<640xf32, #tpu.memory_space<vmem>>)
      tpu.yield
    }) : () -> ()
    %scan3A_34 = arith.constant 0 : i32
    %scan3A_35 = arith.constant 0 : i32
    %scan3A_36 = arith.constant 40 : i32
    %scan3A_37 = arith.addi %scan3A_35, %scan3A_36 : i32
    %scan3A_38 = arith.constant 1 : i32
    %scan3A_39 = scf.for %scan3A_71 = %scan3A_35 to %scan3A_37 step %scan3A_38 iter_args(%scan3A_72 = %scan3A_34) -> (i32)  : i32 {
      %mul3A_73 = arith.constant 16 : i32
      %mul3A_74 = arith.muli %scan3A_71, %mul3A_73 : i32
      %get3A = arith.constant 0 : i32
      %get3A_75 = arith.index_cast %get3A : i32 to index
      %get3A_76 = arith.index_cast %mul3A_74 : i32 to index
      %get3A_77 = tpu.vector_load %arg13[%get3A_75, %get3A_76] {strides = array<i32>} : memref<2x640xf32, #tpu.memory_space<vmem>>, vector<16xf32>,
      %get3A_78 = arith.constant 1 : i32
      %get3A_79 = arith.index_cast %get3A_78 : i32 to index
      %get3A_80 = arith.index_cast %mul3A_74 : i32 to index
      %get3A_81 = tpu.vector_load %arg13[%get3A_79, %get3A_80] {strides = array<i32>} : memref<2x640xf32, #tpu.memory_space<vmem>>, vector<16xf32>,
      %add3A_82 = arith.addf %get3A_77, %get3A_81 : vector<16xf32>
      %add3A_83 = arith.constant 1.000000e-16 : f32
      %add3A_84 = vector.broadcast %add3A_83 : f32 to vector<16xf32>
      %add3A_85 = arith.addf %add3A_82, %add3A_84 : vector<16xf32>
      %swap3A = arith.index_cast %mul3A_74 : i32 to index
      %swap3A_86 = tpu.vector_load %arg14[%swap3A] {strides = array<i32>} : memref<640xf32, #tpu.memory_space<vmem>>, vector<16xf32>,
      tpu.vector_store %arg14[%swap3A], %add3A_85 {strides = array<i32>} : memref<640xf32, #tpu.memory_space<vmem>>, vector<16xf32>,
      %scan3A_87 = arith.constant 0 : i32
      scf.yield %scan3A_87 : i32
    }
    %scan3A_40 = arith.constant 40 : i32
    %mul3A_41 = arith.constant 640 : i32
    %mul3A_42 = arith.muli %arg1, %mul3A_41 : i32
    "tpu.region"() ({
      %run_scoped3A_71 = tpu.sem_alloc : memref<!tpu.dma_semaphore, #tpu.memory_space<semaphore_mem>>
      %dma_start3A = tpu.memref_slice %arg17[%mul3A_42] : memref<10240xf32, #tpu.memory_space<vmem_shared>> -> memref<640xf32, #tpu.memory_space<vmem_shared>>
      %dma_start3A_72 = tpu.memref_slice %arg17[%mul3A_42] : memref<10240xf32, #tpu.memory_space<vmem_shared>> -> memref<640xf32, #tpu.memory_space<vmem_shared>>
      tpu.enqueue_dma source(%arg14 : memref<640xf32, #tpu.memory_space<vmem>>) target(%dma_start3A_72 : memref<640xf32, #tpu.memory_space<vmem_shared>>) target_semaphore(%run_scoped3A_71 : memref<!tpu.dma_semaphore, #tpu.memory_space<semaphore_mem>>)
      %dma_wait3A = tpu.memref_slice %arg17[%mul3A_42] : memref<10240xf32, #tpu.memory_space<vmem_shared>> -> memref<640xf32, #tpu.memory_space<vmem_shared>>
      %dma_wait3A_73 = tpu.memref_slice %arg17[%mul3A_42] : memref<10240xf32, #tpu.memory_space<vmem_shared>> -> memref<640xf32, #tpu.memory_space<vmem_shared>>
      tpu.wait_dma2 semaphore(%run_scoped3A_71 : memref<!tpu.dma_semaphore, #tpu.memory_space<semaphore_mem>>) src(%arg14 : memref<640xf32, #tpu.memory_space<vmem>>) dst(%dma_wait3A_73 : memref<640xf32, #tpu.memory_space<vmem_shared>>)
      tpu.yield
    }) : () -> ()
    %barrier3A = arith.constant 0 : index
    tpu.barrier barrier_id(%barrier3A)
    "tpu.region"() ({
      %run_scoped3A_71 = tpu.sem_alloc : memref<!tpu.dma_semaphore, #tpu.memory_space<semaphore_mem>>
      tpu.enqueue_dma source(%arg17 : memref<10240xf32, #tpu.memory_space<vmem_shared>>) target(%arg12 : memref<10240xf32, #tpu.memory_space<vmem>>) target_semaphore(%run_scoped3A_71 : memref<!tpu.dma_semaphore, #tpu.memory_space<semaphore_mem>>)
      tpu.wait_dma2 semaphore(%run_scoped3A_71 : memref<!tpu.dma_semaphore, #tpu.memory_space<semaphore_mem>>) src(%arg17 : memref<10240xf32, #tpu.memory_space<vmem_shared>>) dst(%arg12 : memref<10240xf32, #tpu.memory_space<vmem>>)
      tpu.yield
    }) : () -> ()
    %scan3A_43 = arith.constant 0 : i32
    %scan3A_44 = arith.constant 0 : i32
    %scan3A_45 = arith.constant 81 : i32
    %scan3A_46 = arith.addi %scan3A_44, %scan3A_45 : i32
    %scan3A_47 = arith.constant 1 : i32
    %scan3A_48 = scf.for %scan3A_71 = %scan3A_44 to %scan3A_46 step %scan3A_47 iter_args(%scan3A_72 = %scan3A_43) -> (i32)  : i32 {
      %mul3A_73 = arith.constant 10368 : i32
      %mul3A_74 = arith.muli %add3A, %mul3A_73 : i32
      %mul3A_75 = arith.constant 128 : i32
      %mul3A_76 = arith.muli %scan3A_71, %mul3A_75 : i32
      %add3A_77 = arith.addi %mul3A_74, %mul3A_76 : i32
      "tpu.region"() ({
        %run_scoped3A_92 = tpu.sem_alloc : memref<!tpu.dma_semaphore, #tpu.memory_space<semaphore_mem>>
        %dma_start3A_93 = tpu.memref_slice %arg3[%add3A_77] : memref<331776xi32, #tpu.memory_space<hbm>> -> memref<128xi32, #tpu.memory_space<hbm>>
        %dma_start3A_94 = tpu.memref_slice %arg3[%add3A_77] : memref<331776xi32, #tpu.memory_space<hbm>> -> memref<128xi32, #tpu.memory_space<hbm>>
        tpu.enqueue_dma source(%dma_start3A_94 : memref<128xi32, #tpu.memory_space<hbm>>) target(%arg8 : memref<128xi32, #tpu.memory_space<vmem>>) target_semaphore(%run_scoped3A_92 : memref<!tpu.dma_semaphore, #tpu.memory_space<semaphore_mem>>)
        %dma_wait3A_95 = tpu.memref_slice %arg3[%add3A_77] : memref<331776xi32, #tpu.memory_space<hbm>> -> memref<128xi32, #tpu.memory_space<hbm>>
        %dma_wait3A_96 = tpu.memref_slice %arg3[%add3A_77] : memref<331776xi32, #tpu.memory_space<hbm>> -> memref<128xi32, #tpu.memory_space<hbm>>
        tpu.wait_dma2 semaphore(%run_scoped3A_92 : memref<!tpu.dma_semaphore, #tpu.memory_space<semaphore_mem>>) src(%dma_wait3A_96 : memref<128xi32, #tpu.memory_space<hbm>>) dst(%arg8 : memref<128xi32, #tpu.memory_space<vmem>>)
        tpu.yield
      }) : () -> ()
      %run_scoped3A_78 = arith.constant 0 : i32
      "tpu.region"() ({
        %run_scoped3A_92 = tpu.sem_alloc : memref<!tpu.dma_semaphore, #tpu.memory_space<semaphore_mem>>
        %dma_start3A_93 = arith.constant 0 : i32
        %dma_start3A_94 = tpu.memref_slice %arg9[%run_scoped3A_78, %dma_start3A_93] : memref<1x128xi32, #tpu.memory_space<vmem>> -> memref<1x128xi32, #tpu.memory_space<vmem>>
        %dma_start3A_95 = tpu.memref_squeeze %dma_start3A_94 : memref<1x128xi32, #tpu.memory_space<vmem>> -> memref<128xi32, #tpu.memory_space<vmem>>
        %dma_start3A_96 = tpu.memref_slice %arg4[%add3A_77] : memref<331776xi32, #tpu.memory_space<hbm>> -> memref<128xi32, #tpu.memory_space<hbm>>
        %dma_start3A_97 = arith.constant 0 : i32
        %dma_start3A_98 = tpu.memref_slice %arg9[%run_scoped3A_78, %dma_start3A_97] : memref<1x128xi32, #tpu.memory_space<vmem>> -> memref<1x128xi32, #tpu.memory_space<vmem>>
        %dma_start3A_99 = tpu.memref_squeeze %dma_start3A_98 : memref<1x128xi32, #tpu.memory_space<vmem>> -> memref<128xi32, #tpu.memory_space<vmem>>
        %dma_start3A_100 = tpu.memref_slice %arg4[%add3A_77] : memref<331776xi32, #tpu.memory_space<hbm>> -> memref<128xi32, #tpu.memory_space<hbm>>
        tpu.enqueue_dma source(%dma_start3A_100 : memref<128xi32, #tpu.memory_space<hbm>>) target(%dma_start3A_99 : memref<128xi32, #tpu.memory_space<vmem>>) target_semaphore(%run_scoped3A_92 : memref<!tpu.dma_semaphore, #tpu.memory_space<semaphore_mem>>)
        %dma_wait3A_101 = arith.constant 0 : i32
        %dma_wait3A_102 = tpu.memref_slice %arg9[%run_scoped3A_78, %dma_wait3A_101] : memref<1x128xi32, #tpu.memory_space<vmem>> -> memref<1x128xi32, #tpu.memory_space<vmem>>
        %dma_wait3A_103 = tpu.memref_squeeze %dma_wait3A_102 : memref<1x128xi32, #tpu.memory_space<vmem>> -> memref<128xi32, #tpu.memory_space<vmem>>
        %dma_wait3A_104 = tpu.memref_slice %arg4[%add3A_77] : memref<331776xi32, #tpu.memory_space<hbm>> -> memref<128xi32, #tpu.memory_space<hbm>>
        %dma_wait3A_105 = arith.constant 0 : i32
        %dma_wait3A_106 = tpu.memref_slice %arg9[%run_scoped3A_78, %dma_wait3A_105] : memref<1x128xi32, #tpu.memory_space<vmem>> -> memref<1x128xi32, #tpu.memory_space<vmem>>
        %dma_wait3A_107 = tpu.memref_squeeze %dma_wait3A_106 : memref<1x128xi32, #tpu.memory_space<vmem>> -> memref<128xi32, #tpu.memory_space<vmem>>
        %dma_wait3A_108 = tpu.memref_slice %arg4[%add3A_77] : memref<331776xi32, #tpu.memory_space<hbm>> -> memref<128xi32, #tpu.memory_space<hbm>>
        tpu.wait_dma2 semaphore(%run_scoped3A_92 : memref<!tpu.dma_semaphore, #tpu.memory_space<semaphore_mem>>) src(%dma_wait3A_108 : memref<128xi32, #tpu.memory_space<hbm>>) dst(%dma_wait3A_107 : memref<128xi32, #tpu.memory_space<vmem>>)
        tpu.yield
      }) : () -> ()
      %dma_start3A = arith.constant 0 : i32
      %dma_start3A_79 = arith.constant 0 : i32
      %dma_start3A_80 = tpu.memref_slice %arg2[%dma_start3A, %dma_start3A_79] : memref<10000x128xf32, #tpu.memory_space<hbm>> -> memref<10000x128xf32, #tpu.memory_space<hbm>>
      tpu.enqueue_indirect_dma source(%dma_start3A_80 : memref<10000x128xf32, #tpu.memory_space<hbm>>) target(%arg10 : memref<128x128xf32, #tpu.memory_space<vmem>>) offsets(%arg8 : memref<128xi32, #tpu.memory_space<vmem>>) semaphore(%arg18 : memref<!tpu.dma_semaphore, #tpu.memory_space<semaphore_mem>>)
      "tpu.region"() ({
        %run_scoped3A_92 = tpu.sem_alloc : memref<!tpu.dma_semaphore, #tpu.memory_space<semaphore_mem>>
        %dma_start3A_93 = tpu.memref_slice %arg5[%add3A_77] : memref<331776xf32, #tpu.memory_space<hbm>> -> memref<128xf32, #tpu.memory_space<hbm>>
        %dma_start3A_94 = tpu.memref_slice %arg5[%add3A_77] : memref<331776xf32, #tpu.memory_space<hbm>> -> memref<128xf32, #tpu.memory_space<hbm>>
        tpu.enqueue_dma source(%dma_start3A_94 : memref<128xf32, #tpu.memory_space<hbm>>) target(%arg11 : memref<128xf32, #tpu.memory_space<vmem>>) target_semaphore(%run_scoped3A_92 : memref<!tpu.dma_semaphore, #tpu.memory_space<semaphore_mem>>)
        %dma_wait3A_95 = tpu.memref_slice %arg5[%add3A_77] : memref<331776xf32, #tpu.memory_space<hbm>> -> memref<128xf32, #tpu.memory_space<hbm>>
        %dma_wait3A_96 = tpu.memref_slice %arg5[%add3A_77] : memref<331776xf32, #tpu.memory_space<hbm>> -> memref<128xf32, #tpu.memory_space<hbm>>
        tpu.wait_dma2 semaphore(%run_scoped3A_92 : memref<!tpu.dma_semaphore, #tpu.memory_space<semaphore_mem>>) src(%dma_wait3A_96 : memref<128xf32, #tpu.memory_space<hbm>>) dst(%arg11 : memref<128xf32, #tpu.memory_space<vmem>>)
        tpu.yield
      }) : () -> ()
      %dma_wait3A = arith.constant 0 : i32
      %dma_wait3A_81 = arith.constant 0 : i32
      %dma_wait3A_82 = tpu.memref_slice %arg2[%dma_wait3A, %dma_wait3A_81] : memref<10000x128xf32, #tpu.memory_space<hbm>> -> memref<10000x128xf32, #tpu.memory_space<hbm>>
      tpu.wait_indirect_dma semaphore(%arg18 : memref<!tpu.dma_semaphore, #tpu.memory_space<semaphore_mem>>) src(%dma_wait3A_82 : memref<10000x128xf32, #tpu.memory_space<hbm>>) dst(%arg10 : memref<128x128xf32, #tpu.memory_space<vmem>>)
      %scan3A_83 = arith.constant 0 : i32
      %scan3A_84 = arith.constant 0 : i32
      %scan3A_85 = arith.constant 8 : i32
      %scan3A_86 = arith.addi %scan3A_84, %scan3A_85 : i32
      %scan3A_87 = arith.constant 1 : i32
      %scan3A_88 = scf.for %scan3A_92 = %scan3A_84 to %scan3A_86 step %scan3A_87 iter_args(%scan3A_93 = %scan3A_83) -> (i32)  : i32 {
        %mul3A_94 = arith.constant 16 : i32
        %mul3A_95 = arith.muli %scan3A_92, %mul3A_94 : i32
        %get3A = arith.constant 0 : i32
        %get3A_96 = arith.index_cast %get3A : i32 to index
        %get3A_97 = arith.index_cast %mul3A_95 : i32 to index
        %get3A_98 = tpu.vector_load %arg9[%get3A_96, %get3A_97] {strides = array<i32>} : memref<1x128xi32, #tpu.memory_space<vmem>>, vector<16xi32>,
        %gather3A = tpu.vector_load_idx %arg12[%get3A_98] : memref<10240xf32, #tpu.memory_space<vmem>>[vector<16xi32>], vector<16xf32>,
        %mul3A_99 = arith.constant 16 : i32
        %mul3A_100 = arith.muli %scan3A_92, %mul3A_99 : i32
        %get3A_101 = arith.index_cast %mul3A_100 : i32 to index
        %get3A_102 = tpu.vector_load %arg11[%get3A_101] {strides = array<i32>} : memref<128xf32, #tpu.memory_space<vmem>>, vector<16xf32>,
        %div3A = arith.divf %get3A_102, %gather3A : vector<16xf32>
        %mul3A_103 = arith.constant 16 : i32
        %mul3A_104 = arith.muli %scan3A_92, %mul3A_103 : i32
        %add3A_105 = arith.constant 0 : i32
        %add3A_106 = arith.addi %mul3A_104, %add3A_105 : i32
        %slice3A = vector.extract_strided_slice %div3A {offsets = [0], sizes = [1], strides = [1]} : vector<16xf32> to vector<1xf32>
        %squeeze3A = vector.extract %slice3A[0] : f32 from vector<1xf32>
        %get3A_107 = arith.index_cast %add3A_106 : i32 to index
        %get3A_108 = arith.constant 0 : index
        %get3A_109 = tpu.vector_load %arg10[%get3A_107, %get3A_108] {strides = array<i32>} : memref<128x128xf32, #tpu.memory_space<vmem>>, vector<16xf32>,
        %mul3A_110 = vector.broadcast %squeeze3A : f32 to vector<16xf32>
        %mul3A_111 = arith.mulf %get3A_109, %mul3A_110 : vector<16xf32>
        %swap3A = arith.index_cast %add3A_106 : i32 to index
        %swap3A_112 = arith.constant 0 : index
        %swap3A_113 = tpu.vector_load %arg15[%swap3A, %swap3A_112] {strides = array<i32>} : memref<128x128xf32, #tpu.memory_space<vmem>>, vector<16xf32>,
        tpu.vector_store %arg15[%swap3A, %swap3A_112], %mul3A_111 {strides = array<i32>} : memref<128x128xf32, #tpu.memory_space<vmem>>, vector<16xf32>,
        %get3A_114 = arith.index_cast %add3A_106 : i32 to index
        %get3A_115 = arith.constant 16 : index
        %get3A_116 = tpu.vector_load %arg10[%get3A_114, %get3A_115] {strides = array<i32>} : memref<128x128xf32, #tpu.memory_space<vmem>>, vector<16xf32>,
        %mul3A_117 = vector.broadcast %squeeze3A : f32 to vector<16xf32>
        %mul3A_118 = arith.mulf %get3A_116, %mul3A_117 : vector<16xf32>
        %swap3A_119 = arith.index_cast %add3A_106 : i32 to index
        %swap3A_120 = arith.constant 16 : index
        %swap3A_121 = tpu.vector_load %arg15[%swap3A_119, %swap3A_120] {strides = array<i32>} : memref<128x128xf32, #tpu.memory_space<vmem>>, vector<16xf32>,
        tpu.vector_store %arg15[%swap3A_119, %swap3A_120], %mul3A_118 {strides = array<i32>} : memref<128x128xf32, #tpu.memory_space<vmem>>, vector<16xf32>,
        %get3A_122 = arith.index_cast %add3A_106 : i32 to index
        %get3A_123 = arith.constant 32 : index
        %get3A_124 = tpu.vector_load %arg10[%get3A_122, %get3A_123] {strides = array<i32>} : memref<128x128xf32, #tpu.memory_space<vmem>>, vector<16xf32>,
        %mul3A_125 = vector.broadcast %squeeze3A : f32 to vector<16xf32>
        %mul3A_126 = arith.mulf %get3A_124, %mul3A_125 : vector<16xf32>
        %swap3A_127 = arith.index_cast %add3A_106 : i32 to index
        %swap3A_128 = arith.constant 32 : index
        %swap3A_129 = tpu.vector_load %arg15[%swap3A_127, %swap3A_128] {strides = array<i32>} : memref<128x128xf32, #tpu.memory_space<vmem>>, vector<16xf32>,
        tpu.vector_store %arg15[%swap3A_127, %swap3A_128], %mul3A_126 {strides = array<i32>} : memref<128x128xf32, #tpu.memory_space<vmem>>, vector<16xf32>,
        %get3A_130 = arith.index_cast %add3A_106 : i32 to index
        %get3A_131 = arith.constant 48 : index
        %get3A_132 = tpu.vector_load %arg10[%get3A_130, %get3A_131] {strides = array<i32>} : memref<128x128xf32, #tpu.memory_space<vmem>>, vector<16xf32>,
        %mul3A_133 = vector.broadcast %squeeze3A : f32 to vector<16xf32>
        %mul3A_134 = arith.mulf %get3A_132, %mul3A_133 : vector<16xf32>
        %swap3A_135 = arith.index_cast %add3A_106 : i32 to index
        %swap3A_136 = arith.constant 48 : index
        %swap3A_137 = tpu.vector_load %arg15[%swap3A_135, %swap3A_136] {strides = array<i32>} : memref<128x128xf32, #tpu.memory_space<vmem>>, vector<16xf32>,
        tpu.vector_store %arg15[%swap3A_135, %swap3A_136], %mul3A_134 {strides = array<i32>} : memref<128x128xf32, #tpu.memory_space<vmem>>, vector<16xf32>,
        %get3A_138 = arith.index_cast %add3A_106 : i32 to index
        %get3A_139 = arith.constant 64 : index
        %get3A_140 = tpu.vector_load %arg10[%get3A_138, %get3A_139] {strides = array<i32>} : memref<128x128xf32, #tpu.memory_space<vmem>>, vector<16xf32>,
        %mul3A_141 = vector.broadcast %squeeze3A : f32 to vector<16xf32>
        %mul3A_142 = arith.mulf %get3A_140, %mul3A_141 : vector<16xf32>
        %swap3A_143 = arith.index_cast %add3A_106 : i32 to index
        %swap3A_144 = arith.constant 64 : index
        %swap3A_145 = tpu.vector_load %arg15[%swap3A_143, %swap3A_144] {strides = array<i32>} : memref<128x128xf32, #tpu.memory_space<vmem>>, vector<16xf32>,
        tpu.vector_store %arg15[%swap3A_143, %swap3A_144], %mul3A_142 {strides = array<i32>} : memref<128x128xf32, #tpu.memory_space<vmem>>, vector<16xf32>,
        %get3A_146 = arith.index_cast %add3A_106 : i32 to index
        %get3A_147 = arith.constant 80 : index
        %get3A_148 = tpu.vector_load %arg10[%get3A_146, %get3A_147] {strides = array<i32>} : memref<128x128xf32, #tpu.memory_space<vmem>>, vector<16xf32>,
        %mul3A_149 = vector.broadcast %squeeze3A : f32 to vector<16xf32>
        %mul3A_150 = arith.mulf %get3A_148, %mul3A_149 : vector<16xf32>
        %swap3A_151 = arith.index_cast %add3A_106 : i32 to index
        %swap3A_152 = arith.constant 80 : index
        %swap3A_153 = tpu.vector_load %arg15[%swap3A_151, %swap3A_152] {strides = array<i32>} : memref<128x128xf32, #tpu.memory_space<vmem>>, vector<16xf32>,
        tpu.vector_store %arg15[%swap3A_151, %swap3A_152], %mul3A_150 {strides = array<i32>} : memref<128x128xf32, #tpu.memory_space<vmem>>, vector<16xf32>,
        %get3A_154 = arith.index_cast %add3A_106 : i32 to index
        %get3A_155 = arith.constant 96 : index
        %get3A_156 = tpu.vector_load %arg10[%get3A_154, %get3A_155] {strides = array<i32>} : memref<128x128xf32, #tpu.memory_space<vmem>>, vector<16xf32>,
        %mul3A_157 = vector.broadcast %squeeze3A : f32 to vector<16xf32>
        %mul3A_158 = arith.mulf %get3A_156, %mul3A_157 : vector<16xf32>
        %swap3A_159 = arith.index_cast %add3A_106 : i32 to index
        %swap3A_160 = arith.constant 96 : index
        %swap3A_161 = tpu.vector_load %arg15[%swap3A_159, %swap3A_160] {strides = array<i32>} : memref<128x128xf32, #tpu.memory_space<vmem>>, vector<16xf32>,
        tpu.vector_store %arg15[%swap3A_159, %swap3A_160], %mul3A_158 {strides = array<i32>} : memref<128x128xf32, #tpu.memory_space<vmem>>, vector<16xf32>,
        %get3A_162 = arith.index_cast %add3A_106 : i32 to index
        %get3A_163 = arith.constant 112 : index
        %get3A_164 = tpu.vector_load %arg10[%get3A_162, %get3A_163] {strides = array<i32>} : memref<128x128xf32, #tpu.memory_space<vmem>>, vector<16xf32>,
        %mul3A_165 = vector.broadcast %squeeze3A : f32 to vector<16xf32>
        %mul3A_166 = arith.mulf %get3A_164, %mul3A_165 : vector<16xf32>
        %swap3A_167 = arith.index_cast %add3A_106 : i32 to index
        %swap3A_168 = arith.constant 112 : index
        %swap3A_169 = tpu.vector_load %arg15[%swap3A_167, %swap3A_168] {strides = array<i32>} : memref<128x128xf32, #tpu.memory_space<vmem>>, vector<16xf32>,
        tpu.vector_store %arg15[%swap3A_167, %swap3A_168], %mul3A_166 {strides = array<i32>} : memref<128x128xf32, #tpu.memory_space<vmem>>, vector<16xf32>,
        %mul3A_170 = arith.constant 16 : i32
        %mul3A_171 = arith.muli %scan3A_92, %mul3A_170 : i32
        %add3A_172 = arith.constant 1 : i32
        %add3A_173 = arith.addi %mul3A_171, %add3A_172 : i32
        %slice3A_174 = vector.extract_strided_slice %div3A {offsets = [1], sizes = [1], strides = [1]} : vector<16xf32> to vector<1xf32>
        %squeeze3A_175 = vector.extract %slice3A_174[0] : f32 from vector<1xf32>
        %get3A_176 = arith.index_cast %add3A_173 : i32 to index
        %get3A_177 = arith.constant 0 : index
        %get3A_178 = tpu.vector_load %arg10[%get3A_176, %get3A_177] {strides = array<i32>} : memref<128x128xf32, #tpu.memory_space<vmem>>, vector<16xf32>,
        %mul3A_179 = vector.broadcast %squeeze3A_175 : f32 to vector<16xf32>
        %mul3A_180 = arith.mulf %get3A_178, %mul3A_179 : vector<16xf32>
        %swap3A_181 = arith.index_cast %add3A_173 : i32 to index
        %swap3A_182 = arith.constant 0 : index
        %swap3A_183 = tpu.vector_load %arg15[%swap3A_181, %swap3A_182] {strides = array<i32>} : memref<128x128xf32, #tpu.memory_space<vmem>>, vector<16xf32>,
        tpu.vector_store %arg15[%swap3A_181, %swap3A_182], %mul3A_180 {strides = array<i32>} : memref<128x128xf32, #tpu.memory_space<vmem>>, vector<16xf32>,
        %get3A_184 = arith.index_cast %add3A_173 : i32 to index
        %get3A_185 = arith.constant 16 : index
        %get3A_186 = tpu.vector_load %arg10[%get3A_184, %get3A_185] {strides = array<i32>} : memref<128x128xf32, #tpu.memory_space<vmem>>, vector<16xf32>,
        %mul3A_187 = vector.broadcast %squeeze3A_175 : f32 to vector<16xf32>
        %mul3A_188 = arith.mulf %get3A_186, %mul3A_187 : vector<16xf32>
        %swap3A_189 = arith.index_cast %add3A_173 : i32 to index
        %swap3A_190 = arith.constant 16 : index
        %swap3A_191 = tpu.vector_load %arg15[%swap3A_189, %swap3A_190] {strides = array<i32>} : memref<128x128xf32, #tpu.memory_space<vmem>>, vector<16xf32>,
        tpu.vector_store %arg15[%swap3A_189, %swap3A_190], %mul3A_188 {strides = array<i32>} : memref<128x128xf32, #tpu.memory_space<vmem>>, vector<16xf32>,
        %get3A_192 = arith.index_cast %add3A_173 : i32 to index
        %get3A_193 = arith.constant 32 : index
        %get3A_194 = tpu.vector_load %arg10[%get3A_192, %get3A_193] {strides = array<i32>} : memref<128x128xf32, #tpu.memory_space<vmem>>, vector<16xf32>,
        %mul3A_195 = vector.broadcast %squeeze3A_175 : f32 to vector<16xf32>
        %mul3A_196 = arith.mulf %get3A_194, %mul3A_195 : vector<16xf32>
        %swap3A_197 = arith.index_cast %add3A_173 : i32 to index
        %swap3A_198 = arith.constant 32 : index
        %swap3A_199 = tpu.vector_load %arg15[%swap3A_197, %swap3A_198] {strides = array<i32>} : memref<128x128xf32, #tpu.memory_space<vmem>>, vector<16xf32>,
        tpu.vector_store %arg15[%swap3A_197, %swap3A_198], %mul3A_196 {strides = array<i32>} : memref<128x128xf32, #tpu.memory_space<vmem>>, vector<16xf32>,
        %get3A_200 = arith.index_cast %add3A_173 : i32 to index
        %get3A_201 = arith.constant 48 : index
        %get3A_202 = tpu.vector_load %arg10[%get3A_200, %get3A_201] {strides = array<i32>} : memref<128x128xf32, #tpu.memory_space<vmem>>, vector<16xf32>,
        %mul3A_203 = vector.broadcast %squeeze3A_175 : f32 to vector<16xf32>
        %mul3A_204 = arith.mulf %get3A_202, %mul3A_203 : vector<16xf32>
        %swap3A_205 = arith.index_cast %add3A_173 : i32 to index
        %swap3A_206 = arith.constant 48 : index
        %swap3A_207 = tpu.vector_load %arg15[%swap3A_205, %swap3A_206] {strides = array<i32>} : memref<128x128xf32, #tpu.memory_space<vmem>>, vector<16xf32>,
        tpu.vector_store %arg15[%swap3A_205, %swap3A_206], %mul3A_204 {strides = array<i32>} : memref<128x128xf32, #tpu.memory_space<vmem>>, vector<16xf32>,
        %get3A_208 = arith.index_cast %add3A_173 : i32 to index
        %get3A_209 = arith.constant 64 : index
        %get3A_210 = tpu.vector_load %arg10[%get3A_208, %get3A_209] {strides = array<i32>} : memref<128x128xf32, #tpu.memory_space<vmem>>, vector<16xf32>,
        %mul3A_211 = vector.broadcast %squeeze3A_175 : f32 to vector<16xf32>
        %mul3A_212 = arith.mulf %get3A_210, %mul3A_211 : vector<16xf32>
        %swap3A_213 = arith.index_cast %add3A_173 : i32 to index
        %swap3A_214 = arith.constant 64 : index
        %swap3A_215 = tpu.vector_load %arg15[%swap3A_213, %swap3A_214] {strides = array<i32>} : memref<128x128xf32, #tpu.memory_space<vmem>>, vector<16xf32>,
        tpu.vector_store %arg15[%swap3A_213, %swap3A_214], %mul3A_212 {strides = array<i32>} : memref<128x128xf32, #tpu.memory_space<vmem>>, vector<16xf32>,
        %get3A_216 = arith.index_cast %add3A_173 : i32 to index
        %get3A_217 = arith.constant 80 : index
        %get3A_218 = tpu.vector_load %arg10[%get3A_216, %get3A_217] {strides = array<i32>} : memref<128x128xf32, #tpu.memory_space<vmem>>, vector<16xf32>,
        %mul3A_219 = vector.broadcast %squeeze3A_175 : f32 to vector<16xf32>
        %mul3A_220 = arith.mulf %get3A_218, %mul3A_219 : vector<16xf32>
        %swap3A_221 = arith.index_cast %add3A_173 : i32 to index
        %swap3A_222 = arith.constant 80 : index
        %swap3A_223 = tpu.vector_load %arg15[%swap3A_221, %swap3A_222] {strides = array<i32>} : memref<128x128xf32, #tpu.memory_space<vmem>>, vector<16xf32>,
        tpu.vector_store %arg15[%swap3A_221, %swap3A_222], %mul3A_220 {strides = array<i32>} : memref<128x128xf32, #tpu.memory_space<vmem>>, vector<16xf32>,
        %get3A_224 = arith.index_cast %add3A_173 : i32 to index
        %get3A_225 = arith.constant 96 : index
        %get3A_226 = tpu.vector_load %arg10[%get3A_224, %get3A_225] {strides = array<i32>} : memref<128x128xf32, #tpu.memory_space<vmem>>, vector<16xf32>,
        %mul3A_227 = vector.broadcast %squeeze3A_175 : f32 to vector<16xf32>
        %mul3A_228 = arith.mulf %get3A_226, %mul3A_227 : vector<16xf32>
        %swap3A_229 = arith.index_cast %add3A_173 : i32 to index
        %swap3A_230 = arith.constant 96 : index
        %swap3A_231 = tpu.vector_load %arg15[%swap3A_229, %swap3A_230] {strides = array<i32>} : memref<128x128xf32, #tpu.memory_space<vmem>>, vector<16xf32>,
        tpu.vector_store %arg15[%swap3A_229, %swap3A_230], %mul3A_228 {strides = array<i32>} : memref<128x128xf32, #tpu.memory_space<vmem>>, vector<16xf32>,
        %get3A_232 = arith.index_cast %add3A_173 : i32 to index
        %get3A_233 = arith.constant 112 : index
        %get3A_234 = tpu.vector_load %arg10[%get3A_232, %get3A_233] {strides = array<i32>} : memref<128x128xf32, #tpu.memory_space<vmem>>, vector<16xf32>,
        %mul3A_235 = vector.broadcast %squeeze3A_175 : f32 to vector<16xf32>
        %mul3A_236 = arith.mulf %get3A_234, %mul3A_235 : vector<16xf32>
        %swap3A_237 = arith.index_cast %add3A_173 : i32 to index
        %swap3A_238 = arith.constant 112 : index
        %swap3A_239 = tpu.vector_load %arg15[%swap3A_237, %swap3A_238] {strides = array<i32>} : memref<128x128xf32, #tpu.memory_space<vmem>>, vector<16xf32>,
        tpu.vector_store %arg15[%swap3A_237, %swap3A_238], %mul3A_236 {strides = array<i32>} : memref<128x128xf32, #tpu.memory_space<vmem>>, vector<16xf32>,
        %mul3A_240 = arith.constant 16 : i32
        %mul3A_241 = arith.muli %scan3A_92, %mul3A_240 : i32
        %add3A_242 = arith.constant 2 : i32
        %add3A_243 = arith.addi %mul3A_241, %add3A_242 : i32
        %slice3A_244 = vector.extract_strided_slice %div3A {offsets = [2], sizes = [1], strides = [1]} : vector<16xf32> to vector<1xf32>
        %squeeze3A_245 = vector.extract %slice3A_244[0] : f32 from vector<1xf32>
        %get3A_246 = arith.index_cast %add3A_243 : i32 to index
        %get3A_247 = arith.constant 0 : index
        %get3A_248 = tpu.vector_load %arg10[%get3A_246, %get3A_247] {strides = array<i32>} : memref<128x128xf32, #tpu.memory_space<vmem>>, vector<16xf32>,
        %mul3A_249 = vector.broadcast %squeeze3A_245 : f32 to vector<16xf32>
        %mul3A_250 = arith.mulf %get3A_248, %mul3A_249 : vector<16xf32>
        %swap3A_251 = arith.index_cast %add3A_243 : i32 to index
        %swap3A_252 = arith.constant 0 : index
        %swap3A_253 = tpu.vector_load %arg15[%swap3A_251, %swap3A_252] {strides = array<i32>} : memref<128x128xf32, #tpu.memory_space<vmem>>, vector<16xf32>,
        tpu.vector_store %arg15[%swap3A_251, %swap3A_252], %mul3A_250 {strides = array<i32>} : memref<128x128xf32, #tpu.memory_space<vmem>>, vector<16xf32>,
        %get3A_254 = arith.index_cast %add3A_243 : i32 to index
        %get3A_255 = arith.constant 16 : index
        %get3A_256 = tpu.vector_load %arg10[%get3A_254, %get3A_255] {strides = array<i32>} : memref<128x128xf32, #tpu.memory_space<vmem>>, vector<16xf32>,
        %mul3A_257 = vector.broadcast %squeeze3A_245 : f32 to vector<16xf32>
        %mul3A_258 = arith.mulf %get3A_256, %mul3A_257 : vector<16xf32>
        %swap3A_259 = arith.index_cast %add3A_243 : i32 to index
        %swap3A_260 = arith.constant 16 : index
        %swap3A_261 = tpu.vector_load %arg15[%swap3A_259, %swap3A_260] {strides = array<i32>} : memref<128x128xf32, #tpu.memory_space<vmem>>, vector<16xf32>,
        tpu.vector_store %arg15[%swap3A_259, %swap3A_260], %mul3A_258 {strides = array<i32>} : memref<128x128xf32, #tpu.memory_space<vmem>>, vector<16xf32>,
        %get3A_262 = arith.index_cast %add3A_243 : i32 to index
        %get3A_263 = arith.constant 32 : index
        %get3A_264 = tpu.vector_load %arg10[%get3A_262, %get3A_263] {strides = array<i32>} : memref<128x128xf32, #tpu.memory_space<vmem>>, vector<16xf32>,
        %mul3A_265 = vector.broadcast %squeeze3A_245 : f32 to vector<16xf32>
        %mul3A_266 = arith.mulf %get3A_264, %mul3A_265 : vector<16xf32>
        %swap3A_267 = arith.index_cast %add3A_243 : i32 to index
        %swap3A_268 = arith.constant 32 : index
        %swap3A_269 = tpu.vector_load %arg15[%swap3A_267, %swap3A_268] {strides = array<i32>} : memref<128x128xf32, #tpu.memory_space<vmem>>, vector<16xf32>,
        tpu.vector_store %arg15[%swap3A_267, %swap3A_268], %mul3A_266 {strides = array<i32>} : memref<128x128xf32, #tpu.memory_space<vmem>>, vector<16xf32>,
        %get3A_270 = arith.index_cast %add3A_243 : i32 to index
        %get3A_271 = arith.constant 48 : index
        %get3A_272 = tpu.vector_load %arg10[%get3A_270, %get3A_271] {strides = array<i32>} : memref<128x128xf32, #tpu.memory_space<vmem>>, vector<16xf32>,
        %mul3A_273 = vector.broadcast %squeeze3A_245 : f32 to vector<16xf32>
        %mul3A_274 = arith.mulf %get3A_272, %mul3A_273 : vector<16xf32>
        %swap3A_275 = arith.index_cast %add3A_243 : i32 to index
        %swap3A_276 = arith.constant 48 : index
        %swap3A_277 = tpu.vector_load %arg15[%swap3A_275, %swap3A_276] {strides = array<i32>} : memref<128x128xf32, #tpu.memory_space<vmem>>, vector<16xf32>,
        tpu.vector_store %arg15[%swap3A_275, %swap3A_276], %mul3A_274 {strides = array<i32>} : memref<128x128xf32, #tpu.memory_space<vmem>>, vector<16xf32>,
        %get3A_278 = arith.index_cast %add3A_243 : i32 to index
        %get3A_279 = arith.constant 64 : index
        %get3A_280 = tpu.vector_load %arg10[%get3A_278, %get3A_279] {strides = array<i32>} : memref<128x128xf32, #tpu.memory_space<vmem>>, vector<16xf32>,
        %mul3A_281 = vector.broadcast %squeeze3A_245 : f32 to vector<16xf32>
        %mul3A_282 = arith.mulf %get3A_280, %mul3A_281 : vector<16xf32>
        %swap3A_283 = arith.index_cast %add3A_243 : i32 to index
        %swap3A_284 = arith.constant 64 : index
        %swap3A_285 = tpu.vector_load %arg15[%swap3A_283, %swap3A_284] {strides = array<i32>} : memref<128x128xf32, #tpu.memory_space<vmem>>, vector<16xf32>,
        tpu.vector_store %arg15[%swap3A_283, %swap3A_284], %mul3A_282 {strides = array<i32>} : memref<128x128xf32, #tpu.memory_space<vmem>>, vector<16xf32>,
        %get3A_286 = arith.index_cast %add3A_243 : i32 to index
        %get3A_287 = arith.constant 80 : index
        %get3A_288 = tpu.vector_load %arg10[%get3A_286, %get3A_287] {strides = array<i32>} : memref<128x128xf32, #tpu.memory_space<vmem>>, vector<16xf32>,
        %mul3A_289 = vector.broadcast %squeeze3A_245 : f32 to vector<16xf32>
        %mul3A_290 = arith.mulf %get3A_288, %mul3A_289 : vector<16xf32>
        %swap3A_291 = arith.index_cast %add3A_243 : i32 to index
        %swap3A_292 = arith.constant 80 : index
        %swap3A_293 = tpu.vector_load %arg15[%swap3A_291, %swap3A_292] {strides = array<i32>} : memref<128x128xf32, #tpu.memory_space<vmem>>, vector<16xf32>,
        tpu.vector_store %arg15[%swap3A_291, %swap3A_292], %mul3A_290 {strides = array<i32>} : memref<128x128xf32, #tpu.memory_space<vmem>>, vector<16xf32>,
        %get3A_294 = arith.index_cast %add3A_243 : i32 to index
        %get3A_295 = arith.constant 96 : index
        %get3A_296 = tpu.vector_load %arg10[%get3A_294, %get3A_295] {strides = array<i32>} : memref<128x128xf32, #tpu.memory_space<vmem>>, vector<16xf32>,
        %mul3A_297 = vector.broadcast %squeeze3A_245 : f32 to vector<16xf32>
        %mul3A_298 = arith.mulf %get3A_296, %mul3A_297 : vector<16xf32>
        %swap3A_299 = arith.index_cast %add3A_243 : i32 to index
        %swap3A_300 = arith.constant 96 : index
        %swap3A_301 = tpu.vector_load %arg15[%swap3A_299, %swap3A_300] {strides = array<i32>} : memref<128x128xf32, #tpu.memory_space<vmem>>, vector<16xf32>,
        tpu.vector_store %arg15[%swap3A_299, %swap3A_300], %mul3A_298 {strides = array<i32>} : memref<128x128xf32, #tpu.memory_space<vmem>>, vector<16xf32>,
        %get3A_302 = arith.index_cast %add3A_243 : i32 to index
        %get3A_303 = arith.constant 112 : index
        %get3A_304 = tpu.vector_load %arg10[%get3A_302, %get3A_303] {strides = array<i32>} : memref<128x128xf32, #tpu.memory_space<vmem>>, vector<16xf32>,
        %mul3A_305 = vector.broadcast %squeeze3A_245 : f32 to vector<16xf32>
        %mul3A_306 = arith.mulf %get3A_304, %mul3A_305 : vector<16xf32>
        %swap3A_307 = arith.index_cast %add3A_243 : i32 to index
        %swap3A_308 = arith.constant 112 : index
        %swap3A_309 = tpu.vector_load %arg15[%swap3A_307, %swap3A_308] {strides = array<i32>} : memref<128x128xf32, #tpu.memory_space<vmem>>, vector<16xf32>,
        tpu.vector_store %arg15[%swap3A_307, %swap3A_308], %mul3A_306 {strides = array<i32>} : memref<128x128xf32, #tpu.memory_space<vmem>>, vector<16xf32>,
        %mul3A_310 = arith.constant 16 : i32
        %mul3A_311 = arith.muli %scan3A_92, %mul3A_310 : i32
        %add3A_312 = arith.constant 3 : i32
        %add3A_313 = arith.addi %mul3A_311, %add3A_312 : i32
        %slice3A_314 = vector.extract_strided_slice %div3A {offsets = [3], sizes = [1], strides = [1]} : vector<16xf32> to vector<1xf32>
        %squeeze3A_315 = vector.extract %slice3A_314[0] : f32 from vector<1xf32>
        %get3A_316 = arith.index_cast %add3A_313 : i32 to index
        %get3A_317 = arith.constant 0 : index
        %get3A_318 = tpu.vector_load %arg10[%get3A_316, %get3A_317] {strides = array<i32>} : memref<128x128xf32, #tpu.memory_space<vmem>>, vector<16xf32>,
        %mul3A_319 = vector.broadcast %squeeze3A_315 : f32 to vector<16xf32>
        %mul3A_320 = arith.mulf %get3A_318, %mul3A_319 : vector<16xf32>
        %swap3A_321 = arith.index_cast %add3A_313 : i32 to index
        %swap3A_322 = arith.constant 0 : index
        %swap3A_323 = tpu.vector_load %arg15[%swap3A_321, %swap3A_322] {strides = array<i32>} : memref<128x128xf32, #tpu.memory_space<vmem>>, vector<16xf32>,
        tpu.vector_store %arg15[%swap3A_321, %swap3A_322], %mul3A_320 {strides = array<i32>} : memref<128x128xf32, #tpu.memory_space<vmem>>, vector<16xf32>,
        %get3A_324 = arith.index_cast %add3A_313 : i32 to index
        %get3A_325 = arith.constant 16 : index
        %get3A_326 = tpu.vector_load %arg10[%get3A_324, %get3A_325] {strides = array<i32>} : memref<128x128xf32, #tpu.memory_space<vmem>>, vector<16xf32>,
        %mul3A_327 = vector.broadcast %squeeze3A_315 : f32 to vector<16xf32>
        %mul3A_328 = arith.mulf %get3A_326, %mul3A_327 : vector<16xf32>
        %swap3A_329 = arith.index_cast %add3A_313 : i32 to index
        %swap3A_330 = arith.constant 16 : index
        %swap3A_331 = tpu.vector_load %arg15[%swap3A_329, %swap3A_330] {strides = array<i32>} : memref<128x128xf32, #tpu.memory_space<vmem>>, vector<16xf32>,
        tpu.vector_store %arg15[%swap3A_329, %swap3A_330], %mul3A_328 {strides = array<i32>} : memref<128x128xf32, #tpu.memory_space<vmem>>, vector<16xf32>,
        %get3A_332 = arith.index_cast %add3A_313 : i32 to index
        %get3A_333 = arith.constant 32 : index
        %get3A_334 = tpu.vector_load %arg10[%get3A_332, %get3A_333] {strides = array<i32>} : memref<128x128xf32, #tpu.memory_space<vmem>>, vector<16xf32>,
        %mul3A_335 = vector.broadcast %squeeze3A_315 : f32 to vector<16xf32>
        %mul3A_336 = arith.mulf %get3A_334, %mul3A_335 : vector<16xf32>
        %swap3A_337 = arith.index_cast %add3A_313 : i32 to index
        %swap3A_338 = arith.constant 32 : index
        %swap3A_339 = tpu.vector_load %arg15[%swap3A_337, %swap3A_338] {strides = array<i32>} : memref<128x128xf32, #tpu.memory_space<vmem>>, vector<16xf32>,
        tpu.vector_store %arg15[%swap3A_337, %swap3A_338], %mul3A_336 {strides = array<i32>} : memref<128x128xf32, #tpu.memory_space<vmem>>, vector<16xf32>,
        %get3A_340 = arith.index_cast %add3A_313 : i32 to index
        %get3A_341 = arith.constant 48 : index
        %get3A_342 = tpu.vector_load %arg10[%get3A_340, %get3A_341] {strides = array<i32>} : memref<128x128xf32, #tpu.memory_space<vmem>>, vector<16xf32>,
        %mul3A_343 = vector.broadcast %squeeze3A_315 : f32 to vector<16xf32>
        %mul3A_344 = arith.mulf %get3A_342, %mul3A_343 : vector<16xf32>
        %swap3A_345 = arith.index_cast %add3A_313 : i32 to index
        %swap3A_346 = arith.constant 48 : index
        %swap3A_347 = tpu.vector_load %arg15[%swap3A_345, %swap3A_346] {strides = array<i32>} : memref<128x128xf32, #tpu.memory_space<vmem>>, vector<16xf32>,
        tpu.vector_store %arg15[%swap3A_345, %swap3A_346], %mul3A_344 {strides = array<i32>} : memref<128x128xf32, #tpu.memory_space<vmem>>, vector<16xf32>,
        %get3A_348 = arith.index_cast %add3A_313 : i32 to index
        %get3A_349 = arith.constant 64 : index
        %get3A_350 = tpu.vector_load %arg10[%get3A_348, %get3A_349] {strides = array<i32>} : memref<128x128xf32, #tpu.memory_space<vmem>>, vector<16xf32>,
        %mul3A_351 = vector.broadcast %squeeze3A_315 : f32 to vector<16xf32>
        %mul3A_352 = arith.mulf %get3A_350, %mul3A_351 : vector<16xf32>
        %swap3A_353 = arith.index_cast %add3A_313 : i32 to index
        %swap3A_354 = arith.constant 64 : index
        %swap3A_355 = tpu.vector_load %arg15[%swap3A_353, %swap3A_354] {strides = array<i32>} : memref<128x128xf32, #tpu.memory_space<vmem>>, vector<16xf32>,
        tpu.vector_store %arg15[%swap3A_353, %swap3A_354], %mul3A_352 {strides = array<i32>} : memref<128x128xf32, #tpu.memory_space<vmem>>, vector<16xf32>,
        %get3A_356 = arith.index_cast %add3A_313 : i32 to index
        %get3A_357 = arith.constant 80 : index
        %get3A_358 = tpu.vector_load %arg10[%get3A_356, %get3A_357] {strides = array<i32>} : memref<128x128xf32, #tpu.memory_space<vmem>>, vector<16xf32>,
        %mul3A_359 = vector.broadcast %squeeze3A_315 : f32 to vector<16xf32>
        %mul3A_360 = arith.mulf %get3A_358, %mul3A_359 : vector<16xf32>
        %swap3A_361 = arith.index_cast %add3A_313 : i32 to index
        %swap3A_362 = arith.constant 80 : index
        %swap3A_363 = tpu.vector_load %arg15[%swap3A_361, %swap3A_362] {strides = array<i32>} : memref<128x128xf32, #tpu.memory_space<vmem>>, vector<16xf32>,
        tpu.vector_store %arg15[%swap3A_361, %swap3A_362], %mul3A_360 {strides = array<i32>} : memref<128x128xf32, #tpu.memory_space<vmem>>, vector<16xf32>,
        %get3A_364 = arith.index_cast %add3A_313 : i32 to index
        %get3A_365 = arith.constant 96 : index
        %get3A_366 = tpu.vector_load %arg10[%get3A_364, %get3A_365] {strides = array<i32>} : memref<128x128xf32, #tpu.memory_space<vmem>>, vector<16xf32>,
        %mul3A_367 = vector.broadcast %squeeze3A_315 : f32 to vector<16xf32>
        %mul3A_368 = arith.mulf %get3A_366, %mul3A_367 : vector<16xf32>
        %swap3A_369 = arith.index_cast %add3A_313 : i32 to index
        %swap3A_370 = arith.constant 96 : index
        %swap3A_371 = tpu.vector_load %arg15[%swap3A_369, %swap3A_370] {strides = array<i32>} : memref<128x128xf32, #tpu.memory_space<vmem>>, vector<16xf32>,
        tpu.vector_store %arg15[%swap3A_369, %swap3A_370], %mul3A_368 {strides = array<i32>} : memref<128x128xf32, #tpu.memory_space<vmem>>, vector<16xf32>,
        %get3A_372 = arith.index_cast %add3A_313 : i32 to index
        %get3A_373 = arith.constant 112 : index
        %get3A_374 = tpu.vector_load %arg10[%get3A_372, %get3A_373] {strides = array<i32>} : memref<128x128xf32, #tpu.memory_space<vmem>>, vector<16xf32>,
        %mul3A_375 = vector.broadcast %squeeze3A_315 : f32 to vector<16xf32>
        %mul3A_376 = arith.mulf %get3A_374, %mul3A_375 : vector<16xf32>
        %swap3A_377 = arith.index_cast %add3A_313 : i32 to index
        %swap3A_378 = arith.constant 112 : index
        %swap3A_379 = tpu.vector_load %arg15[%swap3A_377, %swap3A_378] {strides = array<i32>} : memref<128x128xf32, #tpu.memory_space<vmem>>, vector<16xf32>,
        tpu.vector_store %arg15[%swap3A_377, %swap3A_378], %mul3A_376 {strides = array<i32>} : memref<128x128xf32, #tpu.memory_space<vmem>>, vector<16xf32>,
        %mul3A_380 = arith.constant 16 : i32
        %mul3A_381 = arith.muli %scan3A_92, %mul3A_380 : i32
        %add3A_382 = arith.constant 4 : i32
        %add3A_383 = arith.addi %mul3A_381, %add3A_382 : i32
        %slice3A_384 = vector.extract_strided_slice %div3A {offsets = [4], sizes = [1], strides = [1]} : vector<16xf32> to vector<1xf32>
        %squeeze3A_385 = vector.extract %slice3A_384[0] : f32 from vector<1xf32>
        %get3A_386 = arith.index_cast %add3A_383 : i32 to index
        %get3A_387 = arith.constant 0 : index
        %get3A_388 = tpu.vector_load %arg10[%get3A_386, %get3A_387] {strides = array<i32>} : memref<128x128xf32, #tpu.memory_space<vmem>>, vector<16xf32>,
        %mul3A_389 = vector.broadcast %squeeze3A_385 : f32 to vector<16xf32>
        %mul3A_390 = arith.mulf %get3A_388, %mul3A_389 : vector<16xf32>
        %swap3A_391 = arith.index_cast %add3A_383 : i32 to index
        %swap3A_392 = arith.constant 0 : index
        %swap3A_393 = tpu.vector_load %arg15[%swap3A_391, %swap3A_392] {strides = array<i32>} : memref<128x128xf32, #tpu.memory_space<vmem>>, vector<16xf32>,
        tpu.vector_store %arg15[%swap3A_391, %swap3A_392], %mul3A_390 {strides = array<i32>} : memref<128x128xf32, #tpu.memory_space<vmem>>, vector<16xf32>,
        %get3A_394 = arith.index_cast %add3A_383 : i32 to index
        %get3A_395 = arith.constant 16 : index
        %get3A_396 = tpu.vector_load %arg10[%get3A_394, %get3A_395] {strides = array<i32>} : memref<128x128xf32, #tpu.memory_space<vmem>>, vector<16xf32>,
        %mul3A_397 = vector.broadcast %squeeze3A_385 : f32 to vector<16xf32>
        %mul3A_398 = arith.mulf %get3A_396, %mul3A_397 : vector<16xf32>
        %swap3A_399 = arith.index_cast %add3A_383 : i32 to index
        %swap3A_400 = arith.constant 16 : index
        %swap3A_401 = tpu.vector_load %arg15[%swap3A_399, %swap3A_400] {strides = array<i32>} : memref<128x128xf32, #tpu.memory_space<vmem>>, vector<16xf32>,
        tpu.vector_store %arg15[%swap3A_399, %swap3A_400], %mul3A_398 {strides = array<i32>} : memref<128x128xf32, #tpu.memory_space<vmem>>, vector<16xf32>,
        %get3A_402 = arith.index_cast %add3A_383 : i32 to index
        %get3A_403 = arith.constant 32 : index
        %get3A_404 = tpu.vector_load %arg10[%get3A_402, %get3A_403] {strides = array<i32>} : memref<128x128xf32, #tpu.memory_space<vmem>>, vector<16xf32>,
        %mul3A_405 = vector.broadcast %squeeze3A_385 : f32 to vector<16xf32>
        %mul3A_406 = arith.mulf %get3A_404, %mul3A_405 : vector<16xf32>
        %swap3A_407 = arith.index_cast %add3A_383 : i32 to index
        %swap3A_408 = arith.constant 32 : index
        %swap3A_409 = tpu.vector_load %arg15[%swap3A_407, %swap3A_408] {strides = array<i32>} : memref<128x128xf32, #tpu.memory_space<vmem>>, vector<16xf32>,
        tpu.vector_store %arg15[%swap3A_407, %swap3A_408], %mul3A_406 {strides = array<i32>} : memref<128x128xf32, #tpu.memory_space<vmem>>, vector<16xf32>,
        %get3A_410 = arith.index_cast %add3A_383 : i32 to index
        %get3A_411 = arith.constant 48 : index
        %get3A_412 = tpu.vector_load %arg10[%get3A_410, %get3A_411] {strides = array<i32>} : memref<128x128xf32, #tpu.memory_space<vmem>>, vector<16xf32>,
        %mul3A_413 = vector.broadcast %squeeze3A_385 : f32 to vector<16xf32>
        %mul3A_414 = arith.mulf %get3A_412, %mul3A_413 : vector<16xf32>
        %swap3A_415 = arith.index_cast %add3A_383 : i32 to index
        %swap3A_416 = arith.constant 48 : index
        %swap3A_417 = tpu.vector_load %arg15[%swap3A_415, %swap3A_416] {strides = array<i32>} : memref<128x128xf32, #tpu.memory_space<vmem>>, vector<16xf32>,
        tpu.vector_store %arg15[%swap3A_415, %swap3A_416], %mul3A_414 {strides = array<i32>} : memref<128x128xf32, #tpu.memory_space<vmem>>, vector<16xf32>,
        %get3A_418 = arith.index_cast %add3A_383 : i32 to index
        %get3A_419 = arith.constant 64 : index
        %get3A_420 = tpu.vector_load %arg10[%get3A_418, %get3A_419] {strides = array<i32>} : memref<128x128xf32, #tpu.memory_space<vmem>>, vector<16xf32>,
        %mul3A_421 = vector.broadcast %squeeze3A_385 : f32 to vector<16xf32>
        %mul3A_422 = arith.mulf %get3A_420, %mul3A_421 : vector<16xf32>
        %swap3A_423 = arith.index_cast %add3A_383 : i32 to index
        %swap3A_424 = arith.constant 64 : index
        %swap3A_425 = tpu.vector_load %arg15[%swap3A_423, %swap3A_424] {strides = array<i32>} : memref<128x128xf32, #tpu.memory_space<vmem>>, vector<16xf32>,
        tpu.vector_store %arg15[%swap3A_423, %swap3A_424], %mul3A_422 {strides = array<i32>} : memref<128x128xf32, #tpu.memory_space<vmem>>, vector<16xf32>,
        %get3A_426 = arith.index_cast %add3A_383 : i32 to index
        %get3A_427 = arith.constant 80 : index
        %get3A_428 = tpu.vector_load %arg10[%get3A_426, %get3A_427] {strides = array<i32>} : memref<128x128xf32, #tpu.memory_space<vmem>>, vector<16xf32>,
        %mul3A_429 = vector.broadcast %squeeze3A_385 : f32 to vector<16xf32>
        %mul3A_430 = arith.mulf %get3A_428, %mul3A_429 : vector<16xf32>
        %swap3A_431 = arith.index_cast %add3A_383 : i32 to index
        %swap3A_432 = arith.constant 80 : index
        %swap3A_433 = tpu.vector_load %arg15[%swap3A_431, %swap3A_432] {strides = array<i32>} : memref<128x128xf32, #tpu.memory_space<vmem>>, vector<16xf32>,
        tpu.vector_store %arg15[%swap3A_431, %swap3A_432], %mul3A_430 {strides = array<i32>} : memref<128x128xf32, #tpu.memory_space<vmem>>, vector<16xf32>,
        %get3A_434 = arith.index_cast %add3A_383 : i32 to index
        %get3A_435 = arith.constant 96 : index
        %get3A_436 = tpu.vector_load %arg10[%get3A_434, %get3A_435] {strides = array<i32>} : memref<128x128xf32, #tpu.memory_space<vmem>>, vector<16xf32>,
        %mul3A_437 = vector.broadcast %squeeze3A_385 : f32 to vector<16xf32>
        %mul3A_438 = arith.mulf %get3A_436, %mul3A_437 : vector<16xf32>
        %swap3A_439 = arith.index_cast %add3A_383 : i32 to index
        %swap3A_440 = arith.constant 96 : index
        %swap3A_441 = tpu.vector_load %arg15[%swap3A_439, %swap3A_440] {strides = array<i32>} : memref<128x128xf32, #tpu.memory_space<vmem>>, vector<16xf32>,
        tpu.vector_store %arg15[%swap3A_439, %swap3A_440], %mul3A_438 {strides = array<i32>} : memref<128x128xf32, #tpu.memory_space<vmem>>, vector<16xf32>,
        %get3A_442 = arith.index_cast %add3A_383 : i32 to index
        %get3A_443 = arith.constant 112 : index
        %get3A_444 = tpu.vector_load %arg10[%get3A_442, %get3A_443] {strides = array<i32>} : memref<128x128xf32, #tpu.memory_space<vmem>>, vector<16xf32>,
        %mul3A_445 = vector.broadcast %squeeze3A_385 : f32 to vector<16xf32>
        %mul3A_446 = arith.mulf %get3A_444, %mul3A_445 : vector<16xf32>
        %swap3A_447 = arith.index_cast %add3A_383 : i32 to index
        %swap3A_448 = arith.constant 112 : index
        %swap3A_449 = tpu.vector_load %arg15[%swap3A_447, %swap3A_448] {strides = array<i32>} : memref<128x128xf32, #tpu.memory_space<vmem>>, vector<16xf32>,
        tpu.vector_store %arg15[%swap3A_447, %swap3A_448], %mul3A_446 {strides = array<i32>} : memref<128x128xf32, #tpu.memory_space<vmem>>, vector<16xf32>,
        %mul3A_450 = arith.constant 16 : i32
        %mul3A_451 = arith.muli %scan3A_92, %mul3A_450 : i32
        %add3A_452 = arith.constant 5 : i32
        %add3A_453 = arith.addi %mul3A_451, %add3A_452 : i32
        %slice3A_454 = vector.extract_strided_slice %div3A {offsets = [5], sizes = [1], strides = [1]} : vector<16xf32> to vector<1xf32>
        %squeeze3A_455 = vector.extract %slice3A_454[0] : f32 from vector<1xf32>
        %get3A_456 = arith.index_cast %add3A_453 : i32 to index
        %get3A_457 = arith.constant 0 : index
        %get3A_458 = tpu.vector_load %arg10[%get3A_456, %get3A_457] {strides = array<i32>} : memref<128x128xf32, #tpu.memory_space<vmem>>, vector<16xf32>,
        %mul3A_459 = vector.broadcast %squeeze3A_455 : f32 to vector<16xf32>
        %mul3A_460 = arith.mulf %get3A_458, %mul3A_459 : vector<16xf32>
        %swap3A_461 = arith.index_cast %add3A_453 : i32 to index
        %swap3A_462 = arith.constant 0 : index
        %swap3A_463 = tpu.vector_load %arg15[%swap3A_461, %swap3A_462] {strides = array<i32>} : memref<128x128xf32, #tpu.memory_space<vmem>>, vector<16xf32>,
        tpu.vector_store %arg15[%swap3A_461, %swap3A_462], %mul3A_460 {strides = array<i32>} : memref<128x128xf32, #tpu.memory_space<vmem>>, vector<16xf32>,
        %get3A_464 = arith.index_cast %add3A_453 : i32 to index
        %get3A_465 = arith.constant 16 : index
        %get3A_466 = tpu.vector_load %arg10[%get3A_464, %get3A_465] {strides = array<i32>} : memref<128x128xf32, #tpu.memory_space<vmem>>, vector<16xf32>,
        %mul3A_467 = vector.broadcast %squeeze3A_455 : f32 to vector<16xf32>
        %mul3A_468 = arith.mulf %get3A_466, %mul3A_467 : vector<16xf32>
        %swap3A_469 = arith.index_cast %add3A_453 : i32 to index
        %swap3A_470 = arith.constant 16 : index
        %swap3A_471 = tpu.vector_load %arg15[%swap3A_469, %swap3A_470] {strides = array<i32>} : memref<128x128xf32, #tpu.memory_space<vmem>>, vector<16xf32>,
        tpu.vector_store %arg15[%swap3A_469, %swap3A_470], %mul3A_468 {strides = array<i32>} : memref<128x128xf32, #tpu.memory_space<vmem>>, vector<16xf32>,
        %get3A_472 = arith.index_cast %add3A_453 : i32 to index
        %get3A_473 = arith.constant 32 : index
        %get3A_474 = tpu.vector_load %arg10[%get3A_472, %get3A_473] {strides = array<i32>} : memref<128x128xf32, #tpu.memory_space<vmem>>, vector<16xf32>,
        %mul3A_475 = vector.broadcast %squeeze3A_455 : f32 to vector<16xf32>
        %mul3A_476 = arith.mulf %get3A_474, %mul3A_475 : vector<16xf32>
        %swap3A_477 = arith.index_cast %add3A_453 : i32 to index
        %swap3A_478 = arith.constant 32 : index
        %swap3A_479 = tpu.vector_load %arg15[%swap3A_477, %swap3A_478] {strides = array<i32>} : memref<128x128xf32, #tpu.memory_space<vmem>>, vector<16xf32>,
        tpu.vector_store %arg15[%swap3A_477, %swap3A_478], %mul3A_476 {strides = array<i32>} : memref<128x128xf32, #tpu.memory_space<vmem>>, vector<16xf32>,
        %get3A_480 = arith.index_cast %add3A_453 : i32 to index
        %get3A_481 = arith.constant 48 : index
        %get3A_482 = tpu.vector_load %arg10[%get3A_480, %get3A_481] {strides = array<i32>} : memref<128x128xf32, #tpu.memory_space<vmem>>, vector<16xf32>,
        %mul3A_483 = vector.broadcast %squeeze3A_455 : f32 to vector<16xf32>
        %mul3A_484 = arith.mulf %get3A_482, %mul3A_483 : vector<16xf32>
        %swap3A_485 = arith.index_cast %add3A_453 : i32 to index
        %swap3A_486 = arith.constant 48 : index
        %swap3A_487 = tpu.vector_load %arg15[%swap3A_485, %swap3A_486] {strides = array<i32>} : memref<128x128xf32, #tpu.memory_space<vmem>>, vector<16xf32>,
        tpu.vector_store %arg15[%swap3A_485, %swap3A_486], %mul3A_484 {strides = array<i32>} : memref<128x128xf32, #tpu.memory_space<vmem>>, vector<16xf32>,
        %get3A_488 = arith.index_cast %add3A_453 : i32 to index
        %get3A_489 = arith.constant 64 : index
        %get3A_490 = tpu.vector_load %arg10[%get3A_488, %get3A_489] {strides = array<i32>} : memref<128x128xf32, #tpu.memory_space<vmem>>, vector<16xf32>,
        %mul3A_491 = vector.broadcast %squeeze3A_455 : f32 to vector<16xf32>
        %mul3A_492 = arith.mulf %get3A_490, %mul3A_491 : vector<16xf32>
        %swap3A_493 = arith.index_cast %add3A_453 : i32 to index
        %swap3A_494 = arith.constant 64 : index
        %swap3A_495 = tpu.vector_load %arg15[%swap3A_493, %swap3A_494] {strides = array<i32>} : memref<128x128xf32, #tpu.memory_space<vmem>>, vector<16xf32>,
        tpu.vector_store %arg15[%swap3A_493, %swap3A_494], %mul3A_492 {strides = array<i32>} : memref<128x128xf32, #tpu.memory_space<vmem>>, vector<16xf32>,
        %get3A_496 = arith.index_cast %add3A_453 : i32 to index
        %get3A_497 = arith.constant 80 : index
        %get3A_498 = tpu.vector_load %arg10[%get3A_496, %get3A_497] {strides = array<i32>} : memref<128x128xf32, #tpu.memory_space<vmem>>, vector<16xf32>,
        %mul3A_499 = vector.broadcast %squeeze3A_455 : f32 to vector<16xf32>
        %mul3A_500 = arith.mulf %get3A_498, %mul3A_499 : vector<16xf32>
        %swap3A_501 = arith.index_cast %add3A_453 : i32 to index
        %swap3A_502 = arith.constant 80 : index
        %swap3A_503 = tpu.vector_load %arg15[%swap3A_501, %swap3A_502] {strides = array<i32>} : memref<128x128xf32, #tpu.memory_space<vmem>>, vector<16xf32>,
        tpu.vector_store %arg15[%swap3A_501, %swap3A_502], %mul3A_500 {strides = array<i32>} : memref<128x128xf32, #tpu.memory_space<vmem>>, vector<16xf32>,
        %get3A_504 = arith.index_cast %add3A_453 : i32 to index
        %get3A_505 = arith.constant 96 : index
        %get3A_506 = tpu.vector_load %arg10[%get3A_504, %get3A_505] {strides = array<i32>} : memref<128x128xf32, #tpu.memory_space<vmem>>, vector<16xf32>,
        %mul3A_507 = vector.broadcast %squeeze3A_455 : f32 to vector<16xf32>
        %mul3A_508 = arith.mulf %get3A_506, %mul3A_507 : vector<16xf32>
        %swap3A_509 = arith.index_cast %add3A_453 : i32 to index
        %swap3A_510 = arith.constant 96 : index
        %swap3A_511 = tpu.vector_load %arg15[%swap3A_509, %swap3A_510] {strides = array<i32>} : memref<128x128xf32, #tpu.memory_space<vmem>>, vector<16xf32>,
        tpu.vector_store %arg15[%swap3A_509, %swap3A_510], %mul3A_508 {strides = array<i32>} : memref<128x128xf32, #tpu.memory_space<vmem>>, vector<16xf32>,
        %get3A_512 = arith.index_cast %add3A_453 : i32 to index
        %get3A_513 = arith.constant 112 : index
        %get3A_514 = tpu.vector_load %arg10[%get3A_512, %get3A_513] {strides = array<i32>} : memref<128x128xf32, #tpu.memory_space<vmem>>, vector<16xf32>,
        %mul3A_515 = vector.broadcast %squeeze3A_455 : f32 to vector<16xf32>
        %mul3A_516 = arith.mulf %get3A_514, %mul3A_515 : vector<16xf32>
        %swap3A_517 = arith.index_cast %add3A_453 : i32 to index
        %swap3A_518 = arith.constant 112 : index
        %swap3A_519 = tpu.vector_load %arg15[%swap3A_517, %swap3A_518] {strides = array<i32>} : memref<128x128xf32, #tpu.memory_space<vmem>>, vector<16xf32>,
        tpu.vector_store %arg15[%swap3A_517, %swap3A_518], %mul3A_516 {strides = array<i32>} : memref<128x128xf32, #tpu.memory_space<vmem>>, vector<16xf32>,
        %mul3A_520 = arith.constant 16 : i32
        %mul3A_521 = arith.muli %scan3A_92, %mul3A_520 : i32
        %add3A_522 = arith.constant 6 : i32
        %add3A_523 = arith.addi %mul3A_521, %add3A_522 : i32
        %slice3A_524 = vector.extract_strided_slice %div3A {offsets = [6], sizes = [1], strides = [1]} : vector<16xf32> to vector<1xf32>
        %squeeze3A_525 = vector.extract %slice3A_524[0] : f32 from vector<1xf32>
        %get3A_526 = arith.index_cast %add3A_523 : i32 to index
        %get3A_527 = arith.constant 0 : index
        %get3A_528 = tpu.vector_load %arg10[%get3A_526, %get3A_527] {strides = array<i32>} : memref<128x128xf32, #tpu.memory_space<vmem>>, vector<16xf32>,
        %mul3A_529 = vector.broadcast %squeeze3A_525 : f32 to vector<16xf32>
        %mul3A_530 = arith.mulf %get3A_528, %mul3A_529 : vector<16xf32>
        %swap3A_531 = arith.index_cast %add3A_523 : i32 to index
        %swap3A_532 = arith.constant 0 : index
        %swap3A_533 = tpu.vector_load %arg15[%swap3A_531, %swap3A_532] {strides = array<i32>} : memref<128x128xf32, #tpu.memory_space<vmem>>, vector<16xf32>,
        tpu.vector_store %arg15[%swap3A_531, %swap3A_532], %mul3A_530 {strides = array<i32>} : memref<128x128xf32, #tpu.memory_space<vmem>>, vector<16xf32>,
        %get3A_534 = arith.index_cast %add3A_523 : i32 to index
        %get3A_535 = arith.constant 16 : index
        %get3A_536 = tpu.vector_load %arg10[%get3A_534, %get3A_535] {strides = array<i32>} : memref<128x128xf32, #tpu.memory_space<vmem>>, vector<16xf32>,
        %mul3A_537 = vector.broadcast %squeeze3A_525 : f32 to vector<16xf32>
        %mul3A_538 = arith.mulf %get3A_536, %mul3A_537 : vector<16xf32>
        %swap3A_539 = arith.index_cast %add3A_523 : i32 to index
        %swap3A_540 = arith.constant 16 : index
        %swap3A_541 = tpu.vector_load %arg15[%swap3A_539, %swap3A_540] {strides = array<i32>} : memref<128x128xf32, #tpu.memory_space<vmem>>, vector<16xf32>,
        tpu.vector_store %arg15[%swap3A_539, %swap3A_540], %mul3A_538 {strides = array<i32>} : memref<128x128xf32, #tpu.memory_space<vmem>>, vector<16xf32>,
        %get3A_542 = arith.index_cast %add3A_523 : i32 to index
        %get3A_543 = arith.constant 32 : index
        %get3A_544 = tpu.vector_load %arg10[%get3A_542, %get3A_543] {strides = array<i32>} : memref<128x128xf32, #tpu.memory_space<vmem>>, vector<16xf32>,
        %mul3A_545 = vector.broadcast %squeeze3A_525 : f32 to vector<16xf32>
        %mul3A_546 = arith.mulf %get3A_544, %mul3A_545 : vector<16xf32>
        %swap3A_547 = arith.index_cast %add3A_523 : i32 to index
        %swap3A_548 = arith.constant 32 : index
        %swap3A_549 = tpu.vector_load %arg15[%swap3A_547, %swap3A_548] {strides = array<i32>} : memref<128x128xf32, #tpu.memory_space<vmem>>, vector<16xf32>,
        tpu.vector_store %arg15[%swap3A_547, %swap3A_548], %mul3A_546 {strides = array<i32>} : memref<128x128xf32, #tpu.memory_space<vmem>>, vector<16xf32>,
        %get3A_550 = arith.index_cast %add3A_523 : i32 to index
        %get3A_551 = arith.constant 48 : index
        %get3A_552 = tpu.vector_load %arg10[%get3A_550, %get3A_551] {strides = array<i32>} : memref<128x128xf32, #tpu.memory_space<vmem>>, vector<16xf32>,
        %mul3A_553 = vector.broadcast %squeeze3A_525 : f32 to vector<16xf32>
        %mul3A_554 = arith.mulf %get3A_552, %mul3A_553 : vector<16xf32>
        %swap3A_555 = arith.index_cast %add3A_523 : i32 to index
        %swap3A_556 = arith.constant 48 : index
        %swap3A_557 = tpu.vector_load %arg15[%swap3A_555, %swap3A_556] {strides = array<i32>} : memref<128x128xf32, #tpu.memory_space<vmem>>, vector<16xf32>,
        tpu.vector_store %arg15[%swap3A_555, %swap3A_556], %mul3A_554 {strides = array<i32>} : memref<128x128xf32, #tpu.memory_space<vmem>>, vector<16xf32>,
        %get3A_558 = arith.index_cast %add3A_523 : i32 to index
        %get3A_559 = arith.constant 64 : index
        %get3A_560 = tpu.vector_load %arg10[%get3A_558, %get3A_559] {strides = array<i32>} : memref<128x128xf32, #tpu.memory_space<vmem>>, vector<16xf32>,
        %mul3A_561 = vector.broadcast %squeeze3A_525 : f32 to vector<16xf32>
        %mul3A_562 = arith.mulf %get3A_560, %mul3A_561 : vector<16xf32>
        %swap3A_563 = arith.index_cast %add3A_523 : i32 to index
        %swap3A_564 = arith.constant 64 : index
        %swap3A_565 = tpu.vector_load %arg15[%swap3A_563, %swap3A_564] {strides = array<i32>} : memref<128x128xf32, #tpu.memory_space<vmem>>, vector<16xf32>,
        tpu.vector_store %arg15[%swap3A_563, %swap3A_564], %mul3A_562 {strides = array<i32>} : memref<128x128xf32, #tpu.memory_space<vmem>>, vector<16xf32>,
        %get3A_566 = arith.index_cast %add3A_523 : i32 to index
        %get3A_567 = arith.constant 80 : index
        %get3A_568 = tpu.vector_load %arg10[%get3A_566, %get3A_567] {strides = array<i32>} : memref<128x128xf32, #tpu.memory_space<vmem>>, vector<16xf32>,
        %mul3A_569 = vector.broadcast %squeeze3A_525 : f32 to vector<16xf32>
        %mul3A_570 = arith.mulf %get3A_568, %mul3A_569 : vector<16xf32>
        %swap3A_571 = arith.index_cast %add3A_523 : i32 to index
        %swap3A_572 = arith.constant 80 : index
        %swap3A_573 = tpu.vector_load %arg15[%swap3A_571, %swap3A_572] {strides = array<i32>} : memref<128x128xf32, #tpu.memory_space<vmem>>, vector<16xf32>,
        tpu.vector_store %arg15[%swap3A_571, %swap3A_572], %mul3A_570 {strides = array<i32>} : memref<128x128xf32, #tpu.memory_space<vmem>>, vector<16xf32>,
        %get3A_574 = arith.index_cast %add3A_523 : i32 to index
        %get3A_575 = arith.constant 96 : index
        %get3A_576 = tpu.vector_load %arg10[%get3A_574, %get3A_575] {strides = array<i32>} : memref<128x128xf32, #tpu.memory_space<vmem>>, vector<16xf32>,
        %mul3A_577 = vector.broadcast %squeeze3A_525 : f32 to vector<16xf32>
        %mul3A_578 = arith.mulf %get3A_576, %mul3A_577 : vector<16xf32>
        %swap3A_579 = arith.index_cast %add3A_523 : i32 to index
        %swap3A_580 = arith.constant 96 : index
        %swap3A_581 = tpu.vector_load %arg15[%swap3A_579, %swap3A_580] {strides = array<i32>} : memref<128x128xf32, #tpu.memory_space<vmem>>, vector<16xf32>,
        tpu.vector_store %arg15[%swap3A_579, %swap3A_580], %mul3A_578 {strides = array<i32>} : memref<128x128xf32, #tpu.memory_space<vmem>>, vector<16xf32>,
        %get3A_582 = arith.index_cast %add3A_523 : i32 to index
        %get3A_583 = arith.constant 112 : index
        %get3A_584 = tpu.vector_load %arg10[%get3A_582, %get3A_583] {strides = array<i32>} : memref<128x128xf32, #tpu.memory_space<vmem>>, vector<16xf32>,
        %mul3A_585 = vector.broadcast %squeeze3A_525 : f32 to vector<16xf32>
        %mul3A_586 = arith.mulf %get3A_584, %mul3A_585 : vector<16xf32>
        %swap3A_587 = arith.index_cast %add3A_523 : i32 to index
        %swap3A_588 = arith.constant 112 : index
        %swap3A_589 = tpu.vector_load %arg15[%swap3A_587, %swap3A_588] {strides = array<i32>} : memref<128x128xf32, #tpu.memory_space<vmem>>, vector<16xf32>,
        tpu.vector_store %arg15[%swap3A_587, %swap3A_588], %mul3A_586 {strides = array<i32>} : memref<128x128xf32, #tpu.memory_space<vmem>>, vector<16xf32>,
        %mul3A_590 = arith.constant 16 : i32
        %mul3A_591 = arith.muli %scan3A_92, %mul3A_590 : i32
        %add3A_592 = arith.constant 7 : i32
        %add3A_593 = arith.addi %mul3A_591, %add3A_592 : i32
        %slice3A_594 = vector.extract_strided_slice %div3A {offsets = [7], sizes = [1], strides = [1]} : vector<16xf32> to vector<1xf32>
        %squeeze3A_595 = vector.extract %slice3A_594[0] : f32 from vector<1xf32>
        %get3A_596 = arith.index_cast %add3A_593 : i32 to index
        %get3A_597 = arith.constant 0 : index
        %get3A_598 = tpu.vector_load %arg10[%get3A_596, %get3A_597] {strides = array<i32>} : memref<128x128xf32, #tpu.memory_space<vmem>>, vector<16xf32>,
        %mul3A_599 = vector.broadcast %squeeze3A_595 : f32 to vector<16xf32>
        %mul3A_600 = arith.mulf %get3A_598, %mul3A_599 : vector<16xf32>
        %swap3A_601 = arith.index_cast %add3A_593 : i32 to index
        %swap3A_602 = arith.constant 0 : index
        %swap3A_603 = tpu.vector_load %arg15[%swap3A_601, %swap3A_602] {strides = array<i32>} : memref<128x128xf32, #tpu.memory_space<vmem>>, vector<16xf32>,
        tpu.vector_store %arg15[%swap3A_601, %swap3A_602], %mul3A_600 {strides = array<i32>} : memref<128x128xf32, #tpu.memory_space<vmem>>, vector<16xf32>,
        %get3A_604 = arith.index_cast %add3A_593 : i32 to index
        %get3A_605 = arith.constant 16 : index
        %get3A_606 = tpu.vector_load %arg10[%get3A_604, %get3A_605] {strides = array<i32>} : memref<128x128xf32, #tpu.memory_space<vmem>>, vector<16xf32>,
        %mul3A_607 = vector.broadcast %squeeze3A_595 : f32 to vector<16xf32>
        %mul3A_608 = arith.mulf %get3A_606, %mul3A_607 : vector<16xf32>
        %swap3A_609 = arith.index_cast %add3A_593 : i32 to index
        %swap3A_610 = arith.constant 16 : index
        %swap3A_611 = tpu.vector_load %arg15[%swap3A_609, %swap3A_610] {strides = array<i32>} : memref<128x128xf32, #tpu.memory_space<vmem>>, vector<16xf32>,
        tpu.vector_store %arg15[%swap3A_609, %swap3A_610], %mul3A_608 {strides = array<i32>} : memref<128x128xf32, #tpu.memory_space<vmem>>, vector<16xf32>,
        %get3A_612 = arith.index_cast %add3A_593 : i32 to index
        %get3A_613 = arith.constant 32 : index
        %get3A_614 = tpu.vector_load %arg10[%get3A_612, %get3A_613] {strides = array<i32>} : memref<128x128xf32, #tpu.memory_space<vmem>>, vector<16xf32>,
        %mul3A_615 = vector.broadcast %squeeze3A_595 : f32 to vector<16xf32>
        %mul3A_616 = arith.mulf %get3A_614, %mul3A_615 : vector<16xf32>
        %swap3A_617 = arith.index_cast %add3A_593 : i32 to index
        %swap3A_618 = arith.constant 32 : index
        %swap3A_619 = tpu.vector_load %arg15[%swap3A_617, %swap3A_618] {strides = array<i32>} : memref<128x128xf32, #tpu.memory_space<vmem>>, vector<16xf32>,
        tpu.vector_store %arg15[%swap3A_617, %swap3A_618], %mul3A_616 {strides = array<i32>} : memref<128x128xf32, #tpu.memory_space<vmem>>, vector<16xf32>,
        %get3A_620 = arith.index_cast %add3A_593 : i32 to index
        %get3A_621 = arith.constant 48 : index
        %get3A_622 = tpu.vector_load %arg10[%get3A_620, %get3A_621] {strides = array<i32>} : memref<128x128xf32, #tpu.memory_space<vmem>>, vector<16xf32>,
        %mul3A_623 = vector.broadcast %squeeze3A_595 : f32 to vector<16xf32>
        %mul3A_624 = arith.mulf %get3A_622, %mul3A_623 : vector<16xf32>
        %swap3A_625 = arith.index_cast %add3A_593 : i32 to index
        %swap3A_626 = arith.constant 48 : index
        %swap3A_627 = tpu.vector_load %arg15[%swap3A_625, %swap3A_626] {strides = array<i32>} : memref<128x128xf32, #tpu.memory_space<vmem>>, vector<16xf32>,
        tpu.vector_store %arg15[%swap3A_625, %swap3A_626], %mul3A_624 {strides = array<i32>} : memref<128x128xf32, #tpu.memory_space<vmem>>, vector<16xf32>,
        %get3A_628 = arith.index_cast %add3A_593 : i32 to index
        %get3A_629 = arith.constant 64 : index
        %get3A_630 = tpu.vector_load %arg10[%get3A_628, %get3A_629] {strides = array<i32>} : memref<128x128xf32, #tpu.memory_space<vmem>>, vector<16xf32>,
        %mul3A_631 = vector.broadcast %squeeze3A_595 : f32 to vector<16xf32>
        %mul3A_632 = arith.mulf %get3A_630, %mul3A_631 : vector<16xf32>
        %swap3A_633 = arith.index_cast %add3A_593 : i32 to index
        %swap3A_634 = arith.constant 64 : index
        %swap3A_635 = tpu.vector_load %arg15[%swap3A_633, %swap3A_634] {strides = array<i32>} : memref<128x128xf32, #tpu.memory_space<vmem>>, vector<16xf32>,
        tpu.vector_store %arg15[%swap3A_633, %swap3A_634], %mul3A_632 {strides = array<i32>} : memref<128x128xf32, #tpu.memory_space<vmem>>, vector<16xf32>,
        %get3A_636 = arith.index_cast %add3A_593 : i32 to index
        %get3A_637 = arith.constant 80 : index
        %get3A_638 = tpu.vector_load %arg10[%get3A_636, %get3A_637] {strides = array<i32>} : memref<128x128xf32, #tpu.memory_space<vmem>>, vector<16xf32>,
        %mul3A_639 = vector.broadcast %squeeze3A_595 : f32 to vector<16xf32>
        %mul3A_640 = arith.mulf %get3A_638, %mul3A_639 : vector<16xf32>
        %swap3A_641 = arith.index_cast %add3A_593 : i32 to index
        %swap3A_642 = arith.constant 80 : index
        %swap3A_643 = tpu.vector_load %arg15[%swap3A_641, %swap3A_642] {strides = array<i32>} : memref<128x128xf32, #tpu.memory_space<vmem>>, vector<16xf32>,
        tpu.vector_store %arg15[%swap3A_641, %swap3A_642], %mul3A_640 {strides = array<i32>} : memref<128x128xf32, #tpu.memory_space<vmem>>, vector<16xf32>,
        %get3A_644 = arith.index_cast %add3A_593 : i32 to index
        %get3A_645 = arith.constant 96 : index
        %get3A_646 = tpu.vector_load %arg10[%get3A_644, %get3A_645] {strides = array<i32>} : memref<128x128xf32, #tpu.memory_space<vmem>>, vector<16xf32>,
        %mul3A_647 = vector.broadcast %squeeze3A_595 : f32 to vector<16xf32>
        %mul3A_648 = arith.mulf %get3A_646, %mul3A_647 : vector<16xf32>
        %swap3A_649 = arith.index_cast %add3A_593 : i32 to index
        %swap3A_650 = arith.constant 96 : index
        %swap3A_651 = tpu.vector_load %arg15[%swap3A_649, %swap3A_650] {strides = array<i32>} : memref<128x128xf32, #tpu.memory_space<vmem>>, vector<16xf32>,
        tpu.vector_store %arg15[%swap3A_649, %swap3A_650], %mul3A_648 {strides = array<i32>} : memref<128x128xf32, #tpu.memory_space<vmem>>, vector<16xf32>,
        %get3A_652 = arith.index_cast %add3A_593 : i32 to index
        %get3A_653 = arith.constant 112 : index
        %get3A_654 = tpu.vector_load %arg10[%get3A_652, %get3A_653] {strides = array<i32>} : memref<128x128xf32, #tpu.memory_space<vmem>>, vector<16xf32>,
        %mul3A_655 = vector.broadcast %squeeze3A_595 : f32 to vector<16xf32>
        %mul3A_656 = arith.mulf %get3A_654, %mul3A_655 : vector<16xf32>
        %swap3A_657 = arith.index_cast %add3A_593 : i32 to index
        %swap3A_658 = arith.constant 112 : index
        %swap3A_659 = tpu.vector_load %arg15[%swap3A_657, %swap3A_658] {strides = array<i32>} : memref<128x128xf32, #tpu.memory_space<vmem>>, vector<16xf32>,
        tpu.vector_store %arg15[%swap3A_657, %swap3A_658], %mul3A_656 {strides = array<i32>} : memref<128x128xf32, #tpu.memory_space<vmem>>, vector<16xf32>,
        %mul3A_660 = arith.constant 16 : i32
        %mul3A_661 = arith.muli %scan3A_92, %mul3A_660 : i32
        %add3A_662 = arith.constant 8 : i32
        %add3A_663 = arith.addi %mul3A_661, %add3A_662 : i32
        %slice3A_664 = vector.extract_strided_slice %div3A {offsets = [8], sizes = [1], strides = [1]} : vector<16xf32> to vector<1xf32>
        %squeeze3A_665 = vector.extract %slice3A_664[0] : f32 from vector<1xf32>
        %get3A_666 = arith.index_cast %add3A_663 : i32 to index
        %get3A_667 = arith.constant 0 : index
        %get3A_668 = tpu.vector_load %arg10[%get3A_666, %get3A_667] {strides = array<i32>} : memref<128x128xf32, #tpu.memory_space<vmem>>, vector<16xf32>,
        %mul3A_669 = vector.broadcast %squeeze3A_665 : f32 to vector<16xf32>
        %mul3A_670 = arith.mulf %get3A_668, %mul3A_669 : vector<16xf32>
        %swap3A_671 = arith.index_cast %add3A_663 : i32 to index
        %swap3A_672 = arith.constant 0 : index
        %swap3A_673 = tpu.vector_load %arg15[%swap3A_671, %swap3A_672] {strides = array<i32>} : memref<128x128xf32, #tpu.memory_space<vmem>>, vector<16xf32>,
        tpu.vector_store %arg15[%swap3A_671, %swap3A_672], %mul3A_670 {strides = array<i32>} : memref<128x128xf32, #tpu.memory_space<vmem>>, vector<16xf32>,
        %get3A_674 = arith.index_cast %add3A_663 : i32 to index
        %get3A_675 = arith.constant 16 : index
        %get3A_676 = tpu.vector_load %arg10[%get3A_674, %get3A_675] {strides = array<i32>} : memref<128x128xf32, #tpu.memory_space<vmem>>, vector<16xf32>,
        %mul3A_677 = vector.broadcast %squeeze3A_665 : f32 to vector<16xf32>
        %mul3A_678 = arith.mulf %get3A_676, %mul3A_677 : vector<16xf32>
        %swap3A_679 = arith.index_cast %add3A_663 : i32 to index
        %swap3A_680 = arith.constant 16 : index
        %swap3A_681 = tpu.vector_load %arg15[%swap3A_679, %swap3A_680] {strides = array<i32>} : memref<128x128xf32, #tpu.memory_space<vmem>>, vector<16xf32>,
        tpu.vector_store %arg15[%swap3A_679, %swap3A_680], %mul3A_678 {strides = array<i32>} : memref<128x128xf32, #tpu.memory_space<vmem>>, vector<16xf32>,
        %get3A_682 = arith.index_cast %add3A_663 : i32 to index
        %get3A_683 = arith.constant 32 : index
        %get3A_684 = tpu.vector_load %arg10[%get3A_682, %get3A_683] {strides = array<i32>} : memref<128x128xf32, #tpu.memory_space<vmem>>, vector<16xf32>,
        %mul3A_685 = vector.broadcast %squeeze3A_665 : f32 to vector<16xf32>
        %mul3A_686 = arith.mulf %get3A_684, %mul3A_685 : vector<16xf32>
        %swap3A_687 = arith.index_cast %add3A_663 : i32 to index
        %swap3A_688 = arith.constant 32 : index
        %swap3A_689 = tpu.vector_load %arg15[%swap3A_687, %swap3A_688] {strides = array<i32>} : memref<128x128xf32, #tpu.memory_space<vmem>>, vector<16xf32>,
        tpu.vector_store %arg15[%swap3A_687, %swap3A_688], %mul3A_686 {strides = array<i32>} : memref<128x128xf32, #tpu.memory_space<vmem>>, vector<16xf32>,
        %get3A_690 = arith.index_cast %add3A_663 : i32 to index
        %get3A_691 = arith.constant 48 : index
        %get3A_692 = tpu.vector_load %arg10[%get3A_690, %get3A_691] {strides = array<i32>} : memref<128x128xf32, #tpu.memory_space<vmem>>, vector<16xf32>,
        %mul3A_693 = vector.broadcast %squeeze3A_665 : f32 to vector<16xf32>
        %mul3A_694 = arith.mulf %get3A_692, %mul3A_693 : vector<16xf32>
        %swap3A_695 = arith.index_cast %add3A_663 : i32 to index
        %swap3A_696 = arith.constant 48 : index
        %swap3A_697 = tpu.vector_load %arg15[%swap3A_695, %swap3A_696] {strides = array<i32>} : memref<128x128xf32, #tpu.memory_space<vmem>>, vector<16xf32>,
        tpu.vector_store %arg15[%swap3A_695, %swap3A_696], %mul3A_694 {strides = array<i32>} : memref<128x128xf32, #tpu.memory_space<vmem>>, vector<16xf32>,
        %get3A_698 = arith.index_cast %add3A_663 : i32 to index
        %get3A_699 = arith.constant 64 : index
        %get3A_700 = tpu.vector_load %arg10[%get3A_698, %get3A_699] {strides = array<i32>} : memref<128x128xf32, #tpu.memory_space<vmem>>, vector<16xf32>,
        %mul3A_701 = vector.broadcast %squeeze3A_665 : f32 to vector<16xf32>
        %mul3A_702 = arith.mulf %get3A_700, %mul3A_701 : vector<16xf32>
        %swap3A_703 = arith.index_cast %add3A_663 : i32 to index
        %swap3A_704 = arith.constant 64 : index
        %swap3A_705 = tpu.vector_load %arg15[%swap3A_703, %swap3A_704] {strides = array<i32>} : memref<128x128xf32, #tpu.memory_space<vmem>>, vector<16xf32>,
        tpu.vector_store %arg15[%swap3A_703, %swap3A_704], %mul3A_702 {strides = array<i32>} : memref<128x128xf32, #tpu.memory_space<vmem>>, vector<16xf32>,
        %get3A_706 = arith.index_cast %add3A_663 : i32 to index
        %get3A_707 = arith.constant 80 : index
        %get3A_708 = tpu.vector_load %arg10[%get3A_706, %get3A_707] {strides = array<i32>} : memref<128x128xf32, #tpu.memory_space<vmem>>, vector<16xf32>,
        %mul3A_709 = vector.broadcast %squeeze3A_665 : f32 to vector<16xf32>
        %mul3A_710 = arith.mulf %get3A_708, %mul3A_709 : vector<16xf32>
        %swap3A_711 = arith.index_cast %add3A_663 : i32 to index
        %swap3A_712 = arith.constant 80 : index
        %swap3A_713 = tpu.vector_load %arg15[%swap3A_711, %swap3A_712] {strides = array<i32>} : memref<128x128xf32, #tpu.memory_space<vmem>>, vector<16xf32>,
        tpu.vector_store %arg15[%swap3A_711, %swap3A_712], %mul3A_710 {strides = array<i32>} : memref<128x128xf32, #tpu.memory_space<vmem>>, vector<16xf32>,
        %get3A_714 = arith.index_cast %add3A_663 : i32 to index
        %get3A_715 = arith.constant 96 : index
        %get3A_716 = tpu.vector_load %arg10[%get3A_714, %get3A_715] {strides = array<i32>} : memref<128x128xf32, #tpu.memory_space<vmem>>, vector<16xf32>,
        %mul3A_717 = vector.broadcast %squeeze3A_665 : f32 to vector<16xf32>
        %mul3A_718 = arith.mulf %get3A_716, %mul3A_717 : vector<16xf32>
        %swap3A_719 = arith.index_cast %add3A_663 : i32 to index
        %swap3A_720 = arith.constant 96 : index
        %swap3A_721 = tpu.vector_load %arg15[%swap3A_719, %swap3A_720] {strides = array<i32>} : memref<128x128xf32, #tpu.memory_space<vmem>>, vector<16xf32>,
        tpu.vector_store %arg15[%swap3A_719, %swap3A_720], %mul3A_718 {strides = array<i32>} : memref<128x128xf32, #tpu.memory_space<vmem>>, vector<16xf32>,
        %get3A_722 = arith.index_cast %add3A_663 : i32 to index
        %get3A_723 = arith.constant 112 : index
        %get3A_724 = tpu.vector_load %arg10[%get3A_722, %get3A_723] {strides = array<i32>} : memref<128x128xf32, #tpu.memory_space<vmem>>, vector<16xf32>,
        %mul3A_725 = vector.broadcast %squeeze3A_665 : f32 to vector<16xf32>
        %mul3A_726 = arith.mulf %get3A_724, %mul3A_725 : vector<16xf32>
        %swap3A_727 = arith.index_cast %add3A_663 : i32 to index
        %swap3A_728 = arith.constant 112 : index
        %swap3A_729 = tpu.vector_load %arg15[%swap3A_727, %swap3A_728] {strides = array<i32>} : memref<128x128xf32, #tpu.memory_space<vmem>>, vector<16xf32>,
        tpu.vector_store %arg15[%swap3A_727, %swap3A_728], %mul3A_726 {strides = array<i32>} : memref<128x128xf32, #tpu.memory_space<vmem>>, vector<16xf32>,
        %mul3A_730 = arith.constant 16 : i32
        %mul3A_731 = arith.muli %scan3A_92, %mul3A_730 : i32
        %add3A_732 = arith.constant 9 : i32
        %add3A_733 = arith.addi %mul3A_731, %add3A_732 : i32
        %slice3A_734 = vector.extract_strided_slice %div3A {offsets = [9], sizes = [1], strides = [1]} : vector<16xf32> to vector<1xf32>
        %squeeze3A_735 = vector.extract %slice3A_734[0] : f32 from vector<1xf32>
        %get3A_736 = arith.index_cast %add3A_733 : i32 to index
        %get3A_737 = arith.constant 0 : index
        %get3A_738 = tpu.vector_load %arg10[%get3A_736, %get3A_737] {strides = array<i32>} : memref<128x128xf32, #tpu.memory_space<vmem>>, vector<16xf32>,
        %mul3A_739 = vector.broadcast %squeeze3A_735 : f32 to vector<16xf32>
        %mul3A_740 = arith.mulf %get3A_738, %mul3A_739 : vector<16xf32>
        %swap3A_741 = arith.index_cast %add3A_733 : i32 to index
        %swap3A_742 = arith.constant 0 : index
        %swap3A_743 = tpu.vector_load %arg15[%swap3A_741, %swap3A_742] {strides = array<i32>} : memref<128x128xf32, #tpu.memory_space<vmem>>, vector<16xf32>,
        tpu.vector_store %arg15[%swap3A_741, %swap3A_742], %mul3A_740 {strides = array<i32>} : memref<128x128xf32, #tpu.memory_space<vmem>>, vector<16xf32>,
        %get3A_744 = arith.index_cast %add3A_733 : i32 to index
        %get3A_745 = arith.constant 16 : index
        %get3A_746 = tpu.vector_load %arg10[%get3A_744, %get3A_745] {strides = array<i32>} : memref<128x128xf32, #tpu.memory_space<vmem>>, vector<16xf32>,
        %mul3A_747 = vector.broadcast %squeeze3A_735 : f32 to vector<16xf32>
        %mul3A_748 = arith.mulf %get3A_746, %mul3A_747 : vector<16xf32>
        %swap3A_749 = arith.index_cast %add3A_733 : i32 to index
        %swap3A_750 = arith.constant 16 : index
        %swap3A_751 = tpu.vector_load %arg15[%swap3A_749, %swap3A_750] {strides = array<i32>} : memref<128x128xf32, #tpu.memory_space<vmem>>, vector<16xf32>,
        tpu.vector_store %arg15[%swap3A_749, %swap3A_750], %mul3A_748 {strides = array<i32>} : memref<128x128xf32, #tpu.memory_space<vmem>>, vector<16xf32>,
        %get3A_752 = arith.index_cast %add3A_733 : i32 to index
        %get3A_753 = arith.constant 32 : index
        %get3A_754 = tpu.vector_load %arg10[%get3A_752, %get3A_753] {strides = array<i32>} : memref<128x128xf32, #tpu.memory_space<vmem>>, vector<16xf32>,
        %mul3A_755 = vector.broadcast %squeeze3A_735 : f32 to vector<16xf32>
        %mul3A_756 = arith.mulf %get3A_754, %mul3A_755 : vector<16xf32>
        %swap3A_757 = arith.index_cast %add3A_733 : i32 to index
        %swap3A_758 = arith.constant 32 : index
        %swap3A_759 = tpu.vector_load %arg15[%swap3A_757, %swap3A_758] {strides = array<i32>} : memref<128x128xf32, #tpu.memory_space<vmem>>, vector<16xf32>,
        tpu.vector_store %arg15[%swap3A_757, %swap3A_758], %mul3A_756 {strides = array<i32>} : memref<128x128xf32, #tpu.memory_space<vmem>>, vector<16xf32>,
        %get3A_760 = arith.index_cast %add3A_733 : i32 to index
        %get3A_761 = arith.constant 48 : index
        %get3A_762 = tpu.vector_load %arg10[%get3A_760, %get3A_761] {strides = array<i32>} : memref<128x128xf32, #tpu.memory_space<vmem>>, vector<16xf32>,
        %mul3A_763 = vector.broadcast %squeeze3A_735 : f32 to vector<16xf32>
        %mul3A_764 = arith.mulf %get3A_762, %mul3A_763 : vector<16xf32>
        %swap3A_765 = arith.index_cast %add3A_733 : i32 to index
        %swap3A_766 = arith.constant 48 : index
        %swap3A_767 = tpu.vector_load %arg15[%swap3A_765, %swap3A_766] {strides = array<i32>} : memref<128x128xf32, #tpu.memory_space<vmem>>, vector<16xf32>,
        tpu.vector_store %arg15[%swap3A_765, %swap3A_766], %mul3A_764 {strides = array<i32>} : memref<128x128xf32, #tpu.memory_space<vmem>>, vector<16xf32>,
        %get3A_768 = arith.index_cast %add3A_733 : i32 to index
        %get3A_769 = arith.constant 64 : index
        %get3A_770 = tpu.vector_load %arg10[%get3A_768, %get3A_769] {strides = array<i32>} : memref<128x128xf32, #tpu.memory_space<vmem>>, vector<16xf32>,
        %mul3A_771 = vector.broadcast %squeeze3A_735 : f32 to vector<16xf32>
        %mul3A_772 = arith.mulf %get3A_770, %mul3A_771 : vector<16xf32>
        %swap3A_773 = arith.index_cast %add3A_733 : i32 to index
        %swap3A_774 = arith.constant 64 : index
        %swap3A_775 = tpu.vector_load %arg15[%swap3A_773, %swap3A_774] {strides = array<i32>} : memref<128x128xf32, #tpu.memory_space<vmem>>, vector<16xf32>,
        tpu.vector_store %arg15[%swap3A_773, %swap3A_774], %mul3A_772 {strides = array<i32>} : memref<128x128xf32, #tpu.memory_space<vmem>>, vector<16xf32>,
        %get3A_776 = arith.index_cast %add3A_733 : i32 to index
        %get3A_777 = arith.constant 80 : index
        %get3A_778 = tpu.vector_load %arg10[%get3A_776, %get3A_777] {strides = array<i32>} : memref<128x128xf32, #tpu.memory_space<vmem>>, vector<16xf32>,
        %mul3A_779 = vector.broadcast %squeeze3A_735 : f32 to vector<16xf32>
        %mul3A_780 = arith.mulf %get3A_778, %mul3A_779 : vector<16xf32>
        %swap3A_781 = arith.index_cast %add3A_733 : i32 to index
        %swap3A_782 = arith.constant 80 : index
        %swap3A_783 = tpu.vector_load %arg15[%swap3A_781, %swap3A_782] {strides = array<i32>} : memref<128x128xf32, #tpu.memory_space<vmem>>, vector<16xf32>,
        tpu.vector_store %arg15[%swap3A_781, %swap3A_782], %mul3A_780 {strides = array<i32>} : memref<128x128xf32, #tpu.memory_space<vmem>>, vector<16xf32>,
        %get3A_784 = arith.index_cast %add3A_733 : i32 to index
        %get3A_785 = arith.constant 96 : index
        %get3A_786 = tpu.vector_load %arg10[%get3A_784, %get3A_785] {strides = array<i32>} : memref<128x128xf32, #tpu.memory_space<vmem>>, vector<16xf32>,
        %mul3A_787 = vector.broadcast %squeeze3A_735 : f32 to vector<16xf32>
        %mul3A_788 = arith.mulf %get3A_786, %mul3A_787 : vector<16xf32>
        %swap3A_789 = arith.index_cast %add3A_733 : i32 to index
        %swap3A_790 = arith.constant 96 : index
        %swap3A_791 = tpu.vector_load %arg15[%swap3A_789, %swap3A_790] {strides = array<i32>} : memref<128x128xf32, #tpu.memory_space<vmem>>, vector<16xf32>,
        tpu.vector_store %arg15[%swap3A_789, %swap3A_790], %mul3A_788 {strides = array<i32>} : memref<128x128xf32, #tpu.memory_space<vmem>>, vector<16xf32>,
        %get3A_792 = arith.index_cast %add3A_733 : i32 to index
        %get3A_793 = arith.constant 112 : index
        %get3A_794 = tpu.vector_load %arg10[%get3A_792, %get3A_793] {strides = array<i32>} : memref<128x128xf32, #tpu.memory_space<vmem>>, vector<16xf32>,
        %mul3A_795 = vector.broadcast %squeeze3A_735 : f32 to vector<16xf32>
        %mul3A_796 = arith.mulf %get3A_794, %mul3A_795 : vector<16xf32>
        %swap3A_797 = arith.index_cast %add3A_733 : i32 to index
        %swap3A_798 = arith.constant 112 : index
        %swap3A_799 = tpu.vector_load %arg15[%swap3A_797, %swap3A_798] {strides = array<i32>} : memref<128x128xf32, #tpu.memory_space<vmem>>, vector<16xf32>,
        tpu.vector_store %arg15[%swap3A_797, %swap3A_798], %mul3A_796 {strides = array<i32>} : memref<128x128xf32, #tpu.memory_space<vmem>>, vector<16xf32>,
        %mul3A_800 = arith.constant 16 : i32
        %mul3A_801 = arith.muli %scan3A_92, %mul3A_800 : i32
        %add3A_802 = arith.constant 10 : i32
        %add3A_803 = arith.addi %mul3A_801, %add3A_802 : i32
        %slice3A_804 = vector.extract_strided_slice %div3A {offsets = [10], sizes = [1], strides = [1]} : vector<16xf32> to vector<1xf32>
        %squeeze3A_805 = vector.extract %slice3A_804[0] : f32 from vector<1xf32>
        %get3A_806 = arith.index_cast %add3A_803 : i32 to index
        %get3A_807 = arith.constant 0 : index
        %get3A_808 = tpu.vector_load %arg10[%get3A_806, %get3A_807] {strides = array<i32>} : memref<128x128xf32, #tpu.memory_space<vmem>>, vector<16xf32>,
        %mul3A_809 = vector.broadcast %squeeze3A_805 : f32 to vector<16xf32>
        %mul3A_810 = arith.mulf %get3A_808, %mul3A_809 : vector<16xf32>
        %swap3A_811 = arith.index_cast %add3A_803 : i32 to index
        %swap3A_812 = arith.constant 0 : index
        %swap3A_813 = tpu.vector_load %arg15[%swap3A_811, %swap3A_812] {strides = array<i32>} : memref<128x128xf32, #tpu.memory_space<vmem>>, vector<16xf32>,
        tpu.vector_store %arg15[%swap3A_811, %swap3A_812], %mul3A_810 {strides = array<i32>} : memref<128x128xf32, #tpu.memory_space<vmem>>, vector<16xf32>,
        %get3A_814 = arith.index_cast %add3A_803 : i32 to index
        %get3A_815 = arith.constant 16 : index
        %get3A_816 = tpu.vector_load %arg10[%get3A_814, %get3A_815] {strides = array<i32>} : memref<128x128xf32, #tpu.memory_space<vmem>>, vector<16xf32>,
        %mul3A_817 = vector.broadcast %squeeze3A_805 : f32 to vector<16xf32>
        %mul3A_818 = arith.mulf %get3A_816, %mul3A_817 : vector<16xf32>
        %swap3A_819 = arith.index_cast %add3A_803 : i32 to index
        %swap3A_820 = arith.constant 16 : index
        %swap3A_821 = tpu.vector_load %arg15[%swap3A_819, %swap3A_820] {strides = array<i32>} : memref<128x128xf32, #tpu.memory_space<vmem>>, vector<16xf32>,
        tpu.vector_store %arg15[%swap3A_819, %swap3A_820], %mul3A_818 {strides = array<i32>} : memref<128x128xf32, #tpu.memory_space<vmem>>, vector<16xf32>,
        %get3A_822 = arith.index_cast %add3A_803 : i32 to index
        %get3A_823 = arith.constant 32 : index
        %get3A_824 = tpu.vector_load %arg10[%get3A_822, %get3A_823] {strides = array<i32>} : memref<128x128xf32, #tpu.memory_space<vmem>>, vector<16xf32>,
        %mul3A_825 = vector.broadcast %squeeze3A_805 : f32 to vector<16xf32>
        %mul3A_826 = arith.mulf %get3A_824, %mul3A_825 : vector<16xf32>
        %swap3A_827 = arith.index_cast %add3A_803 : i32 to index
        %swap3A_828 = arith.constant 32 : index
        %swap3A_829 = tpu.vector_load %arg15[%swap3A_827, %swap3A_828] {strides = array<i32>} : memref<128x128xf32, #tpu.memory_space<vmem>>, vector<16xf32>,
        tpu.vector_store %arg15[%swap3A_827, %swap3A_828], %mul3A_826 {strides = array<i32>} : memref<128x128xf32, #tpu.memory_space<vmem>>, vector<16xf32>,
        %get3A_830 = arith.index_cast %add3A_803 : i32 to index
        %get3A_831 = arith.constant 48 : index
        %get3A_832 = tpu.vector_load %arg10[%get3A_830, %get3A_831] {strides = array<i32>} : memref<128x128xf32, #tpu.memory_space<vmem>>, vector<16xf32>,
        %mul3A_833 = vector.broadcast %squeeze3A_805 : f32 to vector<16xf32>
        %mul3A_834 = arith.mulf %get3A_832, %mul3A_833 : vector<16xf32>
        %swap3A_835 = arith.index_cast %add3A_803 : i32 to index
        %swap3A_836 = arith.constant 48 : index
        %swap3A_837 = tpu.vector_load %arg15[%swap3A_835, %swap3A_836] {strides = array<i32>} : memref<128x128xf32, #tpu.memory_space<vmem>>, vector<16xf32>,
        tpu.vector_store %arg15[%swap3A_835, %swap3A_836], %mul3A_834 {strides = array<i32>} : memref<128x128xf32, #tpu.memory_space<vmem>>, vector<16xf32>,
        %get3A_838 = arith.index_cast %add3A_803 : i32 to index
        %get3A_839 = arith.constant 64 : index
        %get3A_840 = tpu.vector_load %arg10[%get3A_838, %get3A_839] {strides = array<i32>} : memref<128x128xf32, #tpu.memory_space<vmem>>, vector<16xf32>,
        %mul3A_841 = vector.broadcast %squeeze3A_805 : f32 to vector<16xf32>
        %mul3A_842 = arith.mulf %get3A_840, %mul3A_841 : vector<16xf32>
        %swap3A_843 = arith.index_cast %add3A_803 : i32 to index
        %swap3A_844 = arith.constant 64 : index
        %swap3A_845 = tpu.vector_load %arg15[%swap3A_843, %swap3A_844] {strides = array<i32>} : memref<128x128xf32, #tpu.memory_space<vmem>>, vector<16xf32>,
        tpu.vector_store %arg15[%swap3A_843, %swap3A_844], %mul3A_842 {strides = array<i32>} : memref<128x128xf32, #tpu.memory_space<vmem>>, vector<16xf32>,
        %get3A_846 = arith.index_cast %add3A_803 : i32 to index
        %get3A_847 = arith.constant 80 : index
        %get3A_848 = tpu.vector_load %arg10[%get3A_846, %get3A_847] {strides = array<i32>} : memref<128x128xf32, #tpu.memory_space<vmem>>, vector<16xf32>,
        %mul3A_849 = vector.broadcast %squeeze3A_805 : f32 to vector<16xf32>
        %mul3A_850 = arith.mulf %get3A_848, %mul3A_849 : vector<16xf32>
        %swap3A_851 = arith.index_cast %add3A_803 : i32 to index
        %swap3A_852 = arith.constant 80 : index
        %swap3A_853 = tpu.vector_load %arg15[%swap3A_851, %swap3A_852] {strides = array<i32>} : memref<128x128xf32, #tpu.memory_space<vmem>>, vector<16xf32>,
        tpu.vector_store %arg15[%swap3A_851, %swap3A_852], %mul3A_850 {strides = array<i32>} : memref<128x128xf32, #tpu.memory_space<vmem>>, vector<16xf32>,
        %get3A_854 = arith.index_cast %add3A_803 : i32 to index
        %get3A_855 = arith.constant 96 : index
        %get3A_856 = tpu.vector_load %arg10[%get3A_854, %get3A_855] {strides = array<i32>} : memref<128x128xf32, #tpu.memory_space<vmem>>, vector<16xf32>,
        %mul3A_857 = vector.broadcast %squeeze3A_805 : f32 to vector<16xf32>
        %mul3A_858 = arith.mulf %get3A_856, %mul3A_857 : vector<16xf32>
        %swap3A_859 = arith.index_cast %add3A_803 : i32 to index
        %swap3A_860 = arith.constant 96 : index
        %swap3A_861 = tpu.vector_load %arg15[%swap3A_859, %swap3A_860] {strides = array<i32>} : memref<128x128xf32, #tpu.memory_space<vmem>>, vector<16xf32>,
        tpu.vector_store %arg15[%swap3A_859, %swap3A_860], %mul3A_858 {strides = array<i32>} : memref<128x128xf32, #tpu.memory_space<vmem>>, vector<16xf32>,
        %get3A_862 = arith.index_cast %add3A_803 : i32 to index
        %get3A_863 = arith.constant 112 : index
        %get3A_864 = tpu.vector_load %arg10[%get3A_862, %get3A_863] {strides = array<i32>} : memref<128x128xf32, #tpu.memory_space<vmem>>, vector<16xf32>,
        %mul3A_865 = vector.broadcast %squeeze3A_805 : f32 to vector<16xf32>
        %mul3A_866 = arith.mulf %get3A_864, %mul3A_865 : vector<16xf32>
        %swap3A_867 = arith.index_cast %add3A_803 : i32 to index
        %swap3A_868 = arith.constant 112 : index
        %swap3A_869 = tpu.vector_load %arg15[%swap3A_867, %swap3A_868] {strides = array<i32>} : memref<128x128xf32, #tpu.memory_space<vmem>>, vector<16xf32>,
        tpu.vector_store %arg15[%swap3A_867, %swap3A_868], %mul3A_866 {strides = array<i32>} : memref<128x128xf32, #tpu.memory_space<vmem>>, vector<16xf32>,
        %mul3A_870 = arith.constant 16 : i32
        %mul3A_871 = arith.muli %scan3A_92, %mul3A_870 : i32
        %add3A_872 = arith.constant 11 : i32
        %add3A_873 = arith.addi %mul3A_871, %add3A_872 : i32
        %slice3A_874 = vector.extract_strided_slice %div3A {offsets = [11], sizes = [1], strides = [1]} : vector<16xf32> to vector<1xf32>
        %squeeze3A_875 = vector.extract %slice3A_874[0] : f32 from vector<1xf32>
        %get3A_876 = arith.index_cast %add3A_873 : i32 to index
        %get3A_877 = arith.constant 0 : index
        %get3A_878 = tpu.vector_load %arg10[%get3A_876, %get3A_877] {strides = array<i32>} : memref<128x128xf32, #tpu.memory_space<vmem>>, vector<16xf32>,
        %mul3A_879 = vector.broadcast %squeeze3A_875 : f32 to vector<16xf32>
        %mul3A_880 = arith.mulf %get3A_878, %mul3A_879 : vector<16xf32>
        %swap3A_881 = arith.index_cast %add3A_873 : i32 to index
        %swap3A_882 = arith.constant 0 : index
        %swap3A_883 = tpu.vector_load %arg15[%swap3A_881, %swap3A_882] {strides = array<i32>} : memref<128x128xf32, #tpu.memory_space<vmem>>, vector<16xf32>,
        tpu.vector_store %arg15[%swap3A_881, %swap3A_882], %mul3A_880 {strides = array<i32>} : memref<128x128xf32, #tpu.memory_space<vmem>>, vector<16xf32>,
        %get3A_884 = arith.index_cast %add3A_873 : i32 to index
        %get3A_885 = arith.constant 16 : index
        %get3A_886 = tpu.vector_load %arg10[%get3A_884, %get3A_885] {strides = array<i32>} : memref<128x128xf32, #tpu.memory_space<vmem>>, vector<16xf32>,
        %mul3A_887 = vector.broadcast %squeeze3A_875 : f32 to vector<16xf32>
        %mul3A_888 = arith.mulf %get3A_886, %mul3A_887 : vector<16xf32>
        %swap3A_889 = arith.index_cast %add3A_873 : i32 to index
        %swap3A_890 = arith.constant 16 : index
        %swap3A_891 = tpu.vector_load %arg15[%swap3A_889, %swap3A_890] {strides = array<i32>} : memref<128x128xf32, #tpu.memory_space<vmem>>, vector<16xf32>,
        tpu.vector_store %arg15[%swap3A_889, %swap3A_890], %mul3A_888 {strides = array<i32>} : memref<128x128xf32, #tpu.memory_space<vmem>>, vector<16xf32>,
        %get3A_892 = arith.index_cast %add3A_873 : i32 to index
        %get3A_893 = arith.constant 32 : index
        %get3A_894 = tpu.vector_load %arg10[%get3A_892, %get3A_893] {strides = array<i32>} : memref<128x128xf32, #tpu.memory_space<vmem>>, vector<16xf32>,
        %mul3A_895 = vector.broadcast %squeeze3A_875 : f32 to vector<16xf32>
        %mul3A_896 = arith.mulf %get3A_894, %mul3A_895 : vector<16xf32>
        %swap3A_897 = arith.index_cast %add3A_873 : i32 to index
        %swap3A_898 = arith.constant 32 : index
        %swap3A_899 = tpu.vector_load %arg15[%swap3A_897, %swap3A_898] {strides = array<i32>} : memref<128x128xf32, #tpu.memory_space<vmem>>, vector<16xf32>,
        tpu.vector_store %arg15[%swap3A_897, %swap3A_898], %mul3A_896 {strides = array<i32>} : memref<128x128xf32, #tpu.memory_space<vmem>>, vector<16xf32>,
        %get3A_900 = arith.index_cast %add3A_873 : i32 to index
        %get3A_901 = arith.constant 48 : index
        %get3A_902 = tpu.vector_load %arg10[%get3A_900, %get3A_901] {strides = array<i32>} : memref<128x128xf32, #tpu.memory_space<vmem>>, vector<16xf32>,
        %mul3A_903 = vector.broadcast %squeeze3A_875 : f32 to vector<16xf32>
        %mul3A_904 = arith.mulf %get3A_902, %mul3A_903 : vector<16xf32>
        %swap3A_905 = arith.index_cast %add3A_873 : i32 to index
        %swap3A_906 = arith.constant 48 : index
        %swap3A_907 = tpu.vector_load %arg15[%swap3A_905, %swap3A_906] {strides = array<i32>} : memref<128x128xf32, #tpu.memory_space<vmem>>, vector<16xf32>,
        tpu.vector_store %arg15[%swap3A_905, %swap3A_906], %mul3A_904 {strides = array<i32>} : memref<128x128xf32, #tpu.memory_space<vmem>>, vector<16xf32>,
        %get3A_908 = arith.index_cast %add3A_873 : i32 to index
        %get3A_909 = arith.constant 64 : index
        %get3A_910 = tpu.vector_load %arg10[%get3A_908, %get3A_909] {strides = array<i32>} : memref<128x128xf32, #tpu.memory_space<vmem>>, vector<16xf32>,
        %mul3A_911 = vector.broadcast %squeeze3A_875 : f32 to vector<16xf32>
        %mul3A_912 = arith.mulf %get3A_910, %mul3A_911 : vector<16xf32>
        %swap3A_913 = arith.index_cast %add3A_873 : i32 to index
        %swap3A_914 = arith.constant 64 : index
        %swap3A_915 = tpu.vector_load %arg15[%swap3A_913, %swap3A_914] {strides = array<i32>} : memref<128x128xf32, #tpu.memory_space<vmem>>, vector<16xf32>,
        tpu.vector_store %arg15[%swap3A_913, %swap3A_914], %mul3A_912 {strides = array<i32>} : memref<128x128xf32, #tpu.memory_space<vmem>>, vector<16xf32>,
        %get3A_916 = arith.index_cast %add3A_873 : i32 to index
        %get3A_917 = arith.constant 80 : index
        %get3A_918 = tpu.vector_load %arg10[%get3A_916, %get3A_917] {strides = array<i32>} : memref<128x128xf32, #tpu.memory_space<vmem>>, vector<16xf32>,
        %mul3A_919 = vector.broadcast %squeeze3A_875 : f32 to vector<16xf32>
        %mul3A_920 = arith.mulf %get3A_918, %mul3A_919 : vector<16xf32>
        %swap3A_921 = arith.index_cast %add3A_873 : i32 to index
        %swap3A_922 = arith.constant 80 : index
        %swap3A_923 = tpu.vector_load %arg15[%swap3A_921, %swap3A_922] {strides = array<i32>} : memref<128x128xf32, #tpu.memory_space<vmem>>, vector<16xf32>,
        tpu.vector_store %arg15[%swap3A_921, %swap3A_922], %mul3A_920 {strides = array<i32>} : memref<128x128xf32, #tpu.memory_space<vmem>>, vector<16xf32>,
        %get3A_924 = arith.index_cast %add3A_873 : i32 to index
        %get3A_925 = arith.constant 96 : index
        %get3A_926 = tpu.vector_load %arg10[%get3A_924, %get3A_925] {strides = array<i32>} : memref<128x128xf32, #tpu.memory_space<vmem>>, vector<16xf32>,
        %mul3A_927 = vector.broadcast %squeeze3A_875 : f32 to vector<16xf32>
        %mul3A_928 = arith.mulf %get3A_926, %mul3A_927 : vector<16xf32>
        %swap3A_929 = arith.index_cast %add3A_873 : i32 to index
        %swap3A_930 = arith.constant 96 : index
        %swap3A_931 = tpu.vector_load %arg15[%swap3A_929, %swap3A_930] {strides = array<i32>} : memref<128x128xf32, #tpu.memory_space<vmem>>, vector<16xf32>,
        tpu.vector_store %arg15[%swap3A_929, %swap3A_930], %mul3A_928 {strides = array<i32>} : memref<128x128xf32, #tpu.memory_space<vmem>>, vector<16xf32>,
        %get3A_932 = arith.index_cast %add3A_873 : i32 to index
        %get3A_933 = arith.constant 112 : index
        %get3A_934 = tpu.vector_load %arg10[%get3A_932, %get3A_933] {strides = array<i32>} : memref<128x128xf32, #tpu.memory_space<vmem>>, vector<16xf32>,
        %mul3A_935 = vector.broadcast %squeeze3A_875 : f32 to vector<16xf32>
        %mul3A_936 = arith.mulf %get3A_934, %mul3A_935 : vector<16xf32>
        %swap3A_937 = arith.index_cast %add3A_873 : i32 to index
        %swap3A_938 = arith.constant 112 : index
        %swap3A_939 = tpu.vector_load %arg15[%swap3A_937, %swap3A_938] {strides = array<i32>} : memref<128x128xf32, #tpu.memory_space<vmem>>, vector<16xf32>,
        tpu.vector_store %arg15[%swap3A_937, %swap3A_938], %mul3A_936 {strides = array<i32>} : memref<128x128xf32, #tpu.memory_space<vmem>>, vector<16xf32>,
        %mul3A_940 = arith.constant 16 : i32
        %mul3A_941 = arith.muli %scan3A_92, %mul3A_940 : i32
        %add3A_942 = arith.constant 12 : i32
        %add3A_943 = arith.addi %mul3A_941, %add3A_942 : i32
        %slice3A_944 = vector.extract_strided_slice %div3A {offsets = [12], sizes = [1], strides = [1]} : vector<16xf32> to vector<1xf32>
        %squeeze3A_945 = vector.extract %slice3A_944[0] : f32 from vector<1xf32>
        %get3A_946 = arith.index_cast %add3A_943 : i32 to index
        %get3A_947 = arith.constant 0 : index
        %get3A_948 = tpu.vector_load %arg10[%get3A_946, %get3A_947] {strides = array<i32>} : memref<128x128xf32, #tpu.memory_space<vmem>>, vector<16xf32>,
        %mul3A_949 = vector.broadcast %squeeze3A_945 : f32 to vector<16xf32>
        %mul3A_950 = arith.mulf %get3A_948, %mul3A_949 : vector<16xf32>
        %swap3A_951 = arith.index_cast %add3A_943 : i32 to index
        %swap3A_952 = arith.constant 0 : index
        %swap3A_953 = tpu.vector_load %arg15[%swap3A_951, %swap3A_952] {strides = array<i32>} : memref<128x128xf32, #tpu.memory_space<vmem>>, vector<16xf32>,
        tpu.vector_store %arg15[%swap3A_951, %swap3A_952], %mul3A_950 {strides = array<i32>} : memref<128x128xf32, #tpu.memory_space<vmem>>, vector<16xf32>,
        %get3A_954 = arith.index_cast %add3A_943 : i32 to index
        %get3A_955 = arith.constant 16 : index
        %get3A_956 = tpu.vector_load %arg10[%get3A_954, %get3A_955] {strides = array<i32>} : memref<128x128xf32, #tpu.memory_space<vmem>>, vector<16xf32>,
        %mul3A_957 = vector.broadcast %squeeze3A_945 : f32 to vector<16xf32>
        %mul3A_958 = arith.mulf %get3A_956, %mul3A_957 : vector<16xf32>
        %swap3A_959 = arith.index_cast %add3A_943 : i32 to index
        %swap3A_960 = arith.constant 16 : index
        %swap3A_961 = tpu.vector_load %arg15[%swap3A_959, %swap3A_960] {strides = array<i32>} : memref<128x128xf32, #tpu.memory_space<vmem>>, vector<16xf32>,
        tpu.vector_store %arg15[%swap3A_959, %swap3A_960], %mul3A_958 {strides = array<i32>} : memref<128x128xf32, #tpu.memory_space<vmem>>, vector<16xf32>,
        %get3A_962 = arith.index_cast %add3A_943 : i32 to index
        %get3A_963 = arith.constant 32 : index
        %get3A_964 = tpu.vector_load %arg10[%get3A_962, %get3A_963] {strides = array<i32>} : memref<128x128xf32, #tpu.memory_space<vmem>>, vector<16xf32>,
        %mul3A_965 = vector.broadcast %squeeze3A_945 : f32 to vector<16xf32>
        %mul3A_966 = arith.mulf %get3A_964, %mul3A_965 : vector<16xf32>
        %swap3A_967 = arith.index_cast %add3A_943 : i32 to index
        %swap3A_968 = arith.constant 32 : index
        %swap3A_969 = tpu.vector_load %arg15[%swap3A_967, %swap3A_968] {strides = array<i32>} : memref<128x128xf32, #tpu.memory_space<vmem>>, vector<16xf32>,
        tpu.vector_store %arg15[%swap3A_967, %swap3A_968], %mul3A_966 {strides = array<i32>} : memref<128x128xf32, #tpu.memory_space<vmem>>, vector<16xf32>,
        %get3A_970 = arith.index_cast %add3A_943 : i32 to index
        %get3A_971 = arith.constant 48 : index
        %get3A_972 = tpu.vector_load %arg10[%get3A_970, %get3A_971] {strides = array<i32>} : memref<128x128xf32, #tpu.memory_space<vmem>>, vector<16xf32>,
        %mul3A_973 = vector.broadcast %squeeze3A_945 : f32 to vector<16xf32>
        %mul3A_974 = arith.mulf %get3A_972, %mul3A_973 : vector<16xf32>
        %swap3A_975 = arith.index_cast %add3A_943 : i32 to index
        %swap3A_976 = arith.constant 48 : index
        %swap3A_977 = tpu.vector_load %arg15[%swap3A_975, %swap3A_976] {strides = array<i32>} : memref<128x128xf32, #tpu.memory_space<vmem>>, vector<16xf32>,
        tpu.vector_store %arg15[%swap3A_975, %swap3A_976], %mul3A_974 {strides = array<i32>} : memref<128x128xf32, #tpu.memory_space<vmem>>, vector<16xf32>,
        %get3A_978 = arith.index_cast %add3A_943 : i32 to index
        %get3A_979 = arith.constant 64 : index
        %get3A_980 = tpu.vector_load %arg10[%get3A_978, %get3A_979] {strides = array<i32>} : memref<128x128xf32, #tpu.memory_space<vmem>>, vector<16xf32>,
        %mul3A_981 = vector.broadcast %squeeze3A_945 : f32 to vector<16xf32>
        %mul3A_982 = arith.mulf %get3A_980, %mul3A_981 : vector<16xf32>
        %swap3A_983 = arith.index_cast %add3A_943 : i32 to index
        %swap3A_984 = arith.constant 64 : index
        %swap3A_985 = tpu.vector_load %arg15[%swap3A_983, %swap3A_984] {strides = array<i32>} : memref<128x128xf32, #tpu.memory_space<vmem>>, vector<16xf32>,
        tpu.vector_store %arg15[%swap3A_983, %swap3A_984], %mul3A_982 {strides = array<i32>} : memref<128x128xf32, #tpu.memory_space<vmem>>, vector<16xf32>,
        %get3A_986 = arith.index_cast %add3A_943 : i32 to index
        %get3A_987 = arith.constant 80 : index
        %get3A_988 = tpu.vector_load %arg10[%get3A_986, %get3A_987] {strides = array<i32>} : memref<128x128xf32, #tpu.memory_space<vmem>>, vector<16xf32>,
        %mul3A_989 = vector.broadcast %squeeze3A_945 : f32 to vector<16xf32>
        %mul3A_990 = arith.mulf %get3A_988, %mul3A_989 : vector<16xf32>
        %swap3A_991 = arith.index_cast %add3A_943 : i32 to index
        %swap3A_992 = arith.constant 80 : index
        %swap3A_993 = tpu.vector_load %arg15[%swap3A_991, %swap3A_992] {strides = array<i32>} : memref<128x128xf32, #tpu.memory_space<vmem>>, vector<16xf32>,
        tpu.vector_store %arg15[%swap3A_991, %swap3A_992], %mul3A_990 {strides = array<i32>} : memref<128x128xf32, #tpu.memory_space<vmem>>, vector<16xf32>,
        %get3A_994 = arith.index_cast %add3A_943 : i32 to index
        %get3A_995 = arith.constant 96 : index
        %get3A_996 = tpu.vector_load %arg10[%get3A_994, %get3A_995] {strides = array<i32>} : memref<128x128xf32, #tpu.memory_space<vmem>>, vector<16xf32>,
        %mul3A_997 = vector.broadcast %squeeze3A_945 : f32 to vector<16xf32>
        %mul3A_998 = arith.mulf %get3A_996, %mul3A_997 : vector<16xf32>
        %swap3A_999 = arith.index_cast %add3A_943 : i32 to index
        %swap3A_1000 = arith.constant 96 : index
        %swap3A_1001 = tpu.vector_load %arg15[%swap3A_999, %swap3A_1000] {strides = array<i32>} : memref<128x128xf32, #tpu.memory_space<vmem>>, vector<16xf32>,
        tpu.vector_store %arg15[%swap3A_999, %swap3A_1000], %mul3A_998 {strides = array<i32>} : memref<128x128xf32, #tpu.memory_space<vmem>>, vector<16xf32>,
        %get3A_1002 = arith.index_cast %add3A_943 : i32 to index
        %get3A_1003 = arith.constant 112 : index
        %get3A_1004 = tpu.vector_load %arg10[%get3A_1002, %get3A_1003] {strides = array<i32>} : memref<128x128xf32, #tpu.memory_space<vmem>>, vector<16xf32>,
        %mul3A_1005 = vector.broadcast %squeeze3A_945 : f32 to vector<16xf32>
        %mul3A_1006 = arith.mulf %get3A_1004, %mul3A_1005 : vector<16xf32>
        %swap3A_1007 = arith.index_cast %add3A_943 : i32 to index
        %swap3A_1008 = arith.constant 112 : index
        %swap3A_1009 = tpu.vector_load %arg15[%swap3A_1007, %swap3A_1008] {strides = array<i32>} : memref<128x128xf32, #tpu.memory_space<vmem>>, vector<16xf32>,
        tpu.vector_store %arg15[%swap3A_1007, %swap3A_1008], %mul3A_1006 {strides = array<i32>} : memref<128x128xf32, #tpu.memory_space<vmem>>, vector<16xf32>,
        %mul3A_1010 = arith.constant 16 : i32
        %mul3A_1011 = arith.muli %scan3A_92, %mul3A_1010 : i32
        %add3A_1012 = arith.constant 13 : i32
        %add3A_1013 = arith.addi %mul3A_1011, %add3A_1012 : i32
        %slice3A_1014 = vector.extract_strided_slice %div3A {offsets = [13], sizes = [1], strides = [1]} : vector<16xf32> to vector<1xf32>
        %squeeze3A_1015 = vector.extract %slice3A_1014[0] : f32 from vector<1xf32>
        %get3A_1016 = arith.index_cast %add3A_1013 : i32 to index
        %get3A_1017 = arith.constant 0 : index
        %get3A_1018 = tpu.vector_load %arg10[%get3A_1016, %get3A_1017] {strides = array<i32>} : memref<128x128xf32, #tpu.memory_space<vmem>>, vector<16xf32>,
        %mul3A_1019 = vector.broadcast %squeeze3A_1015 : f32 to vector<16xf32>
        %mul3A_1020 = arith.mulf %get3A_1018, %mul3A_1019 : vector<16xf32>
        %swap3A_1021 = arith.index_cast %add3A_1013 : i32 to index
        %swap3A_1022 = arith.constant 0 : index
        %swap3A_1023 = tpu.vector_load %arg15[%swap3A_1021, %swap3A_1022] {strides = array<i32>} : memref<128x128xf32, #tpu.memory_space<vmem>>, vector<16xf32>,
        tpu.vector_store %arg15[%swap3A_1021, %swap3A_1022], %mul3A_1020 {strides = array<i32>} : memref<128x128xf32, #tpu.memory_space<vmem>>, vector<16xf32>,
        %get3A_1024 = arith.index_cast %add3A_1013 : i32 to index
        %get3A_1025 = arith.constant 16 : index
        %get3A_1026 = tpu.vector_load %arg10[%get3A_1024, %get3A_1025] {strides = array<i32>} : memref<128x128xf32, #tpu.memory_space<vmem>>, vector<16xf32>,
        %mul3A_1027 = vector.broadcast %squeeze3A_1015 : f32 to vector<16xf32>
        %mul3A_1028 = arith.mulf %get3A_1026, %mul3A_1027 : vector<16xf32>
        %swap3A_1029 = arith.index_cast %add3A_1013 : i32 to index
        %swap3A_1030 = arith.constant 16 : index
        %swap3A_1031 = tpu.vector_load %arg15[%swap3A_1029, %swap3A_1030] {strides = array<i32>} : memref<128x128xf32, #tpu.memory_space<vmem>>, vector<16xf32>,
        tpu.vector_store %arg15[%swap3A_1029, %swap3A_1030], %mul3A_1028 {strides = array<i32>} : memref<128x128xf32, #tpu.memory_space<vmem>>, vector<16xf32>,
        %get3A_1032 = arith.index_cast %add3A_1013 : i32 to index
        %get3A_1033 = arith.constant 32 : index
        %get3A_1034 = tpu.vector_load %arg10[%get3A_1032, %get3A_1033] {strides = array<i32>} : memref<128x128xf32, #tpu.memory_space<vmem>>, vector<16xf32>,
        %mul3A_1035 = vector.broadcast %squeeze3A_1015 : f32 to vector<16xf32>
        %mul3A_1036 = arith.mulf %get3A_1034, %mul3A_1035 : vector<16xf32>
        %swap3A_1037 = arith.index_cast %add3A_1013 : i32 to index
        %swap3A_1038 = arith.constant 32 : index
        %swap3A_1039 = tpu.vector_load %arg15[%swap3A_1037, %swap3A_1038] {strides = array<i32>} : memref<128x128xf32, #tpu.memory_space<vmem>>, vector<16xf32>,
        tpu.vector_store %arg15[%swap3A_1037, %swap3A_1038], %mul3A_1036 {strides = array<i32>} : memref<128x128xf32, #tpu.memory_space<vmem>>, vector<16xf32>,
        %get3A_1040 = arith.index_cast %add3A_1013 : i32 to index
        %get3A_1041 = arith.constant 48 : index
        %get3A_1042 = tpu.vector_load %arg10[%get3A_1040, %get3A_1041] {strides = array<i32>} : memref<128x128xf32, #tpu.memory_space<vmem>>, vector<16xf32>,
        %mul3A_1043 = vector.broadcast %squeeze3A_1015 : f32 to vector<16xf32>
        %mul3A_1044 = arith.mulf %get3A_1042, %mul3A_1043 : vector<16xf32>
        %swap3A_1045 = arith.index_cast %add3A_1013 : i32 to index
        %swap3A_1046 = arith.constant 48 : index
        %swap3A_1047 = tpu.vector_load %arg15[%swap3A_1045, %swap3A_1046] {strides = array<i32>} : memref<128x128xf32, #tpu.memory_space<vmem>>, vector<16xf32>,
        tpu.vector_store %arg15[%swap3A_1045, %swap3A_1046], %mul3A_1044 {strides = array<i32>} : memref<128x128xf32, #tpu.memory_space<vmem>>, vector<16xf32>,
        %get3A_1048 = arith.index_cast %add3A_1013 : i32 to index
        %get3A_1049 = arith.constant 64 : index
        %get3A_1050 = tpu.vector_load %arg10[%get3A_1048, %get3A_1049] {strides = array<i32>} : memref<128x128xf32, #tpu.memory_space<vmem>>, vector<16xf32>,
        %mul3A_1051 = vector.broadcast %squeeze3A_1015 : f32 to vector<16xf32>
        %mul3A_1052 = arith.mulf %get3A_1050, %mul3A_1051 : vector<16xf32>
        %swap3A_1053 = arith.index_cast %add3A_1013 : i32 to index
        %swap3A_1054 = arith.constant 64 : index
        %swap3A_1055 = tpu.vector_load %arg15[%swap3A_1053, %swap3A_1054] {strides = array<i32>} : memref<128x128xf32, #tpu.memory_space<vmem>>, vector<16xf32>,
        tpu.vector_store %arg15[%swap3A_1053, %swap3A_1054], %mul3A_1052 {strides = array<i32>} : memref<128x128xf32, #tpu.memory_space<vmem>>, vector<16xf32>,
        %get3A_1056 = arith.index_cast %add3A_1013 : i32 to index
        %get3A_1057 = arith.constant 80 : index
        %get3A_1058 = tpu.vector_load %arg10[%get3A_1056, %get3A_1057] {strides = array<i32>} : memref<128x128xf32, #tpu.memory_space<vmem>>, vector<16xf32>,
        %mul3A_1059 = vector.broadcast %squeeze3A_1015 : f32 to vector<16xf32>
        %mul3A_1060 = arith.mulf %get3A_1058, %mul3A_1059 : vector<16xf32>
        %swap3A_1061 = arith.index_cast %add3A_1013 : i32 to index
        %swap3A_1062 = arith.constant 80 : index
        %swap3A_1063 = tpu.vector_load %arg15[%swap3A_1061, %swap3A_1062] {strides = array<i32>} : memref<128x128xf32, #tpu.memory_space<vmem>>, vector<16xf32>,
        tpu.vector_store %arg15[%swap3A_1061, %swap3A_1062], %mul3A_1060 {strides = array<i32>} : memref<128x128xf32, #tpu.memory_space<vmem>>, vector<16xf32>,
        %get3A_1064 = arith.index_cast %add3A_1013 : i32 to index
        %get3A_1065 = arith.constant 96 : index
        %get3A_1066 = tpu.vector_load %arg10[%get3A_1064, %get3A_1065] {strides = array<i32>} : memref<128x128xf32, #tpu.memory_space<vmem>>, vector<16xf32>,
        %mul3A_1067 = vector.broadcast %squeeze3A_1015 : f32 to vector<16xf32>
        %mul3A_1068 = arith.mulf %get3A_1066, %mul3A_1067 : vector<16xf32>
        %swap3A_1069 = arith.index_cast %add3A_1013 : i32 to index
        %swap3A_1070 = arith.constant 96 : index
        %swap3A_1071 = tpu.vector_load %arg15[%swap3A_1069, %swap3A_1070] {strides = array<i32>} : memref<128x128xf32, #tpu.memory_space<vmem>>, vector<16xf32>,
        tpu.vector_store %arg15[%swap3A_1069, %swap3A_1070], %mul3A_1068 {strides = array<i32>} : memref<128x128xf32, #tpu.memory_space<vmem>>, vector<16xf32>,
        %get3A_1072 = arith.index_cast %add3A_1013 : i32 to index
        %get3A_1073 = arith.constant 112 : index
        %get3A_1074 = tpu.vector_load %arg10[%get3A_1072, %get3A_1073] {strides = array<i32>} : memref<128x128xf32, #tpu.memory_space<vmem>>, vector<16xf32>,
        %mul3A_1075 = vector.broadcast %squeeze3A_1015 : f32 to vector<16xf32>
        %mul3A_1076 = arith.mulf %get3A_1074, %mul3A_1075 : vector<16xf32>
        %swap3A_1077 = arith.index_cast %add3A_1013 : i32 to index
        %swap3A_1078 = arith.constant 112 : index
        %swap3A_1079 = tpu.vector_load %arg15[%swap3A_1077, %swap3A_1078] {strides = array<i32>} : memref<128x128xf32, #tpu.memory_space<vmem>>, vector<16xf32>,
        tpu.vector_store %arg15[%swap3A_1077, %swap3A_1078], %mul3A_1076 {strides = array<i32>} : memref<128x128xf32, #tpu.memory_space<vmem>>, vector<16xf32>,
        %mul3A_1080 = arith.constant 16 : i32
        %mul3A_1081 = arith.muli %scan3A_92, %mul3A_1080 : i32
        %add3A_1082 = arith.constant 14 : i32
        %add3A_1083 = arith.addi %mul3A_1081, %add3A_1082 : i32
        %slice3A_1084 = vector.extract_strided_slice %div3A {offsets = [14], sizes = [1], strides = [1]} : vector<16xf32> to vector<1xf32>
        %squeeze3A_1085 = vector.extract %slice3A_1084[0] : f32 from vector<1xf32>
        %get3A_1086 = arith.index_cast %add3A_1083 : i32 to index
        %get3A_1087 = arith.constant 0 : index
        %get3A_1088 = tpu.vector_load %arg10[%get3A_1086, %get3A_1087] {strides = array<i32>} : memref<128x128xf32, #tpu.memory_space<vmem>>, vector<16xf32>,
        %mul3A_1089 = vector.broadcast %squeeze3A_1085 : f32 to vector<16xf32>
        %mul3A_1090 = arith.mulf %get3A_1088, %mul3A_1089 : vector<16xf32>
        %swap3A_1091 = arith.index_cast %add3A_1083 : i32 to index
        %swap3A_1092 = arith.constant 0 : index
        %swap3A_1093 = tpu.vector_load %arg15[%swap3A_1091, %swap3A_1092] {strides = array<i32>} : memref<128x128xf32, #tpu.memory_space<vmem>>, vector<16xf32>,
        tpu.vector_store %arg15[%swap3A_1091, %swap3A_1092], %mul3A_1090 {strides = array<i32>} : memref<128x128xf32, #tpu.memory_space<vmem>>, vector<16xf32>,
        %get3A_1094 = arith.index_cast %add3A_1083 : i32 to index
        %get3A_1095 = arith.constant 16 : index
        %get3A_1096 = tpu.vector_load %arg10[%get3A_1094, %get3A_1095] {strides = array<i32>} : memref<128x128xf32, #tpu.memory_space<vmem>>, vector<16xf32>,
        %mul3A_1097 = vector.broadcast %squeeze3A_1085 : f32 to vector<16xf32>
        %mul3A_1098 = arith.mulf %get3A_1096, %mul3A_1097 : vector<16xf32>
        %swap3A_1099 = arith.index_cast %add3A_1083 : i32 to index
        %swap3A_1100 = arith.constant 16 : index
        %swap3A_1101 = tpu.vector_load %arg15[%swap3A_1099, %swap3A_1100] {strides = array<i32>} : memref<128x128xf32, #tpu.memory_space<vmem>>, vector<16xf32>,
        tpu.vector_store %arg15[%swap3A_1099, %swap3A_1100], %mul3A_1098 {strides = array<i32>} : memref<128x128xf32, #tpu.memory_space<vmem>>, vector<16xf32>,
        %get3A_1102 = arith.index_cast %add3A_1083 : i32 to index
        %get3A_1103 = arith.constant 32 : index
        %get3A_1104 = tpu.vector_load %arg10[%get3A_1102, %get3A_1103] {strides = array<i32>} : memref<128x128xf32, #tpu.memory_space<vmem>>, vector<16xf32>,
        %mul3A_1105 = vector.broadcast %squeeze3A_1085 : f32 to vector<16xf32>
        %mul3A_1106 = arith.mulf %get3A_1104, %mul3A_1105 : vector<16xf32>
        %swap3A_1107 = arith.index_cast %add3A_1083 : i32 to index
        %swap3A_1108 = arith.constant 32 : index
        %swap3A_1109 = tpu.vector_load %arg15[%swap3A_1107, %swap3A_1108] {strides = array<i32>} : memref<128x128xf32, #tpu.memory_space<vmem>>, vector<16xf32>,
        tpu.vector_store %arg15[%swap3A_1107, %swap3A_1108], %mul3A_1106 {strides = array<i32>} : memref<128x128xf32, #tpu.memory_space<vmem>>, vector<16xf32>,
        %get3A_1110 = arith.index_cast %add3A_1083 : i32 to index
        %get3A_1111 = arith.constant 48 : index
        %get3A_1112 = tpu.vector_load %arg10[%get3A_1110, %get3A_1111] {strides = array<i32>} : memref<128x128xf32, #tpu.memory_space<vmem>>, vector<16xf32>,
        %mul3A_1113 = vector.broadcast %squeeze3A_1085 : f32 to vector<16xf32>
        %mul3A_1114 = arith.mulf %get3A_1112, %mul3A_1113 : vector<16xf32>
        %swap3A_1115 = arith.index_cast %add3A_1083 : i32 to index
        %swap3A_1116 = arith.constant 48 : index
        %swap3A_1117 = tpu.vector_load %arg15[%swap3A_1115, %swap3A_1116] {strides = array<i32>} : memref<128x128xf32, #tpu.memory_space<vmem>>, vector<16xf32>,
        tpu.vector_store %arg15[%swap3A_1115, %swap3A_1116], %mul3A_1114 {strides = array<i32>} : memref<128x128xf32, #tpu.memory_space<vmem>>, vector<16xf32>,
        %get3A_1118 = arith.index_cast %add3A_1083 : i32 to index
        %get3A_1119 = arith.constant 64 : index
        %get3A_1120 = tpu.vector_load %arg10[%get3A_1118, %get3A_1119] {strides = array<i32>} : memref<128x128xf32, #tpu.memory_space<vmem>>, vector<16xf32>,
        %mul3A_1121 = vector.broadcast %squeeze3A_1085 : f32 to vector<16xf32>
        %mul3A_1122 = arith.mulf %get3A_1120, %mul3A_1121 : vector<16xf32>
        %swap3A_1123 = arith.index_cast %add3A_1083 : i32 to index
        %swap3A_1124 = arith.constant 64 : index
        %swap3A_1125 = tpu.vector_load %arg15[%swap3A_1123, %swap3A_1124] {strides = array<i32>} : memref<128x128xf32, #tpu.memory_space<vmem>>, vector<16xf32>,
        tpu.vector_store %arg15[%swap3A_1123, %swap3A_1124], %mul3A_1122 {strides = array<i32>} : memref<128x128xf32, #tpu.memory_space<vmem>>, vector<16xf32>,
        %get3A_1126 = arith.index_cast %add3A_1083 : i32 to index
        %get3A_1127 = arith.constant 80 : index
        %get3A_1128 = tpu.vector_load %arg10[%get3A_1126, %get3A_1127] {strides = array<i32>} : memref<128x128xf32, #tpu.memory_space<vmem>>, vector<16xf32>,
        %mul3A_1129 = vector.broadcast %squeeze3A_1085 : f32 to vector<16xf32>
        %mul3A_1130 = arith.mulf %get3A_1128, %mul3A_1129 : vector<16xf32>
        %swap3A_1131 = arith.index_cast %add3A_1083 : i32 to index
        %swap3A_1132 = arith.constant 80 : index
        %swap3A_1133 = tpu.vector_load %arg15[%swap3A_1131, %swap3A_1132] {strides = array<i32>} : memref<128x128xf32, #tpu.memory_space<vmem>>, vector<16xf32>,
        tpu.vector_store %arg15[%swap3A_1131, %swap3A_1132], %mul3A_1130 {strides = array<i32>} : memref<128x128xf32, #tpu.memory_space<vmem>>, vector<16xf32>,
        %get3A_1134 = arith.index_cast %add3A_1083 : i32 to index
        %get3A_1135 = arith.constant 96 : index
        %get3A_1136 = tpu.vector_load %arg10[%get3A_1134, %get3A_1135] {strides = array<i32>} : memref<128x128xf32, #tpu.memory_space<vmem>>, vector<16xf32>,
        %mul3A_1137 = vector.broadcast %squeeze3A_1085 : f32 to vector<16xf32>
        %mul3A_1138 = arith.mulf %get3A_1136, %mul3A_1137 : vector<16xf32>
        %swap3A_1139 = arith.index_cast %add3A_1083 : i32 to index
        %swap3A_1140 = arith.constant 96 : index
        %swap3A_1141 = tpu.vector_load %arg15[%swap3A_1139, %swap3A_1140] {strides = array<i32>} : memref<128x128xf32, #tpu.memory_space<vmem>>, vector<16xf32>,
        tpu.vector_store %arg15[%swap3A_1139, %swap3A_1140], %mul3A_1138 {strides = array<i32>} : memref<128x128xf32, #tpu.memory_space<vmem>>, vector<16xf32>,
        %get3A_1142 = arith.index_cast %add3A_1083 : i32 to index
        %get3A_1143 = arith.constant 112 : index
        %get3A_1144 = tpu.vector_load %arg10[%get3A_1142, %get3A_1143] {strides = array<i32>} : memref<128x128xf32, #tpu.memory_space<vmem>>, vector<16xf32>,
        %mul3A_1145 = vector.broadcast %squeeze3A_1085 : f32 to vector<16xf32>
        %mul3A_1146 = arith.mulf %get3A_1144, %mul3A_1145 : vector<16xf32>
        %swap3A_1147 = arith.index_cast %add3A_1083 : i32 to index
        %swap3A_1148 = arith.constant 112 : index
        %swap3A_1149 = tpu.vector_load %arg15[%swap3A_1147, %swap3A_1148] {strides = array<i32>} : memref<128x128xf32, #tpu.memory_space<vmem>>, vector<16xf32>,
        tpu.vector_store %arg15[%swap3A_1147, %swap3A_1148], %mul3A_1146 {strides = array<i32>} : memref<128x128xf32, #tpu.memory_space<vmem>>, vector<16xf32>,
        %mul3A_1150 = arith.constant 16 : i32
        %mul3A_1151 = arith.muli %scan3A_92, %mul3A_1150 : i32
        %add3A_1152 = arith.constant 15 : i32
        %add3A_1153 = arith.addi %mul3A_1151, %add3A_1152 : i32
        %slice3A_1154 = vector.extract_strided_slice %div3A {offsets = [15], sizes = [1], strides = [1]} : vector<16xf32> to vector<1xf32>
        %squeeze3A_1155 = vector.extract %slice3A_1154[0] : f32 from vector<1xf32>
        %get3A_1156 = arith.index_cast %add3A_1153 : i32 to index
        %get3A_1157 = arith.constant 0 : index
        %get3A_1158 = tpu.vector_load %arg10[%get3A_1156, %get3A_1157] {strides = array<i32>} : memref<128x128xf32, #tpu.memory_space<vmem>>, vector<16xf32>,
        %mul3A_1159 = vector.broadcast %squeeze3A_1155 : f32 to vector<16xf32>
        %mul3A_1160 = arith.mulf %get3A_1158, %mul3A_1159 : vector<16xf32>
        %swap3A_1161 = arith.index_cast %add3A_1153 : i32 to index
        %swap3A_1162 = arith.constant 0 : index
        %swap3A_1163 = tpu.vector_load %arg15[%swap3A_1161, %swap3A_1162] {strides = array<i32>} : memref<128x128xf32, #tpu.memory_space<vmem>>, vector<16xf32>,
        tpu.vector_store %arg15[%swap3A_1161, %swap3A_1162], %mul3A_1160 {strides = array<i32>} : memref<128x128xf32, #tpu.memory_space<vmem>>, vector<16xf32>,
        %get3A_1164 = arith.index_cast %add3A_1153 : i32 to index
        %get3A_1165 = arith.constant 16 : index
        %get3A_1166 = tpu.vector_load %arg10[%get3A_1164, %get3A_1165] {strides = array<i32>} : memref<128x128xf32, #tpu.memory_space<vmem>>, vector<16xf32>,
        %mul3A_1167 = vector.broadcast %squeeze3A_1155 : f32 to vector<16xf32>
        %mul3A_1168 = arith.mulf %get3A_1166, %mul3A_1167 : vector<16xf32>
        %swap3A_1169 = arith.index_cast %add3A_1153 : i32 to index
        %swap3A_1170 = arith.constant 16 : index
        %swap3A_1171 = tpu.vector_load %arg15[%swap3A_1169, %swap3A_1170] {strides = array<i32>} : memref<128x128xf32, #tpu.memory_space<vmem>>, vector<16xf32>,
        tpu.vector_store %arg15[%swap3A_1169, %swap3A_1170], %mul3A_1168 {strides = array<i32>} : memref<128x128xf32, #tpu.memory_space<vmem>>, vector<16xf32>,
        %get3A_1172 = arith.index_cast %add3A_1153 : i32 to index
        %get3A_1173 = arith.constant 32 : index
        %get3A_1174 = tpu.vector_load %arg10[%get3A_1172, %get3A_1173] {strides = array<i32>} : memref<128x128xf32, #tpu.memory_space<vmem>>, vector<16xf32>,
        %mul3A_1175 = vector.broadcast %squeeze3A_1155 : f32 to vector<16xf32>
        %mul3A_1176 = arith.mulf %get3A_1174, %mul3A_1175 : vector<16xf32>
        %swap3A_1177 = arith.index_cast %add3A_1153 : i32 to index
        %swap3A_1178 = arith.constant 32 : index
        %swap3A_1179 = tpu.vector_load %arg15[%swap3A_1177, %swap3A_1178] {strides = array<i32>} : memref<128x128xf32, #tpu.memory_space<vmem>>, vector<16xf32>,
        tpu.vector_store %arg15[%swap3A_1177, %swap3A_1178], %mul3A_1176 {strides = array<i32>} : memref<128x128xf32, #tpu.memory_space<vmem>>, vector<16xf32>,
        %get3A_1180 = arith.index_cast %add3A_1153 : i32 to index
        %get3A_1181 = arith.constant 48 : index
        %get3A_1182 = tpu.vector_load %arg10[%get3A_1180, %get3A_1181] {strides = array<i32>} : memref<128x128xf32, #tpu.memory_space<vmem>>, vector<16xf32>,
        %mul3A_1183 = vector.broadcast %squeeze3A_1155 : f32 to vector<16xf32>
        %mul3A_1184 = arith.mulf %get3A_1182, %mul3A_1183 : vector<16xf32>
        %swap3A_1185 = arith.index_cast %add3A_1153 : i32 to index
        %swap3A_1186 = arith.constant 48 : index
        %swap3A_1187 = tpu.vector_load %arg15[%swap3A_1185, %swap3A_1186] {strides = array<i32>} : memref<128x128xf32, #tpu.memory_space<vmem>>, vector<16xf32>,
        tpu.vector_store %arg15[%swap3A_1185, %swap3A_1186], %mul3A_1184 {strides = array<i32>} : memref<128x128xf32, #tpu.memory_space<vmem>>, vector<16xf32>,
        %get3A_1188 = arith.index_cast %add3A_1153 : i32 to index
        %get3A_1189 = arith.constant 64 : index
        %get3A_1190 = tpu.vector_load %arg10[%get3A_1188, %get3A_1189] {strides = array<i32>} : memref<128x128xf32, #tpu.memory_space<vmem>>, vector<16xf32>,
        %mul3A_1191 = vector.broadcast %squeeze3A_1155 : f32 to vector<16xf32>
        %mul3A_1192 = arith.mulf %get3A_1190, %mul3A_1191 : vector<16xf32>
        %swap3A_1193 = arith.index_cast %add3A_1153 : i32 to index
        %swap3A_1194 = arith.constant 64 : index
        %swap3A_1195 = tpu.vector_load %arg15[%swap3A_1193, %swap3A_1194] {strides = array<i32>} : memref<128x128xf32, #tpu.memory_space<vmem>>, vector<16xf32>,
        tpu.vector_store %arg15[%swap3A_1193, %swap3A_1194], %mul3A_1192 {strides = array<i32>} : memref<128x128xf32, #tpu.memory_space<vmem>>, vector<16xf32>,
        %get3A_1196 = arith.index_cast %add3A_1153 : i32 to index
        %get3A_1197 = arith.constant 80 : index
        %get3A_1198 = tpu.vector_load %arg10[%get3A_1196, %get3A_1197] {strides = array<i32>} : memref<128x128xf32, #tpu.memory_space<vmem>>, vector<16xf32>,
        %mul3A_1199 = vector.broadcast %squeeze3A_1155 : f32 to vector<16xf32>
        %mul3A_1200 = arith.mulf %get3A_1198, %mul3A_1199 : vector<16xf32>
        %swap3A_1201 = arith.index_cast %add3A_1153 : i32 to index
        %swap3A_1202 = arith.constant 80 : index
        %swap3A_1203 = tpu.vector_load %arg15[%swap3A_1201, %swap3A_1202] {strides = array<i32>} : memref<128x128xf32, #tpu.memory_space<vmem>>, vector<16xf32>,
        tpu.vector_store %arg15[%swap3A_1201, %swap3A_1202], %mul3A_1200 {strides = array<i32>} : memref<128x128xf32, #tpu.memory_space<vmem>>, vector<16xf32>,
        %get3A_1204 = arith.index_cast %add3A_1153 : i32 to index
        %get3A_1205 = arith.constant 96 : index
        %get3A_1206 = tpu.vector_load %arg10[%get3A_1204, %get3A_1205] {strides = array<i32>} : memref<128x128xf32, #tpu.memory_space<vmem>>, vector<16xf32>,
        %mul3A_1207 = vector.broadcast %squeeze3A_1155 : f32 to vector<16xf32>
        %mul3A_1208 = arith.mulf %get3A_1206, %mul3A_1207 : vector<16xf32>
        %swap3A_1209 = arith.index_cast %add3A_1153 : i32 to index
        %swap3A_1210 = arith.constant 96 : index
        %swap3A_1211 = tpu.vector_load %arg15[%swap3A_1209, %swap3A_1210] {strides = array<i32>} : memref<128x128xf32, #tpu.memory_space<vmem>>, vector<16xf32>,
        tpu.vector_store %arg15[%swap3A_1209, %swap3A_1210], %mul3A_1208 {strides = array<i32>} : memref<128x128xf32, #tpu.memory_space<vmem>>, vector<16xf32>,
        %get3A_1212 = arith.index_cast %add3A_1153 : i32 to index
        %get3A_1213 = arith.constant 112 : index
        %get3A_1214 = tpu.vector_load %arg10[%get3A_1212, %get3A_1213] {strides = array<i32>} : memref<128x128xf32, #tpu.memory_space<vmem>>, vector<16xf32>,
        %mul3A_1215 = vector.broadcast %squeeze3A_1155 : f32 to vector<16xf32>
        %mul3A_1216 = arith.mulf %get3A_1214, %mul3A_1215 : vector<16xf32>
        %swap3A_1217 = arith.index_cast %add3A_1153 : i32 to index
        %swap3A_1218 = arith.constant 112 : index
        %swap3A_1219 = tpu.vector_load %arg15[%swap3A_1217, %swap3A_1218] {strides = array<i32>} : memref<128x128xf32, #tpu.memory_space<vmem>>, vector<16xf32>,
        tpu.vector_store %arg15[%swap3A_1217, %swap3A_1218], %mul3A_1216 {strides = array<i32>} : memref<128x128xf32, #tpu.memory_space<vmem>>, vector<16xf32>,
        %scan3A_1220 = arith.constant 0 : i32
        scf.yield %scan3A_1220 : i32
      }
      %scan3A_89 = arith.constant 8 : i32
      %run_scoped3A_90 = arith.constant 0 : i32
      "tpu.region"() ({
        %run_scoped3A_92 = tpu.sem_alloc : memref<!tpu.dma_semaphore, #tpu.memory_space<semaphore_mem>>
        %dma_start3A_93 = arith.constant 0 : i32
        %dma_start3A_94 = tpu.memref_slice %arg9[%run_scoped3A_90, %dma_start3A_93] : memref<1x128xi32, #tpu.memory_space<vmem>> -> memref<1x128xi32, #tpu.memory_space<vmem>>
        %dma_start3A_95 = tpu.memref_squeeze %dma_start3A_94 : memref<1x128xi32, #tpu.memory_space<vmem>> -> memref<128xi32, #tpu.memory_space<vmem>>
        %dma_start3A_96 = arith.constant 0 : i32
        %dma_start3A_97 = arith.constant 0 : i32
        %dma_start3A_98 = tpu.memref_slice %arg16[%dma_start3A_96, %dma_start3A_97] : memref<10240x128xf32, #tpu.memory_space<vmem_shared>> -> memref<10240x128xf32, #tpu.memory_space<vmem_shared>>
        tpu.enqueue_indirect_dma source(%arg15 : memref<128x128xf32, #tpu.memory_space<vmem>>) target(%dma_start3A_98 : memref<10240x128xf32, #tpu.memory_space<vmem_shared>>) offsets(%dma_start3A_95 : memref<128xi32, #tpu.memory_space<vmem>>) semaphore(%run_scoped3A_92 : memref<!tpu.dma_semaphore, #tpu.memory_space<semaphore_mem>>) {add = true}
        %dma_wait3A_99 = arith.constant 0 : i32
        %dma_wait3A_100 = tpu.memref_slice %arg9[%run_scoped3A_90, %dma_wait3A_99] : memref<1x128xi32, #tpu.memory_space<vmem>> -> memref<1x128xi32, #tpu.memory_space<vmem>>
        %dma_wait3A_101 = tpu.memref_squeeze %dma_wait3A_100 : memref<1x128xi32, #tpu.memory_space<vmem>> -> memref<128xi32, #tpu.memory_space<vmem>>
        %dma_wait3A_102 = arith.constant 0 : i32
        %dma_wait3A_103 = arith.constant 0 : i32
        %dma_wait3A_104 = tpu.memref_slice %arg16[%dma_wait3A_102, %dma_wait3A_103] : memref<10240x128xf32, #tpu.memory_space<vmem_shared>> -> memref<10240x128xf32, #tpu.memory_space<vmem_shared>>
        tpu.wait_indirect_dma semaphore(%run_scoped3A_92 : memref<!tpu.dma_semaphore, #tpu.memory_space<semaphore_mem>>) src(%arg15 : memref<128x128xf32, #tpu.memory_space<vmem>>) dst(%dma_wait3A_104 : memref<10240x128xf32, #tpu.memory_space<vmem_shared>>)
        tpu.yield
      }) : () -> ()
      %scan3A_91 = arith.constant 0 : i32
      scf.yield %scan3A_91 : i32
    }
    %scan3A_49 = arith.constant 81 : i32
    %barrier3A_50 = arith.constant 0 : index
    tpu.barrier barrier_id(%barrier3A_50)
    %mul3A_51 = arith.constant 640 : i32
    %mul3A_52 = arith.muli %arg1, %mul3A_51 : i32
    %add3A_53 = arith.constant 0 : i32
    %add3A_54 = arith.addi %mul3A_52, %add3A_53 : i32
    "tpu.region"() ({
      %run_scoped3A_71 = tpu.sem_alloc : memref<!tpu.dma_semaphore, #tpu.memory_space<semaphore_mem>>
      %dma_start3A = arith.constant 0 : i32
      %dma_start3A_72 = tpu.memref_slice %arg7[%arg0, %add3A_54, %dma_start3A] : memref<2x10240x128xf32, #tpu.memory_space<hbm>> -> memref<1x128x128xf32, #tpu.memory_space<hbm>>
      %dma_start3A_73 = tpu.memref_squeeze %dma_start3A_72 : memref<1x128x128xf32, #tpu.memory_space<hbm>> -> memref<128x128xf32, #tpu.memory_space<hbm>>
      %dma_start3A_74 = arith.constant 0 : i32
      %dma_start3A_75 = tpu.memref_slice %arg16[%add3A_54, %dma_start3A_74] : memref<10240x128xf32, #tpu.memory_space<vmem_shared>> -> memref<128x128xf32, #tpu.memory_space<vmem_shared>>
      tpu.enqueue_dma source(%dma_start3A_75 : memref<128x128xf32, #tpu.memory_space<vmem_shared>>) target(%dma_start3A_73 : memref<128x128xf32, #tpu.memory_space<hbm>>) target_semaphore(%run_scoped3A_71 : memref<!tpu.dma_semaphore, #tpu.memory_space<semaphore_mem>>)
      %dma_wait3A = arith.constant 0 : i32
      %dma_wait3A_76 = tpu.memref_slice %arg7[%arg0, %add3A_54, %dma_wait3A] : memref<2x10240x128xf32, #tpu.memory_space<hbm>> -> memref<1x128x128xf32, #tpu.memory_space<hbm>>
      %dma_wait3A_77 = tpu.memref_squeeze %dma_wait3A_76 : memref<1x128x128xf32, #tpu.memory_space<hbm>> -> memref<128x128xf32, #tpu.memory_space<hbm>>
      %dma_wait3A_78 = arith.constant 0 : i32
      %dma_wait3A_79 = tpu.memref_slice %arg16[%add3A_54, %dma_wait3A_78] : memref<10240x128xf32, #tpu.memory_space<vmem_shared>> -> memref<128x128xf32, #tpu.memory_space<vmem_shared>>
      tpu.wait_dma2 semaphore(%run_scoped3A_71 : memref<!tpu.dma_semaphore, #tpu.memory_space<semaphore_mem>>) src(%dma_wait3A_79 : memref<128x128xf32, #tpu.memory_space<vmem_shared>>) dst(%dma_wait3A_77 : memref<128x128xf32, #tpu.memory_space<hbm>>)
      tpu.yield
    }) : () -> ()
    %mul3A_55 = arith.constant 640 : i32
    %mul3A_56 = arith.muli %arg1, %mul3A_55 : i32
    %add3A_57 = arith.constant 128 : i32
    %add3A_58 = arith.addi %mul3A_56, %add3A_57 : i32
    "tpu.region"() ({
      %run_scoped3A_71 = tpu.sem_alloc : memref<!tpu.dma_semaphore, #tpu.memory_space<semaphore_mem>>
      %dma_start3A = arith.constant 0 : i32
      %dma_start3A_72 = tpu.memref_slice %arg7[%arg0, %add3A_58, %dma_start3A] : memref<2x10240x128xf32, #tpu.memory_space<hbm>> -> memref<1x128x128xf32, #tpu.memory_space<hbm>>
      %dma_start3A_73 = tpu.memref_squeeze %dma_start3A_72 : memref<1x128x128xf32, #tpu.memory_space<hbm>> -> memref<128x128xf32, #tpu.memory_space<hbm>>
      %dma_start3A_74 = arith.constant 0 : i32
      %dma_start3A_75 = tpu.memref_slice %arg16[%add3A_58, %dma_start3A_74] : memref<10240x128xf32, #tpu.memory_space<vmem_shared>> -> memref<128x128xf32, #tpu.memory_space<vmem_shared>>
      tpu.enqueue_dma source(%dma_start3A_75 : memref<128x128xf32, #tpu.memory_space<vmem_shared>>) target(%dma_start3A_73 : memref<128x128xf32, #tpu.memory_space<hbm>>) target_semaphore(%run_scoped3A_71 : memref<!tpu.dma_semaphore, #tpu.memory_space<semaphore_mem>>)
      %dma_wait3A = arith.constant 0 : i32
      %dma_wait3A_76 = tpu.memref_slice %arg7[%arg0, %add3A_58, %dma_wait3A] : memref<2x10240x128xf32, #tpu.memory_space<hbm>> -> memref<1x128x128xf32, #tpu.memory_space<hbm>>
      %dma_wait3A_77 = tpu.memref_squeeze %dma_wait3A_76 : memref<1x128x128xf32, #tpu.memory_space<hbm>> -> memref<128x128xf32, #tpu.memory_space<hbm>>
      %dma_wait3A_78 = arith.constant 0 : i32
      %dma_wait3A_79 = tpu.memref_slice %arg16[%add3A_58, %dma_wait3A_78] : memref<10240x128xf32, #tpu.memory_space<vmem_shared>> -> memref<128x128xf32, #tpu.memory_space<vmem_shared>>
      tpu.wait_dma2 semaphore(%run_scoped3A_71 : memref<!tpu.dma_semaphore, #tpu.memory_space<semaphore_mem>>) src(%dma_wait3A_79 : memref<128x128xf32, #tpu.memory_space<vmem_shared>>) dst(%dma_wait3A_77 : memref<128x128xf32, #tpu.memory_space<hbm>>)
      tpu.yield
    }) : () -> ()
    %mul3A_59 = arith.constant 640 : i32
    %mul3A_60 = arith.muli %arg1, %mul3A_59 : i32
    %add3A_61 = arith.constant 256 : i32
    %add3A_62 = arith.addi %mul3A_60, %add3A_61 : i32
    "tpu.region"() ({
      %run_scoped3A_71 = tpu.sem_alloc : memref<!tpu.dma_semaphore, #tpu.memory_space<semaphore_mem>>
      %dma_start3A = arith.constant 0 : i32
      %dma_start3A_72 = tpu.memref_slice %arg7[%arg0, %add3A_62, %dma_start3A] : memref<2x10240x128xf32, #tpu.memory_space<hbm>> -> memref<1x128x128xf32, #tpu.memory_space<hbm>>
      %dma_start3A_73 = tpu.memref_squeeze %dma_start3A_72 : memref<1x128x128xf32, #tpu.memory_space<hbm>> -> memref<128x128xf32, #tpu.memory_space<hbm>>
      %dma_start3A_74 = arith.constant 0 : i32
      %dma_start3A_75 = tpu.memref_slice %arg16[%add3A_62, %dma_start3A_74] : memref<10240x128xf32, #tpu.memory_space<vmem_shared>> -> memref<128x128xf32, #tpu.memory_space<vmem_shared>>
      tpu.enqueue_dma source(%dma_start3A_75 : memref<128x128xf32, #tpu.memory_space<vmem_shared>>) target(%dma_start3A_73 : memref<128x128xf32, #tpu.memory_space<hbm>>) target_semaphore(%run_scoped3A_71 : memref<!tpu.dma_semaphore, #tpu.memory_space<semaphore_mem>>)
      %dma_wait3A = arith.constant 0 : i32
      %dma_wait3A_76 = tpu.memref_slice %arg7[%arg0, %add3A_62, %dma_wait3A] : memref<2x10240x128xf32, #tpu.memory_space<hbm>> -> memref<1x128x128xf32, #tpu.memory_space<hbm>>
      %dma_wait3A_77 = tpu.memref_squeeze %dma_wait3A_76 : memref<1x128x128xf32, #tpu.memory_space<hbm>> -> memref<128x128xf32, #tpu.memory_space<hbm>>
      %dma_wait3A_78 = arith.constant 0 : i32
      %dma_wait3A_79 = tpu.memref_slice %arg16[%add3A_62, %dma_wait3A_78] : memref<10240x128xf32, #tpu.memory_space<vmem_shared>> -> memref<128x128xf32, #tpu.memory_space<vmem_shared>>
      tpu.wait_dma2 semaphore(%run_scoped3A_71 : memref<!tpu.dma_semaphore, #tpu.memory_space<semaphore_mem>>) src(%dma_wait3A_79 : memref<128x128xf32, #tpu.memory_space<vmem_shared>>) dst(%dma_wait3A_77 : memref<128x128xf32, #tpu.memory_space<hbm>>)
      tpu.yield
    }) : () -> ()
    %mul3A_63 = arith.constant 640 : i32
    %mul3A_64 = arith.muli %arg1, %mul3A_63 : i32
    %add3A_65 = arith.constant 384 : i32
    %add3A_66 = arith.addi %mul3A_64, %add3A_65 : i32
    "tpu.region"() ({
      %run_scoped3A_71 = tpu.sem_alloc : memref<!tpu.dma_semaphore, #tpu.memory_space<semaphore_mem>>
      %dma_start3A = arith.constant 0 : i32
      %dma_start3A_72 = tpu.memref_slice %arg7[%arg0, %add3A_66, %dma_start3A] : memref<2x10240x128xf32, #tpu.memory_space<hbm>> -> memref<1x128x128xf32, #tpu.memory_space<hbm>>
      %dma_start3A_73 = tpu.memref_squeeze %dma_start3A_72 : memref<1x128x128xf32, #tpu.memory_space<hbm>> -> memref<128x128xf32, #tpu.memory_space<hbm>>
      %dma_start3A_74 = arith.constant 0 : i32
      %dma_start3A_75 = tpu.memref_slice %arg16[%add3A_66, %dma_start3A_74] : memref<10240x128xf32, #tpu.memory_space<vmem_shared>> -> memref<128x128xf32, #tpu.memory_space<vmem_shared>>
      tpu.enqueue_dma source(%dma_start3A_75 : memref<128x128xf32, #tpu.memory_space<vmem_shared>>) target(%dma_start3A_73 : memref<128x128xf32, #tpu.memory_space<hbm>>) target_semaphore(%run_scoped3A_71 : memref<!tpu.dma_semaphore, #tpu.memory_space<semaphore_mem>>)
      %dma_wait3A = arith.constant 0 : i32
      %dma_wait3A_76 = tpu.memref_slice %arg7[%arg0, %add3A_66, %dma_wait3A] : memref<2x10240x128xf32, #tpu.memory_space<hbm>> -> memref<1x128x128xf32, #tpu.memory_space<hbm>>
      %dma_wait3A_77 = tpu.memref_squeeze %dma_wait3A_76 : memref<1x128x128xf32, #tpu.memory_space<hbm>> -> memref<128x128xf32, #tpu.memory_space<hbm>>
      %dma_wait3A_78 = arith.constant 0 : i32
      %dma_wait3A_79 = tpu.memref_slice %arg16[%add3A_66, %dma_wait3A_78] : memref<10240x128xf32, #tpu.memory_space<vmem_shared>> -> memref<128x128xf32, #tpu.memory_space<vmem_shared>>
      tpu.wait_dma2 semaphore(%run_scoped3A_71 : memref<!tpu.dma_semaphore, #tpu.memory_space<semaphore_mem>>) src(%dma_wait3A_79 : memref<128x128xf32, #tpu.memory_space<vmem_shared>>) dst(%dma_wait3A_77 : memref<128x128xf32, #tpu.memory_space<hbm>>)
      tpu.yield
    }) : () -> ()
    %mul3A_67 = arith.constant 640 : i32
    %mul3A_68 = arith.muli %arg1, %mul3A_67 : i32
    %add3A_69 = arith.constant 512 : i32
    %add3A_70 = arith.addi %mul3A_68, %add3A_69 : i32
    "tpu.region"() ({
      %run_scoped3A_71 = tpu.sem_alloc : memref<!tpu.dma_semaphore, #tpu.memory_space<semaphore_mem>>
      %dma_start3A = arith.constant 0 : i32
      %dma_start3A_72 = tpu.memref_slice %arg7[%arg0, %add3A_70, %dma_start3A] : memref<2x10240x128xf32, #tpu.memory_space<hbm>> -> memref<1x128x128xf32, #tpu.memory_space<hbm>>
      %dma_start3A_73 = tpu.memref_squeeze %dma_start3A_72 : memref<1x128x128xf32, #tpu.memory_space<hbm>> -> memref<128x128xf32, #tpu.memory_space<hbm>>
      %dma_start3A_74 = arith.constant 0 : i32
      %dma_start3A_75 = tpu.memref_slice %arg16[%add3A_70, %dma_start3A_74] : memref<10240x128xf32, #tpu.memory_space<vmem_shared>> -> memref<128x128xf32, #tpu.memory_space<vmem_shared>>
      tpu.enqueue_dma source(%dma_start3A_75 : memref<128x128xf32, #tpu.memory_space<vmem_shared>>) target(%dma_start3A_73 : memref<128x128xf32, #tpu.memory_space<hbm>>) target_semaphore(%run_scoped3A_71 : memref<!tpu.dma_semaphore, #tpu.memory_space<semaphore_mem>>)
      %dma_wait3A = arith.constant 0 : i32
      %dma_wait3A_76 = tpu.memref_slice %arg7[%arg0, %add3A_70, %dma_wait3A] : memref<2x10240x128xf32, #tpu.memory_space<hbm>> -> memref<1x128x128xf32, #tpu.memory_space<hbm>>
      %dma_wait3A_77 = tpu.memref_squeeze %dma_wait3A_76 : memref<1x128x128xf32, #tpu.memory_space<hbm>> -> memref<128x128xf32, #tpu.memory_space<hbm>>
      %dma_wait3A_78 = arith.constant 0 : i32
      %dma_wait3A_79 = tpu.memref_slice %arg16[%add3A_70, %dma_wait3A_78] : memref<10240x128xf32, #tpu.memory_space<vmem_shared>> -> memref<128x128xf32, #tpu.memory_space<vmem_shared>>
      tpu.wait_dma2 semaphore(%run_scoped3A_71 : memref<!tpu.dma_semaphore, #tpu.memory_space<semaphore_mem>>) src(%dma_wait3A_79 : memref<128x128xf32, #tpu.memory_space<vmem_shared>>) dst(%dma_wait3A_77 : memref<128x128xf32, #tpu.memory_space<hbm>>)
      tpu.yield
    }) : () -> ()
    return
  }
}

module attributes {stable_mosaic.version = 14 : i64} {
  func.func @_mm_body(%arg0: i32, %arg1: memref<1000x128xf32, #tpu.memory_space<vmem>>, %arg2: memref<128x128xf32, #tpu.memory_space<vmem>>, %arg3: memref<1x128xf32, #tpu.memory_space<vmem>>, %arg4: memref<128x128xf32, #tpu.memory_space<vmem>>, %arg5: memref<1x128xf32, #tpu.memory_space<vmem>>, %arg6: memref<1000x128xf32, #tpu.memory_space<vmem>>, %arg7: memref<1000x128xf32, #tpu.memory_space<vmem>>) attributes {dimension_semantics = [#tpu.dimension_semantics<arbitrary>], iteration_bounds = array<i64: 10>, scalar_prefetch = 0 : i64, scratch_operands = 0 : i64, tpu.core_type = #tpu.core_type<tc>, window_params = [{transform_indices = @transform_0, window_bounds = array<i64: 1000, 128>}, {pipeline_mode = #tpu.pipeline_mode<synchronous>, transform_indices = @transform_1, window_bounds = array<i64: 128, 128>}, {pipeline_mode = #tpu.pipeline_mode<synchronous>, transform_indices = @transform_2, window_bounds = array<i64: 1, 128>}, {pipeline_mode = #tpu.pipeline_mode<synchronous>, transform_indices = @transform_3, window_bounds = array<i64: 128, 128>}, {pipeline_mode = #tpu.pipeline_mode<synchronous>, transform_indices = @transform_4, window_bounds = array<i64: 1, 128>}, {transform_indices = @transform_5, window_bounds = array<i64: 1000, 128>}, {transform_indices = @transform_6, window_bounds = array<i64: 1000, 128>}]} {
    %get3A = arith.constant 0 : index
    %get3A_0 = arith.constant 0 : index
    %get3A_1 = vector.load %arg1[%get3A, %get3A_0] : memref<1000x128xf32, #tpu.memory_space<vmem>>, vector<1000x128xf32>
    %get3A_2 = arith.constant 0 : index
    %get3A_3 = arith.constant 0 : index
    %get3A_4 = vector.load %arg2[%get3A_2, %get3A_3] : memref<128x128xf32, #tpu.memory_space<vmem>>, vector<128x128xf32>
    %dot_general3A = arith.constant dense<0.000000e+00> : vector<1000x128xf32>
    %dot_general3A_5 = tpu.matmul %get3A_1, %get3A_4, %dot_general3A {dimension_numbers = #tpu.dot_dimension_numbers<[1], [0], [0], [1], [0, 0, 1, 1], [], []>, transpose_lhs_hint = false} : vector<1000x128xf32>, vector<128x128xf32>, vector<1000x128xf32> -> vector<1000x128xf32>
    %get3A_6 = arith.constant 0 : index
    %get3A_7 = arith.constant 0 : index
    %get3A_8 = vector.load %arg3[%get3A_6, %get3A_7] : memref<1x128xf32, #tpu.memory_space<vmem>>, vector<1x128xf32>
    %add3A = vector.broadcast %get3A_8 : vector<1x128xf32> to vector<1000x128xf32>
    %add3A_9 = arith.addf %dot_general3A_5, %add3A : vector<1000x128xf32>
    %swap3A = arith.constant 0 : index
    %swap3A_10 = arith.constant 0 : index
    %swap3A_11 = vector.load %arg6[%swap3A, %swap3A_10] : memref<1000x128xf32, #tpu.memory_space<vmem>>, vector<1000x128xf32>
    tpu.vector_store %arg6[%swap3A, %swap3A_10], %add3A_9 {strides = array<i32>} : memref<1000x128xf32, #tpu.memory_space<vmem>>, vector<1000x128xf32>,
    %get3A_12 = arith.constant 0 : index
    %get3A_13 = arith.constant 0 : index
    %get3A_14 = vector.load %arg4[%get3A_12, %get3A_13] : memref<128x128xf32, #tpu.memory_space<vmem>>, vector<128x128xf32>
    %dot_general3A_15 = arith.constant dense<0.000000e+00> : vector<1000x128xf32>
    %dot_general3A_16 = tpu.matmul %get3A_1, %get3A_14, %dot_general3A_15 {dimension_numbers = #tpu.dot_dimension_numbers<[1], [0], [0], [1], [0, 0, 1, 1], [], []>, transpose_lhs_hint = false} : vector<1000x128xf32>, vector<128x128xf32>, vector<1000x128xf32> -> vector<1000x128xf32>
    %get3A_17 = arith.constant 0 : index
    %get3A_18 = arith.constant 0 : index
    %get3A_19 = vector.load %arg5[%get3A_17, %get3A_18] : memref<1x128xf32, #tpu.memory_space<vmem>>, vector<1x128xf32>
    %add3A_20 = vector.broadcast %get3A_19 : vector<1x128xf32> to vector<1000x128xf32>
    %add3A_21 = arith.addf %dot_general3A_16, %add3A_20 : vector<1000x128xf32>
    %swap3A_22 = arith.constant 0 : index
    %swap3A_23 = arith.constant 0 : index
    %swap3A_24 = vector.load %arg7[%swap3A_22, %swap3A_23] : memref<1000x128xf32, #tpu.memory_space<vmem>>, vector<1000x128xf32>
    tpu.vector_store %arg7[%swap3A_22, %swap3A_23], %add3A_21 {strides = array<i32>} : memref<1000x128xf32, #tpu.memory_space<vmem>>, vector<1000x128xf32>,
    return
  }
  func.func @transform_0(%arg0: i32) -> (i32, i32) {
    %c0_i32 = arith.constant 0 : i32
    %c0_i32_0 = arith.constant 0 : i32
    return %arg0, %c0_i32 : i32, i32
  }
  func.func @transform_1(%arg0: i32) -> (i32, i32) {
    %c0_i32 = arith.constant 0 : i32
    %c0_i32_0 = arith.constant 0 : i32
    %c0_i32_1 = arith.constant 0 : i32
    return %c0_i32, %c0_i32_0 : i32, i32
  }
  func.func @transform_2(%arg0: i32) -> (i32, i32) {
    %c0_i32 = arith.constant 0 : i32
    %c0_i32_0 = arith.constant 0 : i32
    %c0_i32_1 = arith.constant 0 : i32
    return %c0_i32, %c0_i32_0 : i32, i32
  }
  func.func @transform_3(%arg0: i32) -> (i32, i32) {
    %c0_i32 = arith.constant 0 : i32
    %c0_i32_0 = arith.constant 0 : i32
    %c0_i32_1 = arith.constant 0 : i32
    return %c0_i32, %c0_i32_0 : i32, i32
  }
  func.func @transform_4(%arg0: i32) -> (i32, i32) {
    %c0_i32 = arith.constant 0 : i32
    %c0_i32_0 = arith.constant 0 : i32
    %c0_i32_1 = arith.constant 0 : i32
    return %c0_i32, %c0_i32_0 : i32, i32
  }
  func.func @transform_5(%arg0: i32) -> (i32, i32) {
    %c0_i32 = arith.constant 0 : i32
    %c0_i32_0 = arith.constant 0 : i32
    return %arg0, %c0_i32 : i32, i32
  }
  func.func @transform_6(%arg0: i32) -> (i32, i32) {
    %c0_i32 = arith.constant 0 : i32
    %c0_i32_0 = arith.constant 0 : i32
    return %arg0, %c0_i32 : i32, i32
  }
}

module attributes {stable_mosaic.version = 14 : i64} {
  func.func @_bn_body(%arg0: i32, %arg1: memref<1x1024x128xf32, #tpu.memory_space<vmem>>, %arg2: memref<1x1024x128xf32, #tpu.memory_space<vmem>>, %arg3: memref<1x128xf32, #tpu.memory_space<vmem>>, %arg4: memref<1x128xf32, #tpu.memory_space<vmem>>, %arg5: memref<1x128xf32, #tpu.memory_space<vmem>>, %arg6: memref<128x128xf32, #tpu.memory_space<vmem>>, %arg7: memref<1x128xf32, #tpu.memory_space<vmem>>, %arg8: memref<8x128xf32, #tpu.memory_space<vmem>>, %arg9: memref<8x128xf32, #tpu.memory_space<vmem>>) attributes {dimension_semantics = [#tpu.dimension_semantics<arbitrary>], iteration_bounds = array<i64: 10>, scalar_prefetch = 0 : i64, scratch_operands = 1 : i64, tpu.core_type = #tpu.core_type<tc>, window_params = [{transform_indices = @transform_0, window_bounds = array<i64: 1, 1024, 128>}, {transform_indices = @transform_1, window_bounds = array<i64: 1, 1024, 128>}, {pipeline_mode = #tpu.pipeline_mode<synchronous>, transform_indices = @transform_2, window_bounds = array<i64: 1, 128>}, {pipeline_mode = #tpu.pipeline_mode<synchronous>, transform_indices = @transform_3, window_bounds = array<i64: 1, 128>}, {pipeline_mode = #tpu.pipeline_mode<synchronous>, transform_indices = @transform_4, window_bounds = array<i64: 1, 128>}, {pipeline_mode = #tpu.pipeline_mode<synchronous>, transform_indices = @transform_5, window_bounds = array<i64: 128, 128>}, {pipeline_mode = #tpu.pipeline_mode<synchronous>, transform_indices = @transform_6, window_bounds = array<i64: 1, 128>}, {pipeline_mode = #tpu.pipeline_mode<synchronous>, transform_indices = @transform_7, window_bounds = array<i64: 8, 128>}]} {
    %eq3A = arith.constant 0 : i32
    %eq3A_0 = arith.cmpi eq, %arg0, %eq3A : i32
    %convert_element_type3A = arith.extui %eq3A_0 : i1 to i32
    %cond3A = arith.constant 0 : i32
    %cond3A_1 = arith.cmpi ne, %convert_element_type3A, %cond3A : i32
    scf.if %cond3A_1 {
      %broadcast_in_dim3A_47 = arith.constant 0.000000e+00 : f32
      %broadcast_in_dim3A_48 = vector.broadcast %broadcast_in_dim3A_47 : f32 to vector<8x128xf32>
      %swap3A_49 = arith.constant 0 : index
      %swap3A_50 = arith.constant 0 : index
      %swap3A_51 = vector.load %arg9[%swap3A_49, %swap3A_50] : memref<8x128xf32, #tpu.memory_space<vmem>>, vector<8x128xf32>
      tpu.vector_store %arg9[%swap3A_49, %swap3A_50], %broadcast_in_dim3A_48 {strides = array<i32>} : memref<8x128xf32, #tpu.memory_space<vmem>>, vector<8x128xf32>,
    } else {
    }
    %mul3A = arith.constant 1024 : i32
    %mul3A_2 = arith.muli %arg0, %mul3A : i32
    %iota3A = tpu.iota {dimensions = array<i32: 0>} : vector<1024x1xi32>
    %add3A = vector.broadcast %mul3A_2 : i32 to vector<1024x1xi32>
    %add3A_3 = arith.addi %add3A, %iota3A : vector<1024x1xi32>
    %get3A = arith.constant 0 : index
    %get3A_4 = arith.constant 0 : index
    %get3A_5 = arith.constant 0 : index
    %get3A_6 = vector.load %arg1[%get3A, %get3A_4, %get3A_5] : memref<1x1024x128xf32, #tpu.memory_space<vmem>>, vector<1x1024x128xf32>
    %get3A_7 = vector.shape_cast %get3A_6 : vector<1x1024x128xf32> to vector<1024x128xf32>
    %get3A_8 = arith.constant 0 : index
    %get3A_9 = arith.constant 0 : index
    %get3A_10 = arith.constant 0 : index
    %get3A_11 = vector.load %arg2[%get3A_8, %get3A_9, %get3A_10] : memref<1x1024x128xf32, #tpu.memory_space<vmem>>, vector<1x1024x128xf32>
    %get3A_12 = vector.shape_cast %get3A_11 : vector<1x1024x128xf32> to vector<1024x128xf32>
    %add3A_13 = arith.addf %get3A_7, %get3A_12 : vector<1024x128xf32>
    %get3A_14 = arith.constant 0 : index
    %get3A_15 = arith.constant 0 : index
    %get3A_16 = vector.load %arg3[%get3A_14, %get3A_15] : memref<1x128xf32, #tpu.memory_space<vmem>>, vector<1x128xf32>
    %add3A_17 = vector.broadcast %get3A_16 : vector<1x128xf32> to vector<1024x128xf32>
    %add3A_18 = arith.addf %add3A_13, %add3A_17 : vector<1024x128xf32>
    %lt3A = arith.constant 10000 : i32
    %lt3A_19 = vector.broadcast %lt3A : i32 to vector<1024x1xi32>
    %lt3A_20 = arith.cmpi slt, %add3A_3, %lt3A_19 : vector<1024x1xi32>
    %jit3A = arith.constant 0.000000e+00 : f32
    %broadcast_in_dim3A = vector.shape_cast %lt3A_20 : vector<1024x1xi1> to vector<1024x1xi1>
    %broadcast_in_dim3A_21 = vector.broadcast %broadcast_in_dim3A : vector<1024x1xi1> to vector<1024x128xi1>
    %broadcast_in_dim3A_22 = vector.broadcast %jit3A : f32 to vector<1024x128xf32>
    %select_n3A = arith.select %broadcast_in_dim3A_21, %add3A_18, %broadcast_in_dim3A_22 : vector<1024x128xi1>, vector<1024x128xf32>
    %get3A_23 = arith.constant 0 : index
    %get3A_24 = arith.constant 0 : index
    %get3A_25 = vector.load %arg9[%get3A_23, %get3A_24] : memref<8x128xf32, #tpu.memory_space<vmem>>, vector<1x128xf32>
    %reduce_sum3A = arith.constant dense<0.000000e+00> : vector<128xf32>
    %reduce_sum3A_26 = vector.multi_reduction <add>, %select_n3A, %reduce_sum3A [0] : vector<1024x128xf32> to vector<128xf32>
    %broadcast_in_dim3A_27 = vector.shape_cast %reduce_sum3A_26 : vector<128xf32> to vector<1x128xf32>
    %add3A_28 = arith.addf %get3A_25, %broadcast_in_dim3A_27 : vector<1x128xf32>
    %swap3A = arith.constant 0 : index
    %swap3A_29 = arith.constant 0 : index
    %swap3A_30 = vector.load %arg9[%swap3A, %swap3A_29] : memref<8x128xf32, #tpu.memory_space<vmem>>, vector<1x128xf32>
    tpu.vector_store %arg9[%swap3A, %swap3A_29], %add3A_28 {strides = array<i32>} : memref<8x128xf32, #tpu.memory_space<vmem>>, vector<1x128xf32>,
    %get3A_31 = arith.constant 1 : index
    %get3A_32 = arith.constant 0 : index
    %get3A_33 = vector.load %arg9[%get3A_31, %get3A_32] : memref<8x128xf32, #tpu.memory_space<vmem>>, vector<1x128xf32>
    %mul3A_34 = arith.mulf %select_n3A, %select_n3A : vector<1024x128xf32>
    %reduce_sum3A_35 = arith.constant dense<0.000000e+00> : vector<128xf32>
    %reduce_sum3A_36 = vector.multi_reduction <add>, %mul3A_34, %reduce_sum3A_35 [0] : vector<1024x128xf32> to vector<128xf32>
    %broadcast_in_dim3A_37 = vector.shape_cast %reduce_sum3A_36 : vector<128xf32> to vector<1x128xf32>
    %add3A_38 = arith.addf %get3A_33, %broadcast_in_dim3A_37 : vector<1x128xf32>
    %swap3A_39 = arith.constant 1 : index
    %swap3A_40 = arith.constant 0 : index
    %swap3A_41 = vector.load %arg9[%swap3A_39, %swap3A_40] : memref<8x128xf32, #tpu.memory_space<vmem>>, vector<1x128xf32>
    tpu.vector_store %arg9[%swap3A_39, %swap3A_40], %add3A_38 {strides = array<i32>} : memref<8x128xf32, #tpu.memory_space<vmem>>, vector<1x128xf32>,
    %eq3A_42 = arith.constant 9 : i32
    %eq3A_43 = arith.cmpi eq, %arg0, %eq3A_42 : i32
    %convert_element_type3A_44 = arith.extui %eq3A_43 : i1 to i32
    %cond3A_45 = arith.constant 0 : i32
    %cond3A_46 = arith.cmpi ne, %convert_element_type3A_44, %cond3A_45 : i32
    scf.if %cond3A_46 {
      %get3A_47 = arith.constant 0 : index
      %get3A_48 = arith.constant 0 : index
      %get3A_49 = vector.load %arg9[%get3A_47, %get3A_48] : memref<8x128xf32, #tpu.memory_space<vmem>>, vector<1x128xf32>
      %div3A = arith.constant 1.000000e+04 : f32
      %div3A_50 = vector.broadcast %div3A : f32 to vector<1x128xf32>
      %div3A_51 = arith.divf %get3A_49, %div3A_50 : vector<1x128xf32>
      %get3A_52 = arith.constant 1 : index
      %get3A_53 = arith.constant 0 : index
      %get3A_54 = vector.load %arg9[%get3A_52, %get3A_53] : memref<8x128xf32, #tpu.memory_space<vmem>>, vector<1x128xf32>
      %div3A_55 = arith.constant 1.000000e+04 : f32
      %div3A_56 = vector.broadcast %div3A_55 : f32 to vector<1x128xf32>
      %div3A_57 = arith.divf %get3A_54, %div3A_56 : vector<1x128xf32>
      %mul3A_58 = arith.mulf %div3A_51, %div3A_51 : vector<1x128xf32>
      %sub3A = arith.subf %div3A_57, %mul3A_58 : vector<1x128xf32>
      %sub3A_59 = arith.subf %div3A_51, %div3A_51 : vector<1x128xf32>
      %add3A_60 = arith.constant 9.99999974E-6 : f32
      %add3A_61 = vector.broadcast %add3A_60 : f32 to vector<1x128xf32>
      %add3A_62 = arith.addf %sub3A, %add3A_61 : vector<1x128xf32>
      %sqrt3A = math.sqrt %add3A_62 : vector<1x128xf32>
      %div3A_63 = arith.divf %sub3A_59, %sqrt3A : vector<1x128xf32>
      %get3A_64 = arith.constant 0 : index
      %get3A_65 = arith.constant 0 : index
      %get3A_66 = vector.load %arg4[%get3A_64, %get3A_65] : memref<1x128xf32, #tpu.memory_space<vmem>>, vector<1x128xf32>
      %mul3A_67 = arith.mulf %div3A_63, %get3A_66 : vector<1x128xf32>
      %get3A_68 = arith.constant 0 : index
      %get3A_69 = arith.constant 0 : index
      %get3A_70 = vector.load %arg5[%get3A_68, %get3A_69] : memref<1x128xf32, #tpu.memory_space<vmem>>, vector<1x128xf32>
      %add3A_71 = arith.addf %mul3A_67, %get3A_70 : vector<1x128xf32>
      %get3A_72 = arith.constant 0 : index
      %get3A_73 = arith.constant 0 : index
      %get3A_74 = vector.load %arg6[%get3A_72, %get3A_73] : memref<128x128xf32, #tpu.memory_space<vmem>>, vector<128x128xf32>
      %dot_general3A = arith.constant dense<0.000000e+00> : vector<1x128xf32>
      %dot_general3A_75 = tpu.matmul %add3A_71, %get3A_74, %dot_general3A {dimension_numbers = #tpu.dot_dimension_numbers<[1], [0], [0], [1], [0, 0, 1, 1], [], []>, transpose_lhs_hint = false} : vector<1x128xf32>, vector<128x128xf32>, vector<1x128xf32> -> vector<1x128xf32>
      %get3A_76 = arith.constant 0 : index
      %get3A_77 = arith.constant 0 : index
      %get3A_78 = vector.load %arg7[%get3A_76, %get3A_77] : memref<1x128xf32, #tpu.memory_space<vmem>>, vector<1x128xf32>
      %add3A_79 = arith.addf %dot_general3A_75, %get3A_78 : vector<1x128xf32>
      %iota3A_80 = tpu.iota {dimensions = array<i32: 1>} : vector<1x128xi32>
      %lt3A_81 = arith.constant 16 : i32
      %lt3A_82 = vector.broadcast %lt3A_81 : i32 to vector<1x128xi32>
      %lt3A_83 = arith.cmpi slt, %iota3A_80, %lt3A_82 : vector<1x128xi32>
      %jit3A_84 = arith.constant -1.000000e+30 : f32
      %broadcast_in_dim3A_85 = vector.broadcast %jit3A_84 : f32 to vector<1x128xf32>
      %select_n3A_86 = arith.select %lt3A_83, %add3A_79, %broadcast_in_dim3A_85 : vector<1x128xi1>, vector<1x128xf32>
      %reduce_max3A = arith.constant dense<0xFF800000> : vector<1xf32>
      %reduce_max3A_87 = vector.multi_reduction <maximumf>, %select_n3A_86, %reduce_max3A [1] : vector<1x128xf32> to vector<1xf32>
      %broadcast_in_dim3A_88 = vector.shape_cast %reduce_max3A_87 : vector<1xf32> to vector<1x1xf32>
      %sub3A_89 = vector.broadcast %broadcast_in_dim3A_88 : vector<1x1xf32> to vector<1x128xf32>
      %sub3A_90 = arith.subf %select_n3A_86, %sub3A_89 : vector<1x128xf32>
      %exp3A = math.exp %sub3A_90 : vector<1x128xf32>
      %lt3A_91 = arith.constant 16 : i32
      %lt3A_92 = vector.broadcast %lt3A_91 : i32 to vector<1x128xi32>
      %lt3A_93 = arith.cmpi slt, %iota3A_80, %lt3A_92 : vector<1x128xi32>
      %jit3A_94 = arith.constant 0.000000e+00 : f32
      %broadcast_in_dim3A_95 = vector.broadcast %jit3A_94 : f32 to vector<1x128xf32>
      %select_n3A_96 = arith.select %lt3A_93, %exp3A, %broadcast_in_dim3A_95 : vector<1x128xi1>, vector<1x128xf32>
      %reduce_sum3A_97 = arith.constant dense<0.000000e+00> : vector<1xf32>
      %reduce_sum3A_98 = vector.multi_reduction <add>, %select_n3A_96, %reduce_sum3A_97 [1] : vector<1x128xf32> to vector<1xf32>
      %broadcast_in_dim3A_99 = vector.shape_cast %reduce_sum3A_98 : vector<1xf32> to vector<1x1xf32>
      %div3A_100 = vector.broadcast %broadcast_in_dim3A_99 : vector<1x1xf32> to vector<1x128xf32>
      %div3A_101 = arith.divf %select_n3A_96, %div3A_100 : vector<1x128xf32>
      %broadcast_in_dim3A_102 = vector.shape_cast %div3A_101 : vector<1x128xf32> to vector<1x128xf32>
      %broadcast_in_dim3A_103 = vector.broadcast %broadcast_in_dim3A_102 : vector<1x128xf32> to vector<8x128xf32>
      %swap3A_104 = arith.constant 0 : index
      %swap3A_105 = arith.constant 0 : index
      %swap3A_106 = vector.load %arg8[%swap3A_104, %swap3A_105] : memref<8x128xf32, #tpu.memory_space<vmem>>, vector<8x128xf32>
      tpu.vector_store %arg8[%swap3A_104, %swap3A_105], %broadcast_in_dim3A_103 {strides = array<i32>} : memref<8x128xf32, #tpu.memory_space<vmem>>, vector<8x128xf32>,
    } else {
    }
    return
  }
  func.func @transform_0(%arg0: i32) -> (i32, i32, i32) {
    %c0_i32 = arith.constant 0 : i32
    %c0_i32_0 = arith.constant 0 : i32
    %c0_i32_1 = arith.constant 0 : i32
    return %c0_i32, %arg0, %c0_i32_0 : i32, i32, i32
  }
  func.func @transform_1(%arg0: i32) -> (i32, i32, i32) {
    %c1_i32 = arith.constant 1 : i32
    %c0_i32 = arith.constant 0 : i32
    %c0_i32_0 = arith.constant 0 : i32
    return %c1_i32, %arg0, %c0_i32 : i32, i32, i32
  }
  func.func @transform_2(%arg0: i32) -> (i32, i32) {
    %c0_i32 = arith.constant 0 : i32
    %c0_i32_0 = arith.constant 0 : i32
    %c0_i32_1 = arith.constant 0 : i32
    return %c0_i32, %c0_i32_0 : i32, i32
  }
  func.func @transform_3(%arg0: i32) -> (i32, i32) {
    %c0_i32 = arith.constant 0 : i32
    %c0_i32_0 = arith.constant 0 : i32
    %c0_i32_1 = arith.constant 0 : i32
    return %c0_i32, %c0_i32_0 : i32, i32
  }
  func.func @transform_4(%arg0: i32) -> (i32, i32) {
    %c0_i32 = arith.constant 0 : i32
    %c0_i32_0 = arith.constant 0 : i32
    %c0_i32_1 = arith.constant 0 : i32
    return %c0_i32, %c0_i32_0 : i32, i32
  }
  func.func @transform_5(%arg0: i32) -> (i32, i32) {
    %c0_i32 = arith.constant 0 : i32
    %c0_i32_0 = arith.constant 0 : i32
    %c0_i32_1 = arith.constant 0 : i32
    return %c0_i32, %c0_i32_0 : i32, i32
  }
  func.func @transform_6(%arg0: i32) -> (i32, i32) {
    %c0_i32 = arith.constant 0 : i32
    %c0_i32_0 = arith.constant 0 : i32
    %c0_i32_1 = arith.constant 0 : i32
    return %c0_i32, %c0_i32_0 : i32, i32
  }
  func.func @transform_7(%arg0: i32) -> (i32, i32) {
    %c0_i32 = arith.constant 0 : i32
    %c0_i32_0 = arith.constant 0 : i32
    %c0_i32_1 = arith.constant 0 : i32
    return %c0_i32, %c0_i32_0 : i32, i32
  }
}

</mosaic_0001>

<sc_bundles>
// kernel: kernel.6.cloned.1.call-start
scs
__scs_entry_jumppad:
0x0: {  	(pc) =	sbr.rel $0x88, $3  }
0x1: {  	(tag) =	ssettag $0x0;
	lr =	simm.s32 $0x1  }
0x2: {  	[smem:$0x3F95] =	sst lr;
	_ =	strace $0xD0000000  }
0x3: {  	_ = 	snop  }
0x4: {  	_ = 	snop  }
0x5: {  	_ = 	snop  }
0x6: {  	_ = 	snop  }
0x7: {  	_ = 	snop  }
__scs_overlays_trampoline_lowered:
0x8: {  	[smem:$0x3FA4] =	sst s0  }
0x9: {  	[smem:$0x3FA5] =	sst s1  }
0xa: {  	[smem:$0x3FA6] =	sst s2  }
0xb: {  	[smem:$0x3FA7] =	sst s3  }
0xc: {  	[smem:$0x3FA8] =	sst s4  }
0xd: {  	[smem:$0x3FA9] =	sst s5  }
0xe: {  	[smem:$0x3FAA] =	sst s6  }
0xf: {  	[smem:$0x3FAB] =	sst s7  }
0x10: {  	[smem:$0x3FAC] =	sst s8  }
0x11: {  	[smem:$0x3FAD] =	sst s9;
	s0 =	simm.s32 @!p0 $0x0  }
0x12: {  	s1 =	sld [smem:$0x3F93];
	s0 =	simm.s32 @p0 $0x1  }
0x13: {  	[smem:$0x3FAE] =	sst s0;
	s0 =	simm.s32 @!p1 $0x0  }
0x14: {  	s2 =	sld [smem:$0x3F92];
	s0 =	simm.s32 @p1 $0x1  }
0x15: {  	[smem:$0x3FAF] =	sst s0;
	s0 =	simm.s32 @!p2 $0x0  }
0x16: {  	s3 =	sld [smem:$0x3FDB];
	s0 =	simm.s32 @p2 $0x1  }
0x17: {  	s4 =	simm.s32 $0x1BF5;
	[smem:$0x3FB1] =	sst s0  }
0x18: {  	s0 =	sld [smem:$0x3F94];
	_ =	swait.ge [sflag:s4], $0x0  }
0x19: {  	s7 =	sld [smem:$0x3F95]  }
0x1a: {  	s8 =	sadd.s32 $0xFFFFE003, lr  }
0x1b: {  	s9 =	sadd.s32 $0xFFFFFEF7, lr;
	s5 =	simm.s32 $0xFFFFFFFF;
	p2 =	slt.u32 s8, $0xFFFFF086  }
0x1c: {  	p1 =	slt.u32 s9, $0xF7A;
	s5 =	simm.s32 @!p2 $0x0  }
0x1d: {  	s5 =	simm.s32 @p1 $0x1;
	p0 =	seq.s32 s7, s2  }
0x1e: {  	s7 =	smul.u32 @!p0 $0xF7A, s2;
	p2 =	seq.s32 @!p0 s5, $0x0  }
0x1f: {  	s9 =	smul.u32 $0xF7A, s1;
	s8 =	simm.s32 @!p0 $0x1BF5;
	p2 =	por !p2, p0  }
0x20: {  	[sflag:s8] =	ssyncset.s32 @!p0 $0xFFFFF086;
	s6 =	sadd.s32 @!p0 s3, s7;
	s7 =	simm.s32 @!p0 $0x108  }
0x21: {  	s3 =	sadd.s32 s3, s9;
	s6 =	sadd.s32 @!p0 $0x88, s6;
	s7 =	simm.s32 @p2 $0x1082  }
0x22: {  	[simem:s7], [sflag:s8] =	dma.local @!p0 [hbm:s6], $0xF7A  }
0x23: {  	s9 =	sor.u32 $0xD0000000, s2;
	s6 =	simm.s32 $0x108;
	_ =	swait.ge @!p0 [sflag:s8], $0x0  }
0x24: {  	s3 =	sadd.s32 $0x88, s3;
	s6 =	simm.s32 @!p1 $0x1082;
	[sflag:s4] =	ssyncset.s32 $0xFFFFF086  }
0x25: {  	[simem:s6], [sflag:s4] =	dma.local [hbm:s3], $0xF7A  }
0x26: {  	[smem:$0x3F95] =	sst s1;
	(tag) =	ssettag s2;
	_ =	strace s9  }
0x27: {  	s1 =	sld [smem:$0x3FA5]  }
0x28: {  	s2 =	sld [smem:$0x3FA6]  }
0x29: {  	s4 =	sld [smem:$0x3FA8]  }
0x2a: {  	p0 =	seq.s32 s5, $0x0;
	s5 =	sld [smem:$0x3FA9]  }
0x2b: {  	s6 =	sld [smem:$0x3FAA]  }
0x2c: {  	s7 =	sld [smem:$0x3FAB]  }
0x2d: {  	s3 =	simm.s32 $0x108;
	s8 =	sld [smem:$0x3FAC]  }
0x2e: {  	s3 =	simm.s32 @!p0 $0x1082;
	s9 =	sld [smem:$0x3FAD]  }
0x2f: {  	lr =	sadd.s32 s0, s3;
	s0 =	sld [smem:$0x3FA4]  }
0x30: {  	s3 =	sld [smem:$0x3FA7]  }
0x31: {  	[smem:$0x3FB0] =	sst s10  }
0x32: {  	s10 =	sld [smem:$0x3FAE];
	_ =	sdelay $0x3  }
0x33: {  	p0 =	seq.s32 s10, $0x1;
	s10 =	sld [smem:$0x3FB0];
	_ =	sdelay $0x3  }
0x34: {  	[smem:$0x3FB0] =	sst s10  }
0x35: {  	s10 =	sld [smem:$0x3FAF];
	_ =	sdelay $0x3  }
0x36: {  	p1 =	seq.s32 s10, $0x1;
	s10 =	sld [smem:$0x3FB0];
	_ =	sdelay $0x3  }
0x37: {  	[smem:$0x3FB0] =	sst s10  }
0x38: {  	s10 =	sld [smem:$0x3FB1]  }
0x39: {  	_ = 	snop;
	(pc) =	sbr.ind lr, $3  }
0x3a: {  	_ = 	snop  }
0x3b: {  	_ = 	snop  }
0x3c: {  	p2 =	seq.s32 s10, $0x1;
	s10 =	sld [smem:$0x3FB0]  }
0x3d: {  	_ =	shalt  }
0x3e: {  	_ =	shalt  }
0x3f: {  	_ =	shalt  }
0x40: {  	_ =	shalt  }
0x41: {  	_ =	shalt  }
0x42: {  	_ =	shalt  }
0x43: {  	_ =	shalt  }
0x44: {  	_ =	shalt  }
0x45: {  	_ =	shalt  }
0x46: {  	_ =	shalt  }
0x47: {  	_ =	shalt  }
0x48: {  	_ =	shalt  }
0x49: {  	_ =	shalt  }
0x4a: {  	_ =	shalt  }
0x4b: {  	_ =	shalt  }
0x4c: {  	_ =	shalt  }
0x4d: {  	_ =	shalt  }
0x4e: {  	_ =	shalt  }
0x4f: {  	_ =	shalt  }
0x50: {  	_ =	shalt  }
0x51: {  	_ =	shalt  }
0x52: {  	_ =	shalt  }
0x53: {  	_ =	shalt  }
0x54: {  	_ =	shalt  }
0x55: {  	_ =	shalt  }
0x56: {  	_ =	shalt  }
0x57: {  	_ =	shalt  }
0x58: {  	_ =	shalt  }
0x59: {  	_ =	shalt  }
0x5a: {  	_ =	shalt  }
0x5b: {  	_ =	shalt  }
0x5c: {  	_ =	shalt  }
0x5d: {  	_ =	shalt  }
0x5e: {  	_ =	shalt  }
0x5f: {  	_ =	shalt  }
0x60: {  	_ =	shalt  }
0x61: {  	_ =	shalt  }
0x62: {  	_ =	shalt  }
0x63: {  	_ =	shalt  }
0x64: {  	_ =	shalt  }
0x65: {  	_ =	shalt  }
0x66: {  	_ =	shalt  }
0x67: {  	_ =	shalt  }
0x68: {  	_ =	shalt  }
0x69: {  	_ =	shalt  }
0x6a: {  	_ =	shalt  }
0x6b: {  	_ =	shalt  }
0x6c: {  	_ =	shalt  }
0x6d: {  	_ =	shalt  }
0x6e: {  	_ =	shalt  }
0x6f: {  	_ =	shalt  }
0x70: {  	_ =	shalt  }
0x71: {  	_ =	shalt  }
0x72: {  	_ =	shalt  }
0x73: {  	_ =	shalt  }
0x74: {  	_ =	shalt  }
0x75: {  	_ =	shalt  }
0x76: {  	_ =	shalt  }
0x77: {  	_ =	shalt  }
0x78: {  	_ =	shalt  }
0x79: {  	_ =	shalt  }
0x7a: {  	_ =	shalt  }
0x7b: {  	_ =	shalt  }
0x7c: {  	_ =	shalt  }
0x7d: {  	_ =	shalt  }
0x7e: {  	_ =	shalt  }
0x7f: {  	_ =	shalt  }
0x80: {  	_ =	shalt  }
0x81: {  	_ =	shalt  }
0x82: {  	_ =	shalt  }
0x83: {  	_ =	shalt  }
0x84: {  	_ =	shalt  }
0x85: {  	_ =	shalt  }
0x86: {  	_ =	shalt  }
0x87: {  	_ =	shalt  }
.Lfunc_end0:
.L_simem_size_0:
called_computation_lowered:
.L_overlay_start_0:
0x88: {  	s2 =	sld [smem:$0x3FD9]  }
0x89: {  	s3 =	sld [smem:$0x3FFE];
	_ =	sdelay $0x1  }
0x8a: {  	s1 =	srdreg.scid  }
0x8b: {  	s0 =	sand.u32 $0x1, s1  }
0x8c: {  	s17 =	sshll.u32 s0, $0xA;
	s2 =	sadd.s32 s3, s2  }
0x8d: {  	s2 =	sadd.s32 s2, s17  }
0x8e: {  	[smem:$0x3FBC] =	sst s2  }
0x8f: {  	_ = 	snop  }
0x90: {  	s2 =	sld [smem:$0x3FC3];
	(tm) =	ssettm $0x1  }
0x91: {  	s18 =	sld [smem:$0x3FFB];
	_ =	sdelay $0x3  }
0x92: {  	_ =	strace s18  }
0x93: {  	s3 =	sld [smem:$0x3FFC];
	_ =	sdelay $0x3  }
0x94: {  	_ =	strace s3  }
0x95: {  	s3 =	sld [smem:$0x3FFD];
	_ =	sdelay $0x3  }
0x96: {  	_ =	strace s3  }
0x97: {  	_ =	strace $0x8FFFFFFF  }
0x98: {  	s19 =	sld [smem:$0x3FDB];
	_ =	sdelay $0x1  }
0x99: {  	s4 =	simm.s32 $_scs_section_size  }
0x9a: {  	s5 =	simm.s32 $_size__tile_overlayer_lowered;
	s6 =	simm.s32 $_tile_overlayer_lowered  }
0x9b: {  	s22 =	simm.s32 $0x1BFF;
	s21 =	sshll.u32 s6, $0x1;
	s3 =	sadd.s32 s4, s19  }
0x9c: {  	s7 =	simm.s32 $0x0;
	s20 =	sshll.u32 s5, $0x1;
	s5 =	sadd.s32 s21, s3  }
0x9d: {  	[timem:s7], [sflag:s22] =	dma.local [hbm:s5], s20  }
0x9e: {  	_ =	swait.ge [sflag:s22], s20  }
0x9f: {  	s4 =	ssub.s32 $0x0, s20;
	[sflag:s22] =	ssyncset.done $0x0  }
0xa0: {  	[sflag:s22] =	ssyncadd.s32 s4;
	_ =	sdelay $0x1  }
0xa1: {  	s23 =	simm.s32 $0x1B8B  }
0xa2: {  	_ =	swait.ge [sflag:s23], $0x1  }
0xa3: {  	[sflag:s23] =	ssyncset.done $0x0  }
0xa4: {  	s25 =	simm.s32 $0x1B8E;
	s24 =	sld [smem:$0x3FFE];
	[sflag:s23] =	ssyncadd.s32 $0xFFFFFFFF  }
0xa5: {  	s26 =	simm.s32 $execute0_lowered;
	[smem:$0x3FD2] =	sst s25  }
0xa6: {  	s5 =	sshll.u32 s26, $0x1;
	_ =	strace $0x80000046;
	[dreg:$0x1] =	wrdreg $0xFFFFFFFF  }
0xa7: {  	s28 =	simm.s32 $_size_execute0_lowered;
	s3 =	sadd.s32 s3, s5;
	[dreg:$0x0] =	wrdreg $0x0  }
0xa8: {  	s5 =	sshll.u32 s28, $0x1;
	[dreg:$0x2] =	wrdreg s3  }
0xa9: {  	[dreg:$0x3] =	wrdreg s5  }
0xaa: {  	[dreg:$0x4] =	wrdreg $0xC0  }
0xab: {  	_ =	task [dreg:s7], $0x5FFFF  }
0xac: {  	[dreg:$0x1] =	wrdreg $0xFFFFFFFF  }
0xad: {  	[dreg:$0x0] =	wrdreg $0x60  }
0xae: {  	[dreg:$0x2] =	wrdreg s24  }
0xaf: {  	[dreg:$0x3] =	wrdreg s2  }
0xb0: {  	[dreg:$0x4] =	wrdreg $0x84800  }
0xb1: {  	[dreg:$0x5] =	wrdreg $0x9  }
0xb2: {  	_ =	task.clear_ibuf [dreg:s7], $0x6FFFF;
	_ =	strace $0x90000046  }
0xb3: {  	s29 =	simm.s32 $0x9;
	_ =	strace $0x80000048  }
0xb4: {  	_ =	swait.ge [sflag:s29], $0x1  }
0xb5: {  	[sflag:s29] =	ssyncadd.s32 $0xFFFFFFFF  }
0xb6: {  	_ =	strace $0x90000048  }
0xb7: {  	_ =	sfence  }
0xb8: {  	s30 =	sld [smem:$0x0];
	_ =	sdelay $0x2  }
0xb9: {  	s31 =	sshll.u32 s1, $0xD;
	s1 =	sshrl.u32 s1, $0x2  }
0xba: {  	s3 =	sand.u32 $0x4000, s31;
	s1 =	sadd.s32 s1, s30  }
0xbb: {  	s0 =	sor.u32 s3, s0;
	s1 =	sshll.u32 s1, $0x11  }
0xbc: {  	s0 =	sor.u32 s1, s0  }
0xbd: {  	s0 =	sadd.s32 $0x8F2B, s0  }
0xbe: {  	[sflag:s0] =	ssyncadd.remote.s32 $0x1  }
0xbf: {  	_ =	sfence.sel $0xFFFF  }
0xc0: {  	[dreg:$0x0] =	wrdreg $0xFFFFFFFF;
	(pc) =	sbr.abs _section_cstart, $3  }
0xc1: {  	[dreg:$0x1] =	wrdreg $0xFFFFFFFF  }
0xc2: {  	_ =	task.clear_ibuf [dreg:s7], $0x2FFFF;
	_ =	strace $0x9FFFFFFF  }
0xc3: {  	(tm) =	ssettm $0x7FFFFFFF  }
tec
execute0_lowered:
.L_overlay_start_1:
0x0: {  	(tag) =	ssettag $0x1  }
0x1: {  	v0 =	vimm.s32 $0xFEDCBA98;
	s2 =	rddreg [dreg:$0x0];
	v1 =	vimm.s32 $0x76543210;
	v2 =	vimm.s32 $0xBA98FEDC  }
0x2: {  	s3 =	rddreg [dreg:$0x2];
	v3 =	vimm.s32 $0x32107654;
	v4 =	vimm.s32 $0xDCFE98BA;
	v5 =	vimm.s32 $0x54761032  }
0x3: {  	s1 =	simm.s32 $0x0;
	s0 =	stileid.u32;
	s4 =	srdreg.scid;
	v6 =	vimm.s32 $0xEFCDAB89;
	v7 =	vimm.s32 $0x67452301;
	vm0 =	vmmov $0x1  }
0x4: {  	s14 =	simm.s32 $0x8200;
	s15 =	simm.s32 $0x3;
	s16 =	simm.s32 $0x8100;
	vm1 =	vmmov $0x3;
	vm2 =	vmmov $0x7;
	vm3 =	vmmov $0xf  }
0x5: {  	s17 =	simm.s32 $0x80;
	s18 =	simm.s32 $0x100;
	s19 =	simm.s32 $0x4100;
	vm4 =	vmmov $0x1f;
	vm5 =	vmmov $0x3f;
	vm6 =	vmmov $0x7f  }
0x6: {  	s20 =	simm.s32 $0x1;
	s21 =	simm.s32 $0x2;
	vm7 =	vmmov $0xff;
	vm8 =	vmmov $0x1ff;
	vm9 =	vmmov $0x3ff;
	s22 =	simm.s32 $0x8180  }
0x7: {  	vm10 =	vmmov $0x7ff;
	vm11 =	vmmov $0xfff;
	vm12 =	vmmov $0x1fff;
	s25 =	simm.s32 $0x20;
	s26 =	simm.s32 $0x10;
	s28 =	simm.s32 $0x0  }
0x8: {  	v0 =	vunpack.c.l.s4.s8 v0;
	[smem:$0x7FF] =	sst s1;
	v1 =	vunpack.c.l.s4.s8 v1;
	s8 =	smul.u32 $0x500, s0;
	v2 =	vunpack.c.l.s4.s8 v2;
	s4 =	sand.u32 $0x1, s4  }
0x9: {  	v3 =	vunpack.c.l.s4.s8 v3;
	v4 =	vunpack.c.l.s4.s8 v4;
	s5 =	sadd.s32 $0x15E00, s2;
	v5 =	vunpack.c.l.s4.s8 v5;
	s6 =	sadd.s32 $0x3D000, s2;
	s7 =	sadd.s32 $0x1A00, s2  }
0xa: {  	v6 =	vunpack.c.l.s4.s8 v6;
	v7 =	vunpack.c.l.s4.s8 v7;
	s11 =	smul.u32 $0xA00, s0;
	s31 =	sshll.u32 s0, $0x6;
	_ =	strace $0x80000047;
	v0 =	vunpack.c.0.s8.s32 v0  }
0xb: {  	s9 =	sshll.u32 s4, $0x7;
	s30 =	ssub.s32 $0x2, s4;
	s4 =	sshll.u32 s4, $0x4;
	v2 =	vunpack.c.0.s8.s32 v2;
	v3 =	vunpack.c.0.s8.s32 v3;
	v4 =	vunpack.c.0.s8.s32 v4  }
0xc: {  	s23 =	sor.u32 $0x1C03, s31;
	s9 =	sor.u32 s9, s8;
	s8 =	sadd.s32 $0xBC00, s2;
	v5 =	vunpack.c.0.s8.s32 v5;
	v6 =	vunpack.c.0.s8.s32 v6;
	v7 =	vunpack.c.0.s8.s32 v7  }
0xd: {  	vm13 =	vmmov $0x3fff;
	v1 =	vunpack.c.0.s8.s32 v1;
	s12 =	sshrl.u32 s30, $0x1;
	s11 =	sshrl.u32 s11, $0x2;
	s4 =	sor.u32 s0, s4;
	v2 =	vcombine.low v3, v2  }
0xe: {  	s10 =	sshrl.u32 s9, $0x3;
	s9 =	sadd.s32 $0x64200, s2;
	s13 =	ssub.s32 s30, s12;
	v3 =	vcombine.low v5, v4;
	v4 =	vand.u32 $0xF, v0;
	v5 =	vcombine.low v7, v6  }
0xf: {  	vm14 =	vmmov $0x7fff;
	s2 =	sadd.s32 s10, s2;
	s10 =	sadd.s32 s11, s3;
	v0 =	vimm.f32 $0.0e+00;
	s11 =	smul.u32 $0x2880, s4;
	v1 =	vcombine.low v4, v1  }
0x10: {  	s13 =	smax.u32 s13, $0x1;
	s12 =	sadd.s32 $0x6E400, s2;
	s24 =	sshrl.u32 s10, $0x3;
	v2 =	vand.u32 $0xF, v2;
	v3 =	vand.u32 $0xF, v3;
	v4 =	vand.u32 $0xF, v5  }
.LBB2_1:
0x11: {  	[tilespmem:$0x8200] =	vst v0  }
0x12: {  	[tilespmem:$0x8210] =	vst v0  }
0x13: {  	[tilespmem:$0x8220] =	vst v0  }
0x14: {  	[tilespmem:$0x8230] =	vst v0  }
0x15: {  	[tilespmem:$0x8240] =	vst v0  }
0x16: {  	[tilespmem:$0x8250] =	vst v0  }
0x17: {  	[tilespmem:$0x8260] =	vst v0  }
0x18: {  	[tilespmem:$0x8270] =	vst v0  }
0x19: {  	[tilespmem:$0x8280] =	vst v0  }
0x1a: {  	[tilespmem:$0x8290] =	vst v0  }
0x1b: {  	[tilespmem:$0x82A0] =	vst v0  }
0x1c: {  	[tilespmem:$0x82B0] =	vst v0  }
0x1d: {  	[tilespmem:$0x82C0] =	vst v0  }
0x1e: {  	[tilespmem:$0x82D0] =	vst v0  }
0x1f: {  	[tilespmem:$0x82E0] =	vst v0  }
0x20: {  	[tilespmem:$0x82F0] =	vst v0  }
0x21: {  	[tilespmem:$0x8300] =	vst v0  }
0x22: {  	[tilespmem:$0x8310] =	vst v0  }
0x23: {  	[tilespmem:$0x8320] =	vst v0  }
0x24: {  	[tilespmem:$0x8330] =	vst v0  }
0x25: {  	[tilespmem:$0x8340] =	vst v0  }
0x26: {  	[tilespmem:$0x8350] =	vst v0  }
0x27: {  	[tilespmem:$0x8360] =	vst v0  }
0x28: {  	[tilespmem:$0x8370] =	vst v0  }
0x29: {  	[tilespmem:$0x8380] =	vst v0  }
0x2a: {  	[tilespmem:$0x8390] =	vst v0  }
0x2b: {  	[tilespmem:$0x83A0] =	vst v0  }
0x2c: {  	[tilespmem:$0x83B0] =	vst v0  }
0x2d: {  	[tilespmem:$0x83C0] =	vst v0  }
0x2e: {  	[tilespmem:$0x83D0] =	vst v0  }
0x2f: {  	[tilespmem:$0x83E0] =	vst v0  }
0x30: {  	[tilespmem:$0x83F0] =	vst v0  }
0x31: {  	[tilespmem:$0x8400] =	vst v0  }
0x32: {  	[tilespmem:$0x8410] =	vst v0  }
0x33: {  	[tilespmem:$0x8420] =	vst v0  }
0x34: {  	[tilespmem:$0x8430] =	vst v0  }
0x35: {  	[tilespmem:$0x8440] =	vst v0  }
0x36: {  	[tilespmem:$0x8450] =	vst v0  }
0x37: {  	[tilespmem:$0x8460] =	vst v0  }
0x38: {  	[tilespmem:$0x8470] =	vst v0  }
0x39: {  	[spmem:s10] =	stream.linear.scatter [tilespmem:s14], [sflag:$0x3], $0x280, $0x38;
	[tilespmem:$0x8700] =	vst v63  }
0x3a: {  	_ =	swait.ge [sflag:s15], $0x280  }
0x3b: {  	[sflag:s15] =	ssyncset.done $0x0  }
0x3c: {  	[sflag:s15] =	ssyncadd.s32 $0xFFFFFD80  }
0x3d: {  	s0 =	rddreg [dreg:$0x1]  }
0x3e: {  	[tilespmem:s16], [sflag:$0x3] =	stream.linear.gather [hbm4b:s0+s1], $0x80, $0x38;
	[tilespmem:$0x8700] =	vst v63  }
0x3f: {  	_ =	swait.ge [sflag:s15], $0x80  }
0x40: {  	[sflag:s15] =	ssyncset.done $0x0  }
0x41: {  	[sflag:s15] =	ssyncadd.s32 $0xFFFFFF80  }
0x42: {  	s29 =	simm.s32 $0x0;
	[bflag:$0x0] =	sbarrier.arrive $0xFFFF  }
.LBB2_2:
0x43: {  	s2 =	sshll.u32 s29, $0x7  }
0x44: {  	s31 =	sadd.s32 s11, s2  }
0x45: {  	s30 =	sshrl.u32 s31, $0x3  }
0x46: {  	s4 =	simm.s32 $0x0;
	s0 =	sadd.s32 s7, s30  }
0x47: {  	[tilespmem:s4], [sflag:$0x3] =	stream.linear.gather [hbm4b:s0+s4], $0x80, $0x38;
	[tilespmem:$0x8700] =	vst v63  }
0x48: {  	_ =	swait.ge [sflag:s15], $0x80  }
0x49: {  	[sflag:s15] =	ssyncset.done $0x0  }
0x4a: {  	s0 =	sadd.s32 s8, s30;
	[sflag:s15] =	ssyncadd.s32 $0xFFFFFF80  }
0x4b: {  	[tilespmem:s17], [sflag:$0x3] =	stream.linear.gather [hbm4b:s0+s4], $0x80, $0x38;
	[tilespmem:$0x8700] =	vst v63  }
0x4c: {  	_ =	swait.ge [sflag:s15], $0x80  }
0x4d: {  	[sflag:s15] =	ssyncset.done $0x0  }
0x4e: {  	[sflag:s15] =	ssyncadd.s32 $0xFFFFFF80  }
0x4f: {  	[tilespmem:s18], [sflag:$0x1] =	stream.indirect.gather [hbm4b:s5+s17], $0x80, s4, s17, $0xb8;
	[tilespmem:$0x8700] =	vst v63  }
0x50: {  	_ = 	snop  }
0x51: {  	[tilespmem:s19], [sflag:$0x2] =	stream.indirect.gather [hbm4b:s6+s17], $0x80, s17, s17, $0xb8;
	[tilespmem:$0x8700] =	vst v63  }
0x52: {  	_ =	swait.ge [sflag:s20], $0x4000  }
0x53: {  	[sflag:s20] =	ssyncset.done $0x0  }
0x54: {  	[sflag:s20] =	ssyncadd.s32 $0xFFFFC000  }
0x55: {  	_ =	swait.ge [sflag:s21], $0x4000  }
0x56: {  	[sflag:s21] =	ssyncset.done $0x0  }
0x57: {  	[sflag:s21] =	ssyncadd.s32 $0xFFFFC000  }
.LBB2_3:
0x58: {  	v12 =	vld [tilespmem:$0x8100]  }
0x59: {  	v11 =	vld [tilespmem:$0x8110]  }
0x5a: {  	v10 =	vld [tilespmem:$0x8120]  }
0x5b: {  	v9 =	vld [tilespmem:$0x8130]  }
0x5c: {  	v8 =	vld [tilespmem:$0x8140]  }
0x5d: {  	v7 =	vld [tilespmem:$0x8150]  }
0x5e: {  	v6 =	vld [tilespmem:$0x8160]  }
0x5f: {  	s2 =	sshll.u32 s4, $0xB;
	v5 =	vld [tilespmem:$0x8170]  }
0x60: {  	v13 =	vld [tilespmem:s2+$0x100]  }
0x61: {  	v14 =	vld [tilespmem:s2+$0x4100]  }
0x62: {  	v15 =	vld [tilespmem:s2+$0x110]  }
0x63: {  	v16 =	vld [tilespmem:s2+$0x4110]  }
0x64: {  	v17 =	vld [tilespmem:s2+$0x120]  }
0x65: {  	v18 =	vld [tilespmem:s2+$0x4120]  }
0x66: {  	v19 =	vld [tilespmem:s2+$0x130]  }
0x67: {  	v20 =	vld [tilespmem:s2+$0x4130]  }
0x68: {  	v21 =	vld [tilespmem:s2+$0x140]  }
0x69: {  	v22 =	vld [tilespmem:s2+$0x4140]  }
0x6a: {  	v23 =	vld [tilespmem:s2+$0x150]  }
0x6b: {  	v24 =	vld [tilespmem:s2+$0x4150]  }
0x6c: {  	v25 =	vld [tilespmem:s2+$0x160]  }
0x6d: {  	v26 =	vld [tilespmem:s2+$0x4160]  }
0x6e: {  	v27 =	vld [tilespmem:s2+$0x170]  }
0x6f: {  	v28 =	vld [tilespmem:s2+$0x4170]  }
0x70: {  	v29 =	vld [tilespmem:s2+$0x180]  }
0x71: {  	v30 =	vld [tilespmem:s2+$0x4180]  }
0x72: {  	v31 =	vld [tilespmem:s2+$0x190]  }
0x73: {  	v32 =	vld [tilespmem:s2+$0x4190]  }
0x74: {  	v33 =	vld [tilespmem:s2+$0x1A0]  }
0x75: {  	v34 =	vld [tilespmem:s2+$0x41A0]  }
0x76: {  	v59 =	vld [tilespmem:s2+$0x1B0]  }
0x77: {  	v60 =	vld [tilespmem:s2+$0x41B0]  }
0x78: {  	v36 =	vld [tilespmem:s2+$0x1C0]  }
0x79: {  	v61 =	vld [tilespmem:s2+$0x41C0]  }
0x7a: {  	v38 =	vld [tilespmem:s2+$0x1E0]  }
0x7b: {  	v42 =	vld [tilespmem:s2+$0x41E0]  }
0x7c: {  	v19 =	vadd.f32 v20, v19;
	v20 =	vld [tilespmem:s2+$0x41D0]  }
0x7d: {  	v25 =	vadd.f32 v26, v25;
	v26 =	vld [tilespmem:s2+$0x4200]  }
0x7e: {  	v27 =	vadd.f32 v28, v27;
	v28 =	vld [tilespmem:s2+$0x4210]  }
0x7f: {  	v13 =	vadd.f32 v14, v13;
	v48 =	vadd.f32 v30, v29;
	v29 =	vld [tilespmem:s2+$0x220]  }
0x80: {  	v15 =	vadd.f32 v16, v15;
	v31 =	vadd.f32 v32, v31;
	v32 =	vld [tilespmem:s2+$0x4220]  }
0x81: {  	v17 =	vadd.f32 v18, v17;
	v33 =	vadd.f32 v34, v33;
	v34 =	vld [tilespmem:s2+$0x4230]  }
0x82: {  	v21 =	vadd.f32 v22, v21;
	v23 =	vadd.f32 v24, v23;
	v16 =	vld [tilespmem:s2+$0x4240]  }
0x83: {  	v14 =	vadd.f32 v60, v59;
	v24 =	vld [tilespmem:s2+$0x4280];
	v35 =	vmul.f32 $2.000000030e-01, v13;
	v37 =	vmul.f32 $2.000000030e-01, v15  }
0x84: {  	v22 =	vadd.f32 v42, v38;
	v38 =	vld [tilespmem:s2+$0x4320];
	v40 =	vmul.f32 $2.000000030e-01, v17;
	v41 =	vmul.f32 $2.000000030e-01, v19  }
0x85: {  	v18 =	vadd.f32 v61, v36;
	v36 =	vld [tilespmem:s2+$0x410];
	v63 =	vmul.f32 $2.000000030e-01, v21;
	v44 =	vmul.f32 $2.000000030e-01, v23  }
0x86: {  	v46 =	vmul.f32 $2.000000030e-01, v25;
	v49 =	vmul.f32 $2.000000030e-01, v27;
	v13 =	vmax.f32 v13, v35;
	v35 =	vld [tilespmem:s2+$0x1D0]  }
0x87: {  	v51 =	vmul.f32 $2.000000030e-01, v48;
	v55 =	vmul.f32 $2.000000030e-01, v33;
	v17 =	vmax.f32 v17, v40;
	v40 =	vld [tilespmem:s2+$0x41F0]  }
0x88: {  	v52 =	vmul.f32 $2.000000030e-01, v31;
	v58 =	vmul.f32 $2.000000030e-01, v14;
	v15 =	vmax.f32 v15, v37;
	v37 =	vld [tilespmem:s2+$0x230]  }
0x89: {  	v61 =	vmul.f32 $2.000000030e-01, v18;
	v19 =	vmax.f32 v19, v41;
	v30 =	vmax.f32 v33, v55;
	v33 =	vld [tilespmem:s2+$0x4250]  }
0x8a: {  	v21 =	vmax.f32 v21, v63;
	v23 =	vmax.f32 v23, v44;
	v25 =	vmax.f32 v25, v46;
	v63 =	vld [tilespmem:s2+$0x4270]  }
0x8b: {  	v27 =	vmax.f32 v27, v49;
	v54 =	vmax.f32 v31, v52;
	v46 =	vld [tilespmem:s2+$0x4290];
	v13 =	vmul.f32 v13, v12  }
0x8c: {  	v14 =	vmax.f32 v14, v58;
	v15 =	vmul.f32 v15, v11;
	v62 =	vmul.f32 v17, v10;
	v17 =	vld [tilespmem:s2+$0x1F0]  }
0x8d: {  	v18 =	vmax.f32 v18, v61;
	v43 =	vmul.f32 v19, v9;
	v19 =	vld [tilespmem:s2+$0x200];
	v45 =	vmul.f32 v21, v8  }
0x8e: {  	v21 =	vld [tilespmem:s2+$0x210];
	v47 =	vmul.f32 v23, v7;
	v50 =	vmul.f32 v25, v6;
	v23 =	vmax.f32 v48, v51  }
0x8f: {  	v25 =	vld [tilespmem:s2+$0x240];
	v57 =	vmul.f32 v54, v11;
	v56 =	vmul.f32 v23, v12;
	v13 =	vadd.f32 v15, v13  }
0x90: {  	v53 =	vmul.f32 v27, v5;
	v27 =	vld [tilespmem:s2+$0x250];
	v60 =	vmul.f32 v30, v10;
	v29 =	vadd.f32 v32, v29  }
0x91: {  	v42 =	vmul.f32 v18, v8;
	v18 =	vld [tilespmem:s2+$0x280];
	v15 =	vadd.f32 v57, v56;
	v13 =	vadd.f32 v62, v13  }
0x92: {  	v23 =	vld [tilespmem:s2+$0x270];
	v55 =	vmul.f32 $2.000000030e-01, v29;
	v20 =	vadd.f32 v20, v35;
	v34 =	vadd.f32 v34, v37  }
0x93: {  	v31 =	vld [tilespmem:s2+$0x42A0];
	v14 =	vmul.f32 v14, v9;
	v15 =	vadd.f32 v60, v15;
	v17 =	vadd.f32 v40, v17  }
0x94: {  	v30 =	vld [tilespmem:s2+$0x260];
	v29 =	vmax.f32 v29, v55;
	v49 =	vadd.f32 v26, v19;
	v21 =	vadd.f32 v28, v21  }
0x95: {  	v51 =	vld [tilespmem:s2+$0x42B0];
	v16 =	vadd.f32 v16, v25;
	v58 =	vmul.f32 v29, v10;
	v27 =	vadd.f32 v33, v27  }
0x96: {  	v54 =	vld [tilespmem:s2+$0x42C0];
	v18 =	vadd.f32 v24, v18;
	v13 =	vadd.f32 v43, v13;
	v62 =	vmul.f32 $2.000000030e-01, v20  }
0x97: {  	v35 =	vld [tilespmem:s2+$0x4260];
	v43 =	vmul.f32 $2.000000030e-01, v22;
	v57 =	vmul.f32 $2.000000030e-01, v34;
	v23 =	vadd.f32 v63, v23  }
0x98: {  	v28 =	vld [tilespmem:s2+$0x2C0];
	v14 =	vadd.f32 v14, v15;
	v52 =	vmul.f32 $2.000000030e-01, v49;
	v61 =	vmul.f32 $2.000000030e-01, v27  }
0x99: {  	v24 =	vld [tilespmem:s2+$0x320];
	v13 =	vadd.f32 v45, v13;
	v20 =	vmax.f32 v20, v62;
	v22 =	vmax.f32 v22, v43  }
0x9a: {  	v32 =	vld [tilespmem:s2+$0x4370];
	v45 =	vmul.f32 $2.000000030e-01, v17;
	v34 =	vmax.f32 v34, v57;
	v14 =	vadd.f32 v42, v14  }
0x9b: {  	v56 =	vld [tilespmem:s2+$0x42D0];
	v44 =	vmul.f32 v20, v7;
	v15 =	vmax.f32 v49, v52;
	v60 =	vmul.f32 v34, v9  }
0x9c: {  	v29 =	vld [tilespmem:s2+$0x2F0];
	v30 =	vadd.f32 v35, v30;
	v27 =	vmax.f32 v27, v61;
	v13 =	vadd.f32 v47, v13  }
0x9d: {  	v33 =	vld [tilespmem:s2+$0x42F0];
	v47 =	vmul.f32 v22, v6;
	v17 =	vmax.f32 v17, v45;
	v15 =	vmul.f32 v15, v12  }
0x9e: {  	v20 =	vld [tilespmem:s2+$0x290];
	v42 =	vmul.f32 v27, v7;
	v28 =	vadd.f32 v54, v28;
	v24 =	vadd.f32 v38, v24  }
0x9f: {  	v22 =	vld [tilespmem:s2+$0x2A0];
	v14 =	vadd.f32 v44, v14;
	v62 =	vmul.f32 $2.000000030e-01, v30;
	v44 =	vmul.f32 $2.000000030e-01, v23  }
0xa0: {  	v37 =	vld [tilespmem:s2+$0x3F0];
	v48 =	vmul.f32 v17, v5;
	v13 =	vadd.f32 v50, v13;
	v55 =	vmul.f32 $2.000000030e-01, v28  }
0xa1: {  	v17 =	vld [tilespmem:s2+$0x2D0];
	v14 =	vadd.f32 v47, v14;
	v43 =	vmax.f32 v30, v62;
	v23 =	vmax.f32 v23, v44  }
0xa2: {  	v50 =	vld [tilespmem:s2+$0x2B0];
	v44 =	vadd.f32 v33, v29;
	v13 =	vadd.f32 v53, v13;
	v53 =	vmul.f32 $2.000000030e-01, v21  }
0xa3: {  	v25 =	vld [tilespmem:s2+$0x42E0];
	v20 =	vadd.f32 v46, v20;
	v45 =	vmul.f32 v43, v6;
	v46 =	vmul.f32 $2.000000030e-01, v18  }
0xa4: {  	v26 =	vld [tilespmem:s2+$0x4340];
	v27 =	vmax.f32 v28, v55;
	v14 =	vadd.f32 v48, v14;
	v22 =	vadd.f32 v31, v22  }
0xa5: {  	v63 =	vld [tilespmem:s2+$0x4310];
	v48 =	vmul.f32 v23, v5;
	v59 =	vperm.xlane v13, v1;
	v21 =	vmax.f32 v21, v53  }
0xa6: {  	v34 =	vld [tilespmem:s2+$0x300];
	v47 =	vmul.f32 $2.000000030e-01, v20;
	v18 =	vmax.f32 v18, v46;
	v17 =	vadd.f32 v56, v17  }
0xa7: {  	v23 =	vld [tilespmem:s2+$0x340];
	v21 =	vmul.f32 v21, v11;
	v49 =	vmul.f32 $2.000000030e-01, v22;
	v19 =	vadd.f32 v51, v50  }
0xa8: {  	v35 =	vld [tilespmem:s2+$0x4300];
	v50 =	vmul.f32 v18, v12;
	v13 =	vadd.f32 v13, v59;
	v20 =	vmax.f32 v20, v47  }
0xa9: {  	v38 =	vld [tilespmem:s2+$0x3B0];
	v59 =	vmul.f32 $2.000000030e-01, v16;
	v15 =	vadd.f32 v21, v15;
	v51 =	vmul.f32 v20, v11  }
0xaa: {  	v30 =	vld [tilespmem:s2+$0x4350];
	v22 =	vmax.f32 v22, v49;
	v52 =	vmul.f32 $2.000000030e-01, v19;
	v49 =	vmul.f32 $2.000000030e-01, v24  }
0xab: {  	v56 =	vld [tilespmem:s2+$0x4360];
	v41 =	vperm.xlane v13, v2;
	v16 =	vmax.f32 v16, v59;
	v54 =	vmul.f32 v22, v10  }
0xac: {  	v21 =	vld [tilespmem:s2+$0x310];
	v59 =	vmul.f32 v27, v8;
	v23 =	vadd.f32 v26, v23;
	v15 =	vadd.f32 v58, v15  }
0xad: {  	v20 =	vld [tilespmem:s2+$0x350];
	v16 =	vmul.f32 v16, v8;
	v19 =	vmax.f32 v19, v52;
	v58 =	vmul.f32 $2.000000030e-01, v17  }
0xae: {  	v22 =	vld [tilespmem:s2+$0x360];
	v24 =	vmax.f32 v24, v49;
	v13 =	vadd.f32 v13, v41;
	v41 =	vperm.xlane v14, v1  }
0xaf: {  	v33 =	vld [tilespmem:s2+$0x43A0];
	v34 =	vadd.f32 v35, v34;
	v57 =	vmul.f32 v19, v9;
	v24 =	vmul.f32 v24, v10  }
0xb0: {  	v28 =	vld [tilespmem:s2+$0x4380];
	v52 =	vmul.f32 $2.000000030e-01, v23;
	v15 =	vadd.f32 v60, v15;
	v17 =	vmax.f32 v17, v58  }
0xb1: {  	v19 =	vld [tilespmem:s2+$0x370];
	v39 =	vperm.xlane v13, v3;
	v14 =	vadd.f32 v14, v41;
	v63 =	vadd.f32 v63, v21  }
0xb2: {  	v35 =	vld [tilespmem:s2+$0x4390];
	v17 =	vmul.f32 v17, v7;
	v20 =	vadd.f32 v30, v20;
	v15 =	vadd.f32 v16, v15  }
0xb3: {  	v31 =	vld [tilespmem:s2+$0x4330];
	v23 =	vmax.f32 v23, v52;
	v16 =	vadd.f32 v51, v50;
	v22 =	vadd.f32 v56, v22  }
0xb4: {  	v27 =	vld [tilespmem:s2+$0x380];
	v13 =	vadd.f32 v13, v39;
	v41 =	vperm.xlane v14, v2;
	v47 =	vmul.f32 $2.000000030e-01, v63  }
0xb5: {  	v21 =	vld [tilespmem:s2+$0x3A0];
	v55 =	vmul.f32 $2.000000030e-01, v20;
	v15 =	vadd.f32 v42, v15;
	v16 =	vadd.f32 v54, v16  }
0xb6: {  	v26 =	vld [tilespmem:s2+$0x3D0];
	v58 =	vmul.f32 $2.000000030e-01, v22;
	v19 =	vadd.f32 v32, v19;
	v40 =	vperm.xlane v13, v4  }
0xb7: {  	v39 =	vld [tilespmem:s2+$0x330];
	v14 =	vadd.f32 v14, v41;
	v18 =	vmax.f32 v63, v47;
	v20 =	vmax.f32 v20, v55  }
0xb8: {  	v30 =	vld [tilespmem:s2+$0x3E0];
	v15 =	vadd.f32 v45, v15;
	v16 =	vadd.f32 v57, v16;
	v45 =	vmul.f32 $2.000000030e-01, v34  }
0xb9: {  	v18 =	vmul.f32 v18, v11;
	v57 =	vmul.f32 v23, v8;
	v13 =	vadd.f32 v13, v40;
	v40 =	vld [tilespmem:s2+$0x2E0]  }
0xba: {  	v32 =	vld [tilespmem:s2+$0x400];
	v22 =	vmax.f32 v22, v58;
	v21 =	vadd.f32 v33, v21;
	v41 =	vperm.xlane v14, v3  }
0xbb: {  	v23 =	vld [tilespmem:s2+$0x43F0];
	v15 =	vadd.f32 v48, v15;
	v16 =	vadd.f32 v59, v16;
	v29 =	vmax.f32 v34, v45  }
0xbc: {  	v48 =	vmul.f32 $2.000000030e-01, v44;
	v34 =	vld [tilespmem:s2+$0x43B0];
	v31 =	vadd.f32 v31, v39;
	v50 =	vmul.f32 v29, v12  }
0xbd: {  	v59 =	vmul.f32 v20, v7;
	v20 =	vld [tilespmem:s2+$0x4400];
	v14 =	vadd.f32 v14, v41;
	v53 =	vperm.xlane v15, v1  }
0xbe: {  	v39 =	vld [tilespmem:s2+$0x3C0];
	v51 =	vmul.f32 $2.000000030e-01, v31;
	v18 =	vadd.f32 v18, v50;
	v25 =	vadd.f32 v25, v40  }
0xbf: {  	v29 =	vld [tilespmem:s2+$0x43C0];
	v16 =	vadd.f32 v17, v16;
	v42 =	vperm.xlane v14, v4;
	v15 =	vadd.f32 v15, v53  }
0xc0: {  	v33 =	vld [tilespmem:s2+$0x440];
	v31 =	vmax.f32 v31, v51;
	v53 =	vadd.f32 v24, v18;
	v61 =	vmul.f32 $2.000000030e-01, v25  }
0xc1: {  	v41 =	vld [tilespmem:s2+$0x390];
	v54 =	vmul.f32 v31, v9;
	v14 =	vadd.f32 v14, v42;
	v60 =	vperm.xlane v15, v2  }
0xc2: {  	v40 =	vld [tilespmem:s2+$0x4450];
	v34 =	vadd.f32 v34, v38;
	v20 =	vadd.f32 v20, v32;
	v62 =	vmax.f32 v25, v61  }
0xc3: {  	v15 =	vadd.f32 v15, v60;
	v25 =	vld [tilespmem:s2+$0x43D0];
	v60 =	vmul.f32 $2.000000030e-01, v19;
	v17 =	vmul.f32 v62, v6  }
0xc4: {  	v29 =	vadd.f32 v29, v39;
	v13 =	vsel vm0, v13, v14;
	v61 =	vmul.f32 v22, v6;
	v22 =	vld [tilespmem:s2+$0x4410]  }
0xc5: {  	v24 =	vld [tilespmem:s2+$0x43E0];
	v46 =	vperm.xlane v15, v3;
	v19 =	vmax.f32 v19, v60;
	v16 =	vadd.f32 v17, v16  }
0xc6: {  	v31 =	vld [tilespmem:s2+$0x420];
	v17 =	vmax.f32 v44, v48;
	v45 =	vmul.f32 v19, v5;
	v48 =	vadd.f32 v35, v41  }
0xc7: {  	v38 =	vld [tilespmem:s2+$0x450];
	v44 =	vadd.f32 v23, v37;
	v17 =	vmul.f32 v17, v5;
	v15 =	vadd.f32 v15, v46  }
0xc8: {  	v35 =	vld [tilespmem:s2+$0x4430];
	v46 =	vadd.f32 v28, v27;
	v50 =	vmul.f32 $2.000000030e-01, v48;
	v58 =	vadd.f32 v25, v26  }
0xc9: {  	v19 =	vld [tilespmem:s2+$0x4440];
	v22 =	vadd.f32 v22, v36;
	v16 =	vadd.f32 v17, v16;
	v62 =	vperm.xlane v15, v4  }
0xca: {  	v27 =	vld [tilespmem:s2+$0x4420];
	v17 =	vadd.f32 v54, v53;
	v49 =	vmul.f32 $2.000000030e-01, v46;
	v53 =	vmul.f32 $2.000000030e-01, v21  }
0xcb: {  	v28 =	vld [tilespmem:s2+$0x430];
	v54 =	vmul.f32 $2.000000030e-01, v34;
	v14 =	vmax.f32 v48, v50;
	v50 =	vmul.f32 $2.000000030e-01, v22  }
0xcc: {  	v42 =	vld [tilespmem:s2+$0x4480];
	v56 =	vperm.xlane v16, v1;
	v17 =	vadd.f32 v57, v17;
	v47 =	vadd.f32 v15, v62  }
0xcd: {  	v41 =	vld [tilespmem:s2+$0x470];
	v18 =	vmax.f32 v46, v49;
	v14 =	vmul.f32 v14, v11;
	v15 =	vmax.f32 v21, v53  }
0xce: {  	v25 =	vld [tilespmem:s2+$0x4470];
	v21 =	vmax.f32 v34, v54;
	v49 =	vmul.f32 $2.000000030e-01, v20;
	v18 =	vmul.f32 v18, v12  }
0xcf: {  	v32 =	vld [tilespmem:s2+$0x4520];
	v19 =	vadd.f32 v19, v33;
	v15 =	vmul.f32 v15, v10;
	v57 =	vmul.f32 v21, v9  }
0xd0: {  	v39 =	vld [tilespmem:s2+$0x460];
	v27 =	vadd.f32 v27, v31;
	v22 =	vmax.f32 v22, v50;
	v28 =	vadd.f32 v35, v28  }
0xd1: {  	v34 =	vld [tilespmem:s2+$0x480];
	v16 =	vadd.f32 v16, v56;
	v17 =	vadd.f32 v59, v17;
	v56 =	vmul.f32 $2.000000030e-01, v29  }
0xd2: {  	v26 =	vld [tilespmem:s2+$0x4B0];
	v13 =	vsel vm1, v13, v47;
	v47 =	vmul.f32 $2.000000030e-01, v44;
	v53 =	vmul.f32 v22, v11  }
0xd3: {  	v33 =	vld [tilespmem:s2+$0x44D0];
	v50 =	vadd.f32 v25, v41;
	v14 =	vadd.f32 v14, v18;
	v54 =	vmul.f32 $2.000000030e-01, v28  }
0xd4: {  	v31 =	vld [tilespmem:s2+$0x44B0];
	v63 =	vperm.xlane v16, v2;
	v17 =	vadd.f32 v61, v17;
	v29 =	vmax.f32 v29, v56  }
0xd5: {  	v22 =	vld [tilespmem:s2+$0x4D0];
	v61 =	vmul.f32 $2.000000030e-01, v58;
	v21 =	vmax.f32 v44, v47;
	v14 =	vadd.f32 v15, v14  }
0xd6: {  	v18 =	vld [tilespmem:s2+$0x4460];
	v60 =	vmul.f32 v29, v8;
	v21 =	vmul.f32 v21, v5;
	v34 =	vadd.f32 v42, v34  }
0xd7: {  	v23 =	vld [tilespmem:s2+$0x4490];
	v56 =	vmax.f32 v28, v54;
	v16 =	vadd.f32 v16, v63;
	v17 =	vadd.f32 v45, v17  }
0xd8: {  	v36 =	vld [tilespmem:s2+$0x44A0];
	v63 =	vadd.f32 v24, v30;
	v43 =	vmax.f32 v58, v61;
	v58 =	vadd.f32 v40, v38  }
0xd9: {  	v29 =	vld [tilespmem:s2+$0x4A0];
	v26 =	vadd.f32 v31, v26;
	v14 =	vadd.f32 v57, v14;
	v15 =	vmul.f32 v43, v7  }
0xda: {  	v37 =	vld [tilespmem:s2+$0x44E0];
	v57 =	vmul.f32 $2.000000030e-01, v19;
	v22 =	vadd.f32 v33, v22;
	v51 =	vperm.xlane v16, v3  }
0xdb: {  	v35 =	vld [tilespmem:s2+$0x44C0];
	v52 =	vperm.xlane v17, v1;
	v45 =	vmul.f32 $2.000000030e-01, v63;
	v18 =	vadd.f32 v18, v39  }
0xdc: {  	v41 =	vld [tilespmem:s2+$0x4660];
	v61 =	vmul.f32 $2.000000030e-01, v58;
	v14 =	vadd.f32 v60, v14;
	v16 =	vadd.f32 v16, v51  }
0xdd: {  	v28 =	vld [tilespmem:s2+$0x4500];
	v17 =	vadd.f32 v17, v52;
	v48 =	vmax.f32 v63, v45;
	v51 =	vmul.f32 $2.000000030e-01, v27  }
0xde: {  	v24 =	vld [tilespmem:s2+$0x490];
	v44 =	vmax.f32 v58, v61;
	v29 =	vadd.f32 v36, v29;
	v58 =	vmul.f32 $2.000000030e-01, v22  }
0xdf: {  	v38 =	vld [tilespmem:s2+$0x44F0];
	v14 =	vadd.f32 v15, v14;
	v15 =	vmul.f32 v48, v6;
	v45 =	vmul.f32 v44, v7  }
0xe0: {  	v31 =	vld [tilespmem:s2+$0x540];
	v19 =	vmax.f32 v19, v57;
	v55 =	vperm.xlane v16, v4;
	v59 =	vperm.xlane v17, v2  }
0xe1: {  	v36 =	vld [tilespmem:s2+$0x530];
	v27 =	vmax.f32 v27, v51;
	v51 =	vmul.f32 $2.000000030e-01, v34;
	v54 =	vmul.f32 $2.000000030e-01, v29  }
0xe2: {  	v61 =	vmax.f32 v22, v58;
	v62 =	vadd.f32 v17, v59;
	v17 =	vmax.f32 v20, v49;
	v20 =	vld [tilespmem:s2+$0x4C0]  }
0xe3: {  	v14 =	vadd.f32 v15, v14;
	v16 =	vadd.f32 v16, v55;
	v55 =	vmul.f32 v27, v10;
	v27 =	vld [tilespmem:s2+$0x4F0]  }
0xe4: {  	v22 =	vmul.f32 v61, v7;
	v49 =	vadd.f32 v23, v24;
	v23 =	vld [tilespmem:s2+$0x520];
	v52 =	vmul.f32 v17, v12  }
0xe5: {  	v59 =	vmul.f32 v56, v9;
	v25 =	vmax.f32 v34, v51;
	v34 =	vld [tilespmem:s2+$0x4530];
	v14 =	vadd.f32 v21, v14  }
0xe6: {  	v56 =	vld [tilespmem:s2+$0x4540];
	v29 =	vmax.f32 v29, v54;
	v46 =	vperm.xlane v62, v3;
	v15 =	vadd.f32 v53, v52  }
0xe7: {  	v42 =	vld [tilespmem:s2+$0x4580];
	v13 =	vsel vm2, v13, v16;
	v60 =	vperm.xlane v14, v1;
	v52 =	vmul.f32 $2.000000030e-01, v49  }
0xe8: {  	v21 =	vld [tilespmem:s2+$0x4E0];
	v53 =	vmul.f32 $2.000000030e-01, v50;
	v16 =	vadd.f32 v62, v46;
	v15 =	vadd.f32 v55, v15  }
0xe9: {  	v40 =	vld [tilespmem:s2+$0x510];
	v62 =	vmul.f32 v19, v8;
	v30 =	vadd.f32 v14, v60;
	v20 =	vadd.f32 v35, v20  }
0xea: {  	v33 =	vld [tilespmem:s2+$0x4650];
	v46 =	vmul.f32 $2.000000030e-01, v18;
	v27 =	vadd.f32 v38, v27;
	v23 =	vadd.f32 v32, v23  }
0xeb: {  	v39 =	vld [tilespmem:s2+$0x4510];
	v55 =	vmul.f32 v25, v12;
	v34 =	vadd.f32 v34, v36;
	v25 =	vadd.f32 v56, v31  }
0xec: {  	v19 =	vld [tilespmem:s2+$0x500];
	v63 =	vperm.xlane v16, v4;
	v48 =	vmax.f32 v18, v46;
	v18 =	vmax.f32 v49, v52  }
0xed: {  	v38 =	vld [tilespmem:s2+$0x5B0];
	v21 =	vadd.f32 v37, v21;
	v47 =	vperm.xlane v30, v2;
	v17 =	vmul.f32 v48, v6  }
0xee: {  	v36 =	vld [tilespmem:s2+$0x45B0];
	v15 =	vadd.f32 v59, v15;
	v18 =	vmul.f32 v18, v11;
	v44 =	vmul.f32 $2.000000030e-01, v20  }
0xef: {  	v35 =	vld [tilespmem:s2+$0x550];
	v52 =	vmul.f32 $2.000000030e-01, v27;
	v54 =	vmul.f32 $2.000000030e-01, v34;
	v14 =	vadd.f32 v16, v63  }
0xf0: {  	v32 =	vld [tilespmem:s2+$0x45A0];
	v63 =	vmul.f32 v29, v10;
	v15 =	vadd.f32 v62, v15;
	v16 =	vadd.f32 v30, v47  }
0xf1: {  	v37 =	vld [tilespmem:s2+$0x4570];
	v62 =	vmul.f32 $2.000000030e-01, v26;
	v18 =	vadd.f32 v18, v55;
	v57 =	vmax.f32 v20, v44  }
0xf2: {  	v48 =	vld [tilespmem:s2+$0x4560];
	v19 =	vadd.f32 v28, v19;
	v34 =	vmax.f32 v34, v54;
	v59 =	vmul.f32 v57, v8  }
0xf3: {  	v29 =	vld [tilespmem:s2+$0x4550];
	v57 =	vmul.f32 $2.000000030e-01, v25;
	v36 =	vadd.f32 v36, v38;
	v13 =	vsel vm3, v13, v14  }
0xf4: {  	v20 =	vld [tilespmem:s2+$0x580];
	v15 =	vadd.f32 v45, v15;
	v26 =	vmax.f32 v26, v62;
	v46 =	vperm.xlane v16, v3  }
0xf5: {  	v28 =	vld [tilespmem:s2+$0x590];
	v18 =	vadd.f32 v63, v18;
	v62 =	vmul.f32 $2.000000030e-01, v21;
	v63 =	vadd.f32 v39, v40  }
0xf6: {  	v44 =	vld [tilespmem:s2+$0x4590];
	v49 =	vmul.f32 $2.000000030e-01, v19;
	v47 =	vmul.f32 v26, v9;
	v25 =	vmax.f32 v25, v57  }
0xf7: {  	v30 =	vld [tilespmem:s2+$0x570];
	v54 =	vmul.f32 $2.000000030e-01, v36;
	v15 =	vadd.f32 v17, v15;
	v17 =	vmax.f32 v50, v53  }
0xf8: {  	v45 =	vld [tilespmem:s2+$0x560];
	v21 =	vmax.f32 v21, v62;
	v51 =	vmul.f32 $2.000000030e-01, v63;
	v19 =	vmax.f32 v19, v49  }
0xf9: {  	v39 =	vld [tilespmem:s2+$0x5A0];
	v53 =	vmul.f32 $2.000000030e-01, v23;
	v29 =	vadd.f32 v29, v35;
	v62 =	vmul.f32 v25, v8  }
0xfa: {  	v58 =	vld [tilespmem:s2+$0x45D0];
	v17 =	vmul.f32 v17, v5;
	v18 =	vadd.f32 v47, v18;
	v21 =	vmul.f32 v21, v6  }
0xfb: {  	v31 =	vld [tilespmem:s2+$0x4630];
	v19 =	vmul.f32 v19, v12;
	v20 =	vadd.f32 v42, v20;
	v24 =	vadd.f32 v44, v28  }
0xfc: {  	v30 =	vadd.f32 v37, v30;
	v37 =	vld [tilespmem:s2+$0x630];
	v23 =	vmax.f32 v23, v53;
	v17 =	vadd.f32 v17, v15  }
0xfd: {  	v61 =	vld [tilespmem:s2+$0x45E0];
	v15 =	vadd.f32 v16, v46;
	v18 =	vadd.f32 v59, v18;
	v56 =	vmul.f32 v23, v10  }
0xfe: {  	v55 =	vld [tilespmem:s2+$0x45C0];
	v59 =	vmul.f32 v34, v9;
	v26 =	vadd.f32 v48, v45;
	v32 =	vadd.f32 v32, v39  }
0xff: {  	v23 =	vld [tilespmem:s2+$0x5D0];
	v60 =	vperm.xlane v17, v1;
	v16 =	vperm.xlane v15, v4;
	v18 =	vadd.f32 v22, v18  }
0x100: {  	v34 =	vld [tilespmem:s2+$0x610];
	v22 =	vmax.f32 v63, v51;
	v46 =	vmul.f32 $2.000000030e-01, v26;
	v53 =	vmul.f32 $2.000000030e-01, v32  }
0x101: {  	v39 =	vld [tilespmem:s2+$0x4610];
	v22 =	vmul.f32 v22, v11;
	v31 =	vadd.f32 v31, v37;
	v17 =	vadd.f32 v17, v60  }
0x102: {  	v38 =	vld [tilespmem:s2+$0x4620];
	v18 =	vadd.f32 v21, v18;
	v21 =	vmax.f32 v27, v52;
	v60 =	vmul.f32 $2.000000030e-01, v29  }
0x103: {  	v47 =	vld [tilespmem:s2+$0x45F0];
	v26 =	vmax.f32 v26, v46;
	v52 =	vmul.f32 $2.000000030e-01, v24;
	v15 =	vadd.f32 v15, v16  }
0x104: {  	v63 =	vld [tilespmem:s2+$0x5F0];
	v21 =	vmul.f32 v21, v5;
	v19 =	vadd.f32 v22, v19;
	v49 =	vmul.f32 v26, v6  }
0x105: {  	v40 =	vld [tilespmem:s2+$0x4690];
	v26 =	vmax.f32 v32, v53;
	v32 =	vmax.f32 v36, v54;
	v23 =	vadd.f32 v58, v23  }
0x106: {  	v27 =	vld [tilespmem:s2+$0x5C0];
	v53 =	vadd.f32 v39, v34;
	v50 =	vperm.xlane v17, v2;
	v29 =	vmax.f32 v29, v60  }
0x107: {  	v22 =	vld [tilespmem:s2+$0x5E0];
	v24 =	vmax.f32 v24, v52;
	v58 =	vmul.f32 v32, v9;
	v13 =	vsel vm4, v13, v15  }
0x108: {  	v35 =	vld [tilespmem:s2+$0x4640];
	v18 =	vadd.f32 v21, v18;
	v19 =	vadd.f32 v56, v19;
	v48 =	vmul.f32 v29, v7  }
0x109: {  	v28 =	vld [tilespmem:s2+$0x4600];
	v24 =	vmul.f32 v24, v11;
	v56 =	vmul.f32 v26, v10;
	v25 =	vadd.f32 v47, v63  }
0x10a: {  	v32 =	vld [tilespmem:s2+$0x650];
	v17 =	vadd.f32 v17, v50;
	v50 =	vmul.f32 $2.000000030e-01, v20;
	v19 =	vadd.f32 v59, v19  }
0x10b: {  	v29 =	vld [tilespmem:s2+$0x600];
	v45 =	vperm.xlane v18, v1;
	v27 =	vadd.f32 v55, v27;
	v55 =	vmul.f32 $2.000000030e-01, v30  }
0x10c: {  	v21 =	vld [tilespmem:s2+$0x620];
	v59 =	vmul.f32 $2.000000030e-01, v23;
	v51 =	vperm.xlane v17, v3;
	v22 =	vadd.f32 v61, v22  }
0x10d: {  	v26 =	vld [tilespmem:s2+$0x640];
	v20 =	vmax.f32 v20, v50;
	v19 =	vadd.f32 v62, v19;
	v18 =	vadd.f32 v18, v45  }
0x10e: {  	v42 =	vld [tilespmem:s2+$0x4700];
	v20 =	vmul.f32 v20, v12;
	v57 =	vmul.f32 $2.000000030e-01, v27;
	v30 =	vmax.f32 v30, v55  }
0x10f: {  	v37 =	vld [tilespmem:s2+$0x46D0];
	v23 =	vmax.f32 v23, v59;
	v62 =	vmul.f32 $2.000000030e-01, v25;
	v59 =	vmul.f32 $2.000000030e-01, v31  }
0x110: {  	v36 =	vld [tilespmem:s2+$0x4670];
	v32 =	vadd.f32 v33, v32;
	v30 =	vmul.f32 v30, v5;
	v17 =	vadd.f32 v17, v51  }
0x111: {  	v39 =	vld [tilespmem:s2+$0x6C0];
	v61 =	vmul.f32 $2.000000030e-01, v22;
	v28 =	vadd.f32 v28, v29;
	v21 =	vadd.f32 v38, v21  }
0x112: {  	v34 =	vld [tilespmem:s2+$0x6E0];
	v23 =	vmul.f32 v23, v7;
	v26 =	vadd.f32 v35, v26;
	v19 =	vadd.f32 v48, v19  }
0x113: {  	v33 =	vld [tilespmem:s2+$0x46F0];
	v43 =	vperm.xlane v18, v2;
	v27 =	vmax.f32 v27, v57;
	v25 =	vmax.f32 v25, v62  }
0x114: {  	v29 =	vld [tilespmem:s2+$0x6B0];
	v20 =	vadd.f32 v24, v20;
	v60 =	vmul.f32 v27, v8;
	v46 =	vmul.f32 v25, v5  }
0x115: {  	v35 =	vld [tilespmem:s2+$0x46E0];
	v22 =	vmax.f32 v22, v61;
	v47 =	vperm.xlane v17, v4;
	v55 =	vmul.f32 $2.000000030e-01, v28  }
0x116: {  	v24 =	vld [tilespmem:s2+$0x670];
	v61 =	vmul.f32 $2.000000030e-01, v26;
	v19 =	vadd.f32 v49, v19;
	v20 =	vadd.f32 v56, v20  }
0x117: {  	v38 =	vld [tilespmem:s2+$0x46C0];
	v18 =	vadd.f32 v18, v43;
	v22 =	vmul.f32 v22, v6;
	v56 =	vmul.f32 $2.000000030e-01, v53  }
0x118: {  	v27 =	vld [tilespmem:s2+$0x660];
	v49 =	vadd.f32 v17, v47;
	v26 =	vmax.f32 v26, v61;
	v20 =	vadd.f32 v58, v20  }
0x119: {  	v25 =	vld [tilespmem:s2+$0x690];
	v19 =	vadd.f32 v30, v19;
	v45 =	vperm.xlane v18, v3;
	v15 =	vmax.f32 v53, v56  }
0x11a: {  	v17 =	vld [tilespmem:s2+$0x46A0];
	v58 =	vmul.f32 $2.000000030e-01, v21;
	v44 =	vadd.f32 v35, v34;
	v13 =	vsel vm5, v13, v49  }
0x11b: {  	v30 =	vld [tilespmem:s2+$0x4680];
	v15 =	vmul.f32 v15, v11;
	v24 =	vadd.f32 v36, v24;
	v20 =	vadd.f32 v60, v20  }
0x11c: {  	v49 =	vld [tilespmem:s2+$0x4710];
	v63 =	vperm.xlane v19, v1;
	v18 =	vadd.f32 v18, v45;
	v16 =	vmax.f32 v21, v58  }
0x11d: {  	v21 =	vmax.f32 v31, v59;
	v45 =	vmul.f32 $2.000000030e-01, v32;
	v20 =	vadd.f32 v23, v20;
	v23 =	vld [tilespmem:s2+$0x680]  }
0x11e: {  	v47 =	vadd.f32 v41, v27;
	v27 =	vld [tilespmem:s2+$0x710];
	v19 =	vadd.f32 v19, v63;
	v50 =	vperm.xlane v18, v4  }
0x11f: {  	v25 =	vadd.f32 v40, v25;
	v16 =	vmul.f32 v16, v10;
	v20 =	vadd.f32 v22, v20;
	v22 =	vld [tilespmem:s2+$0x6A0]  }
0x120: {  	v63 =	vmul.f32 v21, v9;
	v48 =	vperm.xlane v19, v2;
	v52 =	vadd.f32 v18, v50;
	v18 =	vld [tilespmem:s2+$0x46B0]  }
0x121: {  	v43 =	vld [tilespmem:s2+$0x720];
	v31 =	vmax.f32 v32, v45;
	v56 =	vmul.f32 $2.000000030e-01, v25;
	v20 =	vadd.f32 v46, v20  }
0x122: {  	v50 =	vmul.f32 v31, v7;
	v31 =	vld [tilespmem:s2+$0x4730];
	v14 =	vadd.f32 v19, v48;
	v53 =	vadd.f32 v30, v23  }
0x123: {  	v27 =	vadd.f32 v49, v27;
	v46 =	vmul.f32 v26, v8;
	v26 =	vld [tilespmem:s2+$0x730];
	v51 =	vperm.xlane v20, v1  }
0x124: {  	v34 =	vld [tilespmem:s2+$0x780];
	v54 =	vperm.xlane v14, v3;
	v30 =	vmul.f32 $2.000000030e-01, v53;
	v17 =	vadd.f32 v17, v22  }
0x125: {  	v21 =	vld [tilespmem:s2+$0x700];
	v18 =	vadd.f32 v18, v29;
	v19 =	vadd.f32 v20, v51;
	v20 =	vmax.f32 v28, v55  }
0x126: {  	v14 =	vadd.f32 v14, v54;
	v28 =	vld [tilespmem:s2+$0x6D0];
	v51 =	vmul.f32 $2.000000030e-01, v47;
	v20 =	vmul.f32 v20, v12  }
0x127: {  	v13 =	vsel vm6, v13, v52;
	v54 =	vld [tilespmem:s2+$0x4720];
	v58 =	vmul.f32 $2.000000030e-01, v17;
	v59 =	vmul.f32 $2.000000030e-01, v18  }
0x128: {  	v32 =	vld [tilespmem:s2+$0x7F0];
	v26 =	vadd.f32 v31, v26;
	v57 =	vperm.xlane v19, v2;
	v62 =	vperm.xlane v14, v4  }
0x129: {  	v49 =	vld [tilespmem:s2+$0x790];
	v55 =	vmax.f32 v47, v51;
	v15 =	vadd.f32 v15, v20;
	v17 =	vmax.f32 v17, v58  }
0x12a: {  	v22 =	vld [tilespmem:s2+$0x740];
	v18 =	vmax.f32 v18, v59;
	v19 =	vadd.f32 v19, v57;
	v14 =	vadd.f32 v14, v62  }
0x12b: {  	v20 =	vld [tilespmem:s2+$0x6F0];
	v57 =	vmul.f32 $2.000000030e-01, v24;
	v17 =	vmul.f32 v17, v10;
	v15 =	vadd.f32 v16, v15  }
0x12c: {  	v29 =	vld [tilespmem:s2+$0x750];
	v16 =	vmul.f32 v55, v6;
	v28 =	vadd.f32 v37, v28;
	v23 =	vadd.f32 v54, v43  }
0x12d: {  	v47 =	vld [tilespmem:s2+$0x4780];
	v60 =	vperm.xlane v19, v3;
	v13 =	vsel vm7, v13, v14;
	v14 =	vmax.f32 v25, v56  }
0x12e: {  	v59 =	vld [tilespmem:s2+$0x7B0];
	v15 =	vadd.f32 v63, v15;
	v14 =	vmul.f32 v14, v11;
	v63 =	vmul.f32 v18, v9  }
0x12f: {  	v37 =	vld [tilespmem:s2+$0x770];
	v58 =	vmul.f32 $2.000000030e-01, v23;
	v19 =	vadd.f32 v19, v60;
	v60 =	vadd.f32 v38, v39  }
0x130: {  	v54 =	vld [tilespmem:s2+$0x7A0];
	v41 =	vmul.f32 $2.000000030e-01, v28;
	v20 =	vadd.f32 v33, v20;
	v15 =	vadd.f32 v46, v15  }
0x131: {  	v43 =	vld [tilespmem:s2+$0x47D0];
	v46 =	vadd.f32 v42, v21;
	v23 =	vmax.f32 v23, v58;
	v48 =	vperm.xlane v19, v4  }
0x132: {  	v56 =	vld [tilespmem:s2+$0x47A0];
	v21 =	vadd.f32 v47, v34;
	v61 =	vmul.f32 $2.000000030e-01, v60;
	v33 =	vmul.f32 $2.000000030e-01, v20  }
0x133: {  	v38 =	vld [tilespmem:s2+$0x760];
	v23 =	vmul.f32 v23, v10;
	v15 =	vadd.f32 v50, v15;
	v51 =	vmul.f32 $2.000000030e-01, v46  }
0x134: {  	v39 =	vld [tilespmem:s2+$0x4760];
	v52 =	vadd.f32 v19, v48;
	v19 =	vmax.f32 v53, v30;
	v48 =	vmul.f32 $2.000000030e-01, v44  }
0x135: {  	v42 =	vld [tilespmem:s2+$0x7D0];
	v40 =	vmax.f32 v60, v61;
	v53 =	vmul.f32 $2.000000030e-01, v27;
	v61 =	vmul.f32 $2.000000030e-01, v26  }
0x136: {  	v34 =	vld [tilespmem:s2+$0x47F0];
	v20 =	vmax.f32 v20, v33;
	v15 =	vadd.f32 v16, v15;
	v16 =	vmax.f32 v24, v57  }
0x137: {  	v30 =	vld [tilespmem:s2+$0x4740];
	v19 =	vmul.f32 v19, v12;
	v45 =	vmul.f32 v40, v8;
	v18 =	vmax.f32 v46, v51  }
0x138: {  	v60 =	vld [tilespmem:s2+$0x47B0];
	v20 =	vmul.f32 v20, v5;
	v13 =	vsel vm8, v13, v52;
	v16 =	vmul.f32 v16, v5  }
0x139: {  	v24 =	vld [tilespmem:s2+$0x4750];
	v25 =	vmax.f32 v44, v48;
	v57 =	vmax.f32 v27, v53;
	v18 =	vmul.f32 v18, v12  }
0x13a: {  	v58 =	vld [tilespmem:s2+$0x4810];
	v40 =	vmax.f32 v26, v61;
	v48 =	vadd.f32 v39, v38;
	v19 =	vadd.f32 v14, v19  }
0x13b: {  	v52 =	vld [tilespmem:s2+$0x4790];
	v55 =	vmul.f32 v25, v6;
	v25 =	vmul.f32 v57, v11;
	v14 =	vadd.f32 v16, v15  }
0x13c: {  	v33 =	vld [tilespmem:s2+$0x860];
	v16 =	vmul.f32 v40, v9;
	v62 =	vadd.f32 v17, v19;
	v22 =	vadd.f32 v30, v22  }
0x13d: {  	v51 =	vld [tilespmem:s2+$0x800];
	v19 =	vmax.f32 v28, v41;
	v18 =	vadd.f32 v25, v18;
	v28 =	vadd.f32 v60, v59  }
0x13e: {  	v53 =	vld [tilespmem:s2+$0x4800];
	v50 =	vmul.f32 v19, v7;
	v24 =	vadd.f32 v24, v29;
	v19 =	vadd.f32 v56, v54  }
0x13f: {  	v61 =	vld [tilespmem:s2+$0x4820];
	v15 =	vadd.f32 v63, v62;
	v41 =	vmul.f32 $2.000000030e-01, v22;
	v18 =	vadd.f32 v23, v18  }
0x140: {  	v17 =	vld [tilespmem:s2+$0x4770];
	v47 =	vadd.f32 v52, v49;
	v49 =	vmul.f32 $2.000000030e-01, v21;
	v52 =	vmul.f32 $2.000000030e-01, v48  }
0x141: {  	v60 =	vld [tilespmem:s2+$0x820];
	v59 =	vmul.f32 $2.000000030e-01, v28;
	v23 =	vadd.f32 v43, v42;
	v46 =	vmul.f32 $2.000000030e-01, v24  }
0x142: {  	v62 =	vld [tilespmem:s2+$0x7C0];
	v54 =	vmul.f32 $2.000000030e-01, v19;
	v15 =	vadd.f32 v45, v15;
	v22 =	vmax.f32 v22, v41  }
0x143: {  	v63 =	vld [tilespmem:s2+$0x47C0];
	v16 =	vadd.f32 v16, v18;
	v21 =	vmax.f32 v21, v49;
	v18 =	vmax.f32 v48, v52  }
0x144: {  	v26 =	vld [tilespmem:s2+$0x7E0];
	v28 =	vmax.f32 v28, v59;
	v41 =	vadd.f32 v53, v51;
	v43 =	vmul.f32 $2.000000030e-01, v23  }
0x145: {  	v45 =	vld [tilespmem:s2+$0x47E0];
	v44 =	vmul.f32 v22, v8;
	v56 =	vmul.f32 v21, v12;
	v19 =	vmax.f32 v19, v54  }
0x146: {  	v39 =	vld [tilespmem:s2+$0x4830];
	v18 =	vmul.f32 v18, v6;
	v17 =	vadd.f32 v17, v37;
	v21 =	vadd.f32 v61, v60  }
0x147: {  	v52 =	vld [tilespmem:s2+$0x4860];
	v38 =	vmul.f32 v28, v9;
	v54 =	vadd.f32 v34, v32;
	v15 =	vadd.f32 v50, v15  }
0x148: {  	v42 =	vld [tilespmem:s2+$0x840];
	v50 =	vmul.f32 $2.000000030e-01, v47;
	v19 =	vmul.f32 v19, v10;
	v25 =	vadd.f32 v63, v62  }
0x149: {  	v48 =	vld [tilespmem:s2+$0x4850];
	v16 =	vadd.f32 v44, v16;
	v51 =	vmul.f32 $2.000000030e-01, v17;
	v60 =	vmul.f32 $2.000000030e-01, v54  }
0x14a: {  	v44 =	vld [tilespmem:s2+$0x4840];
	v15 =	vadd.f32 v55, v15;
	v62 =	vmul.f32 $2.000000030e-01, v25;
	v22 =	vadd.f32 v45, v26  }
0x14b: {  	v59 =	vld [tilespmem:s2+$0x4880];
	v45 =	vmul.f32 $2.000000030e-01, v41;
	v17 =	vmax.f32 v17, v51;
	v36 =	vmax.f32 v54, v60  }
0x14c: {  	v55 =	vld [tilespmem:s2+$0x810];
	v52 =	vadd.f32 v52, v33;
	v15 =	vadd.f32 v20, v15;
	v20 =	vmax.f32 v24, v46  }
0x14d: {  	v63 =	vld [tilespmem:s2+$0x830];
	v24 =	vmax.f32 v47, v50;
	v47 =	vmax.f32 v23, v43;
	v17 =	vmul.f32 v17, v5  }
0x14e: {  	v61 =	vld [tilespmem:s2+$0x890];
	v20 =	vmul.f32 v20, v7;
	v57 =	vmul.f32 v24, v11;
	v40 =	vmax.f32 v25, v62  }
0x14f: {  	v46 =	vld [tilespmem:s2+$0x850];
	v49 =	vmul.f32 $2.000000030e-01, v22;
	v25 =	vmax.f32 v41, v45;
	v28 =	vadd.f32 v44, v42  }
0x150: {  	v37 =	vld [tilespmem:s2+$0x8A0];
	v53 =	vmul.f32 v25, v12;
	v16 =	vadd.f32 v20, v16;
	v20 =	vadd.f32 v57, v56  }
0x151: {  	v51 =	vld [tilespmem:s2+$0x48D0];
	v24 =	vadd.f32 v58, v55;
	v22 =	vmax.f32 v22, v49;
	v55 =	vmul.f32 $2.000000030e-01, v21  }
0x152: {  	v56 =	vld [tilespmem:s2+$0x880];
	v58 =	vadd.f32 v39, v63;
	v57 =	vmul.f32 v22, v6;
	v19 =	vadd.f32 v19, v20  }
0x153: {  	v39 =	vld [tilespmem:s2+$0x48A0];
	v16 =	vadd.f32 v18, v16;
	v18 =	vmul.f32 v40, v8;
	v50 =	vmul.f32 $2.000000030e-01, v24  }
0x154: {  	v44 =	vld [tilespmem:s2+$0x8C0];
	v21 =	vmax.f32 v21, v55;
	v62 =	vmul.f32 $2.000000030e-01, v58;
	v20 =	vadd.f32 v48, v46  }
0x155: {  	v63 =	vld [tilespmem:s2+$0x4890];
	v21 =	vmul.f32 v21, v10;
	v19 =	vadd.f32 v38, v19;
	v24 =	vmax.f32 v24, v50  }
0x156: {  	v46 =	vld [tilespmem:s2+$0x48C0];
	v22 =	vmax.f32 v58, v62;
	v38 =	vmul.f32 $2.000000030e-01, v28;
	v43 =	vmul.f32 $2.000000030e-01, v20  }
0x157: {  	v48 =	vld [tilespmem:s2+$0x8D0];
	v16 =	vadd.f32 v17, v16;
	v24 =	vmul.f32 v24, v11;
	v22 =	vmul.f32 v22, v9  }
0x158: {  	v41 =	vld [tilespmem:s2+$0x48B0];
	v27 =	vadd.f32 v59, v56;
	v50 =	vadd.f32 v39, v37;
	v56 =	vmul.f32 $2.000000030e-01, v52  }
0x159: {  	v40 =	vld [tilespmem:s2+$0x8B0];
	v18 =	vadd.f32 v18, v19;
	v19 =	vmul.f32 v47, v7;
	v20 =	vmax.f32 v20, v43  }
0x15a: {  	v23 =	vadd.f32 v24, v53;
	v45 =	vmul.f32 $2.000000030e-01, v27;
	v24 =	vadd.f32 v63, v61  }
0x15b: {  	v20 =	vmul.f32 v20, v7;
	v54 =	vmul.f32 $2.000000030e-01, v50;
	v29 =	vadd.f32 v46, v44  }
0x15c: {  	v25 =	vld [tilespmem:s2+$0x870];
	v60 =	vadd.f32 v51, v48;
	v18 =	vadd.f32 v19, v18;
	v19 =	vmul.f32 v36, v5  }
0x15d: {  	v55 =	vld [tilespmem:s2+$0x8E0];
	v21 =	vadd.f32 v21, v23;
	v23 =	vmax.f32 v28, v38;
	v49 =	vmul.f32 $2.000000030e-01, v24  }
0x15e: {  	v53 =	vld [tilespmem:s2+$0x4870];
	v17 =	vmax.f32 v27, v45;
	v28 =	vadd.f32 v41, v40;
	v63 =	vmul.f32 $2.000000030e-01, v29  }
0x15f: {  	v59 =	vld [tilespmem:s2+$0x8F0];
	v41 =	vperm.xlane v14, v1;
	v21 =	vadd.f32 v22, v21;
	v22 =	vmax.f32 v24, v49  }
0x160: {  	v18 =	vadd.f32 v57, v18;
	v12 =	vmul.f32 v17, v12;
	v57 =	vld [tilespmem:s2+$0x48E0];
	v11 =	vmul.f32 v22, v11  }
0x161: {  	v61 =	vld [tilespmem:s2+$0x48F0];
	v42 =	vmul.f32 v23, v8;
	v23 =	vmax.f32 v50, v54;
	v58 =	vmul.f32 $2.000000030e-01, v28  }
0x162: {  	v10 =	vmul.f32 v23, v10;
	v29 =	vmax.f32 v29, v63;
	v11 =	vadd.f32 v11, v12  }
0x163: {  	v18 =	vadd.f32 v19, v18;
	v17 =	vadd.f32 v53, v25;
	v62 =	vmax.f32 v28, v58  }
0x164: {  	v8 =	vmul.f32 v29, v8;
	v9 =	vmul.f32 v62, v9;
	v10 =	vadd.f32 v10, v11  }
0x165: {  	v47 =	vadd.f32 v42, v21;
	v28 =	vmul.f32 $2.000000030e-01, v60;
	v22 =	vadd.f32 v57, v55  }
0x166: {  	v34 =	vadd.f32 v61, v59;
	v36 =	vmul.f32 $2.000000030e-01, v17;
	v9 =	vadd.f32 v9, v10  }
0x167: {  	v19 =	vadd.f32 v20, v47;
	v32 =	vmax.f32 v60, v28;
	v35 =	vmul.f32 $2.000000030e-01, v22  }
0x168: {  	v20 =	vmax.f32 v52, v56;
	v7 =	vmul.f32 v32, v7;
	v8 =	vadd.f32 v8, v9  }
0x169: {  	v39 =	vmul.f32 $2.000000030e-01, v34;
	v33 =	vmul.f32 v20, v6;
	v38 =	vmax.f32 v22, v35  }
0x16a: {  	v9 =	vmax.f32 v17, v36;
	v6 =	vmul.f32 v38, v6;
	v7 =	vadd.f32 v7, v8  }
0x16b: {  	v40 =	vmax.f32 v34, v39;
	v37 =	vadd.f32 v33, v19;
	v9 =	vmul.f32 v9, v5  }
0x16c: {  	v5 =	vmul.f32 v40, v5;
	v6 =	vadd.f32 v6, v7;
	v7 =	vperm.xlane v15, v1  }
0x16d: {  	v43 =	vperm.xlane v16, v1;
	v42 =	vadd.f32 v14, v41;
	v9 =	vadd.f32 v9, v37  }
0x16e: {  	v44 =	vperm.xlane v18, v1;
	v7 =	vadd.f32 v15, v7;
	v5 =	vadd.f32 v5, v6  }
0x16f: {  	v11 =	vadd.f32 v16, v43;
	v45 =	vperm.xlane v9, v1;
	v6 =	vperm.xlane v42, v2  }
0x170: {  	v10 =	vadd.f32 v18, v44;
	v46 =	vperm.xlane v7, v2;
	v47 =	vperm.xlane v5, v1  }
0x171: {  	v48 =	vperm.xlane v11, v2;
	v9 =	vadd.f32 v9, v45;
	v6 =	vadd.f32 v42, v6  }
0x172: {  	v49 =	vperm.xlane v10, v2;
	v7 =	vadd.f32 v7, v46;
	v5 =	vadd.f32 v5, v47  }
0x173: {  	v8 =	vadd.f32 v11, v48;
	v51 =	vperm.xlane v9, v2;
	v50 =	vperm.xlane v6, v3  }
0x174: {  	v10 =	vadd.f32 v10, v49;
	v52 =	vperm.xlane v7, v3;
	v53 =	vperm.xlane v5, v2  }
0x175: {  	v54 =	vperm.xlane v8, v3;
	v9 =	vadd.f32 v9, v51;
	v6 =	vadd.f32 v6, v50  }
0x176: {  	v55 =	vperm.xlane v10, v3;
	v7 =	vadd.f32 v7, v52;
	v5 =	vadd.f32 v5, v53  }
0x177: {  	v8 =	vadd.f32 v8, v54;
	v57 =	vperm.xlane v9, v3;
	v56 =	vperm.xlane v6, v4  }
0x178: {  	v10 =	vadd.f32 v10, v55;
	v15 =	vperm.xlane v7, v4;
	v58 =	vperm.xlane v5, v3  }
0x179: {  	v59 =	vperm.xlane v8, v4;
	v9 =	vadd.f32 v9, v57;
	v6 =	vadd.f32 v6, v56  }
0x17a: {  	v60 =	vperm.xlane v10, v4;
	v7 =	vadd.f32 v7, v15;
	v5 =	vadd.f32 v5, v58  }
0x17b: {  	v8 =	vadd.f32 v8, v59;
	v61 =	vperm.xlane v9, v4;
	v6 =	vsel vm9, v13, v6  }
0x17c: {  	v6 =	vsel vm10, v6, v7;
	v7 =	vadd.f32 v10, v60;
	v62 =	vperm.xlane v5, v4  }
0x17d: {  	v63 =	vadd.f32 v9, v61;
	v6 =	vsel vm11, v6, v8  }
0x17e: {  	v6 =	vsel vm12, v6, v7;
	v5 =	vadd.f32 v5, v62  }
0x17f: {  	v6 =	vsel vm13, v6, v63  }
0x180: {  	v5 =	vsel vm14, v6, v5  }
0x181: {  	v5 =	vmul.f32 $1.442695020e+00, v5;
	_ =	sdelay $0x1  }
0x182: {  	(erf) = vpow2.f32 v5;
	_ =	sdelay $0x6  }
0x183: {  	s2 =	sshll.u32 s4, $0x4  }
0x184: {  	s0 =	sor.u32 s31, s2  }
0x185: {  	p0 =	slt.u32 s0, $0x50910;
	v5 =	vpop (erf)  }
0x186: {  	v5 =	vpsel !p0, $0x0, v5;
	p0 =	sne.s32 s4, $0x7  }
.Ltmp0:
0x187: {  	_ = 	snop;
	(pc) =	sbr.rel @p0 .LBB2_3-.Ltmp0, $2  }
0x188: {  	_ =	sdelay $0x2  }
0x189: {  	s4 =	sadd.s32 $0x1, s4;
	[tilespmem:s2+$0x8180] =	vst v5  }
0x18a: {  	s0 =	sadd.s32 s9, s30  }
0x18b: {  	[hbm4b:s0+s1] =	stream.linear.scatter [tilespmem:s22], [sflag:$0x3], $0x80, $0x38;
	[tilespmem:$0x8700] =	vst v63  }
0x18c: {  	s29 =	sadd.s32 $0x1, s29;
	_ =	swait.ge [sflag:s15], $0x80  }
0x18d: {  	p0 =	sne.s32 s29, $0x51;
	[sflag:s15] =	ssyncset.done $0x0  }
.Ltmp1:
0x18e: {  	[sflag:s15] =	ssyncadd.s32 $0xFFFFFF80;
	(pc) =	sbr.rel @p0 .LBB2_2-.Ltmp1, $4  }
0x18f: {  	[spmem:s3] =	stream.indirect.scatter.add.f32 [tilespmem:s22], [sflag:$0x3], $0x1, s17, s17, $0xb8;
	[tilespmem:$0x8700] =	vst v63  }
0x190: {  	_ =	swait.ge [sflag:s15], $0x80  }
0x191: {  	[sflag:s15] =	ssyncset.done $0x0  }
0x192: {  	[sflag:s15] =	ssyncadd.s32 $0xFFFFFF80  }
0x193: {  	s28 =	sadd.s32 $0x1, s28  }
0x194: {  	p0 =	sne.s32 s28, s13  }
.Ltmp2:
0x195: {  	[bflag:$0x0] =	sbarrier.arrive $0xFFFF;
	(pc) =	sbr.rel @p0 .LBB2_1-.Ltmp2, $4  }
0x196: {  	[hbm:s12@s25], [sflag:s23] =	dma.strided [spmem:s24@s26], $0x50, s20, $0x10   }
0x197: {  	_ =	swait.ge [sflag:s15], $0x50  }
0x198: {  	[sflag:s15] =	ssyncset.done $0x0  }
0x199: {  	[sflag:s15] =	ssyncadd.s32 $0xFFFFFFB0  }
0x19a: {  	_ =	sfence.sel $0x180000  }
0x19b: {  	[bflag:$0x0] =	sbarrier.arrive $0xFFFF  }
0x19c: {  	_ =	strace $0x90000047  }
0x19d: {  	s0 =	stileid.u32;
	[bflag:$0x2] =	sbarrier.arrive $0xFFFF  }
0x19e: {  	p0 =	sne.s32 s0, $0x0;
	s0 =	rddreg [dreg:$0x3]  }
0x19f: {  	s0 =	sadd.s32 @!p0 $0x100000, s0  }
0x1a0: {  	[sflag:s0] =	ssyncadd.tile.s32 @!p0 $0x1;
	_ =	shalt  }
.Lfunc_end2:
_tile_overlayer_lowered:
.L_overlay_start_2:
0x1a1: {  	(tag) =	ssettag $0x2  }
0x1a2: {  	s0 =	rddreg [dreg:$0x0];
	s2 =	stileid.u32  }
0x1a3: {  	s1 =	rddreg [dreg:$0x1];
	p0 =	sne.s32 s2, $0x0  }
0x1a4: {  	s3 =	rddreg [dreg:$0x2];
	[bflag:$0x3] =	sbarrier.arrive $0xFFFF;
	s2 =	simm.s32 @!p0 $0x1C03  }
0x1a5: {  	[timem:s3], [sflag:s2] =	dma.local @!p0 [hbm:s0], s1  }
0x1a6: {  	s0 =	simm.s32 @!p0 $0x3  }
0x1a7: {  	_ =	swait.ge @!p0 [sflag:s0], s1  }
0x1a8: {  	s1 =	ssub.s32 @!p0 $0x0, s1;
	[sflag:s0] =	ssyncset.done @!p0 $0x0  }
0x1a9: {  	[sflag:s0] =	ssyncadd.s32 @!p0 s1  }
0x1aa: {  	[bflag:$0x3] =	sbarrier.arrive $0xFFFF  }
0x1ab: {  	_ =	shalt  }

// kernel: kernel.9.cloned.1.call-start
scs
__scs_entry_jumppad:
0x0: {  	(pc) =	sbr.rel $0x88, $3  }
0x1: {  	(tag) =	ssettag $0x0;
	lr =	simm.s32 $0x1  }
0x2: {  	[smem:$0x3F95] =	sst lr;
	_ =	strace $0xD0000000  }
0x3: {  	_ = 	snop  }
0x4: {  	_ = 	snop  }
0x5: {  	_ = 	snop  }
0x6: {  	_ = 	snop  }
0x7: {  	_ = 	snop  }
__scs_overlays_trampoline_lowered:
0x8: {  	[smem:$0x3FA4] =	sst s0  }
0x9: {  	[smem:$0x3FA5] =	sst s1  }
0xa: {  	[smem:$0x3FA6] =	sst s2  }
0xb: {  	[smem:$0x3FA7] =	sst s3  }
0xc: {  	[smem:$0x3FA8] =	sst s4  }
0xd: {  	[smem:$0x3FA9] =	sst s5  }
0xe: {  	[smem:$0x3FAA] =	sst s6  }
0xf: {  	[smem:$0x3FAB] =	sst s7  }
0x10: {  	[smem:$0x3FAC] =	sst s8  }
0x11: {  	[smem:$0x3FAD] =	sst s9;
	s0 =	simm.s32 @!p0 $0x0  }
0x12: {  	s1 =	sld [smem:$0x3F93];
	s0 =	simm.s32 @p0 $0x1  }
0x13: {  	[smem:$0x3FAE] =	sst s0;
	s0 =	simm.s32 @!p1 $0x0  }
0x14: {  	s2 =	sld [smem:$0x3F92];
	s0 =	simm.s32 @p1 $0x1  }
0x15: {  	[smem:$0x3FAF] =	sst s0;
	s0 =	simm.s32 @!p2 $0x0  }
0x16: {  	s3 =	sld [smem:$0x3FDB];
	s0 =	simm.s32 @p2 $0x1  }
0x17: {  	s4 =	simm.s32 $0x1BF5;
	[smem:$0x3FB1] =	sst s0  }
0x18: {  	s0 =	sld [smem:$0x3F94];
	_ =	swait.ge [sflag:s4], $0x0  }
0x19: {  	s7 =	sld [smem:$0x3F95]  }
0x1a: {  	s8 =	sadd.s32 $0xFFFFE003, lr  }
0x1b: {  	s9 =	sadd.s32 $0xFFFFFEF7, lr;
	s5 =	simm.s32 $0xFFFFFFFF;
	p2 =	slt.u32 s8, $0xFFFFF086  }
0x1c: {  	p1 =	slt.u32 s9, $0xF7A;
	s5 =	simm.s32 @!p2 $0x0  }
0x1d: {  	s5 =	simm.s32 @p1 $0x1;
	p0 =	seq.s32 s7, s2  }
0x1e: {  	s7 =	smul.u32 @!p0 $0xF7A, s2;
	p2 =	seq.s32 @!p0 s5, $0x0  }
0x1f: {  	s9 =	smul.u32 $0xF7A, s1;
	s8 =	simm.s32 @!p0 $0x1BF5;
	p2 =	por !p2, p0  }
0x20: {  	[sflag:s8] =	ssyncset.s32 @!p0 $0xFFFFF086;
	s6 =	sadd.s32 @!p0 s3, s7;
	s7 =	simm.s32 @!p0 $0x108  }
0x21: {  	s3 =	sadd.s32 s3, s9;
	s6 =	sadd.s32 @!p0 $0x88, s6;
	s7 =	simm.s32 @p2 $0x1082  }
0x22: {  	[simem:s7], [sflag:s8] =	dma.local @!p0 [hbm:s6], $0xF7A  }
0x23: {  	s9 =	sor.u32 $0xD0000000, s2;
	s6 =	simm.s32 $0x108;
	_ =	swait.ge @!p0 [sflag:s8], $0x0  }
0x24: {  	s3 =	sadd.s32 $0x88, s3;
	s6 =	simm.s32 @!p1 $0x1082;
	[sflag:s4] =	ssyncset.s32 $0xFFFFF086  }
0x25: {  	[simem:s6], [sflag:s4] =	dma.local [hbm:s3], $0xF7A  }
0x26: {  	[smem:$0x3F95] =	sst s1;
	(tag) =	ssettag s2;
	_ =	strace s9  }
0x27: {  	s1 =	sld [smem:$0x3FA5]  }
0x28: {  	s2 =	sld [smem:$0x3FA6]  }
0x29: {  	s4 =	sld [smem:$0x3FA8]  }
0x2a: {  	p0 =	seq.s32 s5, $0x0;
	s5 =	sld [smem:$0x3FA9]  }
0x2b: {  	s6 =	sld [smem:$0x3FAA]  }
0x2c: {  	s7 =	sld [smem:$0x3FAB]  }
0x2d: {  	s3 =	simm.s32 $0x108;
	s8 =	sld [smem:$0x3FAC]  }
0x2e: {  	s3 =	simm.s32 @!p0 $0x1082;
	s9 =	sld [smem:$0x3FAD]  }
0x2f: {  	lr =	sadd.s32 s0, s3;
	s0 =	sld [smem:$0x3FA4]  }
0x30: {  	s3 =	sld [smem:$0x3FA7]  }
0x31: {  	[smem:$0x3FB0] =	sst s10  }
0x32: {  	s10 =	sld [smem:$0x3FAE];
	_ =	sdelay $0x3  }
0x33: {  	p0 =	seq.s32 s10, $0x1;
	s10 =	sld [smem:$0x3FB0];
	_ =	sdelay $0x3  }
0x34: {  	[smem:$0x3FB0] =	sst s10  }
0x35: {  	s10 =	sld [smem:$0x3FAF];
	_ =	sdelay $0x3  }
0x36: {  	p1 =	seq.s32 s10, $0x1;
	s10 =	sld [smem:$0x3FB0];
	_ =	sdelay $0x3  }
0x37: {  	[smem:$0x3FB0] =	sst s10  }
0x38: {  	s10 =	sld [smem:$0x3FB1]  }
0x39: {  	_ = 	snop;
	(pc) =	sbr.ind lr, $3  }
0x3a: {  	_ = 	snop  }
0x3b: {  	_ = 	snop  }
0x3c: {  	p2 =	seq.s32 s10, $0x1;
	s10 =	sld [smem:$0x3FB0]  }
0x3d: {  	_ =	shalt  }
0x3e: {  	_ =	shalt  }
0x3f: {  	_ =	shalt  }
0x40: {  	_ =	shalt  }
0x41: {  	_ =	shalt  }
0x42: {  	_ =	shalt  }
0x43: {  	_ =	shalt  }
0x44: {  	_ =	shalt  }
0x45: {  	_ =	shalt  }
0x46: {  	_ =	shalt  }
0x47: {  	_ =	shalt  }
0x48: {  	_ =	shalt  }
0x49: {  	_ =	shalt  }
0x4a: {  	_ =	shalt  }
0x4b: {  	_ =	shalt  }
0x4c: {  	_ =	shalt  }
0x4d: {  	_ =	shalt  }
0x4e: {  	_ =	shalt  }
0x4f: {  	_ =	shalt  }
0x50: {  	_ =	shalt  }
0x51: {  	_ =	shalt  }
0x52: {  	_ =	shalt  }
0x53: {  	_ =	shalt  }
0x54: {  	_ =	shalt  }
0x55: {  	_ =	shalt  }
0x56: {  	_ =	shalt  }
0x57: {  	_ =	shalt  }
0x58: {  	_ =	shalt  }
0x59: {  	_ =	shalt  }
0x5a: {  	_ =	shalt  }
0x5b: {  	_ =	shalt  }
0x5c: {  	_ =	shalt  }
0x5d: {  	_ =	shalt  }
0x5e: {  	_ =	shalt  }
0x5f: {  	_ =	shalt  }
0x60: {  	_ =	shalt  }
0x61: {  	_ =	shalt  }
0x62: {  	_ =	shalt  }
0x63: {  	_ =	shalt  }
0x64: {  	_ =	shalt  }
0x65: {  	_ =	shalt  }
0x66: {  	_ =	shalt  }
0x67: {  	_ =	shalt  }
0x68: {  	_ =	shalt  }
0x69: {  	_ =	shalt  }
0x6a: {  	_ =	shalt  }
0x6b: {  	_ =	shalt  }
0x6c: {  	_ =	shalt  }
0x6d: {  	_ =	shalt  }
0x6e: {  	_ =	shalt  }
0x6f: {  	_ =	shalt  }
0x70: {  	_ =	shalt  }
0x71: {  	_ =	shalt  }
0x72: {  	_ =	shalt  }
0x73: {  	_ =	shalt  }
0x74: {  	_ =	shalt  }
0x75: {  	_ =	shalt  }
0x76: {  	_ =	shalt  }
0x77: {  	_ =	shalt  }
0x78: {  	_ =	shalt  }
0x79: {  	_ =	shalt  }
0x7a: {  	_ =	shalt  }
0x7b: {  	_ =	shalt  }
0x7c: {  	_ =	shalt  }
0x7d: {  	_ =	shalt  }
0x7e: {  	_ =	shalt  }
0x7f: {  	_ =	shalt  }
0x80: {  	_ =	shalt  }
0x81: {  	_ =	shalt  }
0x82: {  	_ =	shalt  }
0x83: {  	_ =	shalt  }
0x84: {  	_ =	shalt  }
0x85: {  	_ =	shalt  }
0x86: {  	_ =	shalt  }
0x87: {  	_ =	shalt  }
.Lfunc_end0:
.L_simem_size_0:
called_computation.1_lowered:
.L_overlay_start_0:
0x88: {  	s2 =	sld [smem:$0x3FD9]  }
0x89: {  	s3 =	sld [smem:$0x3FFE];
	_ =	sdelay $0x1  }
0x8a: {  	s1 =	srdreg.scid  }
0x8b: {  	s0 =	sand.u32 $0x1, s1  }
0x8c: {  	s16 =	sshll.u32 s0, $0xA;
	s2 =	sadd.s32 s3, s2  }
0x8d: {  	s2 =	sadd.s32 s2, s16  }
0x8e: {  	[smem:$0x3FBC] =	sst s2  }
0x8f: {  	_ = 	snop  }
0x90: {  	(tm) =	ssettm $0x1  }
0x91: {  	s17 =	sld [smem:$0x3FFB];
	_ =	sdelay $0x3  }
0x92: {  	_ =	strace s17  }
0x93: {  	s2 =	sld [smem:$0x3FFC];
	_ =	sdelay $0x3  }
0x94: {  	_ =	strace s2  }
0x95: {  	s2 =	sld [smem:$0x3FFD];
	_ =	sdelay $0x3  }
0x96: {  	_ =	strace s2  }
0x97: {  	_ =	strace $0x8FFFFFFF  }
0x98: {  	s18 =	sld [smem:$0x3FDB];
	_ =	sdelay $0x1  }
0x99: {  	s19 =	simm.s32 $_scs_section_size  }
0x9a: {  	s4 =	simm.s32 $_size__tile_overlayer_lowered;
	s5 =	simm.s32 $_tile_overlayer_lowered  }
0x9b: {  	s22 =	simm.s32 $0x1BFF;
	s21 =	sshll.u32 s5, $0x1;
	s2 =	sadd.s32 s19, s18  }
0x9c: {  	s6 =	simm.s32 $0x0;
	s20 =	sshll.u32 s4, $0x1;
	s4 =	sadd.s32 s21, s2  }
0x9d: {  	[timem:s6], [sflag:s22] =	dma.local [hbm:s4], s20  }
0x9e: {  	_ =	swait.ge [sflag:s22], s20  }
0x9f: {  	s3 =	ssub.s32 $0x0, s20;
	[sflag:s22] =	ssyncset.done $0x0  }
0xa0: {  	[sflag:s22] =	ssyncadd.s32 s3;
	_ =	sdelay $0x1  }
0xa1: {  	s23 =	simm.s32 $0x1B8B  }
0xa2: {  	_ =	swait.ge [sflag:s23], $0x1  }
0xa3: {  	[sflag:s23] =	ssyncset.done $0x0  }
0xa4: {  	s25 =	simm.s32 $0x1B8E;
	s24 =	sld [smem:$0x3FFE];
	[sflag:s23] =	ssyncadd.s32 $0xFFFFFFFF  }
0xa5: {  	s26 =	simm.s32 $execute0_lowered;
	[smem:$0x3FD2] =	sst s25  }
0xa6: {  	s4 =	sshll.u32 s26, $0x1;
	_ =	strace $0x80000049;
	[dreg:$0x1] =	wrdreg $0xFFFFFFFF  }
0xa7: {  	s28 =	simm.s32 $_size_execute0_lowered;
	s2 =	sadd.s32 s2, s4;
	[dreg:$0x0] =	wrdreg $0x0  }
0xa8: {  	s4 =	sshll.u32 s28, $0x1;
	[dreg:$0x2] =	wrdreg s2  }
0xa9: {  	[dreg:$0x3] =	wrdreg s4  }
0xaa: {  	[dreg:$0x4] =	wrdreg $0xC0  }
0xab: {  	_ =	task [dreg:s6], $0x5FFFF  }
0xac: {  	[dreg:$0x1] =	wrdreg $0xFFFFFFFF  }
0xad: {  	[dreg:$0x0] =	wrdreg $0x60  }
0xae: {  	[dreg:$0x2] =	wrdreg s24  }
0xaf: {  	[dreg:$0x3] =	wrdreg $0xB1000  }
0xb0: {  	[dreg:$0x4] =	wrdreg $0x1F1000  }
0xb1: {  	[dreg:$0x5] =	wrdreg $0x9  }
0xb2: {  	_ =	task.clear_ibuf [dreg:s6], $0x6FFFF;
	_ =	strace $0x90000049  }
0xb3: {  	s29 =	simm.s32 $0x9;
	_ =	strace $0x8000004B  }
0xb4: {  	_ =	swait.ge [sflag:s29], $0x1  }
0xb5: {  	[sflag:s29] =	ssyncadd.s32 $0xFFFFFFFF  }
0xb6: {  	_ =	strace $0x9000004B  }
0xb7: {  	_ =	sfence  }
0xb8: {  	s30 =	sld [smem:$0x0];
	_ =	sdelay $0x2  }
0xb9: {  	s31 =	sshll.u32 s1, $0xD;
	s1 =	sshrl.u32 s1, $0x2  }
0xba: {  	s3 =	sand.u32 $0x4000, s31;
	s1 =	sadd.s32 s1, s30  }
0xbb: {  	s0 =	sor.u32 s3, s0;
	s1 =	sshll.u32 s1, $0x11  }
0xbc: {  	s0 =	sor.u32 s1, s0  }
0xbd: {  	s0 =	sadd.s32 $0x8F2B, s0  }
0xbe: {  	[sflag:s0] =	ssyncadd.remote.s32 $0x1  }
0xbf: {  	_ =	sfence.sel $0xFFFF  }
0xc0: {  	[dreg:$0x0] =	wrdreg $0xFFFFFFFF;
	(pc) =	sbr.abs _section_cstart, $3  }
0xc1: {  	[dreg:$0x1] =	wrdreg $0xFFFFFFFF  }
0xc2: {  	_ =	task.clear_ibuf [dreg:s6], $0x2FFFF;
	_ =	strace $0x9FFFFFFF  }
0xc3: {  	(tm) =	ssettm $0x7FFFFFFF  }
tec
execute0_lowered:
.L_overlay_start_1:
0x0: {  	(tag) =	ssettag $0x1  }
0x1: {  	s0 =	rddreg [dreg:$0x0]  }
0x2: {  	s1 =	rddreg [dreg:$0x1]  }
0x3: {  	s24 =	rddreg [dreg:$0x2];
	s4 =	simm.s32 $0x0;
	s14 =	stileid.u32  }
0x4: {  	s3 =	srdreg.scid;
	s31 =	simm.s32 $0x4180;
	s28 =	simm.s32 $0x1  }
0x5: {  	[smem:$0x7FF] =	sst s4;
	s5 =	sadd.s32 $0x15E00, s0;
	s2 =	smul.u32 $0xA0, s14  }
0x6: {  	s6 =	sadd.s32 $0x1A00, s0;
	s7 =	sadd.s32 $0xBC00, s0;
	s16 =	smul.u32 $0x280, s14  }
0x7: {  	s8 =	sadd.s32 $0x64200, s0;
	s3 =	sand.u32 $0x1, s3;
	s11 =	smul.u32 $0x50000, s14  }
0x8: {  	s19 =	smul.u32 $0x14000, s14;
	_ =	strace $0x8000004A;
	s9 =	ssub.s32 $0x2, s3  }
0x9: {  	s12 =	sshll.u32 s3, $0x4;
	s3 =	smul.u32 $0x140000, s3;
	s2 =	sadd.s32 s2, s0  }
0xa: {  	s0 =	sadd.s32 $0x6EE00, s0;
	s10 =	sshrl.u32 s9, $0x1;
	s13 =	sshll.u32 s16, $0x7  }
0xb: {  	s17 =	sor.u32 s14, s12;
	s15 =	sshrl.u32 s11, $0x2;
	s16 =	sadd.s32 s16, s24  }
0xc: {  	s23 =	ssub.s32 s9, s10;
	s18 =	sadd.s32 $0x4000, s13;
	s9 =	sadd.s32 s15, s1  }
0xd: {  	s20 =	sadd.s32 $0x8000, s13;
	s21 =	sadd.s32 $0xC000, s13;
	s22 =	sadd.s32 $0x10000, s13  }
0xe: {  	s14 =	sadd.s32 $0x6E400, s2;
	s15 =	sadd.s32 $0x6E410, s2;
	[dreg:$0x4] =	wrdreg s16  }
0xf: {  	s24 =	sadd.s32 s19, s3;
	s17 =	smul.u32 $0x51, s17;
	s10 =	sadd.s32 s18, s1  }
0x10: {  	s11 =	sadd.s32 s20, s1;
	s12 =	sadd.s32 s21, s1;
	s13 =	sadd.s32 s22, s1  }
0x11: {  	s25 =	sadd.s32 s3, s18;
	s2 =	sshrl.u32 s24, $0x3;
	s26 =	sadd.s32 s3, s20  }
0x12: {  	s29 =	sadd.s32 s3, s21;
	s3 =	sadd.s32 s3, s22;
	s23 =	smax.u32 s23, $0x1  }
0x13: {  	s24 =	simm.s32 $0x7100;
	s16 =	sshrl.u32 s25, $0x3;
	s2 =	sadd.s32 s0, s2  }
0x14: {  	s30 =	sshrl.u32 s29, $0x3;
	s3 =	sshrl.u32 s3, $0x3;
	s25 =	simm.s32 $0x2  }
0x15: {  	[dreg:$0x5] =	wrdreg s2;
	s19 =	sadd.s32 s0, s16;
	s2 =	sshrl.u32 s26, $0x3  }
0x16: {  	s21 =	sadd.s32 s0, s30;
	s22 =	sadd.s32 s0, s3;
	s26 =	simm.s32 $0x4100  }
0x17: {  	v0 =	vimm.f32 $0.0e+00;
	s20 =	sadd.s32 s0, s2;
	s0 =	simm.s32 $0x80;
	s2 =	simm.s32 $0x100  }
.LBB2_1:
0x18: {  	s3 =	simm.s32 $0x0;
	s16 =	simm.s32 $0x200  }
.LBB2_2:
0x19: {  	p0 =	sne.s32 s16, $0xFE00;
	[tilespmem:s3+$0x7170] =	vst v0  }
0x1a: {  	[tilespmem:s3+$0x7100] =	vst v0  }
0x1b: {  	[tilespmem:s3+$0x7110] =	vst v0  }
.Ltmp0:
0x1c: {  	[tilespmem:s3+$0x7120] =	vst v0;
	(pc) =	sbr.rel @p0 .LBB2_2-.Ltmp0, $4  }
0x1d: {  	[tilespmem:s3+$0x7130] =	vst v0  }
0x1e: {  	[tilespmem:s3+$0x7140] =	vst v0  }
0x1f: {  	[tilespmem:s3+$0x7150] =	vst v0  }
0x20: {  	[tilespmem:s3+$0x7160] =	vst v0;
	s3 =	sshra.s32 s16, $0x2;
	s16 =	sadd.s32 $0x200, s16  }
0x21: {  	[tilespmem:s3+$0x7170] =	vst v0  }
0x22: {  	[tilespmem:s3+$0x7100] =	vst v0  }
0x23: {  	[tilespmem:s3+$0x7110] =	vst v0  }
0x24: {  	[tilespmem:s3+$0x7120] =	vst v0  }
0x25: {  	[tilespmem:s3+$0x7130] =	vst v0  }
0x26: {  	[tilespmem:s3+$0x7140] =	vst v0  }
0x27: {  	[tilespmem:s3+$0x7150] =	vst v0  }
0x28: {  	[tilespmem:s3+$0x7160] =	vst v0  }
0x29: {  	[spmem:s9] =	stream.linear.scatter [tilespmem:s24], [sflag:$0x2], $0x4000, $0x38;
	[tilespmem:$0x1F380] =	vst v63  }
0x2a: {  	_ =	swait.ge [sflag:s25], $0x4000  }
0x2b: {  	[sflag:s25] =	ssyncset.done $0x0  }
0x2c: {  	[sflag:s25] =	ssyncadd.s32 $0xFFFFC000  }
0x2d: {  	[spmem:s10] =	stream.linear.scatter [tilespmem:s24], [sflag:$0x2], $0x4000, $0x38;
	[tilespmem:$0x1F380] =	vst v63  }
0x2e: {  	_ =	swait.ge [sflag:s25], $0x4000  }
0x2f: {  	[sflag:s25] =	ssyncset.done $0x0  }
0x30: {  	[sflag:s25] =	ssyncadd.s32 $0xFFFFC000  }
0x31: {  	[spmem:s11] =	stream.linear.scatter [tilespmem:s24], [sflag:$0x2], $0x4000, $0x38;
	[tilespmem:$0x1F380] =	vst v63  }
0x32: {  	_ =	swait.ge [sflag:s25], $0x4000  }
0x33: {  	[sflag:s25] =	ssyncset.done $0x0  }
0x34: {  	[sflag:s25] =	ssyncadd.s32 $0xFFFFC000  }
0x35: {  	[spmem:s12] =	stream.linear.scatter [tilespmem:s24], [sflag:$0x2], $0x4000, $0x38;
	[tilespmem:$0x1F380] =	vst v63  }
0x36: {  	_ =	swait.ge [sflag:s25], $0x4000  }
0x37: {  	[sflag:s25] =	ssyncset.done $0x0  }
0x38: {  	[sflag:s25] =	ssyncadd.s32 $0xFFFFC000  }
0x39: {  	[spmem:s13] =	stream.linear.scatter [tilespmem:s24], [sflag:$0x2], $0x4000, $0x38;
	[tilespmem:$0x1F380] =	vst v63  }
0x3a: {  	_ =	swait.ge [sflag:s25], $0x4000  }
0x3b: {  	[sflag:s25] =	ssyncset.done $0x0  }
0x3c: {  	s3 =	simm.s32 $0x0;
	s16 =	simm.s32 $0x6980;
	[sflag:s25] =	ssyncadd.s32 $0xFFFFC000  }
0x3d: {  	[tilespmem:s16], [sflag:$0x2] =	stream.linear.gather [hbm4b:s14+s3], $0x80, $0x38;
	[tilespmem:$0x1F380] =	vst v63  }
0x3e: {  	s18 =	simm.s32 $0x6A80;
	s16 =	sadd.s32 $0x20, s14  }
0x3f: {  	[tilespmem:s18], [sflag:$0x2] =	stream.linear.gather [hbm4b:s16+s3], $0x80, $0x38;
	[tilespmem:$0x1F380] =	vst v63  }
0x40: {  	s16 =	sadd.s32 $0x40, s14;
	s18 =	simm.s32 $0x6B80  }
0x41: {  	[tilespmem:s18], [sflag:$0x2] =	stream.linear.gather [hbm4b:s16+s3], $0x80, $0x38;
	[tilespmem:$0x1F380] =	vst v63  }
0x42: {  	s16 =	sadd.s32 $0x60, s14;
	s18 =	simm.s32 $0x6C80  }
0x43: {  	[tilespmem:s18], [sflag:$0x2] =	stream.linear.gather [hbm4b:s16+s3], $0x80, $0x38;
	[tilespmem:$0x1F380] =	vst v63  }
0x44: {  	s16 =	sadd.s32 $0x80, s14;
	s18 =	simm.s32 $0x6D80  }
0x45: {  	[tilespmem:s18], [sflag:$0x2] =	stream.linear.gather [hbm4b:s16+s3], $0x80, $0x38;
	[tilespmem:$0x1F380] =	vst v63  }
0x46: {  	_ =	swait.ge [sflag:s25], $0x280  }
0x47: {  	[sflag:s25] =	ssyncset.done $0x0  }
0x48: {  	s18 =	simm.s32 $0x6A00;
	[sflag:s25] =	ssyncadd.s32 $0xFFFFFD80  }
0x49: {  	[tilespmem:s18], [sflag:$0x2] =	stream.linear.gather [hbm4b:s15+s3], $0x80, $0x38;
	[tilespmem:$0x1F380] =	vst v63  }
0x4a: {  	s16 =	sadd.s32 $0x20, s15;
	s18 =	simm.s32 $0x6B00  }
0x4b: {  	[tilespmem:s18], [sflag:$0x2] =	stream.linear.gather [hbm4b:s16+s3], $0x80, $0x38;
	[tilespmem:$0x1F380] =	vst v63  }
0x4c: {  	s16 =	sadd.s32 $0x40, s15;
	s18 =	simm.s32 $0x6C00  }
0x4d: {  	[tilespmem:s18], [sflag:$0x2] =	stream.linear.gather [hbm4b:s16+s3], $0x80, $0x38;
	[tilespmem:$0x1F380] =	vst v63  }
0x4e: {  	s16 =	sadd.s32 $0x60, s15;
	s18 =	simm.s32 $0x6D00  }
0x4f: {  	[tilespmem:s18], [sflag:$0x2] =	stream.linear.gather [hbm4b:s16+s3], $0x80, $0x38;
	[tilespmem:$0x1F380] =	vst v63  }
0x50: {  	s16 =	sadd.s32 $0x80, s15;
	s18 =	simm.s32 $0x6E00  }
0x51: {  	[tilespmem:s18], [sflag:$0x2] =	stream.linear.gather [hbm4b:s16+s3], $0x80, $0x38;
	[tilespmem:$0x1F380] =	vst v63  }
0x52: {  	_ =	swait.ge [sflag:s25], $0x280  }
0x53: {  	s18 =	sand.u32 $0x70, s3;
	s3 =	sand.u32 $0x700, s3;
	[sflag:s25] =	ssyncset.done $0x0  }
0x54: {  	s3 =	sor.u32 s18, s3;
	[sflag:s25] =	ssyncadd.s32 $0xFFFFFD80  }
0x55: {  	v1 =	vld [tilespmem:s3+$0x6A00]  }
0x56: {  	v2 =	vld [tilespmem:s3+$0x6980];
	_ =	sdelay $0x4  }
0x57: {  	v1 =	vadd.f32 v1, v2;
	_ =	sdelay $0x1  }
0x58: {  	s29 =	simm.s32 $0x10;
	s16 =	simm.s32 $0x20;
	v1 =	vadd.f32 $1.000000020e-16, v1  }
0x59: {  	s29 =	sand.u32 $0x70, s29;
	s30 =	sand.u32 $0x700, s16;
	s3 =	simm.s32 $0x6E80  }
0x5a: {  	s30 =	sor.u32 s29, s30;
	s29 =	simm.s32 $0x20;
	[tilespmem:s3+$0x0] =	vst v1  }
.LBB2_4:
0x5b: {  	p0 =	sne.s32 s29, $0x270;
	v1 =	vld [tilespmem:s30+$0x6A00]  }
0x5c: {  	v2 =	vld [tilespmem:s30+$0x6980];
	_ =	sdelay $0x4  }
.Ltmp1:
0x5d: {  	v1 =	vadd.f32 v1, v2;
	(pc) =	sbr.rel @p0 .LBB2_4-.Ltmp1, $4  }
0x5e: {  	_ = 	snop  }
0x5f: {  	s16 =	sadd.s32 $0x20, s16;
	v1 =	vadd.f32 $1.000000020e-16, v1  }
0x60: {  	s3 =	sadd.s32 $0x10, s3;
	s30 =	sand.u32 $0x70, s29;
	s18 =	sand.u32 $0x700, s16  }
0x61: {  	s29 =	sadd.s32 $0x10, s29;
	s30 =	sor.u32 s30, s18;
	[tilespmem:s3+$0x0] =	vst v1  }
0x62: {  	v1 =	vld [tilespmem:s30+$0x6A00]  }
0x63: {  	v2 =	vld [tilespmem:s30+$0x6980];
	_ =	sdelay $0x4  }
0x64: {  	v1 =	vadd.f32 v1, v2;
	_ =	sdelay $0x1  }
0x65: {  	v1 =	vadd.f32 $1.000000020e-16, v1  }
0x66: {  	s3 =	sadd.s32 $0x10, s3  }
0x67: {  	s18 =	rddreg [dreg:$0x4];
	s16 =	simm.s32 $0x6E80;
	[tilespmem:s3+$0x0] =	vst v1  }
0x68: {  	[spmem:s18] =	stream.linear.scatter [tilespmem:s16], [sflag:$0x2], $0x280, $0x38;
	[tilespmem:$0x1F380] =	vst v63  }
0x69: {  	_ =	swait.ge [sflag:s25], $0x280  }
0x6a: {  	[sflag:s25] =	ssyncset.done $0x0  }
0x6b: {  	[sflag:s25] =	ssyncadd.s32 $0xFFFFFD80  }
0x6c: {  	[bflag:$0x0] =	sbarrier.arrive $0xFFFF  }
0x6d: {  	s18 =	rddreg [dreg:$0x2]  }
0x6e: {  	[tilespmem:s31], [sflag:$0x2] =	stream.linear.gather [spmem:s18], $0x2800, $0x38;
	[tilespmem:$0x1F380] =	vst v63  }
0x6f: {  	_ =	swait.ge [sflag:s25], $0x2800  }
0x70: {  	[sflag:s25] =	ssyncset.done $0x0  }
0x71: {  	s29 =	simm.s32 $0x0;
	s30 =	simm.s32 $0x0;
	[sflag:s25] =	ssyncadd.s32 $0xFFFFD800  }
.LBB2_6:
0x72: {  	s3 =	sadd.s32 s17, s30  }
0x73: {  	s3 =	sshll.u32 s3, $0x4  }
0x74: {  	s16 =	sadd.s32 s6, s3  }
0x75: {  	[tilespmem:s29], [sflag:$0x2] =	stream.linear.gather [hbm4b:s16+s29], $0x80, $0x38;
	[tilespmem:$0x1F380] =	vst v63  }
0x76: {  	_ =	swait.ge [sflag:s25], $0x80  }
0x77: {  	[sflag:s25] =	ssyncset.done $0x0  }
0x78: {  	s18 =	sadd.s32 s7, s3;
	[sflag:s25] =	ssyncadd.s32 $0xFFFFFF80  }
0x79: {  	[tilespmem:s0], [sflag:$0x2] =	stream.linear.gather [hbm4b:s18+s29], $0x80, $0x38;
	[tilespmem:$0x1F380] =	vst v63  }
0x7a: {  	_ =	swait.ge [sflag:s25], $0x80  }
0x7b: {  	[sflag:s25] =	ssyncset.done $0x0  }
0x7c: {  	[sflag:s25] =	ssyncadd.s32 $0xFFFFFF80  }
0x7d: {  	[tilespmem:s2], [sflag:$0x1] =	stream.indirect.gather [hbm4b:s5+s0], $0x80, s29, s0, $0xb8;
	[tilespmem:$0x1F380] =	vst v63  }
0x7e: {  	s3 =	sadd.s32 s8, s3  }
0x7f: {  	[tilespmem:s26], [sflag:$0x2] =	stream.linear.gather [hbm4b:s3+s29], $0x80, $0x38;
	[tilespmem:$0x1F380] =	vst v63  }
0x80: {  	_ =	swait.ge [sflag:s25], $0x80  }
0x81: {  	[sflag:s25] =	ssyncset.done $0x0  }
0x82: {  	[sflag:s25] =	ssyncadd.s32 $0xFFFFFF80  }
0x83: {  	_ =	swait.ge [sflag:s28], $0x4000  }
0x84: {  	[sflag:s28] =	ssyncset.done $0x0  }
0x85: {  	s3 =	simm.s32 $0x0;
	[sflag:s28] =	ssyncadd.s32 $0xFFFFC000  }
.LBB2_7:
0x86: {  	s16 =	sshll.u32 s3, $0x4  }
0x87: {  	v1 =	vld [tilespmem:s16+$0x80];
	_ =	sdelay $0x7  }
0x88: {  	v1 =	vld.idx.msk [tilespmem:v1+s31+$0x0], $0xffff;
	_ =	sdelay $0x4  }
0x89: {  	(erf) = vrcp.f32 v1;
	_ =	sdelay $0x4  }
0x8a: {  	v1 =	vld [tilespmem:s16+$0x4100];
	_ =	sdelay $0x2  }
0x8b: {  	s18 =	sshll.u32 s3, $0xB  }
0x8c: {  	v3 =	vld [tilespmem:s18+$0x100];
	v2 =	vpop (erf)  }
0x8d: {  	v1 =	vmul.f32 v2, v1;
	v2 =	vld [tilespmem:s18+$0x110]  }
0x8e: {  	v4 =	vld [tilespmem:s18+$0x120]  }
0x8f: {  	v6 =	vld [tilespmem:s18+$0x130];
	v5 =	vbroadcast v1, $0x0  }
0x90: {  	v7 =	vld [tilespmem:s18+$0x140]  }
0x91: {  	v8 =	vld [tilespmem:s18+$0x150];
	v3 =	vmul.f32 v5, v3  }
0x92: {  	v9 =	vld [tilespmem:s18+$0x160];
	v2 =	vmul.f32 v2, v5  }
0x93: {  	v34 =	vld [tilespmem:s18+$0x170];
	[tilespmem:s18+$0x7100] =	vst v3;
	v3 =	vmul.f32 v4, v5  }
0x94: {  	v35 =	vld [tilespmem:s18+$0x180];
	[tilespmem:s18+$0x7110] =	vst v2;
	v2 =	vmul.f32 v6, v5  }
0x95: {  	v36 =	vld [tilespmem:s18+$0x190];
	[tilespmem:s18+$0x7120] =	vst v3;
	v3 =	vmul.f32 v7, v5  }
0x96: {  	v37 =	vld [tilespmem:s18+$0x1A0];
	[tilespmem:s18+$0x7130] =	vst v2;
	v2 =	vmul.f32 v8, v5  }
0x97: {  	v10 =	vld [tilespmem:s18+$0x1B0];
	v38 =	vbroadcast v1, $0x1;
	[tilespmem:s18+$0x7140] =	vst v3;
	v3 =	vmul.f32 v9, v5  }
0x98: {  	v39 =	vld [tilespmem:s18+$0x1C0];
	[tilespmem:s18+$0x7150] =	vst v2;
	v2 =	vmul.f32 v34, v5  }
0x99: {  	v40 =	vld [tilespmem:s18+$0x1D0];
	[tilespmem:s18+$0x7160] =	vst v3;
	v3 =	vmul.f32 v35, v38  }
0x9a: {  	v41 =	vld [tilespmem:s18+$0x1E0];
	[tilespmem:s18+$0x7170] =	vst v2;
	v2 =	vmul.f32 v36, v38  }
0x9b: {  	v42 =	vld [tilespmem:s18+$0x1F0];
	[tilespmem:s18+$0x7180] =	vst v3;
	v3 =	vmul.f32 v37, v38  }
0x9c: {  	v43 =	vld [tilespmem:s18+$0x200];
	[tilespmem:s18+$0x7190] =	vst v2;
	v2 =	vmul.f32 v10, v38  }
0x9d: {  	v44 =	vld [tilespmem:s18+$0x210];
	[tilespmem:s18+$0x71A0] =	vst v3;
	v3 =	vmul.f32 v39, v38  }
0x9e: {  	v45 =	vld [tilespmem:s18+$0x220];
	[tilespmem:s18+$0x71B0] =	vst v2;
	v2 =	vmul.f32 v40, v38  }
0x9f: {  	v47 =	vld [tilespmem:s18+$0x230];
	v46 =	vbroadcast v1, $0x2;
	[tilespmem:s18+$0x71C0] =	vst v3;
	v3 =	vmul.f32 v41, v38  }
0xa0: {  	v48 =	vld [tilespmem:s18+$0x240];
	[tilespmem:s18+$0x71D0] =	vst v2;
	v2 =	vmul.f32 v42, v38  }
0xa1: {  	v49 =	vld [tilespmem:s18+$0x250];
	[tilespmem:s18+$0x71E0] =	vst v3;
	v3 =	vmul.f32 v43, v46  }
0xa2: {  	v50 =	vld [tilespmem:s18+$0x260];
	[tilespmem:s18+$0x71F0] =	vst v2;
	v2 =	vmul.f32 v44, v46  }
0xa3: {  	v51 =	vld [tilespmem:s18+$0x270];
	[tilespmem:s18+$0x7200] =	vst v3;
	v3 =	vmul.f32 v45, v46  }
0xa4: {  	v52 =	vld [tilespmem:s18+$0x280];
	[tilespmem:s18+$0x7210] =	vst v2;
	v2 =	vmul.f32 v47, v46  }
0xa5: {  	v53 =	vld [tilespmem:s18+$0x290];
	[tilespmem:s18+$0x7220] =	vst v3;
	v3 =	vmul.f32 v48, v46  }
0xa6: {  	v54 =	vld [tilespmem:s18+$0x2A0];
	[tilespmem:s18+$0x7230] =	vst v2;
	v2 =	vmul.f32 v49, v46  }
0xa7: {  	v56 =	vld [tilespmem:s18+$0x2B0];
	v55 =	vbroadcast v1, $0x3;
	[tilespmem:s18+$0x7240] =	vst v3;
	v3 =	vmul.f32 v50, v46  }
0xa8: {  	v57 =	vld [tilespmem:s18+$0x2C0];
	[tilespmem:s18+$0x7250] =	vst v2;
	v2 =	vmul.f32 v51, v46  }
0xa9: {  	v58 =	vld [tilespmem:s18+$0x2D0];
	[tilespmem:s18+$0x7260] =	vst v3;
	v3 =	vmul.f32 v52, v55  }
0xaa: {  	v59 =	vld [tilespmem:s18+$0x2E0];
	[tilespmem:s18+$0x7270] =	vst v2;
	v2 =	vmul.f32 v53, v55  }
0xab: {  	v60 =	vld [tilespmem:s18+$0x2F0];
	[tilespmem:s18+$0x7280] =	vst v3;
	v3 =	vmul.f32 v54, v55  }
0xac: {  	v61 =	vld [tilespmem:s18+$0x300];
	[tilespmem:s18+$0x7290] =	vst v2;
	v2 =	vmul.f32 v56, v55  }
0xad: {  	v62 =	vld [tilespmem:s18+$0x310];
	[tilespmem:s18+$0x72A0] =	vst v3;
	v3 =	vmul.f32 v57, v55  }
0xae: {  	v63 =	vld [tilespmem:s18+$0x320];
	[tilespmem:s18+$0x72B0] =	vst v2;
	v2 =	vmul.f32 v58, v55  }
0xaf: {  	v13 =	vld [tilespmem:s18+$0x330];
	v12 =	vbroadcast v1, $0x4;
	[tilespmem:s18+$0x72C0] =	vst v3;
	v3 =	vmul.f32 v59, v55  }
0xb0: {  	v14 =	vld [tilespmem:s18+$0x340];
	[tilespmem:s18+$0x72D0] =	vst v2;
	v2 =	vmul.f32 v60, v55  }
0xb1: {  	v15 =	vld [tilespmem:s18+$0x350];
	[tilespmem:s18+$0x72E0] =	vst v3;
	v3 =	vmul.f32 v61, v12  }
0xb2: {  	v16 =	vld [tilespmem:s18+$0x360];
	[tilespmem:s18+$0x72F0] =	vst v2;
	v2 =	vmul.f32 v62, v12  }
0xb3: {  	v17 =	vld [tilespmem:s18+$0x370];
	[tilespmem:s18+$0x7300] =	vst v3;
	v3 =	vmul.f32 v63, v12  }
0xb4: {  	v18 =	vld [tilespmem:s18+$0x380];
	[tilespmem:s18+$0x7310] =	vst v2;
	v2 =	vmul.f32 v13, v12  }
0xb5: {  	v19 =	vld [tilespmem:s18+$0x390];
	[tilespmem:s18+$0x7320] =	vst v3;
	v3 =	vmul.f32 v14, v12  }
0xb6: {  	v20 =	vld [tilespmem:s18+$0x3A0];
	[tilespmem:s18+$0x7330] =	vst v2;
	v2 =	vmul.f32 v15, v12  }
0xb7: {  	v22 =	vld [tilespmem:s18+$0x3B0];
	v21 =	vbroadcast v1, $0x5;
	[tilespmem:s18+$0x7340] =	vst v3;
	v3 =	vmul.f32 v16, v12  }
0xb8: {  	v23 =	vld [tilespmem:s18+$0x3C0];
	[tilespmem:s18+$0x7350] =	vst v2;
	v2 =	vmul.f32 v17, v12  }
0xb9: {  	v24 =	vld [tilespmem:s18+$0x3D0];
	[tilespmem:s18+$0x7360] =	vst v3;
	v3 =	vmul.f32 v18, v21  }
0xba: {  	v25 =	vld [tilespmem:s18+$0x3E0];
	[tilespmem:s18+$0x7370] =	vst v2;
	v2 =	vmul.f32 v19, v21  }
0xbb: {  	v26 =	vld [tilespmem:s18+$0x3F0];
	[tilespmem:s18+$0x7380] =	vst v3;
	v3 =	vmul.f32 v20, v21  }
0xbc: {  	v27 =	vld [tilespmem:s18+$0x400];
	[tilespmem:s18+$0x7390] =	vst v2;
	v2 =	vmul.f32 v22, v21  }
0xbd: {  	v28 =	vld [tilespmem:s18+$0x410];
	[tilespmem:s18+$0x73A0] =	vst v3;
	v3 =	vmul.f32 v23, v21  }
0xbe: {  	v29 =	vld [tilespmem:s18+$0x420];
	[tilespmem:s18+$0x73B0] =	vst v2;
	v2 =	vmul.f32 v24, v21  }
0xbf: {  	v31 =	vld [tilespmem:s18+$0x430];
	v30 =	vbroadcast v1, $0x6;
	[tilespmem:s18+$0x73C0] =	vst v3;
	v3 =	vmul.f32 v25, v21  }
0xc0: {  	v32 =	vld [tilespmem:s18+$0x440];
	[tilespmem:s18+$0x73D0] =	vst v2;
	v2 =	vmul.f32 v26, v21  }
0xc1: {  	v33 =	vld [tilespmem:s18+$0x450];
	[tilespmem:s18+$0x73E0] =	vst v3;
	v3 =	vmul.f32 v27, v30  }
0xc2: {  	v34 =	vld [tilespmem:s18+$0x460];
	[tilespmem:s18+$0x73F0] =	vst v2;
	v2 =	vmul.f32 v28, v30  }
0xc3: {  	v35 =	vld [tilespmem:s18+$0x470];
	[tilespmem:s18+$0x7400] =	vst v3;
	v3 =	vmul.f32 v29, v30  }
0xc4: {  	v36 =	vld [tilespmem:s18+$0x480];
	[tilespmem:s18+$0x7410] =	vst v2;
	v2 =	vmul.f32 v31, v30  }
0xc5: {  	v37 =	vld [tilespmem:s18+$0x490];
	[tilespmem:s18+$0x7420] =	vst v3;
	v3 =	vmul.f32 v32, v30  }
0xc6: {  	v38 =	vld [tilespmem:s18+$0x4A0];
	[tilespmem:s18+$0x7430] =	vst v2;
	v2 =	vmul.f32 v33, v30  }
0xc7: {  	v39 =	vbroadcast v1, $0x7;
	v40 =	vld [tilespmem:s18+$0x4B0];
	[tilespmem:s18+$0x7440] =	vst v3;
	v3 =	vmul.f32 v34, v30  }
0xc8: {  	v41 =	vld [tilespmem:s18+$0x4C0];
	[tilespmem:s18+$0x7450] =	vst v2;
	v2 =	vmul.f32 v35, v30  }
0xc9: {  	v42 =	vld [tilespmem:s18+$0x4D0];
	[tilespmem:s18+$0x7460] =	vst v3;
	v3 =	vmul.f32 v36, v39  }
0xca: {  	v43 =	vld [tilespmem:s18+$0x4E0];
	[tilespmem:s18+$0x7470] =	vst v2;
	v2 =	vmul.f32 v37, v39  }
0xcb: {  	v44 =	vld [tilespmem:s18+$0x4F0];
	[tilespmem:s18+$0x7480] =	vst v3;
	v3 =	vmul.f32 v38, v39  }
0xcc: {  	v45 =	vld [tilespmem:s18+$0x500];
	[tilespmem:s18+$0x7490] =	vst v2;
	v2 =	vmul.f32 v40, v39  }
0xcd: {  	v46 =	vld [tilespmem:s18+$0x510];
	[tilespmem:s18+$0x74A0] =	vst v3;
	v3 =	vmul.f32 v41, v39  }
0xce: {  	v47 =	vld [tilespmem:s18+$0x520];
	[tilespmem:s18+$0x74B0] =	vst v2;
	v2 =	vmul.f32 v42, v39  }
0xcf: {  	v48 =	vbroadcast v1, $0x8;
	v49 =	vld [tilespmem:s18+$0x530];
	[tilespmem:s18+$0x74C0] =	vst v3;
	v3 =	vmul.f32 v43, v39  }
0xd0: {  	v50 =	vld [tilespmem:s18+$0x540];
	[tilespmem:s18+$0x74D0] =	vst v2;
	v2 =	vmul.f32 v44, v39  }
0xd1: {  	v51 =	vld [tilespmem:s18+$0x550];
	[tilespmem:s18+$0x74E0] =	vst v3;
	v3 =	vmul.f32 v45, v48  }
0xd2: {  	v52 =	vld [tilespmem:s18+$0x560];
	[tilespmem:s18+$0x74F0] =	vst v2;
	v2 =	vmul.f32 v46, v48  }
0xd3: {  	v53 =	vld [tilespmem:s18+$0x570];
	[tilespmem:s18+$0x7500] =	vst v3;
	v3 =	vmul.f32 v47, v48  }
0xd4: {  	v54 =	vld [tilespmem:s18+$0x580];
	[tilespmem:s18+$0x7510] =	vst v2;
	v2 =	vmul.f32 v49, v48  }
0xd5: {  	v55 =	vld [tilespmem:s18+$0x590];
	[tilespmem:s18+$0x7520] =	vst v3;
	v3 =	vmul.f32 v50, v48  }
0xd6: {  	v56 =	vld [tilespmem:s18+$0x5A0];
	[tilespmem:s18+$0x7530] =	vst v2;
	v2 =	vmul.f32 v51, v48  }
0xd7: {  	v57 =	vbroadcast v1, $0x9;
	v58 =	vld [tilespmem:s18+$0x5B0];
	[tilespmem:s18+$0x7540] =	vst v3;
	v3 =	vmul.f32 v52, v48  }
0xd8: {  	v59 =	vld [tilespmem:s18+$0x5C0];
	[tilespmem:s18+$0x7550] =	vst v2;
	v2 =	vmul.f32 v53, v48  }
0xd9: {  	v60 =	vld [tilespmem:s18+$0x5D0];
	[tilespmem:s18+$0x7560] =	vst v3;
	v3 =	vmul.f32 v54, v57  }
0xda: {  	v61 =	vld [tilespmem:s18+$0x5E0];
	[tilespmem:s18+$0x7570] =	vst v2;
	v2 =	vmul.f32 v55, v57  }
0xdb: {  	v62 =	vld [tilespmem:s18+$0x5F0];
	[tilespmem:s18+$0x7580] =	vst v3;
	v3 =	vmul.f32 v56, v57  }
0xdc: {  	v63 =	vld [tilespmem:s18+$0x600];
	[tilespmem:s18+$0x7590] =	vst v2;
	v2 =	vmul.f32 v58, v57  }
0xdd: {  	v12 =	vld [tilespmem:s18+$0x610];
	[tilespmem:s18+$0x75A0] =	vst v3;
	v3 =	vmul.f32 v59, v57  }
0xde: {  	v13 =	vld [tilespmem:s18+$0x620];
	[tilespmem:s18+$0x75B0] =	vst v2;
	v2 =	vmul.f32 v60, v57  }
0xdf: {  	v14 =	vbroadcast v1, $0xA;
	v15 =	vld [tilespmem:s18+$0x630];
	[tilespmem:s18+$0x75C0] =	vst v3;
	v3 =	vmul.f32 v61, v57  }
0xe0: {  	v16 =	vld [tilespmem:s18+$0x640];
	[tilespmem:s18+$0x75D0] =	vst v2;
	v2 =	vmul.f32 v62, v57  }
0xe1: {  	v17 =	vld [tilespmem:s18+$0x650];
	[tilespmem:s18+$0x75E0] =	vst v3;
	v3 =	vmul.f32 v63, v14  }
0xe2: {  	v18 =	vld [tilespmem:s18+$0x660];
	[tilespmem:s18+$0x75F0] =	vst v2;
	v2 =	vmul.f32 v12, v14  }
0xe3: {  	v19 =	vld [tilespmem:s18+$0x670];
	[tilespmem:s18+$0x7600] =	vst v3;
	v3 =	vmul.f32 v13, v14  }
0xe4: {  	v20 =	vld [tilespmem:s18+$0x680];
	[tilespmem:s18+$0x7610] =	vst v2;
	v2 =	vmul.f32 v15, v14  }
0xe5: {  	v21 =	vld [tilespmem:s18+$0x690];
	[tilespmem:s18+$0x7620] =	vst v3;
	v3 =	vmul.f32 v16, v14  }
0xe6: {  	v22 =	vld [tilespmem:s18+$0x6A0];
	[tilespmem:s18+$0x7630] =	vst v2;
	v2 =	vmul.f32 v17, v14  }
0xe7: {  	v23 =	vbroadcast v1, $0xB;
	v24 =	vld [tilespmem:s18+$0x6B0];
	[tilespmem:s18+$0x7640] =	vst v3;
	v3 =	vmul.f32 v18, v14  }
0xe8: {  	v25 =	vld [tilespmem:s18+$0x6C0];
	[tilespmem:s18+$0x7650] =	vst v2;
	v2 =	vmul.f32 v19, v14  }
0xe9: {  	v26 =	vld [tilespmem:s18+$0x6D0];
	[tilespmem:s18+$0x7660] =	vst v3;
	v3 =	vmul.f32 v20, v23  }
0xea: {  	v27 =	vld [tilespmem:s18+$0x6E0];
	[tilespmem:s18+$0x7670] =	vst v2;
	v2 =	vmul.f32 v21, v23  }
0xeb: {  	v28 =	vld [tilespmem:s18+$0x6F0];
	[tilespmem:s18+$0x7680] =	vst v3;
	v3 =	vmul.f32 v22, v23  }
0xec: {  	v29 =	vld [tilespmem:s18+$0x700];
	[tilespmem:s18+$0x7690] =	vst v2;
	v2 =	vmul.f32 v24, v23  }
0xed: {  	v30 =	vld [tilespmem:s18+$0x710];
	[tilespmem:s18+$0x76A0] =	vst v3;
	v3 =	vmul.f32 v25, v23  }
0xee: {  	v31 =	vld [tilespmem:s18+$0x720];
	[tilespmem:s18+$0x76B0] =	vst v2;
	v2 =	vmul.f32 v26, v23  }
0xef: {  	v32 =	vbroadcast v1, $0xC;
	v33 =	vld [tilespmem:s18+$0x730];
	[tilespmem:s18+$0x76C0] =	vst v3;
	v3 =	vmul.f32 v27, v23  }
0xf0: {  	v34 =	vld [tilespmem:s18+$0x740];
	[tilespmem:s18+$0x76D0] =	vst v2;
	v2 =	vmul.f32 v28, v23  }
0xf1: {  	v35 =	vld [tilespmem:s18+$0x750];
	[tilespmem:s18+$0x76E0] =	vst v3;
	v3 =	vmul.f32 v29, v32  }
0xf2: {  	v36 =	vld [tilespmem:s18+$0x760];
	[tilespmem:s18+$0x76F0] =	vst v2;
	v2 =	vmul.f32 v30, v32  }
0xf3: {  	v37 =	vld [tilespmem:s18+$0x770];
	[tilespmem:s18+$0x7700] =	vst v3;
	v3 =	vmul.f32 v31, v32  }
0xf4: {  	v38 =	vld [tilespmem:s18+$0x780];
	[tilespmem:s18+$0x7710] =	vst v2;
	v2 =	vmul.f32 v33, v32  }
0xf5: {  	v39 =	vld [tilespmem:s18+$0x790];
	[tilespmem:s18+$0x7720] =	vst v3;
	v3 =	vmul.f32 v34, v32  }
0xf6: {  	v40 =	vld [tilespmem:s18+$0x7A0];
	[tilespmem:s18+$0x7730] =	vst v2;
	v2 =	vmul.f32 v35, v32  }
0xf7: {  	v41 =	vbroadcast v1, $0xD;
	v42 =	vld [tilespmem:s18+$0x7B0];
	[tilespmem:s18+$0x7740] =	vst v3;
	v3 =	vmul.f32 v36, v32  }
0xf8: {  	v43 =	vld [tilespmem:s18+$0x7C0];
	[tilespmem:s18+$0x7750] =	vst v2;
	v2 =	vmul.f32 v37, v32  }
0xf9: {  	v44 =	vld [tilespmem:s18+$0x7D0];
	[tilespmem:s18+$0x7760] =	vst v3;
	v3 =	vmul.f32 v38, v41  }
0xfa: {  	v45 =	vld [tilespmem:s18+$0x7E0];
	[tilespmem:s18+$0x7770] =	vst v2;
	v2 =	vmul.f32 v39, v41  }
0xfb: {  	v46 =	vld [tilespmem:s18+$0x7F0];
	[tilespmem:s18+$0x7780] =	vst v3;
	v3 =	vmul.f32 v40, v41  }
0xfc: {  	v47 =	vld [tilespmem:s18+$0x800];
	[tilespmem:s18+$0x7790] =	vst v2;
	v2 =	vmul.f32 v42, v41  }
0xfd: {  	v48 =	vld [tilespmem:s18+$0x810];
	[tilespmem:s18+$0x77A0] =	vst v3;
	v3 =	vmul.f32 v43, v41  }
0xfe: {  	v49 =	vld [tilespmem:s18+$0x820];
	[tilespmem:s18+$0x77B0] =	vst v2;
	v2 =	vmul.f32 v44, v41  }
0xff: {  	v50 =	vbroadcast v1, $0xE;
	v51 =	vld [tilespmem:s18+$0x830];
	[tilespmem:s18+$0x77C0] =	vst v3;
	v3 =	vmul.f32 v45, v41  }
0x100: {  	v52 =	vld [tilespmem:s18+$0x840];
	[tilespmem:s18+$0x77D0] =	vst v2;
	v2 =	vmul.f32 v46, v41  }
0x101: {  	v53 =	vld [tilespmem:s18+$0x850];
	[tilespmem:s18+$0x77E0] =	vst v3;
	v3 =	vmul.f32 v47, v50  }
0x102: {  	v54 =	vld [tilespmem:s18+$0x860];
	[tilespmem:s18+$0x77F0] =	vst v2;
	v2 =	vmul.f32 v48, v50  }
0x103: {  	v55 =	vld [tilespmem:s18+$0x870];
	[tilespmem:s18+$0x7800] =	vst v3;
	v3 =	vmul.f32 v49, v50  }
0x104: {  	v56 =	vld [tilespmem:s18+$0x880];
	[tilespmem:s18+$0x7810] =	vst v2;
	v2 =	vmul.f32 v51, v50  }
0x105: {  	v57 =	vld [tilespmem:s18+$0x890];
	[tilespmem:s18+$0x7820] =	vst v3;
	v3 =	vmul.f32 v52, v50  }
0x106: {  	v58 =	vld [tilespmem:s18+$0x8A0];
	[tilespmem:s18+$0x7830] =	vst v2;
	v2 =	vmul.f32 v53, v50  }
0x107: {  	v1 =	vbroadcast v1, $0xF;
	v59 =	vld [tilespmem:s18+$0x8B0];
	[tilespmem:s18+$0x7840] =	vst v3;
	v3 =	vmul.f32 v54, v50  }
0x108: {  	v60 =	vld [tilespmem:s18+$0x8C0];
	[tilespmem:s18+$0x7850] =	vst v2;
	v2 =	vmul.f32 v55, v50  }
0x109: {  	v61 =	vld [tilespmem:s18+$0x8D0];
	[tilespmem:s18+$0x7860] =	vst v3;
	v3 =	vmul.f32 v56, v1  }
0x10a: {  	v62 =	vld [tilespmem:s18+$0x8E0];
	[tilespmem:s18+$0x7870] =	vst v2;
	v2 =	vmul.f32 v57, v1  }
0x10b: {  	v63 =	vld [tilespmem:s18+$0x8F0];
	[tilespmem:s18+$0x7880] =	vst v3;
	v3 =	vmul.f32 v58, v1  }
0x10c: {  	[tilespmem:s18+$0x7890] =	vst v2;
	v2 =	vmul.f32 v59, v1  }
0x10d: {  	p0 =	sne.s32 s3, $0x7;
	[tilespmem:s18+$0x78A0] =	vst v3;
	v3 =	vmul.f32 v60, v1  }
.Ltmp2:
0x10e: {  	[tilespmem:s18+$0x78B0] =	vst v2;
	v2 =	vmul.f32 v61, v1;
	(pc) =	sbr.rel @p0 .LBB2_7-.Ltmp2, $4  }
0x10f: {  	[tilespmem:s18+$0x78C0] =	vst v3;
	v3 =	vmul.f32 v62, v1  }
0x110: {  	v1 =	vmul.f32 v63, v1;
	[tilespmem:s18+$0x78D0] =	vst v2  }
0x111: {  	[tilespmem:s18+$0x78E0] =	vst v3  }
0x112: {  	s3 =	sadd.s32 $0x1, s3;
	[tilespmem:s18+$0x78F0] =	vst v1  }
0x113: {  	s30 =	sadd.s32 $0x1, s30  }
0x114: {  	p0 =	sne.s32 s30, $0x51  }
.Ltmp3:
0x115: {  	_ = 	snop;
	(pc) =	sbr.rel @p0 .LBB2_6-.Ltmp3, $4  }
0x116: {  	[spmem:s1] =	stream.indirect.scatter.add.f32 [tilespmem:s24], [sflag:$0x2], $0x80, s0, s0, $0xb8;
	[tilespmem:$0x1F380] =	vst v63  }
0x117: {  	_ =	swait.ge [sflag:s25], $0x4000  }
0x118: {  	[sflag:s25] =	ssyncset.done $0x0  }
0x119: {  	[sflag:s25] =	ssyncadd.s32 $0xFFFFC000  }
0x11a: {  	s3 =	stileid.u32  }
0x11b: {  	[bflag:$0x0] =	sbarrier.arrive $0xFFFF;
	s3 =	sshll.u32 s3, $0x6  }
0x11c: {  	s16 =	sshrl.u32 s9, $0x3;
	s18 =	rddreg [dreg:$0x5];
	s3 =	sor.u32 $0x1C02, s3  }
0x11d: {  	[hbm:s18], [sflag:s3] =	dma.local [spmem:s16], $0x800  }
0x11e: {  	_ =	swait.ge [sflag:s25], $0x800  }
0x11f: {  	[sflag:s25] =	ssyncset.done $0x0  }
0x120: {  	s30 =	sshrl.u32 s10, $0x3;
	[sflag:s25] =	ssyncadd.s32 $0xFFFFF800  }
0x121: {  	[hbm:s19], [sflag:s3] =	dma.local [spmem:s30], $0x800  }
0x122: {  	_ =	swait.ge [sflag:s25], $0x800  }
0x123: {  	[sflag:s25] =	ssyncset.done $0x0  }
0x124: {  	s18 =	sshrl.u32 s11, $0x3;
	[sflag:s25] =	ssyncadd.s32 $0xFFFFF800  }
0x125: {  	[hbm:s20], [sflag:s3] =	dma.local [spmem:s18], $0x800  }
0x126: {  	_ =	swait.ge [sflag:s25], $0x800  }
0x127: {  	[sflag:s25] =	ssyncset.done $0x0  }
0x128: {  	s29 =	sshrl.u32 s12, $0x3;
	[sflag:s25] =	ssyncadd.s32 $0xFFFFF800  }
0x129: {  	[hbm:s21], [sflag:s3] =	dma.local [spmem:s29], $0x800  }
0x12a: {  	s4 =	sadd.s32 $0x1, s4;
	_ =	swait.ge [sflag:s25], $0x800  }
0x12b: {  	p0 =	sne.s32 s4, s23;
	[sflag:s25] =	ssyncset.done $0x0  }
.Ltmp4:
0x12c: {  	s30 =	sshrl.u32 s13, $0x3;
	[sflag:s25] =	ssyncadd.s32 $0xFFFFF800;
	(pc) =	sbr.rel @p0 .LBB2_1-.Ltmp4, $4  }
0x12d: {  	[hbm:s22], [sflag:s3] =	dma.local [spmem:s30], $0x800  }
0x12e: {  	_ =	swait.ge [sflag:s25], $0x800  }
0x12f: {  	[sflag:s25] =	ssyncset.done $0x0  }
0x130: {  	[sflag:s25] =	ssyncadd.s32 $0xFFFFF800  }
0x131: {  	_ =	sfence.sel $0x180000  }
0x132: {  	[bflag:$0x0] =	sbarrier.arrive $0xFFFF  }
0x133: {  	_ =	strace $0x9000004A  }
0x134: {  	s0 =	stileid.u32;
	[bflag:$0x2] =	sbarrier.arrive $0xFFFF  }
0x135: {  	p0 =	sne.s32 s0, $0x0;
	s0 =	rddreg [dreg:$0x3]  }
0x136: {  	s0 =	sadd.s32 @!p0 $0x100000, s0  }
0x137: {  	[sflag:s0] =	ssyncadd.tile.s32 @!p0 $0x1;
	_ =	shalt  }
.Lfunc_end2:
_tile_overlayer_lowered:
.L_overlay_start_2:
0x138: {  	(tag) =	ssettag $0x2  }
0x139: {  	s0 =	rddreg [dreg:$0x0];
	s2 =	stileid.u32  }
0x13a: {  	s1 =	rddreg [dreg:$0x1];
	p0 =	sne.s32 s2, $0x0  }
0x13b: {  	s3 =	rddreg [dreg:$0x2];
	[bflag:$0x3] =	sbarrier.arrive $0xFFFF;
	s2 =	simm.s32 @!p0 $0x1C02  }
0x13c: {  	[timem:s3], [sflag:s2] =	dma.local @!p0 [hbm:s0], s1  }
0x13d: {  	s0 =	simm.s32 @!p0 $0x2  }
0x13e: {  	_ =	swait.ge @!p0 [sflag:s0], s1  }
0x13f: {  	s1 =	ssub.s32 @!p0 $0x0, s1;
	[sflag:s0] =	ssyncset.done @!p0 $0x0  }
0x140: {  	[sflag:s0] =	ssyncadd.s32 @!p0 s1  }
0x141: {  	[bflag:$0x3] =	sbarrier.arrive $0xFFFF  }
0x142: {  	_ =	shalt  }

</sc_bundles>
